<compile_context>
chip_gen: v7x
topology: tpu7x:2x2x1
jax: 0.10.2.dev20260603
libtpu: 0.0.44.dev20260713+nightly
codegen_flags: <defaults>
</compile_context>

<pallas_src>
import jax
import jax.numpy as jnp
from jax import lax
from jax.experimental import pallas as pl
from jax.experimental.pallas import tpu as pltpu
from jax.experimental.pallas import tpu_sc as plsc

N = 10000
E = 320000
F = 128
NCOEF = 8
GP = 12
NTILES = 16
EPT = E // NTILES
CHUNK = 125
NCH = EPT // CHUNK
IDXB = 16
NSTG = NCH // IDXB
NSUB = 5
SR = CHUNK // NSUB
RPT = 1000
ROWB = 400
NBLK = N // ROWB


def _deg_body(dstu_hbm, dstd_hbm, degu_hbm, degd_hbm,
              didx_v, ones_v, zb_v, deg_sh, sem):
    c = lax.axis_index("c")
    s = lax.axis_index("s")

    def fill_ones(i, carry):
        ones_v[pl.ds(i * 16, 16)] = jnp.ones((16,), jnp.float32)
        return carry
    lax.fori_loop(0, 8, fill_ones, 0)

    def fill_zeros(i, carry):
        zb_v[pl.ds(i * 16, 16)] = jnp.zeros((16,), jnp.float32)
        return carry
    lax.fori_loop(0, 64, fill_zeros, 0)

    @pl.when(s < 10)
    def _():
        pltpu.sync_copy(zb_v.at[pl.ds(0, 1000)], deg_sh.at[pl.ds(s * 1000, 1000)])
    plsc.subcore_barrier()

    @pl.when(c == 0)
    def _():
        pltpu.sync_copy(dstu_hbm.at[s], didx_v)

    @pl.when(c == 1)
    def _():
        pltpu.sync_copy(dstd_hbm.at[s], didx_v)

    def fire(j):
        pltpu.async_copy(ones_v.at[pl.ds(0, CHUNK)], deg_sh.at[didx_v.at[j]],
                         sem, add=True)

    def drain(j):
        pltpu.make_async_copy(ones_v.at[pl.ds(0, CHUNK)],
                              deg_sh.at[didx_v.at[j]], sem).wait()

    for j in range(4):
        fire(j)

    def step(j, carry):
        drain(j)

        @pl.when(j + 4 < NCH)
        def _():
            fire(j + 4)
        return carry
    lax.fori_loop(0, NCH, step, 0)

    plsc.subcore_barrier()

    @pl.when(s < 10)
    def _():
        pltpu.sync_copy(deg_sh.at[pl.ds(s * 1000, 1000)], zb_v.at[pl.ds(0, 1000)])

        @pl.when(c == 0)
        def _():
            pltpu.sync_copy(zb_v.at[pl.ds(0, 1000)], degu_hbm.at[pl.ds(s * 1000, 1000)])

        @pl.when(c == 1)
        def _():
            pltpu.sync_copy(zb_v.at[pl.ds(0, 1000)], degd_hbm.at[pl.ds(s * 1000, 1000)])


def _sct_body(ys_hbm, yi_hbm, srcu_hbm, dstu_hbm, srcd_hbm, dstd_hbm,
              aggs_hbm, aggi_hbm,
              sidx_v, didx_v, ra, rb, agg_sh, gsa, gsb):
    c = lax.axis_index("c")
    s = lax.axis_index("s")

    def fill_zeros(i, carry):
        r = i // 8
        k = i - r * 8
        ra[r, pl.ds(k * 16, 16)] = jnp.zeros((16,), jnp.float32)
        return carry
    lax.fori_loop(0, CHUNK * 8, fill_zeros, 0)

    pieces = [(q * 120, 120) for q in range(8)] + [(960, 40)]

    @pl.when(s < 10)
    def _():
        for off, nr in pieces:
            pltpu.async_copy(ra.at[pl.ds(0, nr)],
                             agg_sh.at[pl.ds(s * RPT + off, nr)], gsa)
        for off, nr in pieces:
            pltpu.make_async_copy(ra.at[pl.ds(0, nr)],
                                  agg_sh.at[pl.ds(s * RPT + off, nr)], gsa).wait()

    plsc.subcore_barrier()

    def conv(y_hbm, src_hbm, dst_hbm):
        npair = IDXB // 2

        def fire_gather(j, buf, sem):
            for q in range(NSUB):
                pltpu.async_copy(
                    y_hbm.at[sidx_v.at[j, pl.ds(SR * q, SR)]],
                    buf.at[pl.ds(SR * q, SR)], sem)

        def wait_gather(j, buf, sem):
            for q in range(NSUB):
                pltpu.make_async_copy(
                    y_hbm.at[sidx_v.at[j, pl.ds(SR * q, SR)]],
                    buf.at[pl.ds(SR * q, SR)], sem).wait()

        def scatter_chunk(j, buf, sem):
            for q in range(NSUB):
                pltpu.async_copy(buf.at[pl.ds(SR * q, SR)],
                                 agg_sh.at[didx_v.at[j * NSUB + q]], sem, add=True)
            for q in range(NSUB):
                pltpu.make_async_copy(buf.at[pl.ds(SR * q, SR)],
                                      agg_sh.at[didx_v.at[j * NSUB + q]], sem).wait()

        def stage(st, carry):
            pltpu.sync_copy(src_hbm.at[s, pl.ds(st * IDXB, IDXB)], sidx_v)
            pltpu.sync_copy(dst_hbm.at[s, pl.ds(st * IDXB * NSUB, IDXB * NSUB)],
                            didx_v)
            fire_gather(0, ra, gsa)

            def pair(p, carry2):
                j = 2 * p
                fire_gather(j + 1, rb, gsb)
                wait_gather(j, ra, gsa)
                scatter_chunk(j, ra, gsa)

                @pl.when(p < npair - 1)
                def _():
                    fire_gather(j + 2, ra, gsa)
                wait_gather(j + 1, rb, gsb)
                scatter_chunk(j + 1, rb, gsb)
                return carry2
            lax.fori_loop(0, npair, pair, 0)
            return carry
        lax.fori_loop(0, NSTG, stage, 0)

    @pl.when(c == 0)
    def _():
        conv(ys_hbm, srcu_hbm, dstu_hbm)

    @pl.when(c == 1)
    def _():
        conv(yi_hbm, srcd_hbm, dstd_hbm)

    plsc.subcore_barrier()

    def copy_out(out_hbm):
        bufs = (ra, rb)
        sems = (gsa, gsb)
        for q, (off, nr) in enumerate(pieces):
            buf, sem = bufs[q % 2], sems[q % 2]
            if q >= 2:
                poff, pnr = pieces[q - 2]
                pltpu.make_async_copy(
                    buf.at[pl.ds(0, pnr)],
                    out_hbm.at[pl.ds(s * RPT + poff, pnr)], sem).wait()
            pltpu.sync_copy(agg_sh.at[pl.ds(s * RPT + off, nr)], buf.at[pl.ds(0, nr)])
            pltpu.async_copy(buf.at[pl.ds(0, nr)],
                             out_hbm.at[pl.ds(s * RPT + off, nr)], sem)
        for q in (7, 8):
            off, nr = pieces[q]
            buf, sem = bufs[q % 2], sems[q % 2]
            pltpu.make_async_copy(buf.at[pl.ds(0, nr)],
                                  out_hbm.at[pl.ds(s * RPT + off, nr)], sem).wait()

    @pl.when(s < 10)
    def _():
        @pl.when(c == 0)
        def _():
            copy_out(aggs_hbm)

        @pl.when(c == 1)
        def _():
            copy_out(aggi_hbm)


def _kan_body(x_ref, gp_ref, w_ref, zh_ref, xs_ref, xi_ref):
    x = x_ref[...]
    g = [gp_ref[j] for j in range(GP)]
    xm = [x - g[j][None, :] for j in range(GP)]
    b = [((x >= g[j][None, :]) & (x < g[j + 1][None, :])).astype(jnp.float32)
         for j in range(GP - 1)]
    for p in range(1, 4):
        r = (1.0 / (g[p] - g[0]))[None, :]
        b = [(xm[j] * b[j] - xm[j + p + 1] * b[j + 1]) * r
             for j in range(GP - 1 - p)]
    feat = jnp.concatenate([x * jax.nn.sigmoid(x)] + b, axis=1)
    z = jnp.dot(feat, w_ref[...], preferred_element_type=jnp.float32)
    zh_ref[...] = z[:, :F]
    xs_ref[...] = z[:, F:2 * F]
    xi_ref[...] = z[:, 2 * F:3 * F]


def _scale_body(xs_ref, xi_ref, du_ref, dd_ref, ys_ref, yi_ref):
    du = du_ref[...]
    dd = dd_ref[...]
    disu = jnp.where(du > 0.0, lax.rsqrt(du), 0.0)
    disd = jnp.where(dd > 0.0, lax.rsqrt(dd), 0.0)
    ys_ref[...] = xs_ref[...] * disu
    yi_ref[...] = xi_ref[...] * disd


def _fin_body(zh_ref, as_ref, ai_ref, du_ref, dd_ref, o_ref):
    du = du_ref[...]
    dd = dd_ref[...]
    disu = jnp.where(du > 0.0, lax.rsqrt(du), 0.0)
    disd = jnp.where(dd > 0.0, lax.rsqrt(dd), 0.0)
    o_ref[...] = zh_ref[...] + as_ref[...] * disu + ai_ref[...] * disd


def kernel(xe, Lu, Ld, har_base, har_spline, sol_base, sol_spline,
           irr_base, irr_spline, grid):
    f32 = jnp.float32

    def tile_idx(v):
        return v.astype(jnp.int32).reshape(NTILES, NCH, CHUNK)

    srcu = tile_idx(Lu[0])
    dstu = tile_idx(Lu[1])
    srcd = tile_idx(Ld[0])
    dstd = tile_idx(Ld[1])

    base_cat = jnp.concatenate([har_base, sol_base, irr_base], axis=0)
    spl_cat = jnp.concatenate([har_spline, sol_spline, irr_spline], axis=0)
    w = jnp.concatenate(
        [base_cat.T, jnp.transpose(spl_cat, (2, 1, 0)).reshape(NCOEF * F, 3 * F)],
        axis=0)
    gp = grid.astype(f32).T

    mesh = plsc.VectorSubcoreMesh(core_axis_name="c", subcore_axis_name="s")
    deg_call = pl.kernel(
        _deg_body,
        out_type=(jax.ShapeDtypeStruct((N,), f32),
                  jax.ShapeDtypeStruct((N,), f32)),
        mesh=mesh,
        scratch_types=[
            pltpu.VMEM((NCH, CHUNK), jnp.int32),
            pltpu.VMEM((128,), f32),
            pltpu.VMEM((1024,), f32),
            pltpu.VMEM_SHARED((N,), f32),
            pltpu.SemaphoreType.DMA,
        ],
    )
    degu, degd = deg_call(dstu, dstd)
    du2 = degu.reshape(N, 1)
    dd2 = degd.reshape(N, 1)

    rowspec = pl.BlockSpec((ROWB, F), lambda i: (i, 0))
    colspec = pl.BlockSpec((ROWB, 1), lambda i: (i, 0))

    zh, xs, xi = pl.pallas_call(
        _kan_body,
        grid=(NBLK,),
        in_specs=[
            rowspec,
            pl.BlockSpec((GP, F), lambda i: (0, 0)),
            pl.BlockSpec(((1 + NCOEF) * F, 3 * F), lambda i: (0, 0)),
        ],
        out_specs=[rowspec] * 3,
        out_shape=[jax.ShapeDtypeStruct((N, F), f32)] * 3,
    )(xe, gp, w)

    ys, yi = pl.pallas_call(
        _scale_body,
        grid=(NBLK,),
        in_specs=[rowspec, rowspec, colspec, colspec],
        out_specs=[rowspec] * 2,
        out_shape=[jax.ShapeDtypeStruct((N, F), f32)] * 2,
    )(xs, xi, du2, dd2)

    sct_call = pl.kernel(
        _sct_body,
        out_type=(jax.ShapeDtypeStruct((N, F), f32),
                  jax.ShapeDtypeStruct((N, F), f32)),
        mesh=mesh,
        scratch_types=[
            pltpu.VMEM((IDXB, CHUNK), jnp.int32),
            pltpu.VMEM((IDXB * NSUB, SR), jnp.int32),
            pltpu.VMEM((CHUNK, F), f32),
            pltpu.VMEM((CHUNK, F), f32),
            pltpu.VMEM_SHARED((N, F), f32),
            pltpu.SemaphoreType.DMA,
            pltpu.SemaphoreType.DMA,
        ],
    )
    dstu25 = dstu.reshape(NTILES, NCH * NSUB, SR)
    dstd25 = dstd.reshape(NTILES, NCH * NSUB, SR)
    aggs, aggi = sct_call(ys, yi, srcu, dstu25, srcd, dstd25)

    out = pl.pallas_call(
        _fin_body,
        grid=(NBLK,),
        in_specs=[rowspec, rowspec, rowspec, colspec, colspec],
        out_specs=rowspec,
        out_shape=jax.ShapeDtypeStruct((N, F), f32),
    )(zh, aggs, aggi, du2, dd2)
    return out

# --- scband reference (transcript-rebuilt; emitter-appended) ---
"""Pipeline reference for scband-kancw-64768106824282 (READ-ONLY COPY).

The authoritative reference and input builder live on the scoring server;
editing this copy changes nothing except your own understanding.
"""

import jax, jax.numpy as jnp
import numpy as np

N = 10000
E = 320000
F_IN = 128
F_OUT = 128
GRID_SIZE = 5
SPLINE_ORDER = 3


def make_grid(in_features, grid_size=GRID_SIZE, k=SPLINE_ORDER, lo=-1.0, hi=1.0):
    h = (hi - lo) / grid_size
    pts = jnp.arange(-k, grid_size + k + 1, dtype=jnp.float32) * h + lo
    return jnp.tile(pts[None, :], (in_features, 1))


def b_splines(x, grid, k=SPLINE_ORDER):
    # x: [B, in], grid: [in, G+2k+1] -> [B, in, G+k]
    xg = x[..., None]
    bases = ((xg >= grid[:, :-1]) & (xg < grid[:, 1:])).astype(x.dtype)
    for p in range(1, k + 1):
        left = (xg - grid[:, :-(p + 1)]) / (grid[:, p:-1] - grid[:, :-(p + 1)]) * bases[..., :-1]
        right = (grid[:, p + 1:] - xg) / (grid[:, p + 1:] - grid[:, 1:-p]) * bases[..., 1:]
        bases = left + right
    return bases


def kan_apply(x, base_w, spline_w, grid):
    # efficient-KAN style: silu base path + B-spline path
    base = jax.nn.silu(x) @ base_w.T
    spl = b_splines(x, grid)
    B = x.shape[0]
    spline_out = spl.reshape(B, -1) @ spline_w.reshape(spline_w.shape[0], -1).T
    return base + spline_out


def gcn_conv(x, edge_index, base_w, spline_w, grid):
    # KANGCNConv with add_self_loops=False: KAN transform then GCN-normalized aggregation
    src = edge_index[0]
    dst = edge_index[1]
    n = x.shape[0]
    xt = kan_apply(x, base_w, spline_w, grid)
    deg = jnp.zeros((n,), xt.dtype).at[dst].add(1.0)
    dis = jnp.where(deg > 0, deg ** -0.5, 0.0)
    norm = dis[src] * dis[dst]
    msg = xt[src] * norm[:, None]
    return jnp.zeros_like(xt).at[dst].add(msg)


def setup_inputs(seed: int = 0) -> dict:
    key = jax.random.key(seed)
    ks = jax.random.split(key, 10)
    xe = jax.random.normal(ks[0], (N, F_IN), dtype=jnp.float32)
    Lu = jax.random.randint(ks[1], (2, E), 0, N, dtype=jnp.int64)
    Ld = jax.random.randint(ks[2], (2, E), 0, N, dtype=jnp.int64)
    s = 1.0 / np.sqrt(F_IN)
    nc = GRID_SIZE + SPLINE_ORDER
    har_base = jax.random.normal(ks[3], (F_OUT, F_IN), dtype=jnp.float32) * s
    har_spline = jax.random.normal(ks[4], (F_OUT, F_IN, nc), dtype=jnp.float32) * (0.1 * s)
    sol_base = jax.random.normal(ks[5], (F_OUT, F_IN), dtype=jnp.float32) * s
    sol_spline = jax.random.normal(ks[6], (F_OUT, F_IN, nc), dtype=jnp.float32) * (0.1 * s)
    irr_base = jax.random.normal(ks[7], (F_OUT, F_IN), dtype=jnp.float32) * s
    irr_spline = jax.random.normal(ks[8], (F_OUT, F_IN, nc), dtype=jnp.float32) * (0.1 * s)
    grid = make_grid(F_IN)
    return {"xe": xe, "Lu": Lu, "Ld": Ld,
            "har_base": har_base, "har_spline": har_spline,
            "sol_base": sol_base, "sol_spline": sol_spline,
            "irr_base": irr_base, "irr_spline": irr_spline,
            "grid": grid}


def reference(xe, Lu, Ld, har_base, har_spline, sol_base, sol_spline, irr_base, irr_spline, grid):
    z_h = kan_apply(xe, har_base, har_spline, grid)
    z_s = gcn_conv(xe, Lu, sol_base, sol_spline, grid)
    z_i = gcn_conv(xe, Ld, irr_base, irr_spline, grid)
    return z_h + z_s + z_i

if __name__ == "__main__":
    import jax
    _d = setup_inputs()
    print(jax.jit(kernel)(*tuple(_d.values())))

</pallas_src>

<mosaic_0001>
#map = affine_map<(d0, d1) -> (0, 0, 0)>
#map1 = affine_map<(d0, d1) -> (0)>
module attributes {stable_mosaic.version = 14 : i64} {
  func.func @_deg_body(%arg0: i32, %arg1: i32, %arg2: memref<16x160x125xi32, #tpu.memory_space<hbm>>, %arg3: memref<16x160x125xi32, #tpu.memory_space<hbm>>, %arg4: memref<10000xf32, #tpu.memory_space<hbm>>, %arg5: memref<10000xf32, #tpu.memory_space<hbm>>, %arg6: memref<160x125xi32, #tpu.memory_space<vmem>>, %arg7: memref<128xf32, #tpu.memory_space<vmem>>, %arg8: memref<1024xf32, #tpu.memory_space<vmem>>, %arg9: memref<10000xf32, #tpu.memory_space<vmem_shared>>, %arg10: memref<!tpu.dma_semaphore, #tpu.memory_space<semaphore_mem>>) attributes {dimension_semantics = [#tpu.dimension_semantics<core_parallel>, #tpu.dimension_semantics<subcore_parallel>], iteration_bounds = array<i64: 2, 16>, scalar_prefetch = 0 : i64, scratch_operands = 5 : i64, tpu.core_type = #tpu.core_type<sc_vector_subcore>, window_params = [{transform_indices = #map}, {transform_indices = #map}, {transform_indices = #map1}, {transform_indices = #map1}]} {
    %scan3A = arith.constant 0 : i32
    %scan3A_0 = arith.constant 0 : i32
    %scan3A_1 = arith.constant 8 : i32
    %scan3A_2 = arith.addi %scan3A_0, %scan3A_1 : i32
    %scan3A_3 = arith.constant 1 : i32
    scf.for %scan3A_65 = %scan3A_0 to %scan3A_2 step %scan3A_3  : i32 {
      %broadcast_in_dim3A = arith.constant 1.000000e+00 : f32
      %broadcast_in_dim3A_66 = vector.broadcast %broadcast_in_dim3A : f32 to vector<16xf32>
      %mul3A = arith.constant 16 : i32
      %mul3A_67 = arith.muli %scan3A_65, %mul3A : i32
      %swap3A = arith.index_cast %mul3A_67 : i32 to index
      %swap3A_68 = tpu.vector_load %arg7[%swap3A] {strides = array<i32>} : memref<128xf32, #tpu.memory_space<vmem>>, vector<16xf32>,
      %swap3A_69 = vector.shape_cast %swap3A_68 : vector<16xf32> to vector<16xf32>
      %swap3A_70 = vector.shape_cast %broadcast_in_dim3A_66 : vector<16xf32> to vector<16xf32>
      tpu.vector_store %arg7[%swap3A], %swap3A_70 {strides = array<i32>} : memref<128xf32, #tpu.memory_space<vmem>>, vector<16xf32>,
    }
    %scan3A_4 = arith.constant 8 : i32
    %scan3A_5 = arith.constant 0 : i32
    %scan3A_6 = arith.constant 0 : i32
    %scan3A_7 = arith.constant 64 : i32
    %scan3A_8 = arith.addi %scan3A_6, %scan3A_7 : i32
    %scan3A_9 = arith.constant 1 : i32
    scf.for %scan3A_65 = %scan3A_6 to %scan3A_8 step %scan3A_9  : i32 {
      %broadcast_in_dim3A = arith.constant 0.000000e+00 : f32
      %broadcast_in_dim3A_66 = vector.broadcast %broadcast_in_dim3A : f32 to vector<16xf32>
      %mul3A = arith.constant 16 : i32
      %mul3A_67 = arith.muli %scan3A_65, %mul3A : i32
      %swap3A = arith.index_cast %mul3A_67 : i32 to index
      %swap3A_68 = tpu.vector_load %arg8[%swap3A] {strides = array<i32>} : memref<1024xf32, #tpu.memory_space<vmem>>, vector<16xf32>,
      %swap3A_69 = vector.shape_cast %swap3A_68 : vector<16xf32> to vector<16xf32>
      %swap3A_70 = vector.shape_cast %broadcast_in_dim3A_66 : vector<16xf32> to vector<16xf32>
      tpu.vector_store %arg8[%swap3A], %swap3A_70 {strides = array<i32>} : memref<1024xf32, #tpu.memory_space<vmem>>, vector<16xf32>,
    }
    %scan3A_10 = arith.constant 64 : i32
    %lt3A = arith.constant 10 : i32
    %lt3A_11 = arith.cmpi slt, %arg1, %lt3A : i32
    %convert_element_type3A = arith.extui %lt3A_11 : i1 to i32
    %cond3A = arith.constant 0 : i32
    %cond3A_12 = arith.cmpi ne, %convert_element_type3A, %cond3A : i32
    scf.if %cond3A_12 {
      %mul3A = arith.constant 1000 : i32
      %mul3A_65 = arith.muli %arg1, %mul3A : i32
      "tpu.region"() ({
        %run_scoped3A = tpu.sem_alloc : memref<!tpu.dma_semaphore, #tpu.memory_space<semaphore_mem>>
        %dma_start3A_66 = arith.constant 0 : i32
        %dma_start3A_67 = tpu.memref_slice %arg8[%dma_start3A_66] : memref<1024xf32, #tpu.memory_space<vmem>> -> memref<1000xf32, #tpu.memory_space<vmem>>
        %dma_start3A_68 = tpu.memref_slice %arg9[%mul3A_65] : memref<10000xf32, #tpu.memory_space<vmem_shared>> -> memref<1000xf32, #tpu.memory_space<vmem_shared>>
        %dma_start3A_69 = tpu.memref_slice %arg9[%mul3A_65] : memref<10000xf32, #tpu.memory_space<vmem_shared>> -> memref<1000xf32, #tpu.memory_space<vmem_shared>>
        %dma_start3A_70 = arith.constant 0 : i32
        %dma_start3A_71 = tpu.memref_slice %arg8[%dma_start3A_70] : memref<1024xf32, #tpu.memory_space<vmem>> -> memref<1000xf32, #tpu.memory_space<vmem>>
        tpu.enqueue_dma source(%dma_start3A_71 : memref<1000xf32, #tpu.memory_space<vmem>>) target(%dma_start3A_69 : memref<1000xf32, #tpu.memory_space<vmem_shared>>) target_semaphore(%run_scoped3A : memref<!tpu.dma_semaphore, #tpu.memory_space<semaphore_mem>>)
        %dma_wait3A = arith.constant 0 : i32
        %dma_wait3A_72 = tpu.memref_slice %arg8[%dma_wait3A] : memref<1024xf32, #tpu.memory_space<vmem>> -> memref<1000xf32, #tpu.memory_space<vmem>>
        %dma_wait3A_73 = tpu.memref_slice %arg9[%mul3A_65] : memref<10000xf32, #tpu.memory_space<vmem_shared>> -> memref<1000xf32, #tpu.memory_space<vmem_shared>>
        %dma_wait3A_74 = tpu.memref_slice %arg9[%mul3A_65] : memref<10000xf32, #tpu.memory_space<vmem_shared>> -> memref<1000xf32, #tpu.memory_space<vmem_shared>>
        %dma_wait3A_75 = arith.constant 0 : i32
        %dma_wait3A_76 = tpu.memref_slice %arg8[%dma_wait3A_75] : memref<1024xf32, #tpu.memory_space<vmem>> -> memref<1000xf32, #tpu.memory_space<vmem>>
        tpu.wait_dma2 semaphore(%run_scoped3A : memref<!tpu.dma_semaphore, #tpu.memory_space<semaphore_mem>>) src(%dma_wait3A_76 : memref<1000xf32, #tpu.memory_space<vmem>>) dst(%dma_wait3A_74 : memref<1000xf32, #tpu.memory_space<vmem_shared>>)
        tpu.yield
      }) : () -> ()
    } else {
    }
    %barrier3A = arith.constant 0 : index
    tpu.barrier barrier_id(%barrier3A)
    %eq3A = arith.constant 0 : i32
    %eq3A_13 = arith.cmpi eq, %arg0, %eq3A : i32
    %convert_element_type3A_14 = arith.extui %eq3A_13 : i1 to i32
    %cond3A_15 = arith.constant 0 : i32
    %cond3A_16 = arith.cmpi ne, %convert_element_type3A_14, %cond3A_15 : i32
    scf.if %cond3A_16 {
      "tpu.region"() ({
        %run_scoped3A = tpu.sem_alloc : memref<!tpu.dma_semaphore, #tpu.memory_space<semaphore_mem>>
        %dma_start3A_65 = arith.constant 0 : i32
        %dma_start3A_66 = arith.constant 0 : i32
        %dma_start3A_67 = tpu.memref_slice %arg2[%arg1, %dma_start3A_65, %dma_start3A_66] : memref<16x160x125xi32, #tpu.memory_space<hbm>> -> memref<1x160x125xi32, #tpu.memory_space<hbm>>
        %dma_start3A_68 = tpu.memref_squeeze %dma_start3A_67 : memref<1x160x125xi32, #tpu.memory_space<hbm>> -> memref<160x125xi32, #tpu.memory_space<hbm>>
        %dma_start3A_69 = arith.constant 0 : i32
        %dma_start3A_70 = arith.constant 0 : i32
        %dma_start3A_71 = tpu.memref_slice %arg2[%arg1, %dma_start3A_69, %dma_start3A_70] : memref<16x160x125xi32, #tpu.memory_space<hbm>> -> memref<1x160x125xi32, #tpu.memory_space<hbm>>
        %dma_start3A_72 = tpu.memref_squeeze %dma_start3A_71 : memref<1x160x125xi32, #tpu.memory_space<hbm>> -> memref<160x125xi32, #tpu.memory_space<hbm>>
        tpu.enqueue_dma source(%dma_start3A_72 : memref<160x125xi32, #tpu.memory_space<hbm>>) target(%arg6 : memref<160x125xi32, #tpu.memory_space<vmem>>) target_semaphore(%run_scoped3A : memref<!tpu.dma_semaphore, #tpu.memory_space<semaphore_mem>>)
        %dma_wait3A = arith.constant 0 : i32
        %dma_wait3A_73 = arith.constant 0 : i32
        %dma_wait3A_74 = tpu.memref_slice %arg2[%arg1, %dma_wait3A, %dma_wait3A_73] : memref<16x160x125xi32, #tpu.memory_space<hbm>> -> memref<1x160x125xi32, #tpu.memory_space<hbm>>
        %dma_wait3A_75 = tpu.memref_squeeze %dma_wait3A_74 : memref<1x160x125xi32, #tpu.memory_space<hbm>> -> memref<160x125xi32, #tpu.memory_space<hbm>>
        %dma_wait3A_76 = arith.constant 0 : i32
        %dma_wait3A_77 = arith.constant 0 : i32
        %dma_wait3A_78 = tpu.memref_slice %arg2[%arg1, %dma_wait3A_76, %dma_wait3A_77] : memref<16x160x125xi32, #tpu.memory_space<hbm>> -> memref<1x160x125xi32, #tpu.memory_space<hbm>>
        %dma_wait3A_79 = tpu.memref_squeeze %dma_wait3A_78 : memref<1x160x125xi32, #tpu.memory_space<hbm>> -> memref<160x125xi32, #tpu.memory_space<hbm>>
        tpu.wait_dma2 semaphore(%run_scoped3A : memref<!tpu.dma_semaphore, #tpu.memory_space<semaphore_mem>>) src(%dma_wait3A_79 : memref<160x125xi32, #tpu.memory_space<hbm>>) dst(%arg6 : memref<160x125xi32, #tpu.memory_space<vmem>>)
        tpu.yield
      }) : () -> ()
    } else {
    }
    %eq3A_17 = arith.constant 1 : i32
    %eq3A_18 = arith.cmpi eq, %arg0, %eq3A_17 : i32
    %convert_element_type3A_19 = arith.extui %eq3A_18 : i1 to i32
    %cond3A_20 = arith.constant 0 : i32
    %cond3A_21 = arith.cmpi ne, %convert_element_type3A_19, %cond3A_20 : i32
    scf.if %cond3A_21 {
      "tpu.region"() ({
        %run_scoped3A = tpu.sem_alloc : memref<!tpu.dma_semaphore, #tpu.memory_space<semaphore_mem>>
        %dma_start3A_65 = arith.constant 0 : i32
        %dma_start3A_66 = arith.constant 0 : i32
        %dma_start3A_67 = tpu.memref_slice %arg3[%arg1, %dma_start3A_65, %dma_start3A_66] : memref<16x160x125xi32, #tpu.memory_space<hbm>> -> memref<1x160x125xi32, #tpu.memory_space<hbm>>
        %dma_start3A_68 = tpu.memref_squeeze %dma_start3A_67 : memref<1x160x125xi32, #tpu.memory_space<hbm>> -> memref<160x125xi32, #tpu.memory_space<hbm>>
        %dma_start3A_69 = arith.constant 0 : i32
        %dma_start3A_70 = arith.constant 0 : i32
        %dma_start3A_71 = tpu.memref_slice %arg3[%arg1, %dma_start3A_69, %dma_start3A_70] : memref<16x160x125xi32, #tpu.memory_space<hbm>> -> memref<1x160x125xi32, #tpu.memory_space<hbm>>
        %dma_start3A_72 = tpu.memref_squeeze %dma_start3A_71 : memref<1x160x125xi32, #tpu.memory_space<hbm>> -> memref<160x125xi32, #tpu.memory_space<hbm>>
        tpu.enqueue_dma source(%dma_start3A_72 : memref<160x125xi32, #tpu.memory_space<hbm>>) target(%arg6 : memref<160x125xi32, #tpu.memory_space<vmem>>) target_semaphore(%run_scoped3A : memref<!tpu.dma_semaphore, #tpu.memory_space<semaphore_mem>>)
        %dma_wait3A = arith.constant 0 : i32
        %dma_wait3A_73 = arith.constant 0 : i32
        %dma_wait3A_74 = tpu.memref_slice %arg3[%arg1, %dma_wait3A, %dma_wait3A_73] : memref<16x160x125xi32, #tpu.memory_space<hbm>> -> memref<1x160x125xi32, #tpu.memory_space<hbm>>
        %dma_wait3A_75 = tpu.memref_squeeze %dma_wait3A_74 : memref<1x160x125xi32, #tpu.memory_space<hbm>> -> memref<160x125xi32, #tpu.memory_space<hbm>>
        %dma_wait3A_76 = arith.constant 0 : i32
        %dma_wait3A_77 = arith.constant 0 : i32
        %dma_wait3A_78 = tpu.memref_slice %arg3[%arg1, %dma_wait3A_76, %dma_wait3A_77] : memref<16x160x125xi32, #tpu.memory_space<hbm>> -> memref<1x160x125xi32, #tpu.memory_space<hbm>>
        %dma_wait3A_79 = tpu.memref_squeeze %dma_wait3A_78 : memref<1x160x125xi32, #tpu.memory_space<hbm>> -> memref<160x125xi32, #tpu.memory_space<hbm>>
        tpu.wait_dma2 semaphore(%run_scoped3A : memref<!tpu.dma_semaphore, #tpu.memory_space<semaphore_mem>>) src(%dma_wait3A_79 : memref<160x125xi32, #tpu.memory_space<hbm>>) dst(%arg6 : memref<160x125xi32, #tpu.memory_space<vmem>>)
        tpu.yield
      }) : () -> ()
    } else {
    }
    %dma_start3A = arith.constant 0 : i32
    %dma_start3A_22 = arith.constant 0 : i32
    %dma_start3A_23 = tpu.memref_slice %arg7[%dma_start3A_22] : memref<128xf32, #tpu.memory_space<vmem>> -> memref<125xf32, #tpu.memory_space<vmem>>
    %dma_start3A_24 = arith.constant 0 : i32
    %dma_start3A_25 = tpu.memref_slice %arg6[%dma_start3A, %dma_start3A_24] : memref<160x125xi32, #tpu.memory_space<vmem>> -> memref<1x125xi32, #tpu.memory_space<vmem>>
    %dma_start3A_26 = tpu.memref_squeeze %dma_start3A_25 : memref<1x125xi32, #tpu.memory_space<vmem>> -> memref<125xi32, #tpu.memory_space<vmem>>
    %dma_start3A_27 = arith.constant 0 : i32
    %dma_start3A_28 = tpu.memref_slice %arg9[%dma_start3A_27] : memref<10000xf32, #tpu.memory_space<vmem_shared>> -> memref<10000xf32, #tpu.memory_space<vmem_shared>>
    tpu.enqueue_indirect_dma source(%dma_start3A_23 : memref<125xf32, #tpu.memory_space<vmem>>) target(%dma_start3A_28 : memref<10000xf32, #tpu.memory_space<vmem_shared>>) offsets(%dma_start3A_26 : memref<125xi32, #tpu.memory_space<vmem>>) semaphore(%arg10 : memref<!tpu.dma_semaphore, #tpu.memory_space<semaphore_mem>>) {add = true}
    %dma_start3A_29 = arith.constant 1 : i32
    %dma_start3A_30 = arith.constant 0 : i32
    %dma_start3A_31 = tpu.memref_slice %arg7[%dma_start3A_30] : memref<128xf32, #tpu.memory_space<vmem>> -> memref<125xf32, #tpu.memory_space<vmem>>
    %dma_start3A_32 = arith.constant 0 : i32
    %dma_start3A_33 = tpu.memref_slice %arg6[%dma_start3A_29, %dma_start3A_32] : memref<160x125xi32, #tpu.memory_space<vmem>> -> memref<1x125xi32, #tpu.memory_space<vmem>>
    %dma_start3A_34 = tpu.memref_squeeze %dma_start3A_33 : memref<1x125xi32, #tpu.memory_space<vmem>> -> memref<125xi32, #tpu.memory_space<vmem>>
    %dma_start3A_35 = arith.constant 0 : i32
    %dma_start3A_36 = tpu.memref_slice %arg9[%dma_start3A_35] : memref<10000xf32, #tpu.memory_space<vmem_shared>> -> memref<10000xf32, #tpu.memory_space<vmem_shared>>
    tpu.enqueue_indirect_dma source(%dma_start3A_31 : memref<125xf32, #tpu.memory_space<vmem>>) target(%dma_start3A_36 : memref<10000xf32, #tpu.memory_space<vmem_shared>>) offsets(%dma_start3A_34 : memref<125xi32, #tpu.memory_space<vmem>>) semaphore(%arg10 : memref<!tpu.dma_semaphore, #tpu.memory_space<semaphore_mem>>) {add = true}
    %dma_start3A_37 = arith.constant 2 : i32
    %dma_start3A_38 = arith.constant 0 : i32
    %dma_start3A_39 = tpu.memref_slice %arg7[%dma_start3A_38] : memref<128xf32, #tpu.memory_space<vmem>> -> memref<125xf32, #tpu.memory_space<vmem>>
    %dma_start3A_40 = arith.constant 0 : i32
    %dma_start3A_41 = tpu.memref_slice %arg6[%dma_start3A_37, %dma_start3A_40] : memref<160x125xi32, #tpu.memory_space<vmem>> -> memref<1x125xi32, #tpu.memory_space<vmem>>
    %dma_start3A_42 = tpu.memref_squeeze %dma_start3A_41 : memref<1x125xi32, #tpu.memory_space<vmem>> -> memref<125xi32, #tpu.memory_space<vmem>>
    %dma_start3A_43 = arith.constant 0 : i32
    %dma_start3A_44 = tpu.memref_slice %arg9[%dma_start3A_43] : memref<10000xf32, #tpu.memory_space<vmem_shared>> -> memref<10000xf32, #tpu.memory_space<vmem_shared>>
    tpu.enqueue_indirect_dma source(%dma_start3A_39 : memref<125xf32, #tpu.memory_space<vmem>>) target(%dma_start3A_44 : memref<10000xf32, #tpu.memory_space<vmem_shared>>) offsets(%dma_start3A_42 : memref<125xi32, #tpu.memory_space<vmem>>) semaphore(%arg10 : memref<!tpu.dma_semaphore, #tpu.memory_space<semaphore_mem>>) {add = true}
    %dma_start3A_45 = arith.constant 3 : i32
    %dma_start3A_46 = arith.constant 0 : i32
    %dma_start3A_47 = tpu.memref_slice %arg7[%dma_start3A_46] : memref<128xf32, #tpu.memory_space<vmem>> -> memref<125xf32, #tpu.memory_space<vmem>>
    %dma_start3A_48 = arith.constant 0 : i32
    %dma_start3A_49 = tpu.memref_slice %arg6[%dma_start3A_45, %dma_start3A_48] : memref<160x125xi32, #tpu.memory_space<vmem>> -> memref<1x125xi32, #tpu.memory_space<vmem>>
    %dma_start3A_50 = tpu.memref_squeeze %dma_start3A_49 : memref<1x125xi32, #tpu.memory_space<vmem>> -> memref<125xi32, #tpu.memory_space<vmem>>
    %dma_start3A_51 = arith.constant 0 : i32
    %dma_start3A_52 = tpu.memref_slice %arg9[%dma_start3A_51] : memref<10000xf32, #tpu.memory_space<vmem_shared>> -> memref<10000xf32, #tpu.memory_space<vmem_shared>>
    tpu.enqueue_indirect_dma source(%dma_start3A_47 : memref<125xf32, #tpu.memory_space<vmem>>) target(%dma_start3A_52 : memref<10000xf32, #tpu.memory_space<vmem_shared>>) offsets(%dma_start3A_50 : memref<125xi32, #tpu.memory_space<vmem>>) semaphore(%arg10 : memref<!tpu.dma_semaphore, #tpu.memory_space<semaphore_mem>>) {add = true}
    %scan3A_53 = arith.constant 0 : i32
    %scan3A_54 = arith.constant 0 : i32
    %scan3A_55 = arith.constant 160 : i32
    %scan3A_56 = arith.addi %scan3A_54, %scan3A_55 : i32
    %scan3A_57 = arith.constant 1 : i32
    scf.for %scan3A_65 = %scan3A_54 to %scan3A_56 step %scan3A_57  : i32 {
      %dma_wait3A = arith.constant 0 : i32
      %dma_wait3A_66 = tpu.memref_slice %arg7[%dma_wait3A] : memref<128xf32, #tpu.memory_space<vmem>> -> memref<125xf32, #tpu.memory_space<vmem>>
      %dma_wait3A_67 = arith.constant 0 : i32
      %dma_wait3A_68 = tpu.memref_slice %arg6[%scan3A_65, %dma_wait3A_67] : memref<160x125xi32, #tpu.memory_space<vmem>> -> memref<1x125xi32, #tpu.memory_space<vmem>>
      %dma_wait3A_69 = tpu.memref_squeeze %dma_wait3A_68 : memref<1x125xi32, #tpu.memory_space<vmem>> -> memref<125xi32, #tpu.memory_space<vmem>>
      %dma_wait3A_70 = arith.constant 0 : i32
      %dma_wait3A_71 = tpu.memref_slice %arg9[%dma_wait3A_70] : memref<10000xf32, #tpu.memory_space<vmem_shared>> -> memref<10000xf32, #tpu.memory_space<vmem_shared>>
      tpu.wait_indirect_dma semaphore(%arg10 : memref<!tpu.dma_semaphore, #tpu.memory_space<semaphore_mem>>) src(%dma_wait3A_66 : memref<125xf32, #tpu.memory_space<vmem>>) dst(%dma_wait3A_71 : memref<10000xf32, #tpu.memory_space<vmem_shared>>)
      %add3A = arith.constant 4 : i32
      %add3A_72 = arith.addi %scan3A_65, %add3A : i32
      %lt3A_73 = arith.constant 160 : i32
      %lt3A_74 = arith.cmpi slt, %add3A_72, %lt3A_73 : i32
      %convert_element_type3A_75 = arith.extui %lt3A_74 : i1 to i32
      %cond3A_76 = arith.constant 0 : i32
      %cond3A_77 = arith.cmpi ne, %convert_element_type3A_75, %cond3A_76 : i32
      scf.if %cond3A_77 {
        %add3A_78 = arith.constant 4 : i32
        %add3A_79 = arith.addi %scan3A_65, %add3A_78 : i32
        %dma_start3A_80 = arith.constant 0 : i32
        %dma_start3A_81 = tpu.memref_slice %arg7[%dma_start3A_80] : memref<128xf32, #tpu.memory_space<vmem>> -> memref<125xf32, #tpu.memory_space<vmem>>
        %dma_start3A_82 = arith.constant 0 : i32
        %dma_start3A_83 = tpu.memref_slice %arg6[%add3A_79, %dma_start3A_82] : memref<160x125xi32, #tpu.memory_space<vmem>> -> memref<1x125xi32, #tpu.memory_space<vmem>>
        %dma_start3A_84 = tpu.memref_squeeze %dma_start3A_83 : memref<1x125xi32, #tpu.memory_space<vmem>> -> memref<125xi32, #tpu.memory_space<vmem>>
        %dma_start3A_85 = arith.constant 0 : i32
        %dma_start3A_86 = tpu.memref_slice %arg9[%dma_start3A_85] : memref<10000xf32, #tpu.memory_space<vmem_shared>> -> memref<10000xf32, #tpu.memory_space<vmem_shared>>
        tpu.enqueue_indirect_dma source(%dma_start3A_81 : memref<125xf32, #tpu.memory_space<vmem>>) target(%dma_start3A_86 : memref<10000xf32, #tpu.memory_space<vmem_shared>>) offsets(%dma_start3A_84 : memref<125xi32, #tpu.memory_space<vmem>>) semaphore(%arg10 : memref<!tpu.dma_semaphore, #tpu.memory_space<semaphore_mem>>) {add = true}
      } else {
      }
    }
    %scan3A_58 = arith.constant 160 : i32
    %barrier3A_59 = arith.constant 0 : index
    tpu.barrier barrier_id(%barrier3A_59)
    %lt3A_60 = arith.constant 10 : i32
    %lt3A_61 = arith.cmpi slt, %arg1, %lt3A_60 : i32
    %convert_element_type3A_62 = arith.extui %lt3A_61 : i1 to i32
    %cond3A_63 = arith.constant 0 : i32
    %cond3A_64 = arith.cmpi ne, %convert_element_type3A_62, %cond3A_63 : i32
    scf.if %cond3A_64 {
      %mul3A = arith.constant 1000 : i32
      %mul3A_65 = arith.muli %arg1, %mul3A : i32
      "tpu.region"() ({
        %run_scoped3A = tpu.sem_alloc : memref<!tpu.dma_semaphore, #tpu.memory_space<semaphore_mem>>
        %dma_start3A_76 = arith.constant 0 : i32
        %dma_start3A_77 = tpu.memref_slice %arg8[%dma_start3A_76] : memref<1024xf32, #tpu.memory_space<vmem>> -> memref<1000xf32, #tpu.memory_space<vmem>>
        %dma_start3A_78 = tpu.memref_slice %arg9[%mul3A_65] : memref<10000xf32, #tpu.memory_space<vmem_shared>> -> memref<1000xf32, #tpu.memory_space<vmem_shared>>
        %dma_start3A_79 = arith.constant 0 : i32
        %dma_start3A_80 = tpu.memref_slice %arg8[%dma_start3A_79] : memref<1024xf32, #tpu.memory_space<vmem>> -> memref<1000xf32, #tpu.memory_space<vmem>>
        %dma_start3A_81 = tpu.memref_slice %arg9[%mul3A_65] : memref<10000xf32, #tpu.memory_space<vmem_shared>> -> memref<1000xf32, #tpu.memory_space<vmem_shared>>
        tpu.enqueue_dma source(%dma_start3A_81 : memref<1000xf32, #tpu.memory_space<vmem_shared>>) target(%dma_start3A_80 : memref<1000xf32, #tpu.memory_space<vmem>>) target_semaphore(%run_scoped3A : memref<!tpu.dma_semaphore, #tpu.memory_space<semaphore_mem>>)
        %dma_wait3A = arith.constant 0 : i32
        %dma_wait3A_82 = tpu.memref_slice %arg8[%dma_wait3A] : memref<1024xf32, #tpu.memory_space<vmem>> -> memref<1000xf32, #tpu.memory_space<vmem>>
        %dma_wait3A_83 = tpu.memref_slice %arg9[%mul3A_65] : memref<10000xf32, #tpu.memory_space<vmem_shared>> -> memref<1000xf32, #tpu.memory_space<vmem_shared>>
        %dma_wait3A_84 = arith.constant 0 : i32
        %dma_wait3A_85 = tpu.memref_slice %arg8[%dma_wait3A_84] : memref<1024xf32, #tpu.memory_space<vmem>> -> memref<1000xf32, #tpu.memory_space<vmem>>
        %dma_wait3A_86 = tpu.memref_slice %arg9[%mul3A_65] : memref<10000xf32, #tpu.memory_space<vmem_shared>> -> memref<1000xf32, #tpu.memory_space<vmem_shared>>
        tpu.wait_dma2 semaphore(%run_scoped3A : memref<!tpu.dma_semaphore, #tpu.memory_space<semaphore_mem>>) src(%dma_wait3A_86 : memref<1000xf32, #tpu.memory_space<vmem_shared>>) dst(%dma_wait3A_85 : memref<1000xf32, #tpu.memory_space<vmem>>)
        tpu.yield
      }) : () -> ()
      %eq3A_66 = arith.constant 0 : i32
      %eq3A_67 = arith.cmpi eq, %arg0, %eq3A_66 : i32
      %convert_element_type3A_68 = arith.extui %eq3A_67 : i1 to i32
      %cond3A_69 = arith.constant 0 : i32
      %cond3A_70 = arith.cmpi ne, %convert_element_type3A_68, %cond3A_69 : i32
      scf.if %cond3A_70 {
        %mul3A_76 = arith.constant 1000 : i32
        %mul3A_77 = arith.muli %arg1, %mul3A_76 : i32
        "tpu.region"() ({
          %run_scoped3A = tpu.sem_alloc : memref<!tpu.dma_semaphore, #tpu.memory_space<semaphore_mem>>
          %dma_start3A_78 = arith.constant 0 : i32
          %dma_start3A_79 = tpu.memref_slice %arg8[%dma_start3A_78] : memref<1024xf32, #tpu.memory_space<vmem>> -> memref<1000xf32, #tpu.memory_space<vmem>>
          %dma_start3A_80 = tpu.memref_slice %arg4[%mul3A_77] : memref<10000xf32, #tpu.memory_space<hbm>> -> memref<1000xf32, #tpu.memory_space<hbm>>
          %dma_start3A_81 = tpu.memref_slice %arg4[%mul3A_77] : memref<10000xf32, #tpu.memory_space<hbm>> -> memref<1000xf32, #tpu.memory_space<hbm>>
          %dma_start3A_82 = arith.constant 0 : i32
          %dma_start3A_83 = tpu.memref_slice %arg8[%dma_start3A_82] : memref<1024xf32, #tpu.memory_space<vmem>> -> memref<1000xf32, #tpu.memory_space<vmem>>
          tpu.enqueue_dma source(%dma_start3A_83 : memref<1000xf32, #tpu.memory_space<vmem>>) target(%dma_start3A_81 : memref<1000xf32, #tpu.memory_space<hbm>>) target_semaphore(%run_scoped3A : memref<!tpu.dma_semaphore, #tpu.memory_space<semaphore_mem>>)
          %dma_wait3A = arith.constant 0 : i32
          %dma_wait3A_84 = tpu.memref_slice %arg8[%dma_wait3A] : memref<1024xf32, #tpu.memory_space<vmem>> -> memref<1000xf32, #tpu.memory_space<vmem>>
          %dma_wait3A_85 = tpu.memref_slice %arg4[%mul3A_77] : memref<10000xf32, #tpu.memory_space<hbm>> -> memref<1000xf32, #tpu.memory_space<hbm>>
          %dma_wait3A_86 = tpu.memref_slice %arg4[%mul3A_77] : memref<10000xf32, #tpu.memory_space<hbm>> -> memref<1000xf32, #tpu.memory_space<hbm>>
          %dma_wait3A_87 = arith.constant 0 : i32
          %dma_wait3A_88 = tpu.memref_slice %arg8[%dma_wait3A_87] : memref<1024xf32, #tpu.memory_space<vmem>> -> memref<1000xf32, #tpu.memory_space<vmem>>
          tpu.wait_dma2 semaphore(%run_scoped3A : memref<!tpu.dma_semaphore, #tpu.memory_space<semaphore_mem>>) src(%dma_wait3A_88 : memref<1000xf32, #tpu.memory_space<vmem>>) dst(%dma_wait3A_86 : memref<1000xf32, #tpu.memory_space<hbm>>)
          tpu.yield
        }) : () -> ()
      } else {
      }
      %eq3A_71 = arith.constant 1 : i32
      %eq3A_72 = arith.cmpi eq, %arg0, %eq3A_71 : i32
      %convert_element_type3A_73 = arith.extui %eq3A_72 : i1 to i32
      %cond3A_74 = arith.constant 0 : i32
      %cond3A_75 = arith.cmpi ne, %convert_element_type3A_73, %cond3A_74 : i32
      scf.if %cond3A_75 {
        %mul3A_76 = arith.constant 1000 : i32
        %mul3A_77 = arith.muli %arg1, %mul3A_76 : i32
        "tpu.region"() ({
          %run_scoped3A = tpu.sem_alloc : memref<!tpu.dma_semaphore, #tpu.memory_space<semaphore_mem>>
          %dma_start3A_78 = arith.constant 0 : i32
          %dma_start3A_79 = tpu.memref_slice %arg8[%dma_start3A_78] : memref<1024xf32, #tpu.memory_space<vmem>> -> memref<1000xf32, #tpu.memory_space<vmem>>
          %dma_start3A_80 = tpu.memref_slice %arg5[%mul3A_77] : memref<10000xf32, #tpu.memory_space<hbm>> -> memref<1000xf32, #tpu.memory_space<hbm>>
          %dma_start3A_81 = tpu.memref_slice %arg5[%mul3A_77] : memref<10000xf32, #tpu.memory_space<hbm>> -> memref<1000xf32, #tpu.memory_space<hbm>>
          %dma_start3A_82 = arith.constant 0 : i32
          %dma_start3A_83 = tpu.memref_slice %arg8[%dma_start3A_82] : memref<1024xf32, #tpu.memory_space<vmem>> -> memref<1000xf32, #tpu.memory_space<vmem>>
          tpu.enqueue_dma source(%dma_start3A_83 : memref<1000xf32, #tpu.memory_space<vmem>>) target(%dma_start3A_81 : memref<1000xf32, #tpu.memory_space<hbm>>) target_semaphore(%run_scoped3A : memref<!tpu.dma_semaphore, #tpu.memory_space<semaphore_mem>>)
          %dma_wait3A = arith.constant 0 : i32
          %dma_wait3A_84 = tpu.memref_slice %arg8[%dma_wait3A] : memref<1024xf32, #tpu.memory_space<vmem>> -> memref<1000xf32, #tpu.memory_space<vmem>>
          %dma_wait3A_85 = tpu.memref_slice %arg5[%mul3A_77] : memref<10000xf32, #tpu.memory_space<hbm>> -> memref<1000xf32, #tpu.memory_space<hbm>>
          %dma_wait3A_86 = tpu.memref_slice %arg5[%mul3A_77] : memref<10000xf32, #tpu.memory_space<hbm>> -> memref<1000xf32, #tpu.memory_space<hbm>>
          %dma_wait3A_87 = arith.constant 0 : i32
          %dma_wait3A_88 = tpu.memref_slice %arg8[%dma_wait3A_87] : memref<1024xf32, #tpu.memory_space<vmem>> -> memref<1000xf32, #tpu.memory_space<vmem>>
          tpu.wait_dma2 semaphore(%run_scoped3A : memref<!tpu.dma_semaphore, #tpu.memory_space<semaphore_mem>>) src(%dma_wait3A_88 : memref<1000xf32, #tpu.memory_space<vmem>>) dst(%dma_wait3A_86 : memref<1000xf32, #tpu.memory_space<hbm>>)
          tpu.yield
        }) : () -> ()
      } else {
      }
    } else {
    }
    return
  }
}

#map = affine_map<(d0, d1) -> (0, 0)>
#map1 = affine_map<(d0, d1) -> (0, 0, 0)>
module attributes {stable_mosaic.version = 14 : i64} {
  func.func @_sct_body(%arg0: i32, %arg1: i32, %arg2: memref<10000x128xf32, #tpu.memory_space<hbm>>, %arg3: memref<10000x128xf32, #tpu.memory_space<hbm>>, %arg4: memref<16x160x125xi32, #tpu.memory_space<hbm>>, %arg5: memref<16x800x25xi32, #tpu.memory_space<hbm>>, %arg6: memref<16x160x125xi32, #tpu.memory_space<hbm>>, %arg7: memref<16x800x25xi32, #tpu.memory_space<hbm>>, %arg8: memref<10000x128xf32, #tpu.memory_space<hbm>>, %arg9: memref<10000x128xf32, #tpu.memory_space<hbm>>, %arg10: memref<16x125xi32, #tpu.memory_space<vmem>>, %arg11: memref<80x25xi32, #tpu.memory_space<vmem>>, %arg12: memref<125x128xf32, #tpu.memory_space<vmem>>, %arg13: memref<125x128xf32, #tpu.memory_space<vmem>>, %arg14: memref<10000x128xf32, #tpu.memory_space<vmem_shared>>, %arg15: memref<!tpu.dma_semaphore, #tpu.memory_space<semaphore_mem>>, %arg16: memref<!tpu.dma_semaphore, #tpu.memory_space<semaphore_mem>>) attributes {dimension_semantics = [#tpu.dimension_semantics<core_parallel>, #tpu.dimension_semantics<subcore_parallel>], iteration_bounds = array<i64: 2, 16>, scalar_prefetch = 0 : i64, scratch_operands = 7 : i64, tpu.core_type = #tpu.core_type<sc_vector_subcore>, window_params = [{transform_indices = #map}, {transform_indices = #map}, {transform_indices = #map1}, {transform_indices = #map1}, {transform_indices = #map1}, {transform_indices = #map1}, {transform_indices = #map}, {transform_indices = #map}]} {
    %scan3A = arith.constant 0 : i32
    %scan3A_0 = arith.constant 0 : i32
    %scan3A_1 = arith.constant 1000 : i32
    %scan3A_2 = arith.addi %scan3A_0, %scan3A_1 : i32
    %scan3A_3 = arith.constant 1 : i32
    scf.for %scan3A_22 = %scan3A_0 to %scan3A_2 step %scan3A_3  : i32 {
      %jit3A = arith.constant 8 : i32
      %div3A = arith.divsi %scan3A_22, %jit3A : i32
      %sign3A = arith.constant 0 : i32
      %sign3A_23 = arith.cmpi sgt, %scan3A_22, %sign3A : i32
      %sign3A_24 = arith.extui %sign3A_23 : i1 to i32
      %sign3A_25 = arith.constant 0 : i32
      %sign3A_26 = arith.cmpi slt, %scan3A_22, %sign3A_25 : i32
      %sign3A_27 = arith.extui %sign3A_26 : i1 to i32
      %sign3A_28 = arith.subi %sign3A_24, %sign3A_27 : i32
      %sign3A_29 = arith.constant 0 : i32
      %sign3A_30 = arith.cmpi sgt, %jit3A, %sign3A_29 : i32
      %sign3A_31 = arith.extui %sign3A_30 : i1 to i32
      %sign3A_32 = arith.constant 0 : i32
      %sign3A_33 = arith.cmpi slt, %jit3A, %sign3A_32 : i32
      %sign3A_34 = arith.extui %sign3A_33 : i1 to i32
      %sign3A_35 = arith.subi %sign3A_31, %sign3A_34 : i32
      %ne3A = arith.cmpi ne, %sign3A_28, %sign3A_35 : i32
      %rem3A = arith.remsi %scan3A_22, %jit3A : i32
      %ne3A_36 = arith.constant 0 : i32
      %ne3A_37 = arith.cmpi ne, %rem3A, %ne3A_36 : i32
      %and3A = arith.andi %ne3A, %ne3A_37 : i1
      %sub3A = arith.constant 1 : i32
      %sub3A_38 = arith.subi %div3A, %sub3A : i32
      %select_n3A = arith.select %and3A, %sub3A_38, %div3A : i32
      %mul3A = arith.constant 8 : i32
      %mul3A_39 = arith.muli %select_n3A, %mul3A : i32
      %sub3A_40 = arith.subi %scan3A_22, %mul3A_39 : i32
      %broadcast_in_dim3A = arith.constant 0.000000e+00 : f32
      %broadcast_in_dim3A_41 = vector.broadcast %broadcast_in_dim3A : f32 to vector<16xf32>
      %mul3A_42 = arith.constant 16 : i32
      %mul3A_43 = arith.muli %sub3A_40, %mul3A_42 : i32
      %swap3A = arith.index_cast %select_n3A : i32 to index
      %swap3A_44 = arith.index_cast %mul3A_43 : i32 to index
      %swap3A_45 = tpu.vector_load %arg12[%swap3A, %swap3A_44] {strides = array<i32>} : memref<125x128xf32, #tpu.memory_space<vmem>>, vector<1x16xf32>,
      %swap3A_46 = vector.shape_cast %swap3A_45 : vector<1x16xf32> to vector<16xf32>
      %swap3A_47 = vector.shape_cast %broadcast_in_dim3A_41 : vector<16xf32> to vector<1x16xf32>
      tpu.vector_store %arg12[%swap3A, %swap3A_44], %swap3A_47 {strides = array<i32>} : memref<125x128xf32, #tpu.memory_space<vmem>>, vector<1x16xf32>,
    }
    %scan3A_4 = arith.constant 1000 : i32
    %lt3A = arith.constant 10 : i32
    %lt3A_5 = arith.cmpi slt, %arg1, %lt3A : i32
    %convert_element_type3A = arith.extui %lt3A_5 : i1 to i32
    %cond3A = arith.constant 0 : i32
    %cond3A_6 = arith.cmpi ne, %convert_element_type3A, %cond3A : i32
    scf.if %cond3A_6 {
      %mul3A = arith.constant 1000 : i32
      %mul3A_22 = arith.muli %arg1, %mul3A : i32
      %add3A = arith.constant 0 : i32
      %add3A_23 = arith.addi %mul3A_22, %add3A : i32
      %dma_start3A = arith.constant 0 : i32
      %dma_start3A_24 = arith.constant 0 : i32
      %dma_start3A_25 = tpu.memref_slice %arg12[%dma_start3A, %dma_start3A_24] : memref<125x128xf32, #tpu.memory_space<vmem>> -> memref<120x128xf32, #tpu.memory_space<vmem>>
      %dma_start3A_26 = arith.constant 0 : i32
      %dma_start3A_27 = tpu.memref_slice %arg14[%add3A_23, %dma_start3A_26] : memref<10000x128xf32, #tpu.memory_space<vmem_shared>> -> memref<120x128xf32, #tpu.memory_space<vmem_shared>>
      %dma_start3A_28 = arith.constant 0 : i32
      %dma_start3A_29 = tpu.memref_slice %arg14[%add3A_23, %dma_start3A_28] : memref<10000x128xf32, #tpu.memory_space<vmem_shared>> -> memref<120x128xf32, #tpu.memory_space<vmem_shared>>
      %dma_start3A_30 = arith.constant 0 : i32
      %dma_start3A_31 = arith.constant 0 : i32
      %dma_start3A_32 = tpu.memref_slice %arg12[%dma_start3A_30, %dma_start3A_31] : memref<125x128xf32, #tpu.memory_space<vmem>> -> memref<120x128xf32, #tpu.memory_space<vmem>>
      tpu.enqueue_dma source(%dma_start3A_32 : memref<120x128xf32, #tpu.memory_space<vmem>>) target(%dma_start3A_29 : memref<120x128xf32, #tpu.memory_space<vmem_shared>>) target_semaphore(%arg15 : memref<!tpu.dma_semaphore, #tpu.memory_space<semaphore_mem>>)
      %mul3A_33 = arith.constant 1000 : i32
      %mul3A_34 = arith.muli %arg1, %mul3A_33 : i32
      %add3A_35 = arith.constant 120 : i32
      %add3A_36 = arith.addi %mul3A_34, %add3A_35 : i32
      %dma_start3A_37 = arith.constant 0 : i32
      %dma_start3A_38 = arith.constant 0 : i32
      %dma_start3A_39 = tpu.memref_slice %arg12[%dma_start3A_37, %dma_start3A_38] : memref<125x128xf32, #tpu.memory_space<vmem>> -> memref<120x128xf32, #tpu.memory_space<vmem>>
      %dma_start3A_40 = arith.constant 0 : i32
      %dma_start3A_41 = tpu.memref_slice %arg14[%add3A_36, %dma_start3A_40] : memref<10000x128xf32, #tpu.memory_space<vmem_shared>> -> memref<120x128xf32, #tpu.memory_space<vmem_shared>>
      %dma_start3A_42 = arith.constant 0 : i32
      %dma_start3A_43 = tpu.memref_slice %arg14[%add3A_36, %dma_start3A_42] : memref<10000x128xf32, #tpu.memory_space<vmem_shared>> -> memref<120x128xf32, #tpu.memory_space<vmem_shared>>
      %dma_start3A_44 = arith.constant 0 : i32
      %dma_start3A_45 = arith.constant 0 : i32
      %dma_start3A_46 = tpu.memref_slice %arg12[%dma_start3A_44, %dma_start3A_45] : memref<125x128xf32, #tpu.memory_space<vmem>> -> memref<120x128xf32, #tpu.memory_space<vmem>>
      tpu.enqueue_dma source(%dma_start3A_46 : memref<120x128xf32, #tpu.memory_space<vmem>>) target(%dma_start3A_43 : memref<120x128xf32, #tpu.memory_space<vmem_shared>>) target_semaphore(%arg15 : memref<!tpu.dma_semaphore, #tpu.memory_space<semaphore_mem>>)
      %mul3A_47 = arith.constant 1000 : i32
      %mul3A_48 = arith.muli %arg1, %mul3A_47 : i32
      %add3A_49 = arith.constant 240 : i32
      %add3A_50 = arith.addi %mul3A_48, %add3A_49 : i32
      %dma_start3A_51 = arith.constant 0 : i32
      %dma_start3A_52 = arith.constant 0 : i32
      %dma_start3A_53 = tpu.memref_slice %arg12[%dma_start3A_51, %dma_start3A_52] : memref<125x128xf32, #tpu.memory_space<vmem>> -> memref<120x128xf32, #tpu.memory_space<vmem>>
      %dma_start3A_54 = arith.constant 0 : i32
      %dma_start3A_55 = tpu.memref_slice %arg14[%add3A_50, %dma_start3A_54] : memref<10000x128xf32, #tpu.memory_space<vmem_shared>> -> memref<120x128xf32, #tpu.memory_space<vmem_shared>>
      %dma_start3A_56 = arith.constant 0 : i32
      %dma_start3A_57 = tpu.memref_slice %arg14[%add3A_50, %dma_start3A_56] : memref<10000x128xf32, #tpu.memory_space<vmem_shared>> -> memref<120x128xf32, #tpu.memory_space<vmem_shared>>
      %dma_start3A_58 = arith.constant 0 : i32
      %dma_start3A_59 = arith.constant 0 : i32
      %dma_start3A_60 = tpu.memref_slice %arg12[%dma_start3A_58, %dma_start3A_59] : memref<125x128xf32, #tpu.memory_space<vmem>> -> memref<120x128xf32, #tpu.memory_space<vmem>>
      tpu.enqueue_dma source(%dma_start3A_60 : memref<120x128xf32, #tpu.memory_space<vmem>>) target(%dma_start3A_57 : memref<120x128xf32, #tpu.memory_space<vmem_shared>>) target_semaphore(%arg15 : memref<!tpu.dma_semaphore, #tpu.memory_space<semaphore_mem>>)
      %mul3A_61 = arith.constant 1000 : i32
      %mul3A_62 = arith.muli %arg1, %mul3A_61 : i32
      %add3A_63 = arith.constant 360 : i32
      %add3A_64 = arith.addi %mul3A_62, %add3A_63 : i32
      %dma_start3A_65 = arith.constant 0 : i32
      %dma_start3A_66 = arith.constant 0 : i32
      %dma_start3A_67 = tpu.memref_slice %arg12[%dma_start3A_65, %dma_start3A_66] : memref<125x128xf32, #tpu.memory_space<vmem>> -> memref<120x128xf32, #tpu.memory_space<vmem>>
      %dma_start3A_68 = arith.constant 0 : i32
      %dma_start3A_69 = tpu.memref_slice %arg14[%add3A_64, %dma_start3A_68] : memref<10000x128xf32, #tpu.memory_space<vmem_shared>> -> memref<120x128xf32, #tpu.memory_space<vmem_shared>>
      %dma_start3A_70 = arith.constant 0 : i32
      %dma_start3A_71 = tpu.memref_slice %arg14[%add3A_64, %dma_start3A_70] : memref<10000x128xf32, #tpu.memory_space<vmem_shared>> -> memref<120x128xf32, #tpu.memory_space<vmem_shared>>
      %dma_start3A_72 = arith.constant 0 : i32
      %dma_start3A_73 = arith.constant 0 : i32
      %dma_start3A_74 = tpu.memref_slice %arg12[%dma_start3A_72, %dma_start3A_73] : memref<125x128xf32, #tpu.memory_space<vmem>> -> memref<120x128xf32, #tpu.memory_space<vmem>>
      tpu.enqueue_dma source(%dma_start3A_74 : memref<120x128xf32, #tpu.memory_space<vmem>>) target(%dma_start3A_71 : memref<120x128xf32, #tpu.memory_space<vmem_shared>>) target_semaphore(%arg15 : memref<!tpu.dma_semaphore, #tpu.memory_space<semaphore_mem>>)
      %mul3A_75 = arith.constant 1000 : i32
      %mul3A_76 = arith.muli %arg1, %mul3A_75 : i32
      %add3A_77 = arith.constant 480 : i32
      %add3A_78 = arith.addi %mul3A_76, %add3A_77 : i32
      %dma_start3A_79 = arith.constant 0 : i32
      %dma_start3A_80 = arith.constant 0 : i32
      %dma_start3A_81 = tpu.memref_slice %arg12[%dma_start3A_79, %dma_start3A_80] : memref<125x128xf32, #tpu.memory_space<vmem>> -> memref<120x128xf32, #tpu.memory_space<vmem>>
      %dma_start3A_82 = arith.constant 0 : i32
      %dma_start3A_83 = tpu.memref_slice %arg14[%add3A_78, %dma_start3A_82] : memref<10000x128xf32, #tpu.memory_space<vmem_shared>> -> memref<120x128xf32, #tpu.memory_space<vmem_shared>>
      %dma_start3A_84 = arith.constant 0 : i32
      %dma_start3A_85 = tpu.memref_slice %arg14[%add3A_78, %dma_start3A_84] : memref<10000x128xf32, #tpu.memory_space<vmem_shared>> -> memref<120x128xf32, #tpu.memory_space<vmem_shared>>
      %dma_start3A_86 = arith.constant 0 : i32
      %dma_start3A_87 = arith.constant 0 : i32
      %dma_start3A_88 = tpu.memref_slice %arg12[%dma_start3A_86, %dma_start3A_87] : memref<125x128xf32, #tpu.memory_space<vmem>> -> memref<120x128xf32, #tpu.memory_space<vmem>>
      tpu.enqueue_dma source(%dma_start3A_88 : memref<120x128xf32, #tpu.memory_space<vmem>>) target(%dma_start3A_85 : memref<120x128xf32, #tpu.memory_space<vmem_shared>>) target_semaphore(%arg15 : memref<!tpu.dma_semaphore, #tpu.memory_space<semaphore_mem>>)
      %mul3A_89 = arith.constant 1000 : i32
      %mul3A_90 = arith.muli %arg1, %mul3A_89 : i32
      %add3A_91 = arith.constant 600 : i32
      %add3A_92 = arith.addi %mul3A_90, %add3A_91 : i32
      %dma_start3A_93 = arith.constant 0 : i32
      %dma_start3A_94 = arith.constant 0 : i32
      %dma_start3A_95 = tpu.memref_slice %arg12[%dma_start3A_93, %dma_start3A_94] : memref<125x128xf32, #tpu.memory_space<vmem>> -> memref<120x128xf32, #tpu.memory_space<vmem>>
      %dma_start3A_96 = arith.constant 0 : i32
      %dma_start3A_97 = tpu.memref_slice %arg14[%add3A_92, %dma_start3A_96] : memref<10000x128xf32, #tpu.memory_space<vmem_shared>> -> memref<120x128xf32, #tpu.memory_space<vmem_shared>>
      %dma_start3A_98 = arith.constant 0 : i32
      %dma_start3A_99 = tpu.memref_slice %arg14[%add3A_92, %dma_start3A_98] : memref<10000x128xf32, #tpu.memory_space<vmem_shared>> -> memref<120x128xf32, #tpu.memory_space<vmem_shared>>
      %dma_start3A_100 = arith.constant 0 : i32
      %dma_start3A_101 = arith.constant 0 : i32
      %dma_start3A_102 = tpu.memref_slice %arg12[%dma_start3A_100, %dma_start3A_101] : memref<125x128xf32, #tpu.memory_space<vmem>> -> memref<120x128xf32, #tpu.memory_space<vmem>>
      tpu.enqueue_dma source(%dma_start3A_102 : memref<120x128xf32, #tpu.memory_space<vmem>>) target(%dma_start3A_99 : memref<120x128xf32, #tpu.memory_space<vmem_shared>>) target_semaphore(%arg15 : memref<!tpu.dma_semaphore, #tpu.memory_space<semaphore_mem>>)
      %mul3A_103 = arith.constant 1000 : i32
      %mul3A_104 = arith.muli %arg1, %mul3A_103 : i32
      %add3A_105 = arith.constant 720 : i32
      %add3A_106 = arith.addi %mul3A_104, %add3A_105 : i32
      %dma_start3A_107 = arith.constant 0 : i32
      %dma_start3A_108 = arith.constant 0 : i32
      %dma_start3A_109 = tpu.memref_slice %arg12[%dma_start3A_107, %dma_start3A_108] : memref<125x128xf32, #tpu.memory_space<vmem>> -> memref<120x128xf32, #tpu.memory_space<vmem>>
      %dma_start3A_110 = arith.constant 0 : i32
      %dma_start3A_111 = tpu.memref_slice %arg14[%add3A_106, %dma_start3A_110] : memref<10000x128xf32, #tpu.memory_space<vmem_shared>> -> memref<120x128xf32, #tpu.memory_space<vmem_shared>>
      %dma_start3A_112 = arith.constant 0 : i32
      %dma_start3A_113 = tpu.memref_slice %arg14[%add3A_106, %dma_start3A_112] : memref<10000x128xf32, #tpu.memory_space<vmem_shared>> -> memref<120x128xf32, #tpu.memory_space<vmem_shared>>
      %dma_start3A_114 = arith.constant 0 : i32
      %dma_start3A_115 = arith.constant 0 : i32
      %dma_start3A_116 = tpu.memref_slice %arg12[%dma_start3A_114, %dma_start3A_115] : memref<125x128xf32, #tpu.memory_space<vmem>> -> memref<120x128xf32, #tpu.memory_space<vmem>>
      tpu.enqueue_dma source(%dma_start3A_116 : memref<120x128xf32, #tpu.memory_space<vmem>>) target(%dma_start3A_113 : memref<120x128xf32, #tpu.memory_space<vmem_shared>>) target_semaphore(%arg15 : memref<!tpu.dma_semaphore, #tpu.memory_space<semaphore_mem>>)
      %mul3A_117 = arith.constant 1000 : i32
      %mul3A_118 = arith.muli %arg1, %mul3A_117 : i32
      %add3A_119 = arith.constant 840 : i32
      %add3A_120 = arith.addi %mul3A_118, %add3A_119 : i32
      %dma_start3A_121 = arith.constant 0 : i32
      %dma_start3A_122 = arith.constant 0 : i32
      %dma_start3A_123 = tpu.memref_slice %arg12[%dma_start3A_121, %dma_start3A_122] : memref<125x128xf32, #tpu.memory_space<vmem>> -> memref<120x128xf32, #tpu.memory_space<vmem>>
      %dma_start3A_124 = arith.constant 0 : i32
      %dma_start3A_125 = tpu.memref_slice %arg14[%add3A_120, %dma_start3A_124] : memref<10000x128xf32, #tpu.memory_space<vmem_shared>> -> memref<120x128xf32, #tpu.memory_space<vmem_shared>>
      %dma_start3A_126 = arith.constant 0 : i32
      %dma_start3A_127 = tpu.memref_slice %arg14[%add3A_120, %dma_start3A_126] : memref<10000x128xf32, #tpu.memory_space<vmem_shared>> -> memref<120x128xf32, #tpu.memory_space<vmem_shared>>
      %dma_start3A_128 = arith.constant 0 : i32
      %dma_start3A_129 = arith.constant 0 : i32
      %dma_start3A_130 = tpu.memref_slice %arg12[%dma_start3A_128, %dma_start3A_129] : memref<125x128xf32, #tpu.memory_space<vmem>> -> memref<120x128xf32, #tpu.memory_space<vmem>>
      tpu.enqueue_dma source(%dma_start3A_130 : memref<120x128xf32, #tpu.memory_space<vmem>>) target(%dma_start3A_127 : memref<120x128xf32, #tpu.memory_space<vmem_shared>>) target_semaphore(%arg15 : memref<!tpu.dma_semaphore, #tpu.memory_space<semaphore_mem>>)
      %mul3A_131 = arith.constant 1000 : i32
      %mul3A_132 = arith.muli %arg1, %mul3A_131 : i32
      %add3A_133 = arith.constant 960 : i32
      %add3A_134 = arith.addi %mul3A_132, %add3A_133 : i32
      %dma_start3A_135 = arith.constant 0 : i32
      %dma_start3A_136 = arith.constant 0 : i32
      %dma_start3A_137 = tpu.memref_slice %arg12[%dma_start3A_135, %dma_start3A_136] : memref<125x128xf32, #tpu.memory_space<vmem>> -> memref<40x128xf32, #tpu.memory_space<vmem>>
      %dma_start3A_138 = arith.constant 0 : i32
      %dma_start3A_139 = tpu.memref_slice %arg14[%add3A_134, %dma_start3A_138] : memref<10000x128xf32, #tpu.memory_space<vmem_shared>> -> memref<40x128xf32, #tpu.memory_space<vmem_shared>>
      %dma_start3A_140 = arith.constant 0 : i32
      %dma_start3A_141 = tpu.memref_slice %arg14[%add3A_134, %dma_start3A_140] : memref<10000x128xf32, #tpu.memory_space<vmem_shared>> -> memref<40x128xf32, #tpu.memory_space<vmem_shared>>
      %dma_start3A_142 = arith.constant 0 : i32
      %dma_start3A_143 = arith.constant 0 : i32
      %dma_start3A_144 = tpu.memref_slice %arg12[%dma_start3A_142, %dma_start3A_143] : memref<125x128xf32, #tpu.memory_space<vmem>> -> memref<40x128xf32, #tpu.memory_space<vmem>>
      tpu.enqueue_dma source(%dma_start3A_144 : memref<40x128xf32, #tpu.memory_space<vmem>>) target(%dma_start3A_141 : memref<40x128xf32, #tpu.memory_space<vmem_shared>>) target_semaphore(%arg15 : memref<!tpu.dma_semaphore, #tpu.memory_space<semaphore_mem>>)
      %mul3A_145 = arith.constant 1000 : i32
      %mul3A_146 = arith.muli %arg1, %mul3A_145 : i32
      %add3A_147 = arith.constant 0 : i32
      %add3A_148 = arith.addi %mul3A_146, %add3A_147 : i32
      %dma_wait3A = arith.constant 0 : i32
      %dma_wait3A_149 = arith.constant 0 : i32
      %dma_wait3A_150 = tpu.memref_slice %arg12[%dma_wait3A, %dma_wait3A_149] : memref<125x128xf32, #tpu.memory_space<vmem>> -> memref<120x128xf32, #tpu.memory_space<vmem>>
      %dma_wait3A_151 = arith.constant 0 : i32
      %dma_wait3A_152 = tpu.memref_slice %arg14[%add3A_148, %dma_wait3A_151] : memref<10000x128xf32, #tpu.memory_space<vmem_shared>> -> memref<120x128xf32, #tpu.memory_space<vmem_shared>>
      %dma_wait3A_153 = arith.constant 0 : i32
      %dma_wait3A_154 = tpu.memref_slice %arg14[%add3A_148, %dma_wait3A_153] : memref<10000x128xf32, #tpu.memory_space<vmem_shared>> -> memref<120x128xf32, #tpu.memory_space<vmem_shared>>
      %dma_wait3A_155 = arith.constant 0 : i32
      %dma_wait3A_156 = arith.constant 0 : i32
      %dma_wait3A_157 = tpu.memref_slice %arg12[%dma_wait3A_155, %dma_wait3A_156] : memref<125x128xf32, #tpu.memory_space<vmem>> -> memref<120x128xf32, #tpu.memory_space<vmem>>
      tpu.wait_dma2 semaphore(%arg15 : memref<!tpu.dma_semaphore, #tpu.memory_space<semaphore_mem>>) src(%dma_wait3A_157 : memref<120x128xf32, #tpu.memory_space<vmem>>) dst(%dma_wait3A_154 : memref<120x128xf32, #tpu.memory_space<vmem_shared>>)
      %mul3A_158 = arith.constant 1000 : i32
      %mul3A_159 = arith.muli %arg1, %mul3A_158 : i32
      %add3A_160 = arith.constant 120 : i32
      %add3A_161 = arith.addi %mul3A_159, %add3A_160 : i32
      %dma_wait3A_162 = arith.constant 0 : i32
      %dma_wait3A_163 = arith.constant 0 : i32
      %dma_wait3A_164 = tpu.memref_slice %arg12[%dma_wait3A_162, %dma_wait3A_163] : memref<125x128xf32, #tpu.memory_space<vmem>> -> memref<120x128xf32, #tpu.memory_space<vmem>>
      %dma_wait3A_165 = arith.constant 0 : i32
      %dma_wait3A_166 = tpu.memref_slice %arg14[%add3A_161, %dma_wait3A_165] : memref<10000x128xf32, #tpu.memory_space<vmem_shared>> -> memref<120x128xf32, #tpu.memory_space<vmem_shared>>
      %dma_wait3A_167 = arith.constant 0 : i32
      %dma_wait3A_168 = tpu.memref_slice %arg14[%add3A_161, %dma_wait3A_167] : memref<10000x128xf32, #tpu.memory_space<vmem_shared>> -> memref<120x128xf32, #tpu.memory_space<vmem_shared>>
      %dma_wait3A_169 = arith.constant 0 : i32
      %dma_wait3A_170 = arith.constant 0 : i32
      %dma_wait3A_171 = tpu.memref_slice %arg12[%dma_wait3A_169, %dma_wait3A_170] : memref<125x128xf32, #tpu.memory_space<vmem>> -> memref<120x128xf32, #tpu.memory_space<vmem>>
      tpu.wait_dma2 semaphore(%arg15 : memref<!tpu.dma_semaphore, #tpu.memory_space<semaphore_mem>>) src(%dma_wait3A_171 : memref<120x128xf32, #tpu.memory_space<vmem>>) dst(%dma_wait3A_168 : memref<120x128xf32, #tpu.memory_space<vmem_shared>>)
      %mul3A_172 = arith.constant 1000 : i32
      %mul3A_173 = arith.muli %arg1, %mul3A_172 : i32
      %add3A_174 = arith.constant 240 : i32
      %add3A_175 = arith.addi %mul3A_173, %add3A_174 : i32
      %dma_wait3A_176 = arith.constant 0 : i32
      %dma_wait3A_177 = arith.constant 0 : i32
      %dma_wait3A_178 = tpu.memref_slice %arg12[%dma_wait3A_176, %dma_wait3A_177] : memref<125x128xf32, #tpu.memory_space<vmem>> -> memref<120x128xf32, #tpu.memory_space<vmem>>
      %dma_wait3A_179 = arith.constant 0 : i32
      %dma_wait3A_180 = tpu.memref_slice %arg14[%add3A_175, %dma_wait3A_179] : memref<10000x128xf32, #tpu.memory_space<vmem_shared>> -> memref<120x128xf32, #tpu.memory_space<vmem_shared>>
      %dma_wait3A_181 = arith.constant 0 : i32
      %dma_wait3A_182 = tpu.memref_slice %arg14[%add3A_175, %dma_wait3A_181] : memref<10000x128xf32, #tpu.memory_space<vmem_shared>> -> memref<120x128xf32, #tpu.memory_space<vmem_shared>>
      %dma_wait3A_183 = arith.constant 0 : i32
      %dma_wait3A_184 = arith.constant 0 : i32
      %dma_wait3A_185 = tpu.memref_slice %arg12[%dma_wait3A_183, %dma_wait3A_184] : memref<125x128xf32, #tpu.memory_space<vmem>> -> memref<120x128xf32, #tpu.memory_space<vmem>>
      tpu.wait_dma2 semaphore(%arg15 : memref<!tpu.dma_semaphore, #tpu.memory_space<semaphore_mem>>) src(%dma_wait3A_185 : memref<120x128xf32, #tpu.memory_space<vmem>>) dst(%dma_wait3A_182 : memref<120x128xf32, #tpu.memory_space<vmem_shared>>)
      %mul3A_186 = arith.constant 1000 : i32
      %mul3A_187 = arith.muli %arg1, %mul3A_186 : i32
      %add3A_188 = arith.constant 360 : i32
      %add3A_189 = arith.addi %mul3A_187, %add3A_188 : i32
      %dma_wait3A_190 = arith.constant 0 : i32
      %dma_wait3A_191 = arith.constant 0 : i32
      %dma_wait3A_192 = tpu.memref_slice %arg12[%dma_wait3A_190, %dma_wait3A_191] : memref<125x128xf32, #tpu.memory_space<vmem>> -> memref<120x128xf32, #tpu.memory_space<vmem>>
      %dma_wait3A_193 = arith.constant 0 : i32
      %dma_wait3A_194 = tpu.memref_slice %arg14[%add3A_189, %dma_wait3A_193] : memref<10000x128xf32, #tpu.memory_space<vmem_shared>> -> memref<120x128xf32, #tpu.memory_space<vmem_shared>>
      %dma_wait3A_195 = arith.constant 0 : i32
      %dma_wait3A_196 = tpu.memref_slice %arg14[%add3A_189, %dma_wait3A_195] : memref<10000x128xf32, #tpu.memory_space<vmem_shared>> -> memref<120x128xf32, #tpu.memory_space<vmem_shared>>
      %dma_wait3A_197 = arith.constant 0 : i32
      %dma_wait3A_198 = arith.constant 0 : i32
      %dma_wait3A_199 = tpu.memref_slice %arg12[%dma_wait3A_197, %dma_wait3A_198] : memref<125x128xf32, #tpu.memory_space<vmem>> -> memref<120x128xf32, #tpu.memory_space<vmem>>
      tpu.wait_dma2 semaphore(%arg15 : memref<!tpu.dma_semaphore, #tpu.memory_space<semaphore_mem>>) src(%dma_wait3A_199 : memref<120x128xf32, #tpu.memory_space<vmem>>) dst(%dma_wait3A_196 : memref<120x128xf32, #tpu.memory_space<vmem_shared>>)
      %mul3A_200 = arith.constant 1000 : i32
      %mul3A_201 = arith.muli %arg1, %mul3A_200 : i32
      %add3A_202 = arith.constant 480 : i32
      %add3A_203 = arith.addi %mul3A_201, %add3A_202 : i32
      %dma_wait3A_204 = arith.constant 0 : i32
      %dma_wait3A_205 = arith.constant 0 : i32
      %dma_wait3A_206 = tpu.memref_slice %arg12[%dma_wait3A_204, %dma_wait3A_205] : memref<125x128xf32, #tpu.memory_space<vmem>> -> memref<120x128xf32, #tpu.memory_space<vmem>>
      %dma_wait3A_207 = arith.constant 0 : i32
      %dma_wait3A_208 = tpu.memref_slice %arg14[%add3A_203, %dma_wait3A_207] : memref<10000x128xf32, #tpu.memory_space<vmem_shared>> -> memref<120x128xf32, #tpu.memory_space<vmem_shared>>
      %dma_wait3A_209 = arith.constant 0 : i32
      %dma_wait3A_210 = tpu.memref_slice %arg14[%add3A_203, %dma_wait3A_209] : memref<10000x128xf32, #tpu.memory_space<vmem_shared>> -> memref<120x128xf32, #tpu.memory_space<vmem_shared>>
      %dma_wait3A_211 = arith.constant 0 : i32
      %dma_wait3A_212 = arith.constant 0 : i32
      %dma_wait3A_213 = tpu.memref_slice %arg12[%dma_wait3A_211, %dma_wait3A_212] : memref<125x128xf32, #tpu.memory_space<vmem>> -> memref<120x128xf32, #tpu.memory_space<vmem>>
      tpu.wait_dma2 semaphore(%arg15 : memref<!tpu.dma_semaphore, #tpu.memory_space<semaphore_mem>>) src(%dma_wait3A_213 : memref<120x128xf32, #tpu.memory_space<vmem>>) dst(%dma_wait3A_210 : memref<120x128xf32, #tpu.memory_space<vmem_shared>>)
      %mul3A_214 = arith.constant 1000 : i32
      %mul3A_215 = arith.muli %arg1, %mul3A_214 : i32
      %add3A_216 = arith.constant 600 : i32
      %add3A_217 = arith.addi %mul3A_215, %add3A_216 : i32
      %dma_wait3A_218 = arith.constant 0 : i32
      %dma_wait3A_219 = arith.constant 0 : i32
      %dma_wait3A_220 = tpu.memref_slice %arg12[%dma_wait3A_218, %dma_wait3A_219] : memref<125x128xf32, #tpu.memory_space<vmem>> -> memref<120x128xf32, #tpu.memory_space<vmem>>
      %dma_wait3A_221 = arith.constant 0 : i32
      %dma_wait3A_222 = tpu.memref_slice %arg14[%add3A_217, %dma_wait3A_221] : memref<10000x128xf32, #tpu.memory_space<vmem_shared>> -> memref<120x128xf32, #tpu.memory_space<vmem_shared>>
      %dma_wait3A_223 = arith.constant 0 : i32
      %dma_wait3A_224 = tpu.memref_slice %arg14[%add3A_217, %dma_wait3A_223] : memref<10000x128xf32, #tpu.memory_space<vmem_shared>> -> memref<120x128xf32, #tpu.memory_space<vmem_shared>>
      %dma_wait3A_225 = arith.constant 0 : i32
      %dma_wait3A_226 = arith.constant 0 : i32
      %dma_wait3A_227 = tpu.memref_slice %arg12[%dma_wait3A_225, %dma_wait3A_226] : memref<125x128xf32, #tpu.memory_space<vmem>> -> memref<120x128xf32, #tpu.memory_space<vmem>>
      tpu.wait_dma2 semaphore(%arg15 : memref<!tpu.dma_semaphore, #tpu.memory_space<semaphore_mem>>) src(%dma_wait3A_227 : memref<120x128xf32, #tpu.memory_space<vmem>>) dst(%dma_wait3A_224 : memref<120x128xf32, #tpu.memory_space<vmem_shared>>)
      %mul3A_228 = arith.constant 1000 : i32
      %mul3A_229 = arith.muli %arg1, %mul3A_228 : i32
      %add3A_230 = arith.constant 720 : i32
      %add3A_231 = arith.addi %mul3A_229, %add3A_230 : i32
      %dma_wait3A_232 = arith.constant 0 : i32
      %dma_wait3A_233 = arith.constant 0 : i32
      %dma_wait3A_234 = tpu.memref_slice %arg12[%dma_wait3A_232, %dma_wait3A_233] : memref<125x128xf32, #tpu.memory_space<vmem>> -> memref<120x128xf32, #tpu.memory_space<vmem>>
      %dma_wait3A_235 = arith.constant 0 : i32
      %dma_wait3A_236 = tpu.memref_slice %arg14[%add3A_231, %dma_wait3A_235] : memref<10000x128xf32, #tpu.memory_space<vmem_shared>> -> memref<120x128xf32, #tpu.memory_space<vmem_shared>>
      %dma_wait3A_237 = arith.constant 0 : i32
      %dma_wait3A_238 = tpu.memref_slice %arg14[%add3A_231, %dma_wait3A_237] : memref<10000x128xf32, #tpu.memory_space<vmem_shared>> -> memref<120x128xf32, #tpu.memory_space<vmem_shared>>
      %dma_wait3A_239 = arith.constant 0 : i32
      %dma_wait3A_240 = arith.constant 0 : i32
      %dma_wait3A_241 = tpu.memref_slice %arg12[%dma_wait3A_239, %dma_wait3A_240] : memref<125x128xf32, #tpu.memory_space<vmem>> -> memref<120x128xf32, #tpu.memory_space<vmem>>
      tpu.wait_dma2 semaphore(%arg15 : memref<!tpu.dma_semaphore, #tpu.memory_space<semaphore_mem>>) src(%dma_wait3A_241 : memref<120x128xf32, #tpu.memory_space<vmem>>) dst(%dma_wait3A_238 : memref<120x128xf32, #tpu.memory_space<vmem_shared>>)
      %mul3A_242 = arith.constant 1000 : i32
      %mul3A_243 = arith.muli %arg1, %mul3A_242 : i32
      %add3A_244 = arith.constant 840 : i32
      %add3A_245 = arith.addi %mul3A_243, %add3A_244 : i32
      %dma_wait3A_246 = arith.constant 0 : i32
      %dma_wait3A_247 = arith.constant 0 : i32
      %dma_wait3A_248 = tpu.memref_slice %arg12[%dma_wait3A_246, %dma_wait3A_247] : memref<125x128xf32, #tpu.memory_space<vmem>> -> memref<120x128xf32, #tpu.memory_space<vmem>>
      %dma_wait3A_249 = arith.constant 0 : i32
      %dma_wait3A_250 = tpu.memref_slice %arg14[%add3A_245, %dma_wait3A_249] : memref<10000x128xf32, #tpu.memory_space<vmem_shared>> -> memref<120x128xf32, #tpu.memory_space<vmem_shared>>
      %dma_wait3A_251 = arith.constant 0 : i32
      %dma_wait3A_252 = tpu.memref_slice %arg14[%add3A_245, %dma_wait3A_251] : memref<10000x128xf32, #tpu.memory_space<vmem_shared>> -> memref<120x128xf32, #tpu.memory_space<vmem_shared>>
      %dma_wait3A_253 = arith.constant 0 : i32
      %dma_wait3A_254 = arith.constant 0 : i32
      %dma_wait3A_255 = tpu.memref_slice %arg12[%dma_wait3A_253, %dma_wait3A_254] : memref<125x128xf32, #tpu.memory_space<vmem>> -> memref<120x128xf32, #tpu.memory_space<vmem>>
      tpu.wait_dma2 semaphore(%arg15 : memref<!tpu.dma_semaphore, #tpu.memory_space<semaphore_mem>>) src(%dma_wait3A_255 : memref<120x128xf32, #tpu.memory_space<vmem>>) dst(%dma_wait3A_252 : memref<120x128xf32, #tpu.memory_space<vmem_shared>>)
      %mul3A_256 = arith.constant 1000 : i32
      %mul3A_257 = arith.muli %arg1, %mul3A_256 : i32
      %add3A_258 = arith.constant 960 : i32
      %add3A_259 = arith.addi %mul3A_257, %add3A_258 : i32
      %dma_wait3A_260 = arith.constant 0 : i32
      %dma_wait3A_261 = arith.constant 0 : i32
      %dma_wait3A_262 = tpu.memref_slice %arg12[%dma_wait3A_260, %dma_wait3A_261] : memref<125x128xf32, #tpu.memory_space<vmem>> -> memref<40x128xf32, #tpu.memory_space<vmem>>
      %dma_wait3A_263 = arith.constant 0 : i32
      %dma_wait3A_264 = tpu.memref_slice %arg14[%add3A_259, %dma_wait3A_263] : memref<10000x128xf32, #tpu.memory_space<vmem_shared>> -> memref<40x128xf32, #tpu.memory_space<vmem_shared>>
      %dma_wait3A_265 = arith.constant 0 : i32
      %dma_wait3A_266 = tpu.memref_slice %arg14[%add3A_259, %dma_wait3A_265] : memref<10000x128xf32, #tpu.memory_space<vmem_shared>> -> memref<40x128xf32, #tpu.memory_space<vmem_shared>>
      %dma_wait3A_267 = arith.constant 0 : i32
      %dma_wait3A_268 = arith.constant 0 : i32
      %dma_wait3A_269 = tpu.memref_slice %arg12[%dma_wait3A_267, %dma_wait3A_268] : memref<125x128xf32, #tpu.memory_space<vmem>> -> memref<40x128xf32, #tpu.memory_space<vmem>>
      tpu.wait_dma2 semaphore(%arg15 : memref<!tpu.dma_semaphore, #tpu.memory_space<semaphore_mem>>) src(%dma_wait3A_269 : memref<40x128xf32, #tpu.memory_space<vmem>>) dst(%dma_wait3A_266 : memref<40x128xf32, #tpu.memory_space<vmem_shared>>)
    } else {
    }
    %barrier3A = arith.constant 0 : index
    tpu.barrier barrier_id(%barrier3A)
    %eq3A = arith.constant 0 : i32
    %eq3A_7 = arith.cmpi eq, %arg0, %eq3A : i32
    %convert_element_type3A_8 = arith.extui %eq3A_7 : i1 to i32
    %cond3A_9 = arith.constant 0 : i32
    %cond3A_10 = arith.cmpi ne, %convert_element_type3A_8, %cond3A_9 : i32
    scf.if %cond3A_10 {
      %scan3A_22 = arith.constant 0 : i32
      %scan3A_23 = arith.constant 0 : i32
      %scan3A_24 = arith.constant 10 : i32
      %scan3A_25 = arith.addi %scan3A_23, %scan3A_24 : i32
      %scan3A_26 = arith.constant 1 : i32
      scf.for %scan3A_28 = %scan3A_23 to %scan3A_25 step %scan3A_26  : i32 {
        %mul3A = arith.constant 16 : i32
        %mul3A_29 = arith.muli %scan3A_28, %mul3A : i32
        "tpu.region"() ({
          %run_scoped3A = tpu.sem_alloc : memref<!tpu.dma_semaphore, #tpu.memory_space<semaphore_mem>>
          %dma_start3A_89 = arith.constant 0 : i32
          %dma_start3A_90 = tpu.memref_slice %arg4[%arg1, %mul3A_29, %dma_start3A_89] : memref<16x160x125xi32, #tpu.memory_space<hbm>> -> memref<1x16x125xi32, #tpu.memory_space<hbm>>
          %dma_start3A_91 = tpu.memref_squeeze %dma_start3A_90 : memref<1x16x125xi32, #tpu.memory_space<hbm>> -> memref<16x125xi32, #tpu.memory_space<hbm>>
          %dma_start3A_92 = arith.constant 0 : i32
          %dma_start3A_93 = tpu.memref_slice %arg4[%arg1, %mul3A_29, %dma_start3A_92] : memref<16x160x125xi32, #tpu.memory_space<hbm>> -> memref<1x16x125xi32, #tpu.memory_space<hbm>>
          %dma_start3A_94 = tpu.memref_squeeze %dma_start3A_93 : memref<1x16x125xi32, #tpu.memory_space<hbm>> -> memref<16x125xi32, #tpu.memory_space<hbm>>
          tpu.enqueue_dma source(%dma_start3A_94 : memref<16x125xi32, #tpu.memory_space<hbm>>) target(%arg10 : memref<16x125xi32, #tpu.memory_space<vmem>>) target_semaphore(%run_scoped3A : memref<!tpu.dma_semaphore, #tpu.memory_space<semaphore_mem>>)
          %dma_wait3A = arith.constant 0 : i32
          %dma_wait3A_95 = tpu.memref_slice %arg4[%arg1, %mul3A_29, %dma_wait3A] : memref<16x160x125xi32, #tpu.memory_space<hbm>> -> memref<1x16x125xi32, #tpu.memory_space<hbm>>
          %dma_wait3A_96 = tpu.memref_squeeze %dma_wait3A_95 : memref<1x16x125xi32, #tpu.memory_space<hbm>> -> memref<16x125xi32, #tpu.memory_space<hbm>>
          %dma_wait3A_97 = arith.constant 0 : i32
          %dma_wait3A_98 = tpu.memref_slice %arg4[%arg1, %mul3A_29, %dma_wait3A_97] : memref<16x160x125xi32, #tpu.memory_space<hbm>> -> memref<1x16x125xi32, #tpu.memory_space<hbm>>
          %dma_wait3A_99 = tpu.memref_squeeze %dma_wait3A_98 : memref<1x16x125xi32, #tpu.memory_space<hbm>> -> memref<16x125xi32, #tpu.memory_space<hbm>>
          tpu.wait_dma2 semaphore(%run_scoped3A : memref<!tpu.dma_semaphore, #tpu.memory_space<semaphore_mem>>) src(%dma_wait3A_99 : memref<16x125xi32, #tpu.memory_space<hbm>>) dst(%arg10 : memref<16x125xi32, #tpu.memory_space<vmem>>)
          tpu.yield
        }) : () -> ()
        %mul3A_30 = arith.constant 16 : i32
        %mul3A_31 = arith.muli %scan3A_28, %mul3A_30 : i32
        %mul3A_32 = arith.constant 5 : i32
        %mul3A_33 = arith.muli %mul3A_31, %mul3A_32 : i32
        "tpu.region"() ({
          %run_scoped3A = tpu.sem_alloc : memref<!tpu.dma_semaphore, #tpu.memory_space<semaphore_mem>>
          %dma_start3A_89 = arith.constant 0 : i32
          %dma_start3A_90 = tpu.memref_slice %arg5[%arg1, %mul3A_33, %dma_start3A_89] : memref<16x800x25xi32, #tpu.memory_space<hbm>> -> memref<1x80x25xi32, #tpu.memory_space<hbm>>
          %dma_start3A_91 = tpu.memref_squeeze %dma_start3A_90 : memref<1x80x25xi32, #tpu.memory_space<hbm>> -> memref<80x25xi32, #tpu.memory_space<hbm>>
          %dma_start3A_92 = arith.constant 0 : i32
          %dma_start3A_93 = tpu.memref_slice %arg5[%arg1, %mul3A_33, %dma_start3A_92] : memref<16x800x25xi32, #tpu.memory_space<hbm>> -> memref<1x80x25xi32, #tpu.memory_space<hbm>>
          %dma_start3A_94 = tpu.memref_squeeze %dma_start3A_93 : memref<1x80x25xi32, #tpu.memory_space<hbm>> -> memref<80x25xi32, #tpu.memory_space<hbm>>
          tpu.enqueue_dma source(%dma_start3A_94 : memref<80x25xi32, #tpu.memory_space<hbm>>) target(%arg11 : memref<80x25xi32, #tpu.memory_space<vmem>>) target_semaphore(%run_scoped3A : memref<!tpu.dma_semaphore, #tpu.memory_space<semaphore_mem>>)
          %dma_wait3A = arith.constant 0 : i32
          %dma_wait3A_95 = tpu.memref_slice %arg5[%arg1, %mul3A_33, %dma_wait3A] : memref<16x800x25xi32, #tpu.memory_space<hbm>> -> memref<1x80x25xi32, #tpu.memory_space<hbm>>
          %dma_wait3A_96 = tpu.memref_squeeze %dma_wait3A_95 : memref<1x80x25xi32, #tpu.memory_space<hbm>> -> memref<80x25xi32, #tpu.memory_space<hbm>>
          %dma_wait3A_97 = arith.constant 0 : i32
          %dma_wait3A_98 = tpu.memref_slice %arg5[%arg1, %mul3A_33, %dma_wait3A_97] : memref<16x800x25xi32, #tpu.memory_space<hbm>> -> memref<1x80x25xi32, #tpu.memory_space<hbm>>
          %dma_wait3A_99 = tpu.memref_squeeze %dma_wait3A_98 : memref<1x80x25xi32, #tpu.memory_space<hbm>> -> memref<80x25xi32, #tpu.memory_space<hbm>>
          tpu.wait_dma2 semaphore(%run_scoped3A : memref<!tpu.dma_semaphore, #tpu.memory_space<semaphore_mem>>) src(%dma_wait3A_99 : memref<80x25xi32, #tpu.memory_space<hbm>>) dst(%arg11 : memref<80x25xi32, #tpu.memory_space<vmem>>)
          tpu.yield
        }) : () -> ()
        %dma_start3A = arith.constant 0 : i32
        %dma_start3A_34 = arith.constant 0 : i32
        %dma_start3A_35 = arith.constant 0 : i32
        %dma_start3A_36 = tpu.memref_slice %arg12[%dma_start3A_34, %dma_start3A_35] : memref<125x128xf32, #tpu.memory_space<vmem>> -> memref<25x128xf32, #tpu.memory_space<vmem>>
        %dma_start3A_37 = arith.constant 0 : i32
        %dma_start3A_38 = tpu.memref_slice %arg10[%dma_start3A, %dma_start3A_37] : memref<16x125xi32, #tpu.memory_space<vmem>> -> memref<1x25xi32, #tpu.memory_space<vmem>>
        %dma_start3A_39 = tpu.memref_squeeze %dma_start3A_38 : memref<1x25xi32, #tpu.memory_space<vmem>> -> memref<25xi32, #tpu.memory_space<vmem>>
        %dma_start3A_40 = arith.constant 0 : i32
        %dma_start3A_41 = arith.constant 0 : i32
        %dma_start3A_42 = tpu.memref_slice %arg2[%dma_start3A_40, %dma_start3A_41] : memref<10000x128xf32, #tpu.memory_space<hbm>> -> memref<10000x128xf32, #tpu.memory_space<hbm>>
        tpu.enqueue_indirect_dma source(%dma_start3A_42 : memref<10000x128xf32, #tpu.memory_space<hbm>>) target(%dma_start3A_36 : memref<25x128xf32, #tpu.memory_space<vmem>>) offsets(%dma_start3A_39 : memref<25xi32, #tpu.memory_space<vmem>>) semaphore(%arg15 : memref<!tpu.dma_semaphore, #tpu.memory_space<semaphore_mem>>)
        %dma_start3A_43 = arith.constant 0 : i32
        %dma_start3A_44 = arith.constant 25 : i32
        %dma_start3A_45 = arith.constant 0 : i32
        %dma_start3A_46 = tpu.memref_slice %arg12[%dma_start3A_44, %dma_start3A_45] : memref<125x128xf32, #tpu.memory_space<vmem>> -> memref<25x128xf32, #tpu.memory_space<vmem>>
        %dma_start3A_47 = arith.constant 25 : i32
        %dma_start3A_48 = tpu.memref_slice %arg10[%dma_start3A_43, %dma_start3A_47] : memref<16x125xi32, #tpu.memory_space<vmem>> -> memref<1x25xi32, #tpu.memory_space<vmem>>
        %dma_start3A_49 = tpu.memref_squeeze %dma_start3A_48 : memref<1x25xi32, #tpu.memory_space<vmem>> -> memref<25xi32, #tpu.memory_space<vmem>>
        %dma_start3A_50 = arith.constant 0 : i32
        %dma_start3A_51 = arith.constant 0 : i32
        %dma_start3A_52 = tpu.memref_slice %arg2[%dma_start3A_50, %dma_start3A_51] : memref<10000x128xf32, #tpu.memory_space<hbm>> -> memref<10000x128xf32, #tpu.memory_space<hbm>>
        tpu.enqueue_indirect_dma source(%dma_start3A_52 : memref<10000x128xf32, #tpu.memory_space<hbm>>) target(%dma_start3A_46 : memref<25x128xf32, #tpu.memory_space<vmem>>) offsets(%dma_start3A_49 : memref<25xi32, #tpu.memory_space<vmem>>) semaphore(%arg15 : memref<!tpu.dma_semaphore, #tpu.memory_space<semaphore_mem>>)
        %dma_start3A_53 = arith.constant 0 : i32
        %dma_start3A_54 = arith.constant 50 : i32
        %dma_start3A_55 = arith.constant 0 : i32
        %dma_start3A_56 = tpu.memref_slice %arg12[%dma_start3A_54, %dma_start3A_55] : memref<125x128xf32, #tpu.memory_space<vmem>> -> memref<25x128xf32, #tpu.memory_space<vmem>>
        %dma_start3A_57 = arith.constant 50 : i32
        %dma_start3A_58 = tpu.memref_slice %arg10[%dma_start3A_53, %dma_start3A_57] : memref<16x125xi32, #tpu.memory_space<vmem>> -> memref<1x25xi32, #tpu.memory_space<vmem>>
        %dma_start3A_59 = tpu.memref_squeeze %dma_start3A_58 : memref<1x25xi32, #tpu.memory_space<vmem>> -> memref<25xi32, #tpu.memory_space<vmem>>
        %dma_start3A_60 = arith.constant 0 : i32
        %dma_start3A_61 = arith.constant 0 : i32
        %dma_start3A_62 = tpu.memref_slice %arg2[%dma_start3A_60, %dma_start3A_61] : memref<10000x128xf32, #tpu.memory_space<hbm>> -> memref<10000x128xf32, #tpu.memory_space<hbm>>
        tpu.enqueue_indirect_dma source(%dma_start3A_62 : memref<10000x128xf32, #tpu.memory_space<hbm>>) target(%dma_start3A_56 : memref<25x128xf32, #tpu.memory_space<vmem>>) offsets(%dma_start3A_59 : memref<25xi32, #tpu.memory_space<vmem>>) semaphore(%arg15 : memref<!tpu.dma_semaphore, #tpu.memory_space<semaphore_mem>>)
        %dma_start3A_63 = arith.constant 0 : i32
        %dma_start3A_64 = arith.constant 75 : i32
        %dma_start3A_65 = arith.constant 0 : i32
        %dma_start3A_66 = tpu.memref_slice %arg12[%dma_start3A_64, %dma_start3A_65] : memref<125x128xf32, #tpu.memory_space<vmem>> -> memref<25x128xf32, #tpu.memory_space<vmem>>
        %dma_start3A_67 = arith.constant 75 : i32
        %dma_start3A_68 = tpu.memref_slice %arg10[%dma_start3A_63, %dma_start3A_67] : memref<16x125xi32, #tpu.memory_space<vmem>> -> memref<1x25xi32, #tpu.memory_space<vmem>>
        %dma_start3A_69 = tpu.memref_squeeze %dma_start3A_68 : memref<1x25xi32, #tpu.memory_space<vmem>> -> memref<25xi32, #tpu.memory_space<vmem>>
        %dma_start3A_70 = arith.constant 0 : i32
        %dma_start3A_71 = arith.constant 0 : i32
        %dma_start3A_72 = tpu.memref_slice %arg2[%dma_start3A_70, %dma_start3A_71] : memref<10000x128xf32, #tpu.memory_space<hbm>> -> memref<10000x128xf32, #tpu.memory_space<hbm>>
        tpu.enqueue_indirect_dma source(%dma_start3A_72 : memref<10000x128xf32, #tpu.memory_space<hbm>>) target(%dma_start3A_66 : memref<25x128xf32, #tpu.memory_space<vmem>>) offsets(%dma_start3A_69 : memref<25xi32, #tpu.memory_space<vmem>>) semaphore(%arg15 : memref<!tpu.dma_semaphore, #tpu.memory_space<semaphore_mem>>)
        %dma_start3A_73 = arith.constant 0 : i32
        %dma_start3A_74 = arith.constant 100 : i32
        %dma_start3A_75 = arith.constant 0 : i32
        %dma_start3A_76 = tpu.memref_slice %arg12[%dma_start3A_74, %dma_start3A_75] : memref<125x128xf32, #tpu.memory_space<vmem>> -> memref<25x128xf32, #tpu.memory_space<vmem>>
        %dma_start3A_77 = arith.constant 100 : i32
        %dma_start3A_78 = tpu.memref_slice %arg10[%dma_start3A_73, %dma_start3A_77] : memref<16x125xi32, #tpu.memory_space<vmem>> -> memref<1x25xi32, #tpu.memory_space<vmem>>
        %dma_start3A_79 = tpu.memref_squeeze %dma_start3A_78 : memref<1x25xi32, #tpu.memory_space<vmem>> -> memref<25xi32, #tpu.memory_space<vmem>>
        %dma_start3A_80 = arith.constant 0 : i32
        %dma_start3A_81 = arith.constant 0 : i32
        %dma_start3A_82 = tpu.memref_slice %arg2[%dma_start3A_80, %dma_start3A_81] : memref<10000x128xf32, #tpu.memory_space<hbm>> -> memref<10000x128xf32, #tpu.memory_space<hbm>>
        tpu.enqueue_indirect_dma source(%dma_start3A_82 : memref<10000x128xf32, #tpu.memory_space<hbm>>) target(%dma_start3A_76 : memref<25x128xf32, #tpu.memory_space<vmem>>) offsets(%dma_start3A_79 : memref<25xi32, #tpu.memory_space<vmem>>) semaphore(%arg15 : memref<!tpu.dma_semaphore, #tpu.memory_space<semaphore_mem>>)
        %scan3A_83 = arith.constant 0 : i32
        %scan3A_84 = arith.constant 0 : i32
        %scan3A_85 = arith.constant 8 : i32
        %scan3A_86 = arith.addi %scan3A_84, %scan3A_85 : i32
        %scan3A_87 = arith.constant 1 : i32
        scf.for %scan3A_89 = %scan3A_84 to %scan3A_86 step %scan3A_87  : i32 {
          %mul3A_90 = arith.constant 2 : i32
          %mul3A_91 = arith.muli %mul3A_90, %scan3A_89 : i32
          %add3A = arith.constant 1 : i32
          %add3A_92 = arith.addi %mul3A_91, %add3A : i32
          %dma_start3A_93 = arith.constant 0 : i32
          %dma_start3A_94 = arith.constant 0 : i32
          %dma_start3A_95 = tpu.memref_slice %arg13[%dma_start3A_93, %dma_start3A_94] : memref<125x128xf32, #tpu.memory_space<vmem>> -> memref<25x128xf32, #tpu.memory_space<vmem>>
          %dma_start3A_96 = arith.constant 0 : i32
          %dma_start3A_97 = tpu.memref_slice %arg10[%add3A_92, %dma_start3A_96] : memref<16x125xi32, #tpu.memory_space<vmem>> -> memref<1x25xi32, #tpu.memory_space<vmem>>
          %dma_start3A_98 = tpu.memref_squeeze %dma_start3A_97 : memref<1x25xi32, #tpu.memory_space<vmem>> -> memref<25xi32, #tpu.memory_space<vmem>>
          %dma_start3A_99 = arith.constant 0 : i32
          %dma_start3A_100 = arith.constant 0 : i32
          %dma_start3A_101 = tpu.memref_slice %arg2[%dma_start3A_99, %dma_start3A_100] : memref<10000x128xf32, #tpu.memory_space<hbm>> -> memref<10000x128xf32, #tpu.memory_space<hbm>>
          tpu.enqueue_indirect_dma source(%dma_start3A_101 : memref<10000x128xf32, #tpu.memory_space<hbm>>) target(%dma_start3A_95 : memref<25x128xf32, #tpu.memory_space<vmem>>) offsets(%dma_start3A_98 : memref<25xi32, #tpu.memory_space<vmem>>) semaphore(%arg16 : memref<!tpu.dma_semaphore, #tpu.memory_space<semaphore_mem>>)
          %dma_start3A_102 = arith.constant 25 : i32
          %dma_start3A_103 = arith.constant 0 : i32
          %dma_start3A_104 = tpu.memref_slice %arg13[%dma_start3A_102, %dma_start3A_103] : memref<125x128xf32, #tpu.memory_space<vmem>> -> memref<25x128xf32, #tpu.memory_space<vmem>>
          %dma_start3A_105 = arith.constant 25 : i32
          %dma_start3A_106 = tpu.memref_slice %arg10[%add3A_92, %dma_start3A_105] : memref<16x125xi32, #tpu.memory_space<vmem>> -> memref<1x25xi32, #tpu.memory_space<vmem>>
          %dma_start3A_107 = tpu.memref_squeeze %dma_start3A_106 : memref<1x25xi32, #tpu.memory_space<vmem>> -> memref<25xi32, #tpu.memory_space<vmem>>
          %dma_start3A_108 = arith.constant 0 : i32
          %dma_start3A_109 = arith.constant 0 : i32
          %dma_start3A_110 = tpu.memref_slice %arg2[%dma_start3A_108, %dma_start3A_109] : memref<10000x128xf32, #tpu.memory_space<hbm>> -> memref<10000x128xf32, #tpu.memory_space<hbm>>
          tpu.enqueue_indirect_dma source(%dma_start3A_110 : memref<10000x128xf32, #tpu.memory_space<hbm>>) target(%dma_start3A_104 : memref<25x128xf32, #tpu.memory_space<vmem>>) offsets(%dma_start3A_107 : memref<25xi32, #tpu.memory_space<vmem>>) semaphore(%arg16 : memref<!tpu.dma_semaphore, #tpu.memory_space<semaphore_mem>>)
          %dma_start3A_111 = arith.constant 50 : i32
          %dma_start3A_112 = arith.constant 0 : i32
          %dma_start3A_113 = tpu.memref_slice %arg13[%dma_start3A_111, %dma_start3A_112] : memref<125x128xf32, #tpu.memory_space<vmem>> -> memref<25x128xf32, #tpu.memory_space<vmem>>
          %dma_start3A_114 = arith.constant 50 : i32
          %dma_start3A_115 = tpu.memref_slice %arg10[%add3A_92, %dma_start3A_114] : memref<16x125xi32, #tpu.memory_space<vmem>> -> memref<1x25xi32, #tpu.memory_space<vmem>>
          %dma_start3A_116 = tpu.memref_squeeze %dma_start3A_115 : memref<1x25xi32, #tpu.memory_space<vmem>> -> memref<25xi32, #tpu.memory_space<vmem>>
          %dma_start3A_117 = arith.constant 0 : i32
          %dma_start3A_118 = arith.constant 0 : i32
          %dma_start3A_119 = tpu.memref_slice %arg2[%dma_start3A_117, %dma_start3A_118] : memref<10000x128xf32, #tpu.memory_space<hbm>> -> memref<10000x128xf32, #tpu.memory_space<hbm>>
          tpu.enqueue_indirect_dma source(%dma_start3A_119 : memref<10000x128xf32, #tpu.memory_space<hbm>>) target(%dma_start3A_113 : memref<25x128xf32, #tpu.memory_space<vmem>>) offsets(%dma_start3A_116 : memref<25xi32, #tpu.memory_space<vmem>>) semaphore(%arg16 : memref<!tpu.dma_semaphore, #tpu.memory_space<semaphore_mem>>)
          %dma_start3A_120 = arith.constant 75 : i32
          %dma_start3A_121 = arith.constant 0 : i32
          %dma_start3A_122 = tpu.memref_slice %arg13[%dma_start3A_120, %dma_start3A_121] : memref<125x128xf32, #tpu.memory_space<vmem>> -> memref<25x128xf32, #tpu.memory_space<vmem>>
          %dma_start3A_123 = arith.constant 75 : i32
          %dma_start3A_124 = tpu.memref_slice %arg10[%add3A_92, %dma_start3A_123] : memref<16x125xi32, #tpu.memory_space<vmem>> -> memref<1x25xi32, #tpu.memory_space<vmem>>
          %dma_start3A_125 = tpu.memref_squeeze %dma_start3A_124 : memref<1x25xi32, #tpu.memory_space<vmem>> -> memref<25xi32, #tpu.memory_space<vmem>>
          %dma_start3A_126 = arith.constant 0 : i32
          %dma_start3A_127 = arith.constant 0 : i32
          %dma_start3A_128 = tpu.memref_slice %arg2[%dma_start3A_126, %dma_start3A_127] : memref<10000x128xf32, #tpu.memory_space<hbm>> -> memref<10000x128xf32, #tpu.memory_space<hbm>>
          tpu.enqueue_indirect_dma source(%dma_start3A_128 : memref<10000x128xf32, #tpu.memory_space<hbm>>) target(%dma_start3A_122 : memref<25x128xf32, #tpu.memory_space<vmem>>) offsets(%dma_start3A_125 : memref<25xi32, #tpu.memory_space<vmem>>) semaphore(%arg16 : memref<!tpu.dma_semaphore, #tpu.memory_space<semaphore_mem>>)
          %dma_start3A_129 = arith.constant 100 : i32
          %dma_start3A_130 = arith.constant 0 : i32
          %dma_start3A_131 = tpu.memref_slice %arg13[%dma_start3A_129, %dma_start3A_130] : memref<125x128xf32, #tpu.memory_space<vmem>> -> memref<25x128xf32, #tpu.memory_space<vmem>>
          %dma_start3A_132 = arith.constant 100 : i32
          %dma_start3A_133 = tpu.memref_slice %arg10[%add3A_92, %dma_start3A_132] : memref<16x125xi32, #tpu.memory_space<vmem>> -> memref<1x25xi32, #tpu.memory_space<vmem>>
          %dma_start3A_134 = tpu.memref_squeeze %dma_start3A_133 : memref<1x25xi32, #tpu.memory_space<vmem>> -> memref<25xi32, #tpu.memory_space<vmem>>
          %dma_start3A_135 = arith.constant 0 : i32
          %dma_start3A_136 = arith.constant 0 : i32
          %dma_start3A_137 = tpu.memref_slice %arg2[%dma_start3A_135, %dma_start3A_136] : memref<10000x128xf32, #tpu.memory_space<hbm>> -> memref<10000x128xf32, #tpu.memory_space<hbm>>
          tpu.enqueue_indirect_dma source(%dma_start3A_137 : memref<10000x128xf32, #tpu.memory_space<hbm>>) target(%dma_start3A_131 : memref<25x128xf32, #tpu.memory_space<vmem>>) offsets(%dma_start3A_134 : memref<25xi32, #tpu.memory_space<vmem>>) semaphore(%arg16 : memref<!tpu.dma_semaphore, #tpu.memory_space<semaphore_mem>>)
          %dma_wait3A = arith.constant 0 : i32
          %dma_wait3A_138 = arith.constant 0 : i32
          %dma_wait3A_139 = tpu.memref_slice %arg12[%dma_wait3A, %dma_wait3A_138] : memref<125x128xf32, #tpu.memory_space<vmem>> -> memref<25x128xf32, #tpu.memory_space<vmem>>
          %dma_wait3A_140 = arith.constant 0 : i32
          %dma_wait3A_141 = tpu.memref_slice %arg10[%mul3A_91, %dma_wait3A_140] : memref<16x125xi32, #tpu.memory_space<vmem>> -> memref<1x25xi32, #tpu.memory_space<vmem>>
          %dma_wait3A_142 = tpu.memref_squeeze %dma_wait3A_141 : memref<1x25xi32, #tpu.memory_space<vmem>> -> memref<25xi32, #tpu.memory_space<vmem>>
          %dma_wait3A_143 = arith.constant 0 : i32
          %dma_wait3A_144 = arith.constant 0 : i32
          %dma_wait3A_145 = tpu.memref_slice %arg2[%dma_wait3A_143, %dma_wait3A_144] : memref<10000x128xf32, #tpu.memory_space<hbm>> -> memref<10000x128xf32, #tpu.memory_space<hbm>>
          tpu.wait_indirect_dma semaphore(%arg15 : memref<!tpu.dma_semaphore, #tpu.memory_space<semaphore_mem>>) src(%dma_wait3A_145 : memref<10000x128xf32, #tpu.memory_space<hbm>>) dst(%dma_wait3A_139 : memref<25x128xf32, #tpu.memory_space<vmem>>)
          %dma_wait3A_146 = arith.constant 25 : i32
          %dma_wait3A_147 = arith.constant 0 : i32
          %dma_wait3A_148 = tpu.memref_slice %arg12[%dma_wait3A_146, %dma_wait3A_147] : memref<125x128xf32, #tpu.memory_space<vmem>> -> memref<25x128xf32, #tpu.memory_space<vmem>>
          %dma_wait3A_149 = arith.constant 25 : i32
          %dma_wait3A_150 = tpu.memref_slice %arg10[%mul3A_91, %dma_wait3A_149] : memref<16x125xi32, #tpu.memory_space<vmem>> -> memref<1x25xi32, #tpu.memory_space<vmem>>
          %dma_wait3A_151 = tpu.memref_squeeze %dma_wait3A_150 : memref<1x25xi32, #tpu.memory_space<vmem>> -> memref<25xi32, #tpu.memory_space<vmem>>
          %dma_wait3A_152 = arith.constant 0 : i32
          %dma_wait3A_153 = arith.constant 0 : i32
          %dma_wait3A_154 = tpu.memref_slice %arg2[%dma_wait3A_152, %dma_wait3A_153] : memref<10000x128xf32, #tpu.memory_space<hbm>> -> memref<10000x128xf32, #tpu.memory_space<hbm>>
          tpu.wait_indirect_dma semaphore(%arg15 : memref<!tpu.dma_semaphore, #tpu.memory_space<semaphore_mem>>) src(%dma_wait3A_154 : memref<10000x128xf32, #tpu.memory_space<hbm>>) dst(%dma_wait3A_148 : memref<25x128xf32, #tpu.memory_space<vmem>>)
          %dma_wait3A_155 = arith.constant 50 : i32
          %dma_wait3A_156 = arith.constant 0 : i32
          %dma_wait3A_157 = tpu.memref_slice %arg12[%dma_wait3A_155, %dma_wait3A_156] : memref<125x128xf32, #tpu.memory_space<vmem>> -> memref<25x128xf32, #tpu.memory_space<vmem>>
          %dma_wait3A_158 = arith.constant 50 : i32
          %dma_wait3A_159 = tpu.memref_slice %arg10[%mul3A_91, %dma_wait3A_158] : memref<16x125xi32, #tpu.memory_space<vmem>> -> memref<1x25xi32, #tpu.memory_space<vmem>>
          %dma_wait3A_160 = tpu.memref_squeeze %dma_wait3A_159 : memref<1x25xi32, #tpu.memory_space<vmem>> -> memref<25xi32, #tpu.memory_space<vmem>>
          %dma_wait3A_161 = arith.constant 0 : i32
          %dma_wait3A_162 = arith.constant 0 : i32
          %dma_wait3A_163 = tpu.memref_slice %arg2[%dma_wait3A_161, %dma_wait3A_162] : memref<10000x128xf32, #tpu.memory_space<hbm>> -> memref<10000x128xf32, #tpu.memory_space<hbm>>
          tpu.wait_indirect_dma semaphore(%arg15 : memref<!tpu.dma_semaphore, #tpu.memory_space<semaphore_mem>>) src(%dma_wait3A_163 : memref<10000x128xf32, #tpu.memory_space<hbm>>) dst(%dma_wait3A_157 : memref<25x128xf32, #tpu.memory_space<vmem>>)
          %dma_wait3A_164 = arith.constant 75 : i32
          %dma_wait3A_165 = arith.constant 0 : i32
          %dma_wait3A_166 = tpu.memref_slice %arg12[%dma_wait3A_164, %dma_wait3A_165] : memref<125x128xf32, #tpu.memory_space<vmem>> -> memref<25x128xf32, #tpu.memory_space<vmem>>
          %dma_wait3A_167 = arith.constant 75 : i32
          %dma_wait3A_168 = tpu.memref_slice %arg10[%mul3A_91, %dma_wait3A_167] : memref<16x125xi32, #tpu.memory_space<vmem>> -> memref<1x25xi32, #tpu.memory_space<vmem>>
          %dma_wait3A_169 = tpu.memref_squeeze %dma_wait3A_168 : memref<1x25xi32, #tpu.memory_space<vmem>> -> memref<25xi32, #tpu.memory_space<vmem>>
          %dma_wait3A_170 = arith.constant 0 : i32
          %dma_wait3A_171 = arith.constant 0 : i32
          %dma_wait3A_172 = tpu.memref_slice %arg2[%dma_wait3A_170, %dma_wait3A_171] : memref<10000x128xf32, #tpu.memory_space<hbm>> -> memref<10000x128xf32, #tpu.memory_space<hbm>>
          tpu.wait_indirect_dma semaphore(%arg15 : memref<!tpu.dma_semaphore, #tpu.memory_space<semaphore_mem>>) src(%dma_wait3A_172 : memref<10000x128xf32, #tpu.memory_space<hbm>>) dst(%dma_wait3A_166 : memref<25x128xf32, #tpu.memory_space<vmem>>)
          %dma_wait3A_173 = arith.constant 100 : i32
          %dma_wait3A_174 = arith.constant 0 : i32
          %dma_wait3A_175 = tpu.memref_slice %arg12[%dma_wait3A_173, %dma_wait3A_174] : memref<125x128xf32, #tpu.memory_space<vmem>> -> memref<25x128xf32, #tpu.memory_space<vmem>>
          %dma_wait3A_176 = arith.constant 100 : i32
          %dma_wait3A_177 = tpu.memref_slice %arg10[%mul3A_91, %dma_wait3A_176] : memref<16x125xi32, #tpu.memory_space<vmem>> -> memref<1x25xi32, #tpu.memory_space<vmem>>
          %dma_wait3A_178 = tpu.memref_squeeze %dma_wait3A_177 : memref<1x25xi32, #tpu.memory_space<vmem>> -> memref<25xi32, #tpu.memory_space<vmem>>
          %dma_wait3A_179 = arith.constant 0 : i32
          %dma_wait3A_180 = arith.constant 0 : i32
          %dma_wait3A_181 = tpu.memref_slice %arg2[%dma_wait3A_179, %dma_wait3A_180] : memref<10000x128xf32, #tpu.memory_space<hbm>> -> memref<10000x128xf32, #tpu.memory_space<hbm>>
          tpu.wait_indirect_dma semaphore(%arg15 : memref<!tpu.dma_semaphore, #tpu.memory_space<semaphore_mem>>) src(%dma_wait3A_181 : memref<10000x128xf32, #tpu.memory_space<hbm>>) dst(%dma_wait3A_175 : memref<25x128xf32, #tpu.memory_space<vmem>>)
          %mul3A_182 = arith.constant 5 : i32
          %mul3A_183 = arith.muli %mul3A_91, %mul3A_182 : i32
          %add3A_184 = arith.constant 0 : i32
          %add3A_185 = arith.addi %mul3A_183, %add3A_184 : i32
          %dma_start3A_186 = arith.constant 0 : i32
          %dma_start3A_187 = arith.constant 0 : i32
          %dma_start3A_188 = tpu.memref_slice %arg12[%dma_start3A_186, %dma_start3A_187] : memref<125x128xf32, #tpu.memory_space<vmem>> -> memref<25x128xf32, #tpu.memory_space<vmem>>
          %dma_start3A_189 = arith.constant 0 : i32
          %dma_start3A_190 = tpu.memref_slice %arg11[%add3A_185, %dma_start3A_189] : memref<80x25xi32, #tpu.memory_space<vmem>> -> memref<1x25xi32, #tpu.memory_space<vmem>>
          %dma_start3A_191 = tpu.memref_squeeze %dma_start3A_190 : memref<1x25xi32, #tpu.memory_space<vmem>> -> memref<25xi32, #tpu.memory_space<vmem>>
          %dma_start3A_192 = arith.constant 0 : i32
          %dma_start3A_193 = arith.constant 0 : i32
          %dma_start3A_194 = tpu.memref_slice %arg14[%dma_start3A_192, %dma_start3A_193] : memref<10000x128xf32, #tpu.memory_space<vmem_shared>> -> memref<10000x128xf32, #tpu.memory_space<vmem_shared>>
          tpu.enqueue_indirect_dma source(%dma_start3A_188 : memref<25x128xf32, #tpu.memory_space<vmem>>) target(%dma_start3A_194 : memref<10000x128xf32, #tpu.memory_space<vmem_shared>>) offsets(%dma_start3A_191 : memref<25xi32, #tpu.memory_space<vmem>>) semaphore(%arg15 : memref<!tpu.dma_semaphore, #tpu.memory_space<semaphore_mem>>) {add = true}
          %mul3A_195 = arith.constant 5 : i32
          %mul3A_196 = arith.muli %mul3A_91, %mul3A_195 : i32
          %add3A_197 = arith.constant 1 : i32
          %add3A_198 = arith.addi %mul3A_196, %add3A_197 : i32
          %dma_start3A_199 = arith.constant 25 : i32
          %dma_start3A_200 = arith.constant 0 : i32
          %dma_start3A_201 = tpu.memref_slice %arg12[%dma_start3A_199, %dma_start3A_200] : memref<125x128xf32, #tpu.memory_space<vmem>> -> memref<25x128xf32, #tpu.memory_space<vmem>>
          %dma_start3A_202 = arith.constant 0 : i32
          %dma_start3A_203 = tpu.memref_slice %arg11[%add3A_198, %dma_start3A_202] : memref<80x25xi32, #tpu.memory_space<vmem>> -> memref<1x25xi32, #tpu.memory_space<vmem>>
          %dma_start3A_204 = tpu.memref_squeeze %dma_start3A_203 : memref<1x25xi32, #tpu.memory_space<vmem>> -> memref<25xi32, #tpu.memory_space<vmem>>
          %dma_start3A_205 = arith.constant 0 : i32
          %dma_start3A_206 = arith.constant 0 : i32
          %dma_start3A_207 = tpu.memref_slice %arg14[%dma_start3A_205, %dma_start3A_206] : memref<10000x128xf32, #tpu.memory_space<vmem_shared>> -> memref<10000x128xf32, #tpu.memory_space<vmem_shared>>
          tpu.enqueue_indirect_dma source(%dma_start3A_201 : memref<25x128xf32, #tpu.memory_space<vmem>>) target(%dma_start3A_207 : memref<10000x128xf32, #tpu.memory_space<vmem_shared>>) offsets(%dma_start3A_204 : memref<25xi32, #tpu.memory_space<vmem>>) semaphore(%arg15 : memref<!tpu.dma_semaphore, #tpu.memory_space<semaphore_mem>>) {add = true}
          %mul3A_208 = arith.constant 5 : i32
          %mul3A_209 = arith.muli %mul3A_91, %mul3A_208 : i32
          %add3A_210 = arith.constant 2 : i32
          %add3A_211 = arith.addi %mul3A_209, %add3A_210 : i32
          %dma_start3A_212 = arith.constant 50 : i32
          %dma_start3A_213 = arith.constant 0 : i32
          %dma_start3A_214 = tpu.memref_slice %arg12[%dma_start3A_212, %dma_start3A_213] : memref<125x128xf32, #tpu.memory_space<vmem>> -> memref<25x128xf32, #tpu.memory_space<vmem>>
          %dma_start3A_215 = arith.constant 0 : i32
          %dma_start3A_216 = tpu.memref_slice %arg11[%add3A_211, %dma_start3A_215] : memref<80x25xi32, #tpu.memory_space<vmem>> -> memref<1x25xi32, #tpu.memory_space<vmem>>
          %dma_start3A_217 = tpu.memref_squeeze %dma_start3A_216 : memref<1x25xi32, #tpu.memory_space<vmem>> -> memref<25xi32, #tpu.memory_space<vmem>>
          %dma_start3A_218 = arith.constant 0 : i32
          %dma_start3A_219 = arith.constant 0 : i32
          %dma_start3A_220 = tpu.memref_slice %arg14[%dma_start3A_218, %dma_start3A_219] : memref<10000x128xf32, #tpu.memory_space<vmem_shared>> -> memref<10000x128xf32, #tpu.memory_space<vmem_shared>>
          tpu.enqueue_indirect_dma source(%dma_start3A_214 : memref<25x128xf32, #tpu.memory_space<vmem>>) target(%dma_start3A_220 : memref<10000x128xf32, #tpu.memory_space<vmem_shared>>) offsets(%dma_start3A_217 : memref<25xi32, #tpu.memory_space<vmem>>) semaphore(%arg15 : memref<!tpu.dma_semaphore, #tpu.memory_space<semaphore_mem>>) {add = true}
          %mul3A_221 = arith.constant 5 : i32
          %mul3A_222 = arith.muli %mul3A_91, %mul3A_221 : i32
          %add3A_223 = arith.constant 3 : i32
          %add3A_224 = arith.addi %mul3A_222, %add3A_223 : i32
          %dma_start3A_225 = arith.constant 75 : i32
          %dma_start3A_226 = arith.constant 0 : i32
          %dma_start3A_227 = tpu.memref_slice %arg12[%dma_start3A_225, %dma_start3A_226] : memref<125x128xf32, #tpu.memory_space<vmem>> -> memref<25x128xf32, #tpu.memory_space<vmem>>
          %dma_start3A_228 = arith.constant 0 : i32
          %dma_start3A_229 = tpu.memref_slice %arg11[%add3A_224, %dma_start3A_228] : memref<80x25xi32, #tpu.memory_space<vmem>> -> memref<1x25xi32, #tpu.memory_space<vmem>>
          %dma_start3A_230 = tpu.memref_squeeze %dma_start3A_229 : memref<1x25xi32, #tpu.memory_space<vmem>> -> memref<25xi32, #tpu.memory_space<vmem>>
          %dma_start3A_231 = arith.constant 0 : i32
          %dma_start3A_232 = arith.constant 0 : i32
          %dma_start3A_233 = tpu.memref_slice %arg14[%dma_start3A_231, %dma_start3A_232] : memref<10000x128xf32, #tpu.memory_space<vmem_shared>> -> memref<10000x128xf32, #tpu.memory_space<vmem_shared>>
          tpu.enqueue_indirect_dma source(%dma_start3A_227 : memref<25x128xf32, #tpu.memory_space<vmem>>) target(%dma_start3A_233 : memref<10000x128xf32, #tpu.memory_space<vmem_shared>>) offsets(%dma_start3A_230 : memref<25xi32, #tpu.memory_space<vmem>>) semaphore(%arg15 : memref<!tpu.dma_semaphore, #tpu.memory_space<semaphore_mem>>) {add = true}
          %mul3A_234 = arith.constant 5 : i32
          %mul3A_235 = arith.muli %mul3A_91, %mul3A_234 : i32
          %add3A_236 = arith.constant 4 : i32
          %add3A_237 = arith.addi %mul3A_235, %add3A_236 : i32
          %dma_start3A_238 = arith.constant 100 : i32
          %dma_start3A_239 = arith.constant 0 : i32
          %dma_start3A_240 = tpu.memref_slice %arg12[%dma_start3A_238, %dma_start3A_239] : memref<125x128xf32, #tpu.memory_space<vmem>> -> memref<25x128xf32, #tpu.memory_space<vmem>>
          %dma_start3A_241 = arith.constant 0 : i32
          %dma_start3A_242 = tpu.memref_slice %arg11[%add3A_237, %dma_start3A_241] : memref<80x25xi32, #tpu.memory_space<vmem>> -> memref<1x25xi32, #tpu.memory_space<vmem>>
          %dma_start3A_243 = tpu.memref_squeeze %dma_start3A_242 : memref<1x25xi32, #tpu.memory_space<vmem>> -> memref<25xi32, #tpu.memory_space<vmem>>
          %dma_start3A_244 = arith.constant 0 : i32
          %dma_start3A_245 = arith.constant 0 : i32
          %dma_start3A_246 = tpu.memref_slice %arg14[%dma_start3A_244, %dma_start3A_245] : memref<10000x128xf32, #tpu.memory_space<vmem_shared>> -> memref<10000x128xf32, #tpu.memory_space<vmem_shared>>
          tpu.enqueue_indirect_dma source(%dma_start3A_240 : memref<25x128xf32, #tpu.memory_space<vmem>>) target(%dma_start3A_246 : memref<10000x128xf32, #tpu.memory_space<vmem_shared>>) offsets(%dma_start3A_243 : memref<25xi32, #tpu.memory_space<vmem>>) semaphore(%arg15 : memref<!tpu.dma_semaphore, #tpu.memory_space<semaphore_mem>>) {add = true}
          %mul3A_247 = arith.constant 5 : i32
          %mul3A_248 = arith.muli %mul3A_91, %mul3A_247 : i32
          %add3A_249 = arith.constant 0 : i32
          %add3A_250 = arith.addi %mul3A_248, %add3A_249 : i32
          %dma_wait3A_251 = arith.constant 0 : i32
          %dma_wait3A_252 = arith.constant 0 : i32
          %dma_wait3A_253 = tpu.memref_slice %arg12[%dma_wait3A_251, %dma_wait3A_252] : memref<125x128xf32, #tpu.memory_space<vmem>> -> memref<25x128xf32, #tpu.memory_space<vmem>>
          %dma_wait3A_254 = arith.constant 0 : i32
          %dma_wait3A_255 = tpu.memref_slice %arg11[%add3A_250, %dma_wait3A_254] : memref<80x25xi32, #tpu.memory_space<vmem>> -> memref<1x25xi32, #tpu.memory_space<vmem>>
          %dma_wait3A_256 = tpu.memref_squeeze %dma_wait3A_255 : memref<1x25xi32, #tpu.memory_space<vmem>> -> memref<25xi32, #tpu.memory_space<vmem>>
          %dma_wait3A_257 = arith.constant 0 : i32
          %dma_wait3A_258 = arith.constant 0 : i32
          %dma_wait3A_259 = tpu.memref_slice %arg14[%dma_wait3A_257, %dma_wait3A_258] : memref<10000x128xf32, #tpu.memory_space<vmem_shared>> -> memref<10000x128xf32, #tpu.memory_space<vmem_shared>>
          tpu.wait_indirect_dma semaphore(%arg15 : memref<!tpu.dma_semaphore, #tpu.memory_space<semaphore_mem>>) src(%dma_wait3A_253 : memref<25x128xf32, #tpu.memory_space<vmem>>) dst(%dma_wait3A_259 : memref<10000x128xf32, #tpu.memory_space<vmem_shared>>)
          %mul3A_260 = arith.constant 5 : i32
          %mul3A_261 = arith.muli %mul3A_91, %mul3A_260 : i32
          %add3A_262 = arith.constant 1 : i32
          %add3A_263 = arith.addi %mul3A_261, %add3A_262 : i32
          %dma_wait3A_264 = arith.constant 25 : i32
          %dma_wait3A_265 = arith.constant 0 : i32
          %dma_wait3A_266 = tpu.memref_slice %arg12[%dma_wait3A_264, %dma_wait3A_265] : memref<125x128xf32, #tpu.memory_space<vmem>> -> memref<25x128xf32, #tpu.memory_space<vmem>>
          %dma_wait3A_267 = arith.constant 0 : i32
          %dma_wait3A_268 = tpu.memref_slice %arg11[%add3A_263, %dma_wait3A_267] : memref<80x25xi32, #tpu.memory_space<vmem>> -> memref<1x25xi32, #tpu.memory_space<vmem>>
          %dma_wait3A_269 = tpu.memref_squeeze %dma_wait3A_268 : memref<1x25xi32, #tpu.memory_space<vmem>> -> memref<25xi32, #tpu.memory_space<vmem>>
          %dma_wait3A_270 = arith.constant 0 : i32
          %dma_wait3A_271 = arith.constant 0 : i32
          %dma_wait3A_272 = tpu.memref_slice %arg14[%dma_wait3A_270, %dma_wait3A_271] : memref<10000x128xf32, #tpu.memory_space<vmem_shared>> -> memref<10000x128xf32, #tpu.memory_space<vmem_shared>>
          tpu.wait_indirect_dma semaphore(%arg15 : memref<!tpu.dma_semaphore, #tpu.memory_space<semaphore_mem>>) src(%dma_wait3A_266 : memref<25x128xf32, #tpu.memory_space<vmem>>) dst(%dma_wait3A_272 : memref<10000x128xf32, #tpu.memory_space<vmem_shared>>)
          %mul3A_273 = arith.constant 5 : i32
          %mul3A_274 = arith.muli %mul3A_91, %mul3A_273 : i32
          %add3A_275 = arith.constant 2 : i32
          %add3A_276 = arith.addi %mul3A_274, %add3A_275 : i32
          %dma_wait3A_277 = arith.constant 50 : i32
          %dma_wait3A_278 = arith.constant 0 : i32
          %dma_wait3A_279 = tpu.memref_slice %arg12[%dma_wait3A_277, %dma_wait3A_278] : memref<125x128xf32, #tpu.memory_space<vmem>> -> memref<25x128xf32, #tpu.memory_space<vmem>>
          %dma_wait3A_280 = arith.constant 0 : i32
          %dma_wait3A_281 = tpu.memref_slice %arg11[%add3A_276, %dma_wait3A_280] : memref<80x25xi32, #tpu.memory_space<vmem>> -> memref<1x25xi32, #tpu.memory_space<vmem>>
          %dma_wait3A_282 = tpu.memref_squeeze %dma_wait3A_281 : memref<1x25xi32, #tpu.memory_space<vmem>> -> memref<25xi32, #tpu.memory_space<vmem>>
          %dma_wait3A_283 = arith.constant 0 : i32
          %dma_wait3A_284 = arith.constant 0 : i32
          %dma_wait3A_285 = tpu.memref_slice %arg14[%dma_wait3A_283, %dma_wait3A_284] : memref<10000x128xf32, #tpu.memory_space<vmem_shared>> -> memref<10000x128xf32, #tpu.memory_space<vmem_shared>>
          tpu.wait_indirect_dma semaphore(%arg15 : memref<!tpu.dma_semaphore, #tpu.memory_space<semaphore_mem>>) src(%dma_wait3A_279 : memref<25x128xf32, #tpu.memory_space<vmem>>) dst(%dma_wait3A_285 : memref<10000x128xf32, #tpu.memory_space<vmem_shared>>)
          %mul3A_286 = arith.constant 5 : i32
          %mul3A_287 = arith.muli %mul3A_91, %mul3A_286 : i32
          %add3A_288 = arith.constant 3 : i32
          %add3A_289 = arith.addi %mul3A_287, %add3A_288 : i32
          %dma_wait3A_290 = arith.constant 75 : i32
          %dma_wait3A_291 = arith.constant 0 : i32
          %dma_wait3A_292 = tpu.memref_slice %arg12[%dma_wait3A_290, %dma_wait3A_291] : memref<125x128xf32, #tpu.memory_space<vmem>> -> memref<25x128xf32, #tpu.memory_space<vmem>>
          %dma_wait3A_293 = arith.constant 0 : i32
          %dma_wait3A_294 = tpu.memref_slice %arg11[%add3A_289, %dma_wait3A_293] : memref<80x25xi32, #tpu.memory_space<vmem>> -> memref<1x25xi32, #tpu.memory_space<vmem>>
          %dma_wait3A_295 = tpu.memref_squeeze %dma_wait3A_294 : memref<1x25xi32, #tpu.memory_space<vmem>> -> memref<25xi32, #tpu.memory_space<vmem>>
          %dma_wait3A_296 = arith.constant 0 : i32
          %dma_wait3A_297 = arith.constant 0 : i32
          %dma_wait3A_298 = tpu.memref_slice %arg14[%dma_wait3A_296, %dma_wait3A_297] : memref<10000x128xf32, #tpu.memory_space<vmem_shared>> -> memref<10000x128xf32, #tpu.memory_space<vmem_shared>>
          tpu.wait_indirect_dma semaphore(%arg15 : memref<!tpu.dma_semaphore, #tpu.memory_space<semaphore_mem>>) src(%dma_wait3A_292 : memref<25x128xf32, #tpu.memory_space<vmem>>) dst(%dma_wait3A_298 : memref<10000x128xf32, #tpu.memory_space<vmem_shared>>)
          %mul3A_299 = arith.constant 5 : i32
          %mul3A_300 = arith.muli %mul3A_91, %mul3A_299 : i32
          %add3A_301 = arith.constant 4 : i32
          %add3A_302 = arith.addi %mul3A_300, %add3A_301 : i32
          %dma_wait3A_303 = arith.constant 100 : i32
          %dma_wait3A_304 = arith.constant 0 : i32
          %dma_wait3A_305 = tpu.memref_slice %arg12[%dma_wait3A_303, %dma_wait3A_304] : memref<125x128xf32, #tpu.memory_space<vmem>> -> memref<25x128xf32, #tpu.memory_space<vmem>>
          %dma_wait3A_306 = arith.constant 0 : i32
          %dma_wait3A_307 = tpu.memref_slice %arg11[%add3A_302, %dma_wait3A_306] : memref<80x25xi32, #tpu.memory_space<vmem>> -> memref<1x25xi32, #tpu.memory_space<vmem>>
          %dma_wait3A_308 = tpu.memref_squeeze %dma_wait3A_307 : memref<1x25xi32, #tpu.memory_space<vmem>> -> memref<25xi32, #tpu.memory_space<vmem>>
          %dma_wait3A_309 = arith.constant 0 : i32
          %dma_wait3A_310 = arith.constant 0 : i32
          %dma_wait3A_311 = tpu.memref_slice %arg14[%dma_wait3A_309, %dma_wait3A_310] : memref<10000x128xf32, #tpu.memory_space<vmem_shared>> -> memref<10000x128xf32, #tpu.memory_space<vmem_shared>>
          tpu.wait_indirect_dma semaphore(%arg15 : memref<!tpu.dma_semaphore, #tpu.memory_space<semaphore_mem>>) src(%dma_wait3A_305 : memref<25x128xf32, #tpu.memory_space<vmem>>) dst(%dma_wait3A_311 : memref<10000x128xf32, #tpu.memory_space<vmem_shared>>)
          %lt3A_312 = arith.constant 7 : i32
          %lt3A_313 = arith.cmpi slt, %scan3A_89, %lt3A_312 : i32
          %convert_element_type3A_314 = arith.extui %lt3A_313 : i1 to i32
          %cond3A_315 = arith.constant 0 : i32
          %cond3A_316 = arith.cmpi ne, %convert_element_type3A_314, %cond3A_315 : i32
          scf.if %cond3A_316 {
            %add3A_496 = arith.constant 2 : i32
            %add3A_497 = arith.addi %mul3A_91, %add3A_496 : i32
            %dma_start3A_498 = arith.constant 0 : i32
            %dma_start3A_499 = arith.constant 0 : i32
            %dma_start3A_500 = tpu.memref_slice %arg12[%dma_start3A_498, %dma_start3A_499] : memref<125x128xf32, #tpu.memory_space<vmem>> -> memref<25x128xf32, #tpu.memory_space<vmem>>
            %dma_start3A_501 = arith.constant 0 : i32
            %dma_start3A_502 = tpu.memref_slice %arg10[%add3A_497, %dma_start3A_501] : memref<16x125xi32, #tpu.memory_space<vmem>> -> memref<1x25xi32, #tpu.memory_space<vmem>>
            %dma_start3A_503 = tpu.memref_squeeze %dma_start3A_502 : memref<1x25xi32, #tpu.memory_space<vmem>> -> memref<25xi32, #tpu.memory_space<vmem>>
            %dma_start3A_504 = arith.constant 0 : i32
            %dma_start3A_505 = arith.constant 0 : i32
            %dma_start3A_506 = tpu.memref_slice %arg2[%dma_start3A_504, %dma_start3A_505] : memref<10000x128xf32, #tpu.memory_space<hbm>> -> memref<10000x128xf32, #tpu.memory_space<hbm>>
            tpu.enqueue_indirect_dma source(%dma_start3A_506 : memref<10000x128xf32, #tpu.memory_space<hbm>>) target(%dma_start3A_500 : memref<25x128xf32, #tpu.memory_space<vmem>>) offsets(%dma_start3A_503 : memref<25xi32, #tpu.memory_space<vmem>>) semaphore(%arg15 : memref<!tpu.dma_semaphore, #tpu.memory_space<semaphore_mem>>)
            %dma_start3A_507 = arith.constant 25 : i32
            %dma_start3A_508 = arith.constant 0 : i32
            %dma_start3A_509 = tpu.memref_slice %arg12[%dma_start3A_507, %dma_start3A_508] : memref<125x128xf32, #tpu.memory_space<vmem>> -> memref<25x128xf32, #tpu.memory_space<vmem>>
            %dma_start3A_510 = arith.constant 25 : i32
            %dma_start3A_511 = tpu.memref_slice %arg10[%add3A_497, %dma_start3A_510] : memref<16x125xi32, #tpu.memory_space<vmem>> -> memref<1x25xi32, #tpu.memory_space<vmem>>
            %dma_start3A_512 = tpu.memref_squeeze %dma_start3A_511 : memref<1x25xi32, #tpu.memory_space<vmem>> -> memref<25xi32, #tpu.memory_space<vmem>>
            %dma_start3A_513 = arith.constant 0 : i32
            %dma_start3A_514 = arith.constant 0 : i32
            %dma_start3A_515 = tpu.memref_slice %arg2[%dma_start3A_513, %dma_start3A_514] : memref<10000x128xf32, #tpu.memory_space<hbm>> -> memref<10000x128xf32, #tpu.memory_space<hbm>>
            tpu.enqueue_indirect_dma source(%dma_start3A_515 : memref<10000x128xf32, #tpu.memory_space<hbm>>) target(%dma_start3A_509 : memref<25x128xf32, #tpu.memory_space<vmem>>) offsets(%dma_start3A_512 : memref<25xi32, #tpu.memory_space<vmem>>) semaphore(%arg15 : memref<!tpu.dma_semaphore, #tpu.memory_space<semaphore_mem>>)
            %dma_start3A_516 = arith.constant 50 : i32
            %dma_start3A_517 = arith.constant 0 : i32
            %dma_start3A_518 = tpu.memref_slice %arg12[%dma_start3A_516, %dma_start3A_517] : memref<125x128xf32, #tpu.memory_space<vmem>> -> memref<25x128xf32, #tpu.memory_space<vmem>>
            %dma_start3A_519 = arith.constant 50 : i32
            %dma_start3A_520 = tpu.memref_slice %arg10[%add3A_497, %dma_start3A_519] : memref<16x125xi32, #tpu.memory_space<vmem>> -> memref<1x25xi32, #tpu.memory_space<vmem>>
            %dma_start3A_521 = tpu.memref_squeeze %dma_start3A_520 : memref<1x25xi32, #tpu.memory_space<vmem>> -> memref<25xi32, #tpu.memory_space<vmem>>
            %dma_start3A_522 = arith.constant 0 : i32
            %dma_start3A_523 = arith.constant 0 : i32
            %dma_start3A_524 = tpu.memref_slice %arg2[%dma_start3A_522, %dma_start3A_523] : memref<10000x128xf32, #tpu.memory_space<hbm>> -> memref<10000x128xf32, #tpu.memory_space<hbm>>
            tpu.enqueue_indirect_dma source(%dma_start3A_524 : memref<10000x128xf32, #tpu.memory_space<hbm>>) target(%dma_start3A_518 : memref<25x128xf32, #tpu.memory_space<vmem>>) offsets(%dma_start3A_521 : memref<25xi32, #tpu.memory_space<vmem>>) semaphore(%arg15 : memref<!tpu.dma_semaphore, #tpu.memory_space<semaphore_mem>>)
            %dma_start3A_525 = arith.constant 75 : i32
            %dma_start3A_526 = arith.constant 0 : i32
            %dma_start3A_527 = tpu.memref_slice %arg12[%dma_start3A_525, %dma_start3A_526] : memref<125x128xf32, #tpu.memory_space<vmem>> -> memref<25x128xf32, #tpu.memory_space<vmem>>
            %dma_start3A_528 = arith.constant 75 : i32
            %dma_start3A_529 = tpu.memref_slice %arg10[%add3A_497, %dma_start3A_528] : memref<16x125xi32, #tpu.memory_space<vmem>> -> memref<1x25xi32, #tpu.memory_space<vmem>>
            %dma_start3A_530 = tpu.memref_squeeze %dma_start3A_529 : memref<1x25xi32, #tpu.memory_space<vmem>> -> memref<25xi32, #tpu.memory_space<vmem>>
            %dma_start3A_531 = arith.constant 0 : i32
            %dma_start3A_532 = arith.constant 0 : i32
            %dma_start3A_533 = tpu.memref_slice %arg2[%dma_start3A_531, %dma_start3A_532] : memref<10000x128xf32, #tpu.memory_space<hbm>> -> memref<10000x128xf32, #tpu.memory_space<hbm>>
            tpu.enqueue_indirect_dma source(%dma_start3A_533 : memref<10000x128xf32, #tpu.memory_space<hbm>>) target(%dma_start3A_527 : memref<25x128xf32, #tpu.memory_space<vmem>>) offsets(%dma_start3A_530 : memref<25xi32, #tpu.memory_space<vmem>>) semaphore(%arg15 : memref<!tpu.dma_semaphore, #tpu.memory_space<semaphore_mem>>)
            %dma_start3A_534 = arith.constant 100 : i32
            %dma_start3A_535 = arith.constant 0 : i32
            %dma_start3A_536 = tpu.memref_slice %arg12[%dma_start3A_534, %dma_start3A_535] : memref<125x128xf32, #tpu.memory_space<vmem>> -> memref<25x128xf32, #tpu.memory_space<vmem>>
            %dma_start3A_537 = arith.constant 100 : i32
            %dma_start3A_538 = tpu.memref_slice %arg10[%add3A_497, %dma_start3A_537] : memref<16x125xi32, #tpu.memory_space<vmem>> -> memref<1x25xi32, #tpu.memory_space<vmem>>
            %dma_start3A_539 = tpu.memref_squeeze %dma_start3A_538 : memref<1x25xi32, #tpu.memory_space<vmem>> -> memref<25xi32, #tpu.memory_space<vmem>>
            %dma_start3A_540 = arith.constant 0 : i32
            %dma_start3A_541 = arith.constant 0 : i32
            %dma_start3A_542 = tpu.memref_slice %arg2[%dma_start3A_540, %dma_start3A_541] : memref<10000x128xf32, #tpu.memory_space<hbm>> -> memref<10000x128xf32, #tpu.memory_space<hbm>>
            tpu.enqueue_indirect_dma source(%dma_start3A_542 : memref<10000x128xf32, #tpu.memory_space<hbm>>) target(%dma_start3A_536 : memref<25x128xf32, #tpu.memory_space<vmem>>) offsets(%dma_start3A_539 : memref<25xi32, #tpu.memory_space<vmem>>) semaphore(%arg15 : memref<!tpu.dma_semaphore, #tpu.memory_space<semaphore_mem>>)
          } else {
          }
          %add3A_317 = arith.constant 1 : i32
          %add3A_318 = arith.addi %mul3A_91, %add3A_317 : i32
          %dma_wait3A_319 = arith.constant 0 : i32
          %dma_wait3A_320 = arith.constant 0 : i32
          %dma_wait3A_321 = tpu.memref_slice %arg13[%dma_wait3A_319, %dma_wait3A_320] : memref<125x128xf32, #tpu.memory_space<vmem>> -> memref<25x128xf32, #tpu.memory_space<vmem>>
          %dma_wait3A_322 = arith.constant 0 : i32
          %dma_wait3A_323 = tpu.memref_slice %arg10[%add3A_318, %dma_wait3A_322] : memref<16x125xi32, #tpu.memory_space<vmem>> -> memref<1x25xi32, #tpu.memory_space<vmem>>
          %dma_wait3A_324 = tpu.memref_squeeze %dma_wait3A_323 : memref<1x25xi32, #tpu.memory_space<vmem>> -> memref<25xi32, #tpu.memory_space<vmem>>
          %dma_wait3A_325 = arith.constant 0 : i32
          %dma_wait3A_326 = arith.constant 0 : i32
          %dma_wait3A_327 = tpu.memref_slice %arg2[%dma_wait3A_325, %dma_wait3A_326] : memref<10000x128xf32, #tpu.memory_space<hbm>> -> memref<10000x128xf32, #tpu.memory_space<hbm>>
          tpu.wait_indirect_dma semaphore(%arg16 : memref<!tpu.dma_semaphore, #tpu.memory_space<semaphore_mem>>) src(%dma_wait3A_327 : memref<10000x128xf32, #tpu.memory_space<hbm>>) dst(%dma_wait3A_321 : memref<25x128xf32, #tpu.memory_space<vmem>>)
          %dma_wait3A_328 = arith.constant 25 : i32
          %dma_wait3A_329 = arith.constant 0 : i32
          %dma_wait3A_330 = tpu.memref_slice %arg13[%dma_wait3A_328, %dma_wait3A_329] : memref<125x128xf32, #tpu.memory_space<vmem>> -> memref<25x128xf32, #tpu.memory_space<vmem>>
          %dma_wait3A_331 = arith.constant 25 : i32
          %dma_wait3A_332 = tpu.memref_slice %arg10[%add3A_318, %dma_wait3A_331] : memref<16x125xi32, #tpu.memory_space<vmem>> -> memref<1x25xi32, #tpu.memory_space<vmem>>
          %dma_wait3A_333 = tpu.memref_squeeze %dma_wait3A_332 : memref<1x25xi32, #tpu.memory_space<vmem>> -> memref<25xi32, #tpu.memory_space<vmem>>
          %dma_wait3A_334 = arith.constant 0 : i32
          %dma_wait3A_335 = arith.constant 0 : i32
          %dma_wait3A_336 = tpu.memref_slice %arg2[%dma_wait3A_334, %dma_wait3A_335] : memref<10000x128xf32, #tpu.memory_space<hbm>> -> memref<10000x128xf32, #tpu.memory_space<hbm>>
          tpu.wait_indirect_dma semaphore(%arg16 : memref<!tpu.dma_semaphore, #tpu.memory_space<semaphore_mem>>) src(%dma_wait3A_336 : memref<10000x128xf32, #tpu.memory_space<hbm>>) dst(%dma_wait3A_330 : memref<25x128xf32, #tpu.memory_space<vmem>>)
          %dma_wait3A_337 = arith.constant 50 : i32
          %dma_wait3A_338 = arith.constant 0 : i32
          %dma_wait3A_339 = tpu.memref_slice %arg13[%dma_wait3A_337, %dma_wait3A_338] : memref<125x128xf32, #tpu.memory_space<vmem>> -> memref<25x128xf32, #tpu.memory_space<vmem>>
          %dma_wait3A_340 = arith.constant 50 : i32
          %dma_wait3A_341 = tpu.memref_slice %arg10[%add3A_318, %dma_wait3A_340] : memref<16x125xi32, #tpu.memory_space<vmem>> -> memref<1x25xi32, #tpu.memory_space<vmem>>
          %dma_wait3A_342 = tpu.memref_squeeze %dma_wait3A_341 : memref<1x25xi32, #tpu.memory_space<vmem>> -> memref<25xi32, #tpu.memory_space<vmem>>
          %dma_wait3A_343 = arith.constant 0 : i32
          %dma_wait3A_344 = arith.constant 0 : i32
          %dma_wait3A_345 = tpu.memref_slice %arg2[%dma_wait3A_343, %dma_wait3A_344] : memref<10000x128xf32, #tpu.memory_space<hbm>> -> memref<10000x128xf32, #tpu.memory_space<hbm>>
          tpu.wait_indirect_dma semaphore(%arg16 : memref<!tpu.dma_semaphore, #tpu.memory_space<semaphore_mem>>) src(%dma_wait3A_345 : memref<10000x128xf32, #tpu.memory_space<hbm>>) dst(%dma_wait3A_339 : memref<25x128xf32, #tpu.memory_space<vmem>>)
          %dma_wait3A_346 = arith.constant 75 : i32
          %dma_wait3A_347 = arith.constant 0 : i32
          %dma_wait3A_348 = tpu.memref_slice %arg13[%dma_wait3A_346, %dma_wait3A_347] : memref<125x128xf32, #tpu.memory_space<vmem>> -> memref<25x128xf32, #tpu.memory_space<vmem>>
          %dma_wait3A_349 = arith.constant 75 : i32
          %dma_wait3A_350 = tpu.memref_slice %arg10[%add3A_318, %dma_wait3A_349] : memref<16x125xi32, #tpu.memory_space<vmem>> -> memref<1x25xi32, #tpu.memory_space<vmem>>
          %dma_wait3A_351 = tpu.memref_squeeze %dma_wait3A_350 : memref<1x25xi32, #tpu.memory_space<vmem>> -> memref<25xi32, #tpu.memory_space<vmem>>
          %dma_wait3A_352 = arith.constant 0 : i32
          %dma_wait3A_353 = arith.constant 0 : i32
          %dma_wait3A_354 = tpu.memref_slice %arg2[%dma_wait3A_352, %dma_wait3A_353] : memref<10000x128xf32, #tpu.memory_space<hbm>> -> memref<10000x128xf32, #tpu.memory_space<hbm>>
          tpu.wait_indirect_dma semaphore(%arg16 : memref<!tpu.dma_semaphore, #tpu.memory_space<semaphore_mem>>) src(%dma_wait3A_354 : memref<10000x128xf32, #tpu.memory_space<hbm>>) dst(%dma_wait3A_348 : memref<25x128xf32, #tpu.memory_space<vmem>>)
          %dma_wait3A_355 = arith.constant 100 : i32
          %dma_wait3A_356 = arith.constant 0 : i32
          %dma_wait3A_357 = tpu.memref_slice %arg13[%dma_wait3A_355, %dma_wait3A_356] : memref<125x128xf32, #tpu.memory_space<vmem>> -> memref<25x128xf32, #tpu.memory_space<vmem>>
          %dma_wait3A_358 = arith.constant 100 : i32
          %dma_wait3A_359 = tpu.memref_slice %arg10[%add3A_318, %dma_wait3A_358] : memref<16x125xi32, #tpu.memory_space<vmem>> -> memref<1x25xi32, #tpu.memory_space<vmem>>
          %dma_wait3A_360 = tpu.memref_squeeze %dma_wait3A_359 : memref<1x25xi32, #tpu.memory_space<vmem>> -> memref<25xi32, #tpu.memory_space<vmem>>
          %dma_wait3A_361 = arith.constant 0 : i32
          %dma_wait3A_362 = arith.constant 0 : i32
          %dma_wait3A_363 = tpu.memref_slice %arg2[%dma_wait3A_361, %dma_wait3A_362] : memref<10000x128xf32, #tpu.memory_space<hbm>> -> memref<10000x128xf32, #tpu.memory_space<hbm>>
          tpu.wait_indirect_dma semaphore(%arg16 : memref<!tpu.dma_semaphore, #tpu.memory_space<semaphore_mem>>) src(%dma_wait3A_363 : memref<10000x128xf32, #tpu.memory_space<hbm>>) dst(%dma_wait3A_357 : memref<25x128xf32, #tpu.memory_space<vmem>>)
          %add3A_364 = arith.constant 1 : i32
          %add3A_365 = arith.addi %mul3A_91, %add3A_364 : i32
          %mul3A_366 = arith.constant 5 : i32
          %mul3A_367 = arith.muli %add3A_365, %mul3A_366 : i32
          %add3A_368 = arith.constant 0 : i32
          %add3A_369 = arith.addi %mul3A_367, %add3A_368 : i32
          %dma_start3A_370 = arith.constant 0 : i32
          %dma_start3A_371 = arith.constant 0 : i32
          %dma_start3A_372 = tpu.memref_slice %arg13[%dma_start3A_370, %dma_start3A_371] : memref<125x128xf32, #tpu.memory_space<vmem>> -> memref<25x128xf32, #tpu.memory_space<vmem>>
          %dma_start3A_373 = arith.constant 0 : i32
          %dma_start3A_374 = tpu.memref_slice %arg11[%add3A_369, %dma_start3A_373] : memref<80x25xi32, #tpu.memory_space<vmem>> -> memref<1x25xi32, #tpu.memory_space<vmem>>
          %dma_start3A_375 = tpu.memref_squeeze %dma_start3A_374 : memref<1x25xi32, #tpu.memory_space<vmem>> -> memref<25xi32, #tpu.memory_space<vmem>>
          %dma_start3A_376 = arith.constant 0 : i32
          %dma_start3A_377 = arith.constant 0 : i32
          %dma_start3A_378 = tpu.memref_slice %arg14[%dma_start3A_376, %dma_start3A_377] : memref<10000x128xf32, #tpu.memory_space<vmem_shared>> -> memref<10000x128xf32, #tpu.memory_space<vmem_shared>>
          tpu.enqueue_indirect_dma source(%dma_start3A_372 : memref<25x128xf32, #tpu.memory_space<vmem>>) target(%dma_start3A_378 : memref<10000x128xf32, #tpu.memory_space<vmem_shared>>) offsets(%dma_start3A_375 : memref<25xi32, #tpu.memory_space<vmem>>) semaphore(%arg16 : memref<!tpu.dma_semaphore, #tpu.memory_space<semaphore_mem>>) {add = true}
          %mul3A_379 = arith.constant 5 : i32
          %mul3A_380 = arith.muli %add3A_365, %mul3A_379 : i32
          %add3A_381 = arith.constant 1 : i32
          %add3A_382 = arith.addi %mul3A_380, %add3A_381 : i32
          %dma_start3A_383 = arith.constant 25 : i32
          %dma_start3A_384 = arith.constant 0 : i32
          %dma_start3A_385 = tpu.memref_slice %arg13[%dma_start3A_383, %dma_start3A_384] : memref<125x128xf32, #tpu.memory_space<vmem>> -> memref<25x128xf32, #tpu.memory_space<vmem>>
          %dma_start3A_386 = arith.constant 0 : i32
          %dma_start3A_387 = tpu.memref_slice %arg11[%add3A_382, %dma_start3A_386] : memref<80x25xi32, #tpu.memory_space<vmem>> -> memref<1x25xi32, #tpu.memory_space<vmem>>
          %dma_start3A_388 = tpu.memref_squeeze %dma_start3A_387 : memref<1x25xi32, #tpu.memory_space<vmem>> -> memref<25xi32, #tpu.memory_space<vmem>>
          %dma_start3A_389 = arith.constant 0 : i32
          %dma_start3A_390 = arith.constant 0 : i32
          %dma_start3A_391 = tpu.memref_slice %arg14[%dma_start3A_389, %dma_start3A_390] : memref<10000x128xf32, #tpu.memory_space<vmem_shared>> -> memref<10000x128xf32, #tpu.memory_space<vmem_shared>>
          tpu.enqueue_indirect_dma source(%dma_start3A_385 : memref<25x128xf32, #tpu.memory_space<vmem>>) target(%dma_start3A_391 : memref<10000x128xf32, #tpu.memory_space<vmem_shared>>) offsets(%dma_start3A_388 : memref<25xi32, #tpu.memory_space<vmem>>) semaphore(%arg16 : memref<!tpu.dma_semaphore, #tpu.memory_space<semaphore_mem>>) {add = true}
          %mul3A_392 = arith.constant 5 : i32
          %mul3A_393 = arith.muli %add3A_365, %mul3A_392 : i32
          %add3A_394 = arith.constant 2 : i32
          %add3A_395 = arith.addi %mul3A_393, %add3A_394 : i32
          %dma_start3A_396 = arith.constant 50 : i32
          %dma_start3A_397 = arith.constant 0 : i32
          %dma_start3A_398 = tpu.memref_slice %arg13[%dma_start3A_396, %dma_start3A_397] : memref<125x128xf32, #tpu.memory_space<vmem>> -> memref<25x128xf32, #tpu.memory_space<vmem>>
          %dma_start3A_399 = arith.constant 0 : i32
          %dma_start3A_400 = tpu.memref_slice %arg11[%add3A_395, %dma_start3A_399] : memref<80x25xi32, #tpu.memory_space<vmem>> -> memref<1x25xi32, #tpu.memory_space<vmem>>
          %dma_start3A_401 = tpu.memref_squeeze %dma_start3A_400 : memref<1x25xi32, #tpu.memory_space<vmem>> -> memref<25xi32, #tpu.memory_space<vmem>>
          %dma_start3A_402 = arith.constant 0 : i32
          %dma_start3A_403 = arith.constant 0 : i32
          %dma_start3A_404 = tpu.memref_slice %arg14[%dma_start3A_402, %dma_start3A_403] : memref<10000x128xf32, #tpu.memory_space<vmem_shared>> -> memref<10000x128xf32, #tpu.memory_space<vmem_shared>>
          tpu.enqueue_indirect_dma source(%dma_start3A_398 : memref<25x128xf32, #tpu.memory_space<vmem>>) target(%dma_start3A_404 : memref<10000x128xf32, #tpu.memory_space<vmem_shared>>) offsets(%dma_start3A_401 : memref<25xi32, #tpu.memory_space<vmem>>) semaphore(%arg16 : memref<!tpu.dma_semaphore, #tpu.memory_space<semaphore_mem>>) {add = true}
          %mul3A_405 = arith.constant 5 : i32
          %mul3A_406 = arith.muli %add3A_365, %mul3A_405 : i32
          %add3A_407 = arith.constant 3 : i32
          %add3A_408 = arith.addi %mul3A_406, %add3A_407 : i32
          %dma_start3A_409 = arith.constant 75 : i32
          %dma_start3A_410 = arith.constant 0 : i32
          %dma_start3A_411 = tpu.memref_slice %arg13[%dma_start3A_409, %dma_start3A_410] : memref<125x128xf32, #tpu.memory_space<vmem>> -> memref<25x128xf32, #tpu.memory_space<vmem>>
          %dma_start3A_412 = arith.constant 0 : i32
          %dma_start3A_413 = tpu.memref_slice %arg11[%add3A_408, %dma_start3A_412] : memref<80x25xi32, #tpu.memory_space<vmem>> -> memref<1x25xi32, #tpu.memory_space<vmem>>
          %dma_start3A_414 = tpu.memref_squeeze %dma_start3A_413 : memref<1x25xi32, #tpu.memory_space<vmem>> -> memref<25xi32, #tpu.memory_space<vmem>>
          %dma_start3A_415 = arith.constant 0 : i32
          %dma_start3A_416 = arith.constant 0 : i32
          %dma_start3A_417 = tpu.memref_slice %arg14[%dma_start3A_415, %dma_start3A_416] : memref<10000x128xf32, #tpu.memory_space<vmem_shared>> -> memref<10000x128xf32, #tpu.memory_space<vmem_shared>>
          tpu.enqueue_indirect_dma source(%dma_start3A_411 : memref<25x128xf32, #tpu.memory_space<vmem>>) target(%dma_start3A_417 : memref<10000x128xf32, #tpu.memory_space<vmem_shared>>) offsets(%dma_start3A_414 : memref<25xi32, #tpu.memory_space<vmem>>) semaphore(%arg16 : memref<!tpu.dma_semaphore, #tpu.memory_space<semaphore_mem>>) {add = true}
          %mul3A_418 = arith.constant 5 : i32
          %mul3A_419 = arith.muli %add3A_365, %mul3A_418 : i32
          %add3A_420 = arith.constant 4 : i32
          %add3A_421 = arith.addi %mul3A_419, %add3A_420 : i32
          %dma_start3A_422 = arith.constant 100 : i32
          %dma_start3A_423 = arith.constant 0 : i32
          %dma_start3A_424 = tpu.memref_slice %arg13[%dma_start3A_422, %dma_start3A_423] : memref<125x128xf32, #tpu.memory_space<vmem>> -> memref<25x128xf32, #tpu.memory_space<vmem>>
          %dma_start3A_425 = arith.constant 0 : i32
          %dma_start3A_426 = tpu.memref_slice %arg11[%add3A_421, %dma_start3A_425] : memref<80x25xi32, #tpu.memory_space<vmem>> -> memref<1x25xi32, #tpu.memory_space<vmem>>
          %dma_start3A_427 = tpu.memref_squeeze %dma_start3A_426 : memref<1x25xi32, #tpu.memory_space<vmem>> -> memref<25xi32, #tpu.memory_space<vmem>>
          %dma_start3A_428 = arith.constant 0 : i32
          %dma_start3A_429 = arith.constant 0 : i32
          %dma_start3A_430 = tpu.memref_slice %arg14[%dma_start3A_428, %dma_start3A_429] : memref<10000x128xf32, #tpu.memory_space<vmem_shared>> -> memref<10000x128xf32, #tpu.memory_space<vmem_shared>>
          tpu.enqueue_indirect_dma source(%dma_start3A_424 : memref<25x128xf32, #tpu.memory_space<vmem>>) target(%dma_start3A_430 : memref<10000x128xf32, #tpu.memory_space<vmem_shared>>) offsets(%dma_start3A_427 : memref<25xi32, #tpu.memory_space<vmem>>) semaphore(%arg16 : memref<!tpu.dma_semaphore, #tpu.memory_space<semaphore_mem>>) {add = true}
          %mul3A_431 = arith.constant 5 : i32
          %mul3A_432 = arith.muli %add3A_365, %mul3A_431 : i32
          %add3A_433 = arith.constant 0 : i32
          %add3A_434 = arith.addi %mul3A_432, %add3A_433 : i32
          %dma_wait3A_435 = arith.constant 0 : i32
          %dma_wait3A_436 = arith.constant 0 : i32
          %dma_wait3A_437 = tpu.memref_slice %arg13[%dma_wait3A_435, %dma_wait3A_436] : memref<125x128xf32, #tpu.memory_space<vmem>> -> memref<25x128xf32, #tpu.memory_space<vmem>>
          %dma_wait3A_438 = arith.constant 0 : i32
          %dma_wait3A_439 = tpu.memref_slice %arg11[%add3A_434, %dma_wait3A_438] : memref<80x25xi32, #tpu.memory_space<vmem>> -> memref<1x25xi32, #tpu.memory_space<vmem>>
          %dma_wait3A_440 = tpu.memref_squeeze %dma_wait3A_439 : memref<1x25xi32, #tpu.memory_space<vmem>> -> memref<25xi32, #tpu.memory_space<vmem>>
          %dma_wait3A_441 = arith.constant 0 : i32
          %dma_wait3A_442 = arith.constant 0 : i32
          %dma_wait3A_443 = tpu.memref_slice %arg14[%dma_wait3A_441, %dma_wait3A_442] : memref<10000x128xf32, #tpu.memory_space<vmem_shared>> -> memref<10000x128xf32, #tpu.memory_space<vmem_shared>>
          tpu.wait_indirect_dma semaphore(%arg16 : memref<!tpu.dma_semaphore, #tpu.memory_space<semaphore_mem>>) src(%dma_wait3A_437 : memref<25x128xf32, #tpu.memory_space<vmem>>) dst(%dma_wait3A_443 : memref<10000x128xf32, #tpu.memory_space<vmem_shared>>)
          %mul3A_444 = arith.constant 5 : i32
          %mul3A_445 = arith.muli %add3A_365, %mul3A_444 : i32
          %add3A_446 = arith.constant 1 : i32
          %add3A_447 = arith.addi %mul3A_445, %add3A_446 : i32
          %dma_wait3A_448 = arith.constant 25 : i32
          %dma_wait3A_449 = arith.constant 0 : i32
          %dma_wait3A_450 = tpu.memref_slice %arg13[%dma_wait3A_448, %dma_wait3A_449] : memref<125x128xf32, #tpu.memory_space<vmem>> -> memref<25x128xf32, #tpu.memory_space<vmem>>
          %dma_wait3A_451 = arith.constant 0 : i32
          %dma_wait3A_452 = tpu.memref_slice %arg11[%add3A_447, %dma_wait3A_451] : memref<80x25xi32, #tpu.memory_space<vmem>> -> memref<1x25xi32, #tpu.memory_space<vmem>>
          %dma_wait3A_453 = tpu.memref_squeeze %dma_wait3A_452 : memref<1x25xi32, #tpu.memory_space<vmem>> -> memref<25xi32, #tpu.memory_space<vmem>>
          %dma_wait3A_454 = arith.constant 0 : i32
          %dma_wait3A_455 = arith.constant 0 : i32
          %dma_wait3A_456 = tpu.memref_slice %arg14[%dma_wait3A_454, %dma_wait3A_455] : memref<10000x128xf32, #tpu.memory_space<vmem_shared>> -> memref<10000x128xf32, #tpu.memory_space<vmem_shared>>
          tpu.wait_indirect_dma semaphore(%arg16 : memref<!tpu.dma_semaphore, #tpu.memory_space<semaphore_mem>>) src(%dma_wait3A_450 : memref<25x128xf32, #tpu.memory_space<vmem>>) dst(%dma_wait3A_456 : memref<10000x128xf32, #tpu.memory_space<vmem_shared>>)
          %mul3A_457 = arith.constant 5 : i32
          %mul3A_458 = arith.muli %add3A_365, %mul3A_457 : i32
          %add3A_459 = arith.constant 2 : i32
          %add3A_460 = arith.addi %mul3A_458, %add3A_459 : i32
          %dma_wait3A_461 = arith.constant 50 : i32
          %dma_wait3A_462 = arith.constant 0 : i32
          %dma_wait3A_463 = tpu.memref_slice %arg13[%dma_wait3A_461, %dma_wait3A_462] : memref<125x128xf32, #tpu.memory_space<vmem>> -> memref<25x128xf32, #tpu.memory_space<vmem>>
          %dma_wait3A_464 = arith.constant 0 : i32
          %dma_wait3A_465 = tpu.memref_slice %arg11[%add3A_460, %dma_wait3A_464] : memref<80x25xi32, #tpu.memory_space<vmem>> -> memref<1x25xi32, #tpu.memory_space<vmem>>
          %dma_wait3A_466 = tpu.memref_squeeze %dma_wait3A_465 : memref<1x25xi32, #tpu.memory_space<vmem>> -> memref<25xi32, #tpu.memory_space<vmem>>
          %dma_wait3A_467 = arith.constant 0 : i32
          %dma_wait3A_468 = arith.constant 0 : i32
          %dma_wait3A_469 = tpu.memref_slice %arg14[%dma_wait3A_467, %dma_wait3A_468] : memref<10000x128xf32, #tpu.memory_space<vmem_shared>> -> memref<10000x128xf32, #tpu.memory_space<vmem_shared>>
          tpu.wait_indirect_dma semaphore(%arg16 : memref<!tpu.dma_semaphore, #tpu.memory_space<semaphore_mem>>) src(%dma_wait3A_463 : memref<25x128xf32, #tpu.memory_space<vmem>>) dst(%dma_wait3A_469 : memref<10000x128xf32, #tpu.memory_space<vmem_shared>>)
          %mul3A_470 = arith.constant 5 : i32
          %mul3A_471 = arith.muli %add3A_365, %mul3A_470 : i32
          %add3A_472 = arith.constant 3 : i32
          %add3A_473 = arith.addi %mul3A_471, %add3A_472 : i32
          %dma_wait3A_474 = arith.constant 75 : i32
          %dma_wait3A_475 = arith.constant 0 : i32
          %dma_wait3A_476 = tpu.memref_slice %arg13[%dma_wait3A_474, %dma_wait3A_475] : memref<125x128xf32, #tpu.memory_space<vmem>> -> memref<25x128xf32, #tpu.memory_space<vmem>>
          %dma_wait3A_477 = arith.constant 0 : i32
          %dma_wait3A_478 = tpu.memref_slice %arg11[%add3A_473, %dma_wait3A_477] : memref<80x25xi32, #tpu.memory_space<vmem>> -> memref<1x25xi32, #tpu.memory_space<vmem>>
          %dma_wait3A_479 = tpu.memref_squeeze %dma_wait3A_478 : memref<1x25xi32, #tpu.memory_space<vmem>> -> memref<25xi32, #tpu.memory_space<vmem>>
          %dma_wait3A_480 = arith.constant 0 : i32
          %dma_wait3A_481 = arith.constant 0 : i32
          %dma_wait3A_482 = tpu.memref_slice %arg14[%dma_wait3A_480, %dma_wait3A_481] : memref<10000x128xf32, #tpu.memory_space<vmem_shared>> -> memref<10000x128xf32, #tpu.memory_space<vmem_shared>>
          tpu.wait_indirect_dma semaphore(%arg16 : memref<!tpu.dma_semaphore, #tpu.memory_space<semaphore_mem>>) src(%dma_wait3A_476 : memref<25x128xf32, #tpu.memory_space<vmem>>) dst(%dma_wait3A_482 : memref<10000x128xf32, #tpu.memory_space<vmem_shared>>)
          %mul3A_483 = arith.constant 5 : i32
          %mul3A_484 = arith.muli %add3A_365, %mul3A_483 : i32
          %add3A_485 = arith.constant 4 : i32
          %add3A_486 = arith.addi %mul3A_484, %add3A_485 : i32
          %dma_wait3A_487 = arith.constant 100 : i32
          %dma_wait3A_488 = arith.constant 0 : i32
          %dma_wait3A_489 = tpu.memref_slice %arg13[%dma_wait3A_487, %dma_wait3A_488] : memref<125x128xf32, #tpu.memory_space<vmem>> -> memref<25x128xf32, #tpu.memory_space<vmem>>
          %dma_wait3A_490 = arith.constant 0 : i32
          %dma_wait3A_491 = tpu.memref_slice %arg11[%add3A_486, %dma_wait3A_490] : memref<80x25xi32, #tpu.memory_space<vmem>> -> memref<1x25xi32, #tpu.memory_space<vmem>>
          %dma_wait3A_492 = tpu.memref_squeeze %dma_wait3A_491 : memref<1x25xi32, #tpu.memory_space<vmem>> -> memref<25xi32, #tpu.memory_space<vmem>>
          %dma_wait3A_493 = arith.constant 0 : i32
          %dma_wait3A_494 = arith.constant 0 : i32
          %dma_wait3A_495 = tpu.memref_slice %arg14[%dma_wait3A_493, %dma_wait3A_494] : memref<10000x128xf32, #tpu.memory_space<vmem_shared>> -> memref<10000x128xf32, #tpu.memory_space<vmem_shared>>
          tpu.wait_indirect_dma semaphore(%arg16 : memref<!tpu.dma_semaphore, #tpu.memory_space<semaphore_mem>>) src(%dma_wait3A_489 : memref<25x128xf32, #tpu.memory_space<vmem>>) dst(%dma_wait3A_495 : memref<10000x128xf32, #tpu.memory_space<vmem_shared>>)
        }
        %scan3A_88 = arith.constant 8 : i32
      }
      %scan3A_27 = arith.constant 10 : i32
    } else {
    }
    %eq3A_11 = arith.constant 1 : i32
    %eq3A_12 = arith.cmpi eq, %arg0, %eq3A_11 : i32
    %convert_element_type3A_13 = arith.extui %eq3A_12 : i1 to i32
    %cond3A_14 = arith.constant 0 : i32
    %cond3A_15 = arith.cmpi ne, %convert_element_type3A_13, %cond3A_14 : i32
    scf.if %cond3A_15 {
      %scan3A_22 = arith.constant 0 : i32
      %scan3A_23 = arith.constant 0 : i32
      %scan3A_24 = arith.constant 10 : i32
      %scan3A_25 = arith.addi %scan3A_23, %scan3A_24 : i32
      %scan3A_26 = arith.constant 1 : i32
      scf.for %scan3A_28 = %scan3A_23 to %scan3A_25 step %scan3A_26  : i32 {
        %mul3A = arith.constant 16 : i32
        %mul3A_29 = arith.muli %scan3A_28, %mul3A : i32
        "tpu.region"() ({
          %run_scoped3A = tpu.sem_alloc : memref<!tpu.dma_semaphore, #tpu.memory_space<semaphore_mem>>
          %dma_start3A_89 = arith.constant 0 : i32
          %dma_start3A_90 = tpu.memref_slice %arg6[%arg1, %mul3A_29, %dma_start3A_89] : memref<16x160x125xi32, #tpu.memory_space<hbm>> -> memref<1x16x125xi32, #tpu.memory_space<hbm>>
          %dma_start3A_91 = tpu.memref_squeeze %dma_start3A_90 : memref<1x16x125xi32, #tpu.memory_space<hbm>> -> memref<16x125xi32, #tpu.memory_space<hbm>>
          %dma_start3A_92 = arith.constant 0 : i32
          %dma_start3A_93 = tpu.memref_slice %arg6[%arg1, %mul3A_29, %dma_start3A_92] : memref<16x160x125xi32, #tpu.memory_space<hbm>> -> memref<1x16x125xi32, #tpu.memory_space<hbm>>
          %dma_start3A_94 = tpu.memref_squeeze %dma_start3A_93 : memref<1x16x125xi32, #tpu.memory_space<hbm>> -> memref<16x125xi32, #tpu.memory_space<hbm>>
          tpu.enqueue_dma source(%dma_start3A_94 : memref<16x125xi32, #tpu.memory_space<hbm>>) target(%arg10 : memref<16x125xi32, #tpu.memory_space<vmem>>) target_semaphore(%run_scoped3A : memref<!tpu.dma_semaphore, #tpu.memory_space<semaphore_mem>>)
          %dma_wait3A = arith.constant 0 : i32
          %dma_wait3A_95 = tpu.memref_slice %arg6[%arg1, %mul3A_29, %dma_wait3A] : memref<16x160x125xi32, #tpu.memory_space<hbm>> -> memref<1x16x125xi32, #tpu.memory_space<hbm>>
          %dma_wait3A_96 = tpu.memref_squeeze %dma_wait3A_95 : memref<1x16x125xi32, #tpu.memory_space<hbm>> -> memref<16x125xi32, #tpu.memory_space<hbm>>
          %dma_wait3A_97 = arith.constant 0 : i32
          %dma_wait3A_98 = tpu.memref_slice %arg6[%arg1, %mul3A_29, %dma_wait3A_97] : memref<16x160x125xi32, #tpu.memory_space<hbm>> -> memref<1x16x125xi32, #tpu.memory_space<hbm>>
          %dma_wait3A_99 = tpu.memref_squeeze %dma_wait3A_98 : memref<1x16x125xi32, #tpu.memory_space<hbm>> -> memref<16x125xi32, #tpu.memory_space<hbm>>
          tpu.wait_dma2 semaphore(%run_scoped3A : memref<!tpu.dma_semaphore, #tpu.memory_space<semaphore_mem>>) src(%dma_wait3A_99 : memref<16x125xi32, #tpu.memory_space<hbm>>) dst(%arg10 : memref<16x125xi32, #tpu.memory_space<vmem>>)
          tpu.yield
        }) : () -> ()
        %mul3A_30 = arith.constant 16 : i32
        %mul3A_31 = arith.muli %scan3A_28, %mul3A_30 : i32
        %mul3A_32 = arith.constant 5 : i32
        %mul3A_33 = arith.muli %mul3A_31, %mul3A_32 : i32
        "tpu.region"() ({
          %run_scoped3A = tpu.sem_alloc : memref<!tpu.dma_semaphore, #tpu.memory_space<semaphore_mem>>
          %dma_start3A_89 = arith.constant 0 : i32
          %dma_start3A_90 = tpu.memref_slice %arg7[%arg1, %mul3A_33, %dma_start3A_89] : memref<16x800x25xi32, #tpu.memory_space<hbm>> -> memref<1x80x25xi32, #tpu.memory_space<hbm>>
          %dma_start3A_91 = tpu.memref_squeeze %dma_start3A_90 : memref<1x80x25xi32, #tpu.memory_space<hbm>> -> memref<80x25xi32, #tpu.memory_space<hbm>>
          %dma_start3A_92 = arith.constant 0 : i32
          %dma_start3A_93 = tpu.memref_slice %arg7[%arg1, %mul3A_33, %dma_start3A_92] : memref<16x800x25xi32, #tpu.memory_space<hbm>> -> memref<1x80x25xi32, #tpu.memory_space<hbm>>
          %dma_start3A_94 = tpu.memref_squeeze %dma_start3A_93 : memref<1x80x25xi32, #tpu.memory_space<hbm>> -> memref<80x25xi32, #tpu.memory_space<hbm>>
          tpu.enqueue_dma source(%dma_start3A_94 : memref<80x25xi32, #tpu.memory_space<hbm>>) target(%arg11 : memref<80x25xi32, #tpu.memory_space<vmem>>) target_semaphore(%run_scoped3A : memref<!tpu.dma_semaphore, #tpu.memory_space<semaphore_mem>>)
          %dma_wait3A = arith.constant 0 : i32
          %dma_wait3A_95 = tpu.memref_slice %arg7[%arg1, %mul3A_33, %dma_wait3A] : memref<16x800x25xi32, #tpu.memory_space<hbm>> -> memref<1x80x25xi32, #tpu.memory_space<hbm>>
          %dma_wait3A_96 = tpu.memref_squeeze %dma_wait3A_95 : memref<1x80x25xi32, #tpu.memory_space<hbm>> -> memref<80x25xi32, #tpu.memory_space<hbm>>
          %dma_wait3A_97 = arith.constant 0 : i32
          %dma_wait3A_98 = tpu.memref_slice %arg7[%arg1, %mul3A_33, %dma_wait3A_97] : memref<16x800x25xi32, #tpu.memory_space<hbm>> -> memref<1x80x25xi32, #tpu.memory_space<hbm>>
          %dma_wait3A_99 = tpu.memref_squeeze %dma_wait3A_98 : memref<1x80x25xi32, #tpu.memory_space<hbm>> -> memref<80x25xi32, #tpu.memory_space<hbm>>
          tpu.wait_dma2 semaphore(%run_scoped3A : memref<!tpu.dma_semaphore, #tpu.memory_space<semaphore_mem>>) src(%dma_wait3A_99 : memref<80x25xi32, #tpu.memory_space<hbm>>) dst(%arg11 : memref<80x25xi32, #tpu.memory_space<vmem>>)
          tpu.yield
        }) : () -> ()
        %dma_start3A = arith.constant 0 : i32
        %dma_start3A_34 = arith.constant 0 : i32
        %dma_start3A_35 = arith.constant 0 : i32
        %dma_start3A_36 = tpu.memref_slice %arg12[%dma_start3A_34, %dma_start3A_35] : memref<125x128xf32, #tpu.memory_space<vmem>> -> memref<25x128xf32, #tpu.memory_space<vmem>>
        %dma_start3A_37 = arith.constant 0 : i32
        %dma_start3A_38 = tpu.memref_slice %arg10[%dma_start3A, %dma_start3A_37] : memref<16x125xi32, #tpu.memory_space<vmem>> -> memref<1x25xi32, #tpu.memory_space<vmem>>
        %dma_start3A_39 = tpu.memref_squeeze %dma_start3A_38 : memref<1x25xi32, #tpu.memory_space<vmem>> -> memref<25xi32, #tpu.memory_space<vmem>>
        %dma_start3A_40 = arith.constant 0 : i32
        %dma_start3A_41 = arith.constant 0 : i32
        %dma_start3A_42 = tpu.memref_slice %arg3[%dma_start3A_40, %dma_start3A_41] : memref<10000x128xf32, #tpu.memory_space<hbm>> -> memref<10000x128xf32, #tpu.memory_space<hbm>>
        tpu.enqueue_indirect_dma source(%dma_start3A_42 : memref<10000x128xf32, #tpu.memory_space<hbm>>) target(%dma_start3A_36 : memref<25x128xf32, #tpu.memory_space<vmem>>) offsets(%dma_start3A_39 : memref<25xi32, #tpu.memory_space<vmem>>) semaphore(%arg15 : memref<!tpu.dma_semaphore, #tpu.memory_space<semaphore_mem>>)
        %dma_start3A_43 = arith.constant 0 : i32
        %dma_start3A_44 = arith.constant 25 : i32
        %dma_start3A_45 = arith.constant 0 : i32
        %dma_start3A_46 = tpu.memref_slice %arg12[%dma_start3A_44, %dma_start3A_45] : memref<125x128xf32, #tpu.memory_space<vmem>> -> memref<25x128xf32, #tpu.memory_space<vmem>>
        %dma_start3A_47 = arith.constant 25 : i32
        %dma_start3A_48 = tpu.memref_slice %arg10[%dma_start3A_43, %dma_start3A_47] : memref<16x125xi32, #tpu.memory_space<vmem>> -> memref<1x25xi32, #tpu.memory_space<vmem>>
        %dma_start3A_49 = tpu.memref_squeeze %dma_start3A_48 : memref<1x25xi32, #tpu.memory_space<vmem>> -> memref<25xi32, #tpu.memory_space<vmem>>
        %dma_start3A_50 = arith.constant 0 : i32
        %dma_start3A_51 = arith.constant 0 : i32
        %dma_start3A_52 = tpu.memref_slice %arg3[%dma_start3A_50, %dma_start3A_51] : memref<10000x128xf32, #tpu.memory_space<hbm>> -> memref<10000x128xf32, #tpu.memory_space<hbm>>
        tpu.enqueue_indirect_dma source(%dma_start3A_52 : memref<10000x128xf32, #tpu.memory_space<hbm>>) target(%dma_start3A_46 : memref<25x128xf32, #tpu.memory_space<vmem>>) offsets(%dma_start3A_49 : memref<25xi32, #tpu.memory_space<vmem>>) semaphore(%arg15 : memref<!tpu.dma_semaphore, #tpu.memory_space<semaphore_mem>>)
        %dma_start3A_53 = arith.constant 0 : i32
        %dma_start3A_54 = arith.constant 50 : i32
        %dma_start3A_55 = arith.constant 0 : i32
        %dma_start3A_56 = tpu.memref_slice %arg12[%dma_start3A_54, %dma_start3A_55] : memref<125x128xf32, #tpu.memory_space<vmem>> -> memref<25x128xf32, #tpu.memory_space<vmem>>
        %dma_start3A_57 = arith.constant 50 : i32
        %dma_start3A_58 = tpu.memref_slice %arg10[%dma_start3A_53, %dma_start3A_57] : memref<16x125xi32, #tpu.memory_space<vmem>> -> memref<1x25xi32, #tpu.memory_space<vmem>>
        %dma_start3A_59 = tpu.memref_squeeze %dma_start3A_58 : memref<1x25xi32, #tpu.memory_space<vmem>> -> memref<25xi32, #tpu.memory_space<vmem>>
        %dma_start3A_60 = arith.constant 0 : i32
        %dma_start3A_61 = arith.constant 0 : i32
        %dma_start3A_62 = tpu.memref_slice %arg3[%dma_start3A_60, %dma_start3A_61] : memref<10000x128xf32, #tpu.memory_space<hbm>> -> memref<10000x128xf32, #tpu.memory_space<hbm>>
        tpu.enqueue_indirect_dma source(%dma_start3A_62 : memref<10000x128xf32, #tpu.memory_space<hbm>>) target(%dma_start3A_56 : memref<25x128xf32, #tpu.memory_space<vmem>>) offsets(%dma_start3A_59 : memref<25xi32, #tpu.memory_space<vmem>>) semaphore(%arg15 : memref<!tpu.dma_semaphore, #tpu.memory_space<semaphore_mem>>)
        %dma_start3A_63 = arith.constant 0 : i32
        %dma_start3A_64 = arith.constant 75 : i32
        %dma_start3A_65 = arith.constant 0 : i32
        %dma_start3A_66 = tpu.memref_slice %arg12[%dma_start3A_64, %dma_start3A_65] : memref<125x128xf32, #tpu.memory_space<vmem>> -> memref<25x128xf32, #tpu.memory_space<vmem>>
        %dma_start3A_67 = arith.constant 75 : i32
        %dma_start3A_68 = tpu.memref_slice %arg10[%dma_start3A_63, %dma_start3A_67] : memref<16x125xi32, #tpu.memory_space<vmem>> -> memref<1x25xi32, #tpu.memory_space<vmem>>
        %dma_start3A_69 = tpu.memref_squeeze %dma_start3A_68 : memref<1x25xi32, #tpu.memory_space<vmem>> -> memref<25xi32, #tpu.memory_space<vmem>>
        %dma_start3A_70 = arith.constant 0 : i32
        %dma_start3A_71 = arith.constant 0 : i32
        %dma_start3A_72 = tpu.memref_slice %arg3[%dma_start3A_70, %dma_start3A_71] : memref<10000x128xf32, #tpu.memory_space<hbm>> -> memref<10000x128xf32, #tpu.memory_space<hbm>>
        tpu.enqueue_indirect_dma source(%dma_start3A_72 : memref<10000x128xf32, #tpu.memory_space<hbm>>) target(%dma_start3A_66 : memref<25x128xf32, #tpu.memory_space<vmem>>) offsets(%dma_start3A_69 : memref<25xi32, #tpu.memory_space<vmem>>) semaphore(%arg15 : memref<!tpu.dma_semaphore, #tpu.memory_space<semaphore_mem>>)
        %dma_start3A_73 = arith.constant 0 : i32
        %dma_start3A_74 = arith.constant 100 : i32
        %dma_start3A_75 = arith.constant 0 : i32
        %dma_start3A_76 = tpu.memref_slice %arg12[%dma_start3A_74, %dma_start3A_75] : memref<125x128xf32, #tpu.memory_space<vmem>> -> memref<25x128xf32, #tpu.memory_space<vmem>>
        %dma_start3A_77 = arith.constant 100 : i32
        %dma_start3A_78 = tpu.memref_slice %arg10[%dma_start3A_73, %dma_start3A_77] : memref<16x125xi32, #tpu.memory_space<vmem>> -> memref<1x25xi32, #tpu.memory_space<vmem>>
        %dma_start3A_79 = tpu.memref_squeeze %dma_start3A_78 : memref<1x25xi32, #tpu.memory_space<vmem>> -> memref<25xi32, #tpu.memory_space<vmem>>
        %dma_start3A_80 = arith.constant 0 : i32
        %dma_start3A_81 = arith.constant 0 : i32
        %dma_start3A_82 = tpu.memref_slice %arg3[%dma_start3A_80, %dma_start3A_81] : memref<10000x128xf32, #tpu.memory_space<hbm>> -> memref<10000x128xf32, #tpu.memory_space<hbm>>
        tpu.enqueue_indirect_dma source(%dma_start3A_82 : memref<10000x128xf32, #tpu.memory_space<hbm>>) target(%dma_start3A_76 : memref<25x128xf32, #tpu.memory_space<vmem>>) offsets(%dma_start3A_79 : memref<25xi32, #tpu.memory_space<vmem>>) semaphore(%arg15 : memref<!tpu.dma_semaphore, #tpu.memory_space<semaphore_mem>>)
        %scan3A_83 = arith.constant 0 : i32
        %scan3A_84 = arith.constant 0 : i32
        %scan3A_85 = arith.constant 8 : i32
        %scan3A_86 = arith.addi %scan3A_84, %scan3A_85 : i32
        %scan3A_87 = arith.constant 1 : i32
        scf.for %scan3A_89 = %scan3A_84 to %scan3A_86 step %scan3A_87  : i32 {
          %mul3A_90 = arith.constant 2 : i32
          %mul3A_91 = arith.muli %mul3A_90, %scan3A_89 : i32
          %add3A = arith.constant 1 : i32
          %add3A_92 = arith.addi %mul3A_91, %add3A : i32
          %dma_start3A_93 = arith.constant 0 : i32
          %dma_start3A_94 = arith.constant 0 : i32
          %dma_start3A_95 = tpu.memref_slice %arg13[%dma_start3A_93, %dma_start3A_94] : memref<125x128xf32, #tpu.memory_space<vmem>> -> memref<25x128xf32, #tpu.memory_space<vmem>>
          %dma_start3A_96 = arith.constant 0 : i32
          %dma_start3A_97 = tpu.memref_slice %arg10[%add3A_92, %dma_start3A_96] : memref<16x125xi32, #tpu.memory_space<vmem>> -> memref<1x25xi32, #tpu.memory_space<vmem>>
          %dma_start3A_98 = tpu.memref_squeeze %dma_start3A_97 : memref<1x25xi32, #tpu.memory_space<vmem>> -> memref<25xi32, #tpu.memory_space<vmem>>
          %dma_start3A_99 = arith.constant 0 : i32
          %dma_start3A_100 = arith.constant 0 : i32
          %dma_start3A_101 = tpu.memref_slice %arg3[%dma_start3A_99, %dma_start3A_100] : memref<10000x128xf32, #tpu.memory_space<hbm>> -> memref<10000x128xf32, #tpu.memory_space<hbm>>
          tpu.enqueue_indirect_dma source(%dma_start3A_101 : memref<10000x128xf32, #tpu.memory_space<hbm>>) target(%dma_start3A_95 : memref<25x128xf32, #tpu.memory_space<vmem>>) offsets(%dma_start3A_98 : memref<25xi32, #tpu.memory_space<vmem>>) semaphore(%arg16 : memref<!tpu.dma_semaphore, #tpu.memory_space<semaphore_mem>>)
          %dma_start3A_102 = arith.constant 25 : i32
          %dma_start3A_103 = arith.constant 0 : i32
          %dma_start3A_104 = tpu.memref_slice %arg13[%dma_start3A_102, %dma_start3A_103] : memref<125x128xf32, #tpu.memory_space<vmem>> -> memref<25x128xf32, #tpu.memory_space<vmem>>
          %dma_start3A_105 = arith.constant 25 : i32
          %dma_start3A_106 = tpu.memref_slice %arg10[%add3A_92, %dma_start3A_105] : memref<16x125xi32, #tpu.memory_space<vmem>> -> memref<1x25xi32, #tpu.memory_space<vmem>>
          %dma_start3A_107 = tpu.memref_squeeze %dma_start3A_106 : memref<1x25xi32, #tpu.memory_space<vmem>> -> memref<25xi32, #tpu.memory_space<vmem>>
          %dma_start3A_108 = arith.constant 0 : i32
          %dma_start3A_109 = arith.constant 0 : i32
          %dma_start3A_110 = tpu.memref_slice %arg3[%dma_start3A_108, %dma_start3A_109] : memref<10000x128xf32, #tpu.memory_space<hbm>> -> memref<10000x128xf32, #tpu.memory_space<hbm>>
          tpu.enqueue_indirect_dma source(%dma_start3A_110 : memref<10000x128xf32, #tpu.memory_space<hbm>>) target(%dma_start3A_104 : memref<25x128xf32, #tpu.memory_space<vmem>>) offsets(%dma_start3A_107 : memref<25xi32, #tpu.memory_space<vmem>>) semaphore(%arg16 : memref<!tpu.dma_semaphore, #tpu.memory_space<semaphore_mem>>)
          %dma_start3A_111 = arith.constant 50 : i32
          %dma_start3A_112 = arith.constant 0 : i32
          %dma_start3A_113 = tpu.memref_slice %arg13[%dma_start3A_111, %dma_start3A_112] : memref<125x128xf32, #tpu.memory_space<vmem>> -> memref<25x128xf32, #tpu.memory_space<vmem>>
          %dma_start3A_114 = arith.constant 50 : i32
          %dma_start3A_115 = tpu.memref_slice %arg10[%add3A_92, %dma_start3A_114] : memref<16x125xi32, #tpu.memory_space<vmem>> -> memref<1x25xi32, #tpu.memory_space<vmem>>
          %dma_start3A_116 = tpu.memref_squeeze %dma_start3A_115 : memref<1x25xi32, #tpu.memory_space<vmem>> -> memref<25xi32, #tpu.memory_space<vmem>>
          %dma_start3A_117 = arith.constant 0 : i32
          %dma_start3A_118 = arith.constant 0 : i32
          %dma_start3A_119 = tpu.memref_slice %arg3[%dma_start3A_117, %dma_start3A_118] : memref<10000x128xf32, #tpu.memory_space<hbm>> -> memref<10000x128xf32, #tpu.memory_space<hbm>>
          tpu.enqueue_indirect_dma source(%dma_start3A_119 : memref<10000x128xf32, #tpu.memory_space<hbm>>) target(%dma_start3A_113 : memref<25x128xf32, #tpu.memory_space<vmem>>) offsets(%dma_start3A_116 : memref<25xi32, #tpu.memory_space<vmem>>) semaphore(%arg16 : memref<!tpu.dma_semaphore, #tpu.memory_space<semaphore_mem>>)
          %dma_start3A_120 = arith.constant 75 : i32
          %dma_start3A_121 = arith.constant 0 : i32
          %dma_start3A_122 = tpu.memref_slice %arg13[%dma_start3A_120, %dma_start3A_121] : memref<125x128xf32, #tpu.memory_space<vmem>> -> memref<25x128xf32, #tpu.memory_space<vmem>>
          %dma_start3A_123 = arith.constant 75 : i32
          %dma_start3A_124 = tpu.memref_slice %arg10[%add3A_92, %dma_start3A_123] : memref<16x125xi32, #tpu.memory_space<vmem>> -> memref<1x25xi32, #tpu.memory_space<vmem>>
          %dma_start3A_125 = tpu.memref_squeeze %dma_start3A_124 : memref<1x25xi32, #tpu.memory_space<vmem>> -> memref<25xi32, #tpu.memory_space<vmem>>
          %dma_start3A_126 = arith.constant 0 : i32
          %dma_start3A_127 = arith.constant 0 : i32
          %dma_start3A_128 = tpu.memref_slice %arg3[%dma_start3A_126, %dma_start3A_127] : memref<10000x128xf32, #tpu.memory_space<hbm>> -> memref<10000x128xf32, #tpu.memory_space<hbm>>
          tpu.enqueue_indirect_dma source(%dma_start3A_128 : memref<10000x128xf32, #tpu.memory_space<hbm>>) target(%dma_start3A_122 : memref<25x128xf32, #tpu.memory_space<vmem>>) offsets(%dma_start3A_125 : memref<25xi32, #tpu.memory_space<vmem>>) semaphore(%arg16 : memref<!tpu.dma_semaphore, #tpu.memory_space<semaphore_mem>>)
          %dma_start3A_129 = arith.constant 100 : i32
          %dma_start3A_130 = arith.constant 0 : i32
          %dma_start3A_131 = tpu.memref_slice %arg13[%dma_start3A_129, %dma_start3A_130] : memref<125x128xf32, #tpu.memory_space<vmem>> -> memref<25x128xf32, #tpu.memory_space<vmem>>
          %dma_start3A_132 = arith.constant 100 : i32
          %dma_start3A_133 = tpu.memref_slice %arg10[%add3A_92, %dma_start3A_132] : memref<16x125xi32, #tpu.memory_space<vmem>> -> memref<1x25xi32, #tpu.memory_space<vmem>>
          %dma_start3A_134 = tpu.memref_squeeze %dma_start3A_133 : memref<1x25xi32, #tpu.memory_space<vmem>> -> memref<25xi32, #tpu.memory_space<vmem>>
          %dma_start3A_135 = arith.constant 0 : i32
          %dma_start3A_136 = arith.constant 0 : i32
          %dma_start3A_137 = tpu.memref_slice %arg3[%dma_start3A_135, %dma_start3A_136] : memref<10000x128xf32, #tpu.memory_space<hbm>> -> memref<10000x128xf32, #tpu.memory_space<hbm>>
          tpu.enqueue_indirect_dma source(%dma_start3A_137 : memref<10000x128xf32, #tpu.memory_space<hbm>>) target(%dma_start3A_131 : memref<25x128xf32, #tpu.memory_space<vmem>>) offsets(%dma_start3A_134 : memref<25xi32, #tpu.memory_space<vmem>>) semaphore(%arg16 : memref<!tpu.dma_semaphore, #tpu.memory_space<semaphore_mem>>)
          %dma_wait3A = arith.constant 0 : i32
          %dma_wait3A_138 = arith.constant 0 : i32
          %dma_wait3A_139 = tpu.memref_slice %arg12[%dma_wait3A, %dma_wait3A_138] : memref<125x128xf32, #tpu.memory_space<vmem>> -> memref<25x128xf32, #tpu.memory_space<vmem>>
          %dma_wait3A_140 = arith.constant 0 : i32
          %dma_wait3A_141 = tpu.memref_slice %arg10[%mul3A_91, %dma_wait3A_140] : memref<16x125xi32, #tpu.memory_space<vmem>> -> memref<1x25xi32, #tpu.memory_space<vmem>>
          %dma_wait3A_142 = tpu.memref_squeeze %dma_wait3A_141 : memref<1x25xi32, #tpu.memory_space<vmem>> -> memref<25xi32, #tpu.memory_space<vmem>>
          %dma_wait3A_143 = arith.constant 0 : i32
          %dma_wait3A_144 = arith.constant 0 : i32
          %dma_wait3A_145 = tpu.memref_slice %arg3[%dma_wait3A_143, %dma_wait3A_144] : memref<10000x128xf32, #tpu.memory_space<hbm>> -> memref<10000x128xf32, #tpu.memory_space<hbm>>
          tpu.wait_indirect_dma semaphore(%arg15 : memref<!tpu.dma_semaphore, #tpu.memory_space<semaphore_mem>>) src(%dma_wait3A_145 : memref<10000x128xf32, #tpu.memory_space<hbm>>) dst(%dma_wait3A_139 : memref<25x128xf32, #tpu.memory_space<vmem>>)
          %dma_wait3A_146 = arith.constant 25 : i32
          %dma_wait3A_147 = arith.constant 0 : i32
          %dma_wait3A_148 = tpu.memref_slice %arg12[%dma_wait3A_146, %dma_wait3A_147] : memref<125x128xf32, #tpu.memory_space<vmem>> -> memref<25x128xf32, #tpu.memory_space<vmem>>
          %dma_wait3A_149 = arith.constant 25 : i32
          %dma_wait3A_150 = tpu.memref_slice %arg10[%mul3A_91, %dma_wait3A_149] : memref<16x125xi32, #tpu.memory_space<vmem>> -> memref<1x25xi32, #tpu.memory_space<vmem>>
          %dma_wait3A_151 = tpu.memref_squeeze %dma_wait3A_150 : memref<1x25xi32, #tpu.memory_space<vmem>> -> memref<25xi32, #tpu.memory_space<vmem>>
          %dma_wait3A_152 = arith.constant 0 : i32
          %dma_wait3A_153 = arith.constant 0 : i32
          %dma_wait3A_154 = tpu.memref_slice %arg3[%dma_wait3A_152, %dma_wait3A_153] : memref<10000x128xf32, #tpu.memory_space<hbm>> -> memref<10000x128xf32, #tpu.memory_space<hbm>>
          tpu.wait_indirect_dma semaphore(%arg15 : memref<!tpu.dma_semaphore, #tpu.memory_space<semaphore_mem>>) src(%dma_wait3A_154 : memref<10000x128xf32, #tpu.memory_space<hbm>>) dst(%dma_wait3A_148 : memref<25x128xf32, #tpu.memory_space<vmem>>)
          %dma_wait3A_155 = arith.constant 50 : i32
          %dma_wait3A_156 = arith.constant 0 : i32
          %dma_wait3A_157 = tpu.memref_slice %arg12[%dma_wait3A_155, %dma_wait3A_156] : memref<125x128xf32, #tpu.memory_space<vmem>> -> memref<25x128xf32, #tpu.memory_space<vmem>>
          %dma_wait3A_158 = arith.constant 50 : i32
          %dma_wait3A_159 = tpu.memref_slice %arg10[%mul3A_91, %dma_wait3A_158] : memref<16x125xi32, #tpu.memory_space<vmem>> -> memref<1x25xi32, #tpu.memory_space<vmem>>
          %dma_wait3A_160 = tpu.memref_squeeze %dma_wait3A_159 : memref<1x25xi32, #tpu.memory_space<vmem>> -> memref<25xi32, #tpu.memory_space<vmem>>
          %dma_wait3A_161 = arith.constant 0 : i32
          %dma_wait3A_162 = arith.constant 0 : i32
          %dma_wait3A_163 = tpu.memref_slice %arg3[%dma_wait3A_161, %dma_wait3A_162] : memref<10000x128xf32, #tpu.memory_space<hbm>> -> memref<10000x128xf32, #tpu.memory_space<hbm>>
          tpu.wait_indirect_dma semaphore(%arg15 : memref<!tpu.dma_semaphore, #tpu.memory_space<semaphore_mem>>) src(%dma_wait3A_163 : memref<10000x128xf32, #tpu.memory_space<hbm>>) dst(%dma_wait3A_157 : memref<25x128xf32, #tpu.memory_space<vmem>>)
          %dma_wait3A_164 = arith.constant 75 : i32
          %dma_wait3A_165 = arith.constant 0 : i32
          %dma_wait3A_166 = tpu.memref_slice %arg12[%dma_wait3A_164, %dma_wait3A_165] : memref<125x128xf32, #tpu.memory_space<vmem>> -> memref<25x128xf32, #tpu.memory_space<vmem>>
          %dma_wait3A_167 = arith.constant 75 : i32
          %dma_wait3A_168 = tpu.memref_slice %arg10[%mul3A_91, %dma_wait3A_167] : memref<16x125xi32, #tpu.memory_space<vmem>> -> memref<1x25xi32, #tpu.memory_space<vmem>>
          %dma_wait3A_169 = tpu.memref_squeeze %dma_wait3A_168 : memref<1x25xi32, #tpu.memory_space<vmem>> -> memref<25xi32, #tpu.memory_space<vmem>>
          %dma_wait3A_170 = arith.constant 0 : i32
          %dma_wait3A_171 = arith.constant 0 : i32
          %dma_wait3A_172 = tpu.memref_slice %arg3[%dma_wait3A_170, %dma_wait3A_171] : memref<10000x128xf32, #tpu.memory_space<hbm>> -> memref<10000x128xf32, #tpu.memory_space<hbm>>
          tpu.wait_indirect_dma semaphore(%arg15 : memref<!tpu.dma_semaphore, #tpu.memory_space<semaphore_mem>>) src(%dma_wait3A_172 : memref<10000x128xf32, #tpu.memory_space<hbm>>) dst(%dma_wait3A_166 : memref<25x128xf32, #tpu.memory_space<vmem>>)
          %dma_wait3A_173 = arith.constant 100 : i32
          %dma_wait3A_174 = arith.constant 0 : i32
          %dma_wait3A_175 = tpu.memref_slice %arg12[%dma_wait3A_173, %dma_wait3A_174] : memref<125x128xf32, #tpu.memory_space<vmem>> -> memref<25x128xf32, #tpu.memory_space<vmem>>
          %dma_wait3A_176 = arith.constant 100 : i32
          %dma_wait3A_177 = tpu.memref_slice %arg10[%mul3A_91, %dma_wait3A_176] : memref<16x125xi32, #tpu.memory_space<vmem>> -> memref<1x25xi32, #tpu.memory_space<vmem>>
          %dma_wait3A_178 = tpu.memref_squeeze %dma_wait3A_177 : memref<1x25xi32, #tpu.memory_space<vmem>> -> memref<25xi32, #tpu.memory_space<vmem>>
          %dma_wait3A_179 = arith.constant 0 : i32
          %dma_wait3A_180 = arith.constant 0 : i32
          %dma_wait3A_181 = tpu.memref_slice %arg3[%dma_wait3A_179, %dma_wait3A_180] : memref<10000x128xf32, #tpu.memory_space<hbm>> -> memref<10000x128xf32, #tpu.memory_space<hbm>>
          tpu.wait_indirect_dma semaphore(%arg15 : memref<!tpu.dma_semaphore, #tpu.memory_space<semaphore_mem>>) src(%dma_wait3A_181 : memref<10000x128xf32, #tpu.memory_space<hbm>>) dst(%dma_wait3A_175 : memref<25x128xf32, #tpu.memory_space<vmem>>)
          %mul3A_182 = arith.constant 5 : i32
          %mul3A_183 = arith.muli %mul3A_91, %mul3A_182 : i32
          %add3A_184 = arith.constant 0 : i32
          %add3A_185 = arith.addi %mul3A_183, %add3A_184 : i32
          %dma_start3A_186 = arith.constant 0 : i32
          %dma_start3A_187 = arith.constant 0 : i32
          %dma_start3A_188 = tpu.memref_slice %arg12[%dma_start3A_186, %dma_start3A_187] : memref<125x128xf32, #tpu.memory_space<vmem>> -> memref<25x128xf32, #tpu.memory_space<vmem>>
          %dma_start3A_189 = arith.constant 0 : i32
          %dma_start3A_190 = tpu.memref_slice %arg11[%add3A_185, %dma_start3A_189] : memref<80x25xi32, #tpu.memory_space<vmem>> -> memref<1x25xi32, #tpu.memory_space<vmem>>
          %dma_start3A_191 = tpu.memref_squeeze %dma_start3A_190 : memref<1x25xi32, #tpu.memory_space<vmem>> -> memref<25xi32, #tpu.memory_space<vmem>>
          %dma_start3A_192 = arith.constant 0 : i32
          %dma_start3A_193 = arith.constant 0 : i32
          %dma_start3A_194 = tpu.memref_slice %arg14[%dma_start3A_192, %dma_start3A_193] : memref<10000x128xf32, #tpu.memory_space<vmem_shared>> -> memref<10000x128xf32, #tpu.memory_space<vmem_shared>>
          tpu.enqueue_indirect_dma source(%dma_start3A_188 : memref<25x128xf32, #tpu.memory_space<vmem>>) target(%dma_start3A_194 : memref<10000x128xf32, #tpu.memory_space<vmem_shared>>) offsets(%dma_start3A_191 : memref<25xi32, #tpu.memory_space<vmem>>) semaphore(%arg15 : memref<!tpu.dma_semaphore, #tpu.memory_space<semaphore_mem>>) {add = true}
          %mul3A_195 = arith.constant 5 : i32
          %mul3A_196 = arith.muli %mul3A_91, %mul3A_195 : i32
          %add3A_197 = arith.constant 1 : i32
          %add3A_198 = arith.addi %mul3A_196, %add3A_197 : i32
          %dma_start3A_199 = arith.constant 25 : i32
          %dma_start3A_200 = arith.constant 0 : i32
          %dma_start3A_201 = tpu.memref_slice %arg12[%dma_start3A_199, %dma_start3A_200] : memref<125x128xf32, #tpu.memory_space<vmem>> -> memref<25x128xf32, #tpu.memory_space<vmem>>
          %dma_start3A_202 = arith.constant 0 : i32
          %dma_start3A_203 = tpu.memref_slice %arg11[%add3A_198, %dma_start3A_202] : memref<80x25xi32, #tpu.memory_space<vmem>> -> memref<1x25xi32, #tpu.memory_space<vmem>>
          %dma_start3A_204 = tpu.memref_squeeze %dma_start3A_203 : memref<1x25xi32, #tpu.memory_space<vmem>> -> memref<25xi32, #tpu.memory_space<vmem>>
          %dma_start3A_205 = arith.constant 0 : i32
          %dma_start3A_206 = arith.constant 0 : i32
          %dma_start3A_207 = tpu.memref_slice %arg14[%dma_start3A_205, %dma_start3A_206] : memref<10000x128xf32, #tpu.memory_space<vmem_shared>> -> memref<10000x128xf32, #tpu.memory_space<vmem_shared>>
          tpu.enqueue_indirect_dma source(%dma_start3A_201 : memref<25x128xf32, #tpu.memory_space<vmem>>) target(%dma_start3A_207 : memref<10000x128xf32, #tpu.memory_space<vmem_shared>>) offsets(%dma_start3A_204 : memref<25xi32, #tpu.memory_space<vmem>>) semaphore(%arg15 : memref<!tpu.dma_semaphore, #tpu.memory_space<semaphore_mem>>) {add = true}
          %mul3A_208 = arith.constant 5 : i32
          %mul3A_209 = arith.muli %mul3A_91, %mul3A_208 : i32
          %add3A_210 = arith.constant 2 : i32
          %add3A_211 = arith.addi %mul3A_209, %add3A_210 : i32
          %dma_start3A_212 = arith.constant 50 : i32
          %dma_start3A_213 = arith.constant 0 : i32
          %dma_start3A_214 = tpu.memref_slice %arg12[%dma_start3A_212, %dma_start3A_213] : memref<125x128xf32, #tpu.memory_space<vmem>> -> memref<25x128xf32, #tpu.memory_space<vmem>>
          %dma_start3A_215 = arith.constant 0 : i32
          %dma_start3A_216 = tpu.memref_slice %arg11[%add3A_211, %dma_start3A_215] : memref<80x25xi32, #tpu.memory_space<vmem>> -> memref<1x25xi32, #tpu.memory_space<vmem>>
          %dma_start3A_217 = tpu.memref_squeeze %dma_start3A_216 : memref<1x25xi32, #tpu.memory_space<vmem>> -> memref<25xi32, #tpu.memory_space<vmem>>
          %dma_start3A_218 = arith.constant 0 : i32
          %dma_start3A_219 = arith.constant 0 : i32
          %dma_start3A_220 = tpu.memref_slice %arg14[%dma_start3A_218, %dma_start3A_219] : memref<10000x128xf32, #tpu.memory_space<vmem_shared>> -> memref<10000x128xf32, #tpu.memory_space<vmem_shared>>
          tpu.enqueue_indirect_dma source(%dma_start3A_214 : memref<25x128xf32, #tpu.memory_space<vmem>>) target(%dma_start3A_220 : memref<10000x128xf32, #tpu.memory_space<vmem_shared>>) offsets(%dma_start3A_217 : memref<25xi32, #tpu.memory_space<vmem>>) semaphore(%arg15 : memref<!tpu.dma_semaphore, #tpu.memory_space<semaphore_mem>>) {add = true}
          %mul3A_221 = arith.constant 5 : i32
          %mul3A_222 = arith.muli %mul3A_91, %mul3A_221 : i32
          %add3A_223 = arith.constant 3 : i32
          %add3A_224 = arith.addi %mul3A_222, %add3A_223 : i32
          %dma_start3A_225 = arith.constant 75 : i32
          %dma_start3A_226 = arith.constant 0 : i32
          %dma_start3A_227 = tpu.memref_slice %arg12[%dma_start3A_225, %dma_start3A_226] : memref<125x128xf32, #tpu.memory_space<vmem>> -> memref<25x128xf32, #tpu.memory_space<vmem>>
          %dma_start3A_228 = arith.constant 0 : i32
          %dma_start3A_229 = tpu.memref_slice %arg11[%add3A_224, %dma_start3A_228] : memref<80x25xi32, #tpu.memory_space<vmem>> -> memref<1x25xi32, #tpu.memory_space<vmem>>
          %dma_start3A_230 = tpu.memref_squeeze %dma_start3A_229 : memref<1x25xi32, #tpu.memory_space<vmem>> -> memref<25xi32, #tpu.memory_space<vmem>>
          %dma_start3A_231 = arith.constant 0 : i32
          %dma_start3A_232 = arith.constant 0 : i32
          %dma_start3A_233 = tpu.memref_slice %arg14[%dma_start3A_231, %dma_start3A_232] : memref<10000x128xf32, #tpu.memory_space<vmem_shared>> -> memref<10000x128xf32, #tpu.memory_space<vmem_shared>>
          tpu.enqueue_indirect_dma source(%dma_start3A_227 : memref<25x128xf32, #tpu.memory_space<vmem>>) target(%dma_start3A_233 : memref<10000x128xf32, #tpu.memory_space<vmem_shared>>) offsets(%dma_start3A_230 : memref<25xi32, #tpu.memory_space<vmem>>) semaphore(%arg15 : memref<!tpu.dma_semaphore, #tpu.memory_space<semaphore_mem>>) {add = true}
          %mul3A_234 = arith.constant 5 : i32
          %mul3A_235 = arith.muli %mul3A_91, %mul3A_234 : i32
          %add3A_236 = arith.constant 4 : i32
          %add3A_237 = arith.addi %mul3A_235, %add3A_236 : i32
          %dma_start3A_238 = arith.constant 100 : i32
          %dma_start3A_239 = arith.constant 0 : i32
          %dma_start3A_240 = tpu.memref_slice %arg12[%dma_start3A_238, %dma_start3A_239] : memref<125x128xf32, #tpu.memory_space<vmem>> -> memref<25x128xf32, #tpu.memory_space<vmem>>
          %dma_start3A_241 = arith.constant 0 : i32
          %dma_start3A_242 = tpu.memref_slice %arg11[%add3A_237, %dma_start3A_241] : memref<80x25xi32, #tpu.memory_space<vmem>> -> memref<1x25xi32, #tpu.memory_space<vmem>>
          %dma_start3A_243 = tpu.memref_squeeze %dma_start3A_242 : memref<1x25xi32, #tpu.memory_space<vmem>> -> memref<25xi32, #tpu.memory_space<vmem>>
          %dma_start3A_244 = arith.constant 0 : i32
          %dma_start3A_245 = arith.constant 0 : i32
          %dma_start3A_246 = tpu.memref_slice %arg14[%dma_start3A_244, %dma_start3A_245] : memref<10000x128xf32, #tpu.memory_space<vmem_shared>> -> memref<10000x128xf32, #tpu.memory_space<vmem_shared>>
          tpu.enqueue_indirect_dma source(%dma_start3A_240 : memref<25x128xf32, #tpu.memory_space<vmem>>) target(%dma_start3A_246 : memref<10000x128xf32, #tpu.memory_space<vmem_shared>>) offsets(%dma_start3A_243 : memref<25xi32, #tpu.memory_space<vmem>>) semaphore(%arg15 : memref<!tpu.dma_semaphore, #tpu.memory_space<semaphore_mem>>) {add = true}
          %mul3A_247 = arith.constant 5 : i32
          %mul3A_248 = arith.muli %mul3A_91, %mul3A_247 : i32
          %add3A_249 = arith.constant 0 : i32
          %add3A_250 = arith.addi %mul3A_248, %add3A_249 : i32
          %dma_wait3A_251 = arith.constant 0 : i32
          %dma_wait3A_252 = arith.constant 0 : i32
          %dma_wait3A_253 = tpu.memref_slice %arg12[%dma_wait3A_251, %dma_wait3A_252] : memref<125x128xf32, #tpu.memory_space<vmem>> -> memref<25x128xf32, #tpu.memory_space<vmem>>
          %dma_wait3A_254 = arith.constant 0 : i32
          %dma_wait3A_255 = tpu.memref_slice %arg11[%add3A_250, %dma_wait3A_254] : memref<80x25xi32, #tpu.memory_space<vmem>> -> memref<1x25xi32, #tpu.memory_space<vmem>>
          %dma_wait3A_256 = tpu.memref_squeeze %dma_wait3A_255 : memref<1x25xi32, #tpu.memory_space<vmem>> -> memref<25xi32, #tpu.memory_space<vmem>>
          %dma_wait3A_257 = arith.constant 0 : i32
          %dma_wait3A_258 = arith.constant 0 : i32
          %dma_wait3A_259 = tpu.memref_slice %arg14[%dma_wait3A_257, %dma_wait3A_258] : memref<10000x128xf32, #tpu.memory_space<vmem_shared>> -> memref<10000x128xf32, #tpu.memory_space<vmem_shared>>
          tpu.wait_indirect_dma semaphore(%arg15 : memref<!tpu.dma_semaphore, #tpu.memory_space<semaphore_mem>>) src(%dma_wait3A_253 : memref<25x128xf32, #tpu.memory_space<vmem>>) dst(%dma_wait3A_259 : memref<10000x128xf32, #tpu.memory_space<vmem_shared>>)
          %mul3A_260 = arith.constant 5 : i32
          %mul3A_261 = arith.muli %mul3A_91, %mul3A_260 : i32
          %add3A_262 = arith.constant 1 : i32
          %add3A_263 = arith.addi %mul3A_261, %add3A_262 : i32
          %dma_wait3A_264 = arith.constant 25 : i32
          %dma_wait3A_265 = arith.constant 0 : i32
          %dma_wait3A_266 = tpu.memref_slice %arg12[%dma_wait3A_264, %dma_wait3A_265] : memref<125x128xf32, #tpu.memory_space<vmem>> -> memref<25x128xf32, #tpu.memory_space<vmem>>
          %dma_wait3A_267 = arith.constant 0 : i32
          %dma_wait3A_268 = tpu.memref_slice %arg11[%add3A_263, %dma_wait3A_267] : memref<80x25xi32, #tpu.memory_space<vmem>> -> memref<1x25xi32, #tpu.memory_space<vmem>>
          %dma_wait3A_269 = tpu.memref_squeeze %dma_wait3A_268 : memref<1x25xi32, #tpu.memory_space<vmem>> -> memref<25xi32, #tpu.memory_space<vmem>>
          %dma_wait3A_270 = arith.constant 0 : i32
          %dma_wait3A_271 = arith.constant 0 : i32
          %dma_wait3A_272 = tpu.memref_slice %arg14[%dma_wait3A_270, %dma_wait3A_271] : memref<10000x128xf32, #tpu.memory_space<vmem_shared>> -> memref<10000x128xf32, #tpu.memory_space<vmem_shared>>
          tpu.wait_indirect_dma semaphore(%arg15 : memref<!tpu.dma_semaphore, #tpu.memory_space<semaphore_mem>>) src(%dma_wait3A_266 : memref<25x128xf32, #tpu.memory_space<vmem>>) dst(%dma_wait3A_272 : memref<10000x128xf32, #tpu.memory_space<vmem_shared>>)
          %mul3A_273 = arith.constant 5 : i32
          %mul3A_274 = arith.muli %mul3A_91, %mul3A_273 : i32
          %add3A_275 = arith.constant 2 : i32
          %add3A_276 = arith.addi %mul3A_274, %add3A_275 : i32
          %dma_wait3A_277 = arith.constant 50 : i32
          %dma_wait3A_278 = arith.constant 0 : i32
          %dma_wait3A_279 = tpu.memref_slice %arg12[%dma_wait3A_277, %dma_wait3A_278] : memref<125x128xf32, #tpu.memory_space<vmem>> -> memref<25x128xf32, #tpu.memory_space<vmem>>
          %dma_wait3A_280 = arith.constant 0 : i32
          %dma_wait3A_281 = tpu.memref_slice %arg11[%add3A_276, %dma_wait3A_280] : memref<80x25xi32, #tpu.memory_space<vmem>> -> memref<1x25xi32, #tpu.memory_space<vmem>>
          %dma_wait3A_282 = tpu.memref_squeeze %dma_wait3A_281 : memref<1x25xi32, #tpu.memory_space<vmem>> -> memref<25xi32, #tpu.memory_space<vmem>>
          %dma_wait3A_283 = arith.constant 0 : i32
          %dma_wait3A_284 = arith.constant 0 : i32
          %dma_wait3A_285 = tpu.memref_slice %arg14[%dma_wait3A_283, %dma_wait3A_284] : memref<10000x128xf32, #tpu.memory_space<vmem_shared>> -> memref<10000x128xf32, #tpu.memory_space<vmem_shared>>
          tpu.wait_indirect_dma semaphore(%arg15 : memref<!tpu.dma_semaphore, #tpu.memory_space<semaphore_mem>>) src(%dma_wait3A_279 : memref<25x128xf32, #tpu.memory_space<vmem>>) dst(%dma_wait3A_285 : memref<10000x128xf32, #tpu.memory_space<vmem_shared>>)
          %mul3A_286 = arith.constant 5 : i32
          %mul3A_287 = arith.muli %mul3A_91, %mul3A_286 : i32
          %add3A_288 = arith.constant 3 : i32
          %add3A_289 = arith.addi %mul3A_287, %add3A_288 : i32
          %dma_wait3A_290 = arith.constant 75 : i32
          %dma_wait3A_291 = arith.constant 0 : i32
          %dma_wait3A_292 = tpu.memref_slice %arg12[%dma_wait3A_290, %dma_wait3A_291] : memref<125x128xf32, #tpu.memory_space<vmem>> -> memref<25x128xf32, #tpu.memory_space<vmem>>
          %dma_wait3A_293 = arith.constant 0 : i32
          %dma_wait3A_294 = tpu.memref_slice %arg11[%add3A_289, %dma_wait3A_293] : memref<80x25xi32, #tpu.memory_space<vmem>> -> memref<1x25xi32, #tpu.memory_space<vmem>>
          %dma_wait3A_295 = tpu.memref_squeeze %dma_wait3A_294 : memref<1x25xi32, #tpu.memory_space<vmem>> -> memref<25xi32, #tpu.memory_space<vmem>>
          %dma_wait3A_296 = arith.constant 0 : i32
          %dma_wait3A_297 = arith.constant 0 : i32
          %dma_wait3A_298 = tpu.memref_slice %arg14[%dma_wait3A_296, %dma_wait3A_297] : memref<10000x128xf32, #tpu.memory_space<vmem_shared>> -> memref<10000x128xf32, #tpu.memory_space<vmem_shared>>
          tpu.wait_indirect_dma semaphore(%arg15 : memref<!tpu.dma_semaphore, #tpu.memory_space<semaphore_mem>>) src(%dma_wait3A_292 : memref<25x128xf32, #tpu.memory_space<vmem>>) dst(%dma_wait3A_298 : memref<10000x128xf32, #tpu.memory_space<vmem_shared>>)
          %mul3A_299 = arith.constant 5 : i32
          %mul3A_300 = arith.muli %mul3A_91, %mul3A_299 : i32
          %add3A_301 = arith.constant 4 : i32
          %add3A_302 = arith.addi %mul3A_300, %add3A_301 : i32
          %dma_wait3A_303 = arith.constant 100 : i32
          %dma_wait3A_304 = arith.constant 0 : i32
          %dma_wait3A_305 = tpu.memref_slice %arg12[%dma_wait3A_303, %dma_wait3A_304] : memref<125x128xf32, #tpu.memory_space<vmem>> -> memref<25x128xf32, #tpu.memory_space<vmem>>
          %dma_wait3A_306 = arith.constant 0 : i32
          %dma_wait3A_307 = tpu.memref_slice %arg11[%add3A_302, %dma_wait3A_306] : memref<80x25xi32, #tpu.memory_space<vmem>> -> memref<1x25xi32, #tpu.memory_space<vmem>>
          %dma_wait3A_308 = tpu.memref_squeeze %dma_wait3A_307 : memref<1x25xi32, #tpu.memory_space<vmem>> -> memref<25xi32, #tpu.memory_space<vmem>>
          %dma_wait3A_309 = arith.constant 0 : i32
          %dma_wait3A_310 = arith.constant 0 : i32
          %dma_wait3A_311 = tpu.memref_slice %arg14[%dma_wait3A_309, %dma_wait3A_310] : memref<10000x128xf32, #tpu.memory_space<vmem_shared>> -> memref<10000x128xf32, #tpu.memory_space<vmem_shared>>
          tpu.wait_indirect_dma semaphore(%arg15 : memref<!tpu.dma_semaphore, #tpu.memory_space<semaphore_mem>>) src(%dma_wait3A_305 : memref<25x128xf32, #tpu.memory_space<vmem>>) dst(%dma_wait3A_311 : memref<10000x128xf32, #tpu.memory_space<vmem_shared>>)
          %lt3A_312 = arith.constant 7 : i32
          %lt3A_313 = arith.cmpi slt, %scan3A_89, %lt3A_312 : i32
          %convert_element_type3A_314 = arith.extui %lt3A_313 : i1 to i32
          %cond3A_315 = arith.constant 0 : i32
          %cond3A_316 = arith.cmpi ne, %convert_element_type3A_314, %cond3A_315 : i32
          scf.if %cond3A_316 {
            %add3A_496 = arith.constant 2 : i32
            %add3A_497 = arith.addi %mul3A_91, %add3A_496 : i32
            %dma_start3A_498 = arith.constant 0 : i32
            %dma_start3A_499 = arith.constant 0 : i32
            %dma_start3A_500 = tpu.memref_slice %arg12[%dma_start3A_498, %dma_start3A_499] : memref<125x128xf32, #tpu.memory_space<vmem>> -> memref<25x128xf32, #tpu.memory_space<vmem>>
            %dma_start3A_501 = arith.constant 0 : i32
            %dma_start3A_502 = tpu.memref_slice %arg10[%add3A_497, %dma_start3A_501] : memref<16x125xi32, #tpu.memory_space<vmem>> -> memref<1x25xi32, #tpu.memory_space<vmem>>
            %dma_start3A_503 = tpu.memref_squeeze %dma_start3A_502 : memref<1x25xi32, #tpu.memory_space<vmem>> -> memref<25xi32, #tpu.memory_space<vmem>>
            %dma_start3A_504 = arith.constant 0 : i32
            %dma_start3A_505 = arith.constant 0 : i32
            %dma_start3A_506 = tpu.memref_slice %arg3[%dma_start3A_504, %dma_start3A_505] : memref<10000x128xf32, #tpu.memory_space<hbm>> -> memref<10000x128xf32, #tpu.memory_space<hbm>>
            tpu.enqueue_indirect_dma source(%dma_start3A_506 : memref<10000x128xf32, #tpu.memory_space<hbm>>) target(%dma_start3A_500 : memref<25x128xf32, #tpu.memory_space<vmem>>) offsets(%dma_start3A_503 : memref<25xi32, #tpu.memory_space<vmem>>) semaphore(%arg15 : memref<!tpu.dma_semaphore, #tpu.memory_space<semaphore_mem>>)
            %dma_start3A_507 = arith.constant 25 : i32
            %dma_start3A_508 = arith.constant 0 : i32
            %dma_start3A_509 = tpu.memref_slice %arg12[%dma_start3A_507, %dma_start3A_508] : memref<125x128xf32, #tpu.memory_space<vmem>> -> memref<25x128xf32, #tpu.memory_space<vmem>>
            %dma_start3A_510 = arith.constant 25 : i32
            %dma_start3A_511 = tpu.memref_slice %arg10[%add3A_497, %dma_start3A_510] : memref<16x125xi32, #tpu.memory_space<vmem>> -> memref<1x25xi32, #tpu.memory_space<vmem>>
            %dma_start3A_512 = tpu.memref_squeeze %dma_start3A_511 : memref<1x25xi32, #tpu.memory_space<vmem>> -> memref<25xi32, #tpu.memory_space<vmem>>
            %dma_start3A_513 = arith.constant 0 : i32
            %dma_start3A_514 = arith.constant 0 : i32
            %dma_start3A_515 = tpu.memref_slice %arg3[%dma_start3A_513, %dma_start3A_514] : memref<10000x128xf32, #tpu.memory_space<hbm>> -> memref<10000x128xf32, #tpu.memory_space<hbm>>
            tpu.enqueue_indirect_dma source(%dma_start3A_515 : memref<10000x128xf32, #tpu.memory_space<hbm>>) target(%dma_start3A_509 : memref<25x128xf32, #tpu.memory_space<vmem>>) offsets(%dma_start3A_512 : memref<25xi32, #tpu.memory_space<vmem>>) semaphore(%arg15 : memref<!tpu.dma_semaphore, #tpu.memory_space<semaphore_mem>>)
            %dma_start3A_516 = arith.constant 50 : i32
            %dma_start3A_517 = arith.constant 0 : i32
            %dma_start3A_518 = tpu.memref_slice %arg12[%dma_start3A_516, %dma_start3A_517] : memref<125x128xf32, #tpu.memory_space<vmem>> -> memref<25x128xf32, #tpu.memory_space<vmem>>
            %dma_start3A_519 = arith.constant 50 : i32
            %dma_start3A_520 = tpu.memref_slice %arg10[%add3A_497, %dma_start3A_519] : memref<16x125xi32, #tpu.memory_space<vmem>> -> memref<1x25xi32, #tpu.memory_space<vmem>>
            %dma_start3A_521 = tpu.memref_squeeze %dma_start3A_520 : memref<1x25xi32, #tpu.memory_space<vmem>> -> memref<25xi32, #tpu.memory_space<vmem>>
            %dma_start3A_522 = arith.constant 0 : i32
            %dma_start3A_523 = arith.constant 0 : i32
            %dma_start3A_524 = tpu.memref_slice %arg3[%dma_start3A_522, %dma_start3A_523] : memref<10000x128xf32, #tpu.memory_space<hbm>> -> memref<10000x128xf32, #tpu.memory_space<hbm>>
            tpu.enqueue_indirect_dma source(%dma_start3A_524 : memref<10000x128xf32, #tpu.memory_space<hbm>>) target(%dma_start3A_518 : memref<25x128xf32, #tpu.memory_space<vmem>>) offsets(%dma_start3A_521 : memref<25xi32, #tpu.memory_space<vmem>>) semaphore(%arg15 : memref<!tpu.dma_semaphore, #tpu.memory_space<semaphore_mem>>)
            %dma_start3A_525 = arith.constant 75 : i32
            %dma_start3A_526 = arith.constant 0 : i32
            %dma_start3A_527 = tpu.memref_slice %arg12[%dma_start3A_525, %dma_start3A_526] : memref<125x128xf32, #tpu.memory_space<vmem>> -> memref<25x128xf32, #tpu.memory_space<vmem>>
            %dma_start3A_528 = arith.constant 75 : i32
            %dma_start3A_529 = tpu.memref_slice %arg10[%add3A_497, %dma_start3A_528] : memref<16x125xi32, #tpu.memory_space<vmem>> -> memref<1x25xi32, #tpu.memory_space<vmem>>
            %dma_start3A_530 = tpu.memref_squeeze %dma_start3A_529 : memref<1x25xi32, #tpu.memory_space<vmem>> -> memref<25xi32, #tpu.memory_space<vmem>>
            %dma_start3A_531 = arith.constant 0 : i32
            %dma_start3A_532 = arith.constant 0 : i32
            %dma_start3A_533 = tpu.memref_slice %arg3[%dma_start3A_531, %dma_start3A_532] : memref<10000x128xf32, #tpu.memory_space<hbm>> -> memref<10000x128xf32, #tpu.memory_space<hbm>>
            tpu.enqueue_indirect_dma source(%dma_start3A_533 : memref<10000x128xf32, #tpu.memory_space<hbm>>) target(%dma_start3A_527 : memref<25x128xf32, #tpu.memory_space<vmem>>) offsets(%dma_start3A_530 : memref<25xi32, #tpu.memory_space<vmem>>) semaphore(%arg15 : memref<!tpu.dma_semaphore, #tpu.memory_space<semaphore_mem>>)
            %dma_start3A_534 = arith.constant 100 : i32
            %dma_start3A_535 = arith.constant 0 : i32
            %dma_start3A_536 = tpu.memref_slice %arg12[%dma_start3A_534, %dma_start3A_535] : memref<125x128xf32, #tpu.memory_space<vmem>> -> memref<25x128xf32, #tpu.memory_space<vmem>>
            %dma_start3A_537 = arith.constant 100 : i32
            %dma_start3A_538 = tpu.memref_slice %arg10[%add3A_497, %dma_start3A_537] : memref<16x125xi32, #tpu.memory_space<vmem>> -> memref<1x25xi32, #tpu.memory_space<vmem>>
            %dma_start3A_539 = tpu.memref_squeeze %dma_start3A_538 : memref<1x25xi32, #tpu.memory_space<vmem>> -> memref<25xi32, #tpu.memory_space<vmem>>
            %dma_start3A_540 = arith.constant 0 : i32
            %dma_start3A_541 = arith.constant 0 : i32
            %dma_start3A_542 = tpu.memref_slice %arg3[%dma_start3A_540, %dma_start3A_541] : memref<10000x128xf32, #tpu.memory_space<hbm>> -> memref<10000x128xf32, #tpu.memory_space<hbm>>
            tpu.enqueue_indirect_dma source(%dma_start3A_542 : memref<10000x128xf32, #tpu.memory_space<hbm>>) target(%dma_start3A_536 : memref<25x128xf32, #tpu.memory_space<vmem>>) offsets(%dma_start3A_539 : memref<25xi32, #tpu.memory_space<vmem>>) semaphore(%arg15 : memref<!tpu.dma_semaphore, #tpu.memory_space<semaphore_mem>>)
          } else {
          }
          %add3A_317 = arith.constant 1 : i32
          %add3A_318 = arith.addi %mul3A_91, %add3A_317 : i32
          %dma_wait3A_319 = arith.constant 0 : i32
          %dma_wait3A_320 = arith.constant 0 : i32
          %dma_wait3A_321 = tpu.memref_slice %arg13[%dma_wait3A_319, %dma_wait3A_320] : memref<125x128xf32, #tpu.memory_space<vmem>> -> memref<25x128xf32, #tpu.memory_space<vmem>>
          %dma_wait3A_322 = arith.constant 0 : i32
          %dma_wait3A_323 = tpu.memref_slice %arg10[%add3A_318, %dma_wait3A_322] : memref<16x125xi32, #tpu.memory_space<vmem>> -> memref<1x25xi32, #tpu.memory_space<vmem>>
          %dma_wait3A_324 = tpu.memref_squeeze %dma_wait3A_323 : memref<1x25xi32, #tpu.memory_space<vmem>> -> memref<25xi32, #tpu.memory_space<vmem>>
          %dma_wait3A_325 = arith.constant 0 : i32
          %dma_wait3A_326 = arith.constant 0 : i32
          %dma_wait3A_327 = tpu.memref_slice %arg3[%dma_wait3A_325, %dma_wait3A_326] : memref<10000x128xf32, #tpu.memory_space<hbm>> -> memref<10000x128xf32, #tpu.memory_space<hbm>>
          tpu.wait_indirect_dma semaphore(%arg16 : memref<!tpu.dma_semaphore, #tpu.memory_space<semaphore_mem>>) src(%dma_wait3A_327 : memref<10000x128xf32, #tpu.memory_space<hbm>>) dst(%dma_wait3A_321 : memref<25x128xf32, #tpu.memory_space<vmem>>)
          %dma_wait3A_328 = arith.constant 25 : i32
          %dma_wait3A_329 = arith.constant 0 : i32
          %dma_wait3A_330 = tpu.memref_slice %arg13[%dma_wait3A_328, %dma_wait3A_329] : memref<125x128xf32, #tpu.memory_space<vmem>> -> memref<25x128xf32, #tpu.memory_space<vmem>>
          %dma_wait3A_331 = arith.constant 25 : i32
          %dma_wait3A_332 = tpu.memref_slice %arg10[%add3A_318, %dma_wait3A_331] : memref<16x125xi32, #tpu.memory_space<vmem>> -> memref<1x25xi32, #tpu.memory_space<vmem>>
          %dma_wait3A_333 = tpu.memref_squeeze %dma_wait3A_332 : memref<1x25xi32, #tpu.memory_space<vmem>> -> memref<25xi32, #tpu.memory_space<vmem>>
          %dma_wait3A_334 = arith.constant 0 : i32
          %dma_wait3A_335 = arith.constant 0 : i32
          %dma_wait3A_336 = tpu.memref_slice %arg3[%dma_wait3A_334, %dma_wait3A_335] : memref<10000x128xf32, #tpu.memory_space<hbm>> -> memref<10000x128xf32, #tpu.memory_space<hbm>>
          tpu.wait_indirect_dma semaphore(%arg16 : memref<!tpu.dma_semaphore, #tpu.memory_space<semaphore_mem>>) src(%dma_wait3A_336 : memref<10000x128xf32, #tpu.memory_space<hbm>>) dst(%dma_wait3A_330 : memref<25x128xf32, #tpu.memory_space<vmem>>)
          %dma_wait3A_337 = arith.constant 50 : i32
          %dma_wait3A_338 = arith.constant 0 : i32
          %dma_wait3A_339 = tpu.memref_slice %arg13[%dma_wait3A_337, %dma_wait3A_338] : memref<125x128xf32, #tpu.memory_space<vmem>> -> memref<25x128xf32, #tpu.memory_space<vmem>>
          %dma_wait3A_340 = arith.constant 50 : i32
          %dma_wait3A_341 = tpu.memref_slice %arg10[%add3A_318, %dma_wait3A_340] : memref<16x125xi32, #tpu.memory_space<vmem>> -> memref<1x25xi32, #tpu.memory_space<vmem>>
          %dma_wait3A_342 = tpu.memref_squeeze %dma_wait3A_341 : memref<1x25xi32, #tpu.memory_space<vmem>> -> memref<25xi32, #tpu.memory_space<vmem>>
          %dma_wait3A_343 = arith.constant 0 : i32
          %dma_wait3A_344 = arith.constant 0 : i32
          %dma_wait3A_345 = tpu.memref_slice %arg3[%dma_wait3A_343, %dma_wait3A_344] : memref<10000x128xf32, #tpu.memory_space<hbm>> -> memref<10000x128xf32, #tpu.memory_space<hbm>>
          tpu.wait_indirect_dma semaphore(%arg16 : memref<!tpu.dma_semaphore, #tpu.memory_space<semaphore_mem>>) src(%dma_wait3A_345 : memref<10000x128xf32, #tpu.memory_space<hbm>>) dst(%dma_wait3A_339 : memref<25x128xf32, #tpu.memory_space<vmem>>)
          %dma_wait3A_346 = arith.constant 75 : i32
          %dma_wait3A_347 = arith.constant 0 : i32
          %dma_wait3A_348 = tpu.memref_slice %arg13[%dma_wait3A_346, %dma_wait3A_347] : memref<125x128xf32, #tpu.memory_space<vmem>> -> memref<25x128xf32, #tpu.memory_space<vmem>>
          %dma_wait3A_349 = arith.constant 75 : i32
          %dma_wait3A_350 = tpu.memref_slice %arg10[%add3A_318, %dma_wait3A_349] : memref<16x125xi32, #tpu.memory_space<vmem>> -> memref<1x25xi32, #tpu.memory_space<vmem>>
          %dma_wait3A_351 = tpu.memref_squeeze %dma_wait3A_350 : memref<1x25xi32, #tpu.memory_space<vmem>> -> memref<25xi32, #tpu.memory_space<vmem>>
          %dma_wait3A_352 = arith.constant 0 : i32
          %dma_wait3A_353 = arith.constant 0 : i32
          %dma_wait3A_354 = tpu.memref_slice %arg3[%dma_wait3A_352, %dma_wait3A_353] : memref<10000x128xf32, #tpu.memory_space<hbm>> -> memref<10000x128xf32, #tpu.memory_space<hbm>>
          tpu.wait_indirect_dma semaphore(%arg16 : memref<!tpu.dma_semaphore, #tpu.memory_space<semaphore_mem>>) src(%dma_wait3A_354 : memref<10000x128xf32, #tpu.memory_space<hbm>>) dst(%dma_wait3A_348 : memref<25x128xf32, #tpu.memory_space<vmem>>)
          %dma_wait3A_355 = arith.constant 100 : i32
          %dma_wait3A_356 = arith.constant 0 : i32
          %dma_wait3A_357 = tpu.memref_slice %arg13[%dma_wait3A_355, %dma_wait3A_356] : memref<125x128xf32, #tpu.memory_space<vmem>> -> memref<25x128xf32, #tpu.memory_space<vmem>>
          %dma_wait3A_358 = arith.constant 100 : i32
          %dma_wait3A_359 = tpu.memref_slice %arg10[%add3A_318, %dma_wait3A_358] : memref<16x125xi32, #tpu.memory_space<vmem>> -> memref<1x25xi32, #tpu.memory_space<vmem>>
          %dma_wait3A_360 = tpu.memref_squeeze %dma_wait3A_359 : memref<1x25xi32, #tpu.memory_space<vmem>> -> memref<25xi32, #tpu.memory_space<vmem>>
          %dma_wait3A_361 = arith.constant 0 : i32
          %dma_wait3A_362 = arith.constant 0 : i32
          %dma_wait3A_363 = tpu.memref_slice %arg3[%dma_wait3A_361, %dma_wait3A_362] : memref<10000x128xf32, #tpu.memory_space<hbm>> -> memref<10000x128xf32, #tpu.memory_space<hbm>>
          tpu.wait_indirect_dma semaphore(%arg16 : memref<!tpu.dma_semaphore, #tpu.memory_space<semaphore_mem>>) src(%dma_wait3A_363 : memref<10000x128xf32, #tpu.memory_space<hbm>>) dst(%dma_wait3A_357 : memref<25x128xf32, #tpu.memory_space<vmem>>)
          %add3A_364 = arith.constant 1 : i32
          %add3A_365 = arith.addi %mul3A_91, %add3A_364 : i32
          %mul3A_366 = arith.constant 5 : i32
          %mul3A_367 = arith.muli %add3A_365, %mul3A_366 : i32
          %add3A_368 = arith.constant 0 : i32
          %add3A_369 = arith.addi %mul3A_367, %add3A_368 : i32
          %dma_start3A_370 = arith.constant 0 : i32
          %dma_start3A_371 = arith.constant 0 : i32
          %dma_start3A_372 = tpu.memref_slice %arg13[%dma_start3A_370, %dma_start3A_371] : memref<125x128xf32, #tpu.memory_space<vmem>> -> memref<25x128xf32, #tpu.memory_space<vmem>>
          %dma_start3A_373 = arith.constant 0 : i32
          %dma_start3A_374 = tpu.memref_slice %arg11[%add3A_369, %dma_start3A_373] : memref<80x25xi32, #tpu.memory_space<vmem>> -> memref<1x25xi32, #tpu.memory_space<vmem>>
          %dma_start3A_375 = tpu.memref_squeeze %dma_start3A_374 : memref<1x25xi32, #tpu.memory_space<vmem>> -> memref<25xi32, #tpu.memory_space<vmem>>
          %dma_start3A_376 = arith.constant 0 : i32
          %dma_start3A_377 = arith.constant 0 : i32
          %dma_start3A_378 = tpu.memref_slice %arg14[%dma_start3A_376, %dma_start3A_377] : memref<10000x128xf32, #tpu.memory_space<vmem_shared>> -> memref<10000x128xf32, #tpu.memory_space<vmem_shared>>
          tpu.enqueue_indirect_dma source(%dma_start3A_372 : memref<25x128xf32, #tpu.memory_space<vmem>>) target(%dma_start3A_378 : memref<10000x128xf32, #tpu.memory_space<vmem_shared>>) offsets(%dma_start3A_375 : memref<25xi32, #tpu.memory_space<vmem>>) semaphore(%arg16 : memref<!tpu.dma_semaphore, #tpu.memory_space<semaphore_mem>>) {add = true}
          %mul3A_379 = arith.constant 5 : i32
          %mul3A_380 = arith.muli %add3A_365, %mul3A_379 : i32
          %add3A_381 = arith.constant 1 : i32
          %add3A_382 = arith.addi %mul3A_380, %add3A_381 : i32
          %dma_start3A_383 = arith.constant 25 : i32
          %dma_start3A_384 = arith.constant 0 : i32
          %dma_start3A_385 = tpu.memref_slice %arg13[%dma_start3A_383, %dma_start3A_384] : memref<125x128xf32, #tpu.memory_space<vmem>> -> memref<25x128xf32, #tpu.memory_space<vmem>>
          %dma_start3A_386 = arith.constant 0 : i32
          %dma_start3A_387 = tpu.memref_slice %arg11[%add3A_382, %dma_start3A_386] : memref<80x25xi32, #tpu.memory_space<vmem>> -> memref<1x25xi32, #tpu.memory_space<vmem>>
          %dma_start3A_388 = tpu.memref_squeeze %dma_start3A_387 : memref<1x25xi32, #tpu.memory_space<vmem>> -> memref<25xi32, #tpu.memory_space<vmem>>
          %dma_start3A_389 = arith.constant 0 : i32
          %dma_start3A_390 = arith.constant 0 : i32
          %dma_start3A_391 = tpu.memref_slice %arg14[%dma_start3A_389, %dma_start3A_390] : memref<10000x128xf32, #tpu.memory_space<vmem_shared>> -> memref<10000x128xf32, #tpu.memory_space<vmem_shared>>
          tpu.enqueue_indirect_dma source(%dma_start3A_385 : memref<25x128xf32, #tpu.memory_space<vmem>>) target(%dma_start3A_391 : memref<10000x128xf32, #tpu.memory_space<vmem_shared>>) offsets(%dma_start3A_388 : memref<25xi32, #tpu.memory_space<vmem>>) semaphore(%arg16 : memref<!tpu.dma_semaphore, #tpu.memory_space<semaphore_mem>>) {add = true}
          %mul3A_392 = arith.constant 5 : i32
          %mul3A_393 = arith.muli %add3A_365, %mul3A_392 : i32
          %add3A_394 = arith.constant 2 : i32
          %add3A_395 = arith.addi %mul3A_393, %add3A_394 : i32
          %dma_start3A_396 = arith.constant 50 : i32
          %dma_start3A_397 = arith.constant 0 : i32
          %dma_start3A_398 = tpu.memref_slice %arg13[%dma_start3A_396, %dma_start3A_397] : memref<125x128xf32, #tpu.memory_space<vmem>> -> memref<25x128xf32, #tpu.memory_space<vmem>>
          %dma_start3A_399 = arith.constant 0 : i32
          %dma_start3A_400 = tpu.memref_slice %arg11[%add3A_395, %dma_start3A_399] : memref<80x25xi32, #tpu.memory_space<vmem>> -> memref<1x25xi32, #tpu.memory_space<vmem>>
          %dma_start3A_401 = tpu.memref_squeeze %dma_start3A_400 : memref<1x25xi32, #tpu.memory_space<vmem>> -> memref<25xi32, #tpu.memory_space<vmem>>
          %dma_start3A_402 = arith.constant 0 : i32
          %dma_start3A_403 = arith.constant 0 : i32
          %dma_start3A_404 = tpu.memref_slice %arg14[%dma_start3A_402, %dma_start3A_403] : memref<10000x128xf32, #tpu.memory_space<vmem_shared>> -> memref<10000x128xf32, #tpu.memory_space<vmem_shared>>
          tpu.enqueue_indirect_dma source(%dma_start3A_398 : memref<25x128xf32, #tpu.memory_space<vmem>>) target(%dma_start3A_404 : memref<10000x128xf32, #tpu.memory_space<vmem_shared>>) offsets(%dma_start3A_401 : memref<25xi32, #tpu.memory_space<vmem>>) semaphore(%arg16 : memref<!tpu.dma_semaphore, #tpu.memory_space<semaphore_mem>>) {add = true}
          %mul3A_405 = arith.constant 5 : i32
          %mul3A_406 = arith.muli %add3A_365, %mul3A_405 : i32
          %add3A_407 = arith.constant 3 : i32
          %add3A_408 = arith.addi %mul3A_406, %add3A_407 : i32
          %dma_start3A_409 = arith.constant 75 : i32
          %dma_start3A_410 = arith.constant 0 : i32
          %dma_start3A_411 = tpu.memref_slice %arg13[%dma_start3A_409, %dma_start3A_410] : memref<125x128xf32, #tpu.memory_space<vmem>> -> memref<25x128xf32, #tpu.memory_space<vmem>>
          %dma_start3A_412 = arith.constant 0 : i32
          %dma_start3A_413 = tpu.memref_slice %arg11[%add3A_408, %dma_start3A_412] : memref<80x25xi32, #tpu.memory_space<vmem>> -> memref<1x25xi32, #tpu.memory_space<vmem>>
          %dma_start3A_414 = tpu.memref_squeeze %dma_start3A_413 : memref<1x25xi32, #tpu.memory_space<vmem>> -> memref<25xi32, #tpu.memory_space<vmem>>
          %dma_start3A_415 = arith.constant 0 : i32
          %dma_start3A_416 = arith.constant 0 : i32
          %dma_start3A_417 = tpu.memref_slice %arg14[%dma_start3A_415, %dma_start3A_416] : memref<10000x128xf32, #tpu.memory_space<vmem_shared>> -> memref<10000x128xf32, #tpu.memory_space<vmem_shared>>
          tpu.enqueue_indirect_dma source(%dma_start3A_411 : memref<25x128xf32, #tpu.memory_space<vmem>>) target(%dma_start3A_417 : memref<10000x128xf32, #tpu.memory_space<vmem_shared>>) offsets(%dma_start3A_414 : memref<25xi32, #tpu.memory_space<vmem>>) semaphore(%arg16 : memref<!tpu.dma_semaphore, #tpu.memory_space<semaphore_mem>>) {add = true}
          %mul3A_418 = arith.constant 5 : i32
          %mul3A_419 = arith.muli %add3A_365, %mul3A_418 : i32
          %add3A_420 = arith.constant 4 : i32
          %add3A_421 = arith.addi %mul3A_419, %add3A_420 : i32
          %dma_start3A_422 = arith.constant 100 : i32
          %dma_start3A_423 = arith.constant 0 : i32
          %dma_start3A_424 = tpu.memref_slice %arg13[%dma_start3A_422, %dma_start3A_423] : memref<125x128xf32, #tpu.memory_space<vmem>> -> memref<25x128xf32, #tpu.memory_space<vmem>>
          %dma_start3A_425 = arith.constant 0 : i32
          %dma_start3A_426 = tpu.memref_slice %arg11[%add3A_421, %dma_start3A_425] : memref<80x25xi32, #tpu.memory_space<vmem>> -> memref<1x25xi32, #tpu.memory_space<vmem>>
          %dma_start3A_427 = tpu.memref_squeeze %dma_start3A_426 : memref<1x25xi32, #tpu.memory_space<vmem>> -> memref<25xi32, #tpu.memory_space<vmem>>
          %dma_start3A_428 = arith.constant 0 : i32
          %dma_start3A_429 = arith.constant 0 : i32
          %dma_start3A_430 = tpu.memref_slice %arg14[%dma_start3A_428, %dma_start3A_429] : memref<10000x128xf32, #tpu.memory_space<vmem_shared>> -> memref<10000x128xf32, #tpu.memory_space<vmem_shared>>
          tpu.enqueue_indirect_dma source(%dma_start3A_424 : memref<25x128xf32, #tpu.memory_space<vmem>>) target(%dma_start3A_430 : memref<10000x128xf32, #tpu.memory_space<vmem_shared>>) offsets(%dma_start3A_427 : memref<25xi32, #tpu.memory_space<vmem>>) semaphore(%arg16 : memref<!tpu.dma_semaphore, #tpu.memory_space<semaphore_mem>>) {add = true}
          %mul3A_431 = arith.constant 5 : i32
          %mul3A_432 = arith.muli %add3A_365, %mul3A_431 : i32
          %add3A_433 = arith.constant 0 : i32
          %add3A_434 = arith.addi %mul3A_432, %add3A_433 : i32
          %dma_wait3A_435 = arith.constant 0 : i32
          %dma_wait3A_436 = arith.constant 0 : i32
          %dma_wait3A_437 = tpu.memref_slice %arg13[%dma_wait3A_435, %dma_wait3A_436] : memref<125x128xf32, #tpu.memory_space<vmem>> -> memref<25x128xf32, #tpu.memory_space<vmem>>
          %dma_wait3A_438 = arith.constant 0 : i32
          %dma_wait3A_439 = tpu.memref_slice %arg11[%add3A_434, %dma_wait3A_438] : memref<80x25xi32, #tpu.memory_space<vmem>> -> memref<1x25xi32, #tpu.memory_space<vmem>>
          %dma_wait3A_440 = tpu.memref_squeeze %dma_wait3A_439 : memref<1x25xi32, #tpu.memory_space<vmem>> -> memref<25xi32, #tpu.memory_space<vmem>>
          %dma_wait3A_441 = arith.constant 0 : i32
          %dma_wait3A_442 = arith.constant 0 : i32
          %dma_wait3A_443 = tpu.memref_slice %arg14[%dma_wait3A_441, %dma_wait3A_442] : memref<10000x128xf32, #tpu.memory_space<vmem_shared>> -> memref<10000x128xf32, #tpu.memory_space<vmem_shared>>
          tpu.wait_indirect_dma semaphore(%arg16 : memref<!tpu.dma_semaphore, #tpu.memory_space<semaphore_mem>>) src(%dma_wait3A_437 : memref<25x128xf32, #tpu.memory_space<vmem>>) dst(%dma_wait3A_443 : memref<10000x128xf32, #tpu.memory_space<vmem_shared>>)
          %mul3A_444 = arith.constant 5 : i32
          %mul3A_445 = arith.muli %add3A_365, %mul3A_444 : i32
          %add3A_446 = arith.constant 1 : i32
          %add3A_447 = arith.addi %mul3A_445, %add3A_446 : i32
          %dma_wait3A_448 = arith.constant 25 : i32
          %dma_wait3A_449 = arith.constant 0 : i32
          %dma_wait3A_450 = tpu.memref_slice %arg13[%dma_wait3A_448, %dma_wait3A_449] : memref<125x128xf32, #tpu.memory_space<vmem>> -> memref<25x128xf32, #tpu.memory_space<vmem>>
          %dma_wait3A_451 = arith.constant 0 : i32
          %dma_wait3A_452 = tpu.memref_slice %arg11[%add3A_447, %dma_wait3A_451] : memref<80x25xi32, #tpu.memory_space<vmem>> -> memref<1x25xi32, #tpu.memory_space<vmem>>
          %dma_wait3A_453 = tpu.memref_squeeze %dma_wait3A_452 : memref<1x25xi32, #tpu.memory_space<vmem>> -> memref<25xi32, #tpu.memory_space<vmem>>
          %dma_wait3A_454 = arith.constant 0 : i32
          %dma_wait3A_455 = arith.constant 0 : i32
          %dma_wait3A_456 = tpu.memref_slice %arg14[%dma_wait3A_454, %dma_wait3A_455] : memref<10000x128xf32, #tpu.memory_space<vmem_shared>> -> memref<10000x128xf32, #tpu.memory_space<vmem_shared>>
          tpu.wait_indirect_dma semaphore(%arg16 : memref<!tpu.dma_semaphore, #tpu.memory_space<semaphore_mem>>) src(%dma_wait3A_450 : memref<25x128xf32, #tpu.memory_space<vmem>>) dst(%dma_wait3A_456 : memref<10000x128xf32, #tpu.memory_space<vmem_shared>>)
          %mul3A_457 = arith.constant 5 : i32
          %mul3A_458 = arith.muli %add3A_365, %mul3A_457 : i32
          %add3A_459 = arith.constant 2 : i32
          %add3A_460 = arith.addi %mul3A_458, %add3A_459 : i32
          %dma_wait3A_461 = arith.constant 50 : i32
          %dma_wait3A_462 = arith.constant 0 : i32
          %dma_wait3A_463 = tpu.memref_slice %arg13[%dma_wait3A_461, %dma_wait3A_462] : memref<125x128xf32, #tpu.memory_space<vmem>> -> memref<25x128xf32, #tpu.memory_space<vmem>>
          %dma_wait3A_464 = arith.constant 0 : i32
          %dma_wait3A_465 = tpu.memref_slice %arg11[%add3A_460, %dma_wait3A_464] : memref<80x25xi32, #tpu.memory_space<vmem>> -> memref<1x25xi32, #tpu.memory_space<vmem>>
          %dma_wait3A_466 = tpu.memref_squeeze %dma_wait3A_465 : memref<1x25xi32, #tpu.memory_space<vmem>> -> memref<25xi32, #tpu.memory_space<vmem>>
          %dma_wait3A_467 = arith.constant 0 : i32
          %dma_wait3A_468 = arith.constant 0 : i32
          %dma_wait3A_469 = tpu.memref_slice %arg14[%dma_wait3A_467, %dma_wait3A_468] : memref<10000x128xf32, #tpu.memory_space<vmem_shared>> -> memref<10000x128xf32, #tpu.memory_space<vmem_shared>>
          tpu.wait_indirect_dma semaphore(%arg16 : memref<!tpu.dma_semaphore, #tpu.memory_space<semaphore_mem>>) src(%dma_wait3A_463 : memref<25x128xf32, #tpu.memory_space<vmem>>) dst(%dma_wait3A_469 : memref<10000x128xf32, #tpu.memory_space<vmem_shared>>)
          %mul3A_470 = arith.constant 5 : i32
          %mul3A_471 = arith.muli %add3A_365, %mul3A_470 : i32
          %add3A_472 = arith.constant 3 : i32
          %add3A_473 = arith.addi %mul3A_471, %add3A_472 : i32
          %dma_wait3A_474 = arith.constant 75 : i32
          %dma_wait3A_475 = arith.constant 0 : i32
          %dma_wait3A_476 = tpu.memref_slice %arg13[%dma_wait3A_474, %dma_wait3A_475] : memref<125x128xf32, #tpu.memory_space<vmem>> -> memref<25x128xf32, #tpu.memory_space<vmem>>
          %dma_wait3A_477 = arith.constant 0 : i32
          %dma_wait3A_478 = tpu.memref_slice %arg11[%add3A_473, %dma_wait3A_477] : memref<80x25xi32, #tpu.memory_space<vmem>> -> memref<1x25xi32, #tpu.memory_space<vmem>>
          %dma_wait3A_479 = tpu.memref_squeeze %dma_wait3A_478 : memref<1x25xi32, #tpu.memory_space<vmem>> -> memref<25xi32, #tpu.memory_space<vmem>>
          %dma_wait3A_480 = arith.constant 0 : i32
          %dma_wait3A_481 = arith.constant 0 : i32
          %dma_wait3A_482 = tpu.memref_slice %arg14[%dma_wait3A_480, %dma_wait3A_481] : memref<10000x128xf32, #tpu.memory_space<vmem_shared>> -> memref<10000x128xf32, #tpu.memory_space<vmem_shared>>
          tpu.wait_indirect_dma semaphore(%arg16 : memref<!tpu.dma_semaphore, #tpu.memory_space<semaphore_mem>>) src(%dma_wait3A_476 : memref<25x128xf32, #tpu.memory_space<vmem>>) dst(%dma_wait3A_482 : memref<10000x128xf32, #tpu.memory_space<vmem_shared>>)
          %mul3A_483 = arith.constant 5 : i32
          %mul3A_484 = arith.muli %add3A_365, %mul3A_483 : i32
          %add3A_485 = arith.constant 4 : i32
          %add3A_486 = arith.addi %mul3A_484, %add3A_485 : i32
          %dma_wait3A_487 = arith.constant 100 : i32
          %dma_wait3A_488 = arith.constant 0 : i32
          %dma_wait3A_489 = tpu.memref_slice %arg13[%dma_wait3A_487, %dma_wait3A_488] : memref<125x128xf32, #tpu.memory_space<vmem>> -> memref<25x128xf32, #tpu.memory_space<vmem>>
          %dma_wait3A_490 = arith.constant 0 : i32
          %dma_wait3A_491 = tpu.memref_slice %arg11[%add3A_486, %dma_wait3A_490] : memref<80x25xi32, #tpu.memory_space<vmem>> -> memref<1x25xi32, #tpu.memory_space<vmem>>
          %dma_wait3A_492 = tpu.memref_squeeze %dma_wait3A_491 : memref<1x25xi32, #tpu.memory_space<vmem>> -> memref<25xi32, #tpu.memory_space<vmem>>
          %dma_wait3A_493 = arith.constant 0 : i32
          %dma_wait3A_494 = arith.constant 0 : i32
          %dma_wait3A_495 = tpu.memref_slice %arg14[%dma_wait3A_493, %dma_wait3A_494] : memref<10000x128xf32, #tpu.memory_space<vmem_shared>> -> memref<10000x128xf32, #tpu.memory_space<vmem_shared>>
          tpu.wait_indirect_dma semaphore(%arg16 : memref<!tpu.dma_semaphore, #tpu.memory_space<semaphore_mem>>) src(%dma_wait3A_489 : memref<25x128xf32, #tpu.memory_space<vmem>>) dst(%dma_wait3A_495 : memref<10000x128xf32, #tpu.memory_space<vmem_shared>>)
        }
        %scan3A_88 = arith.constant 8 : i32
      }
      %scan3A_27 = arith.constant 10 : i32
    } else {
    }
    %barrier3A_16 = arith.constant 0 : index
    tpu.barrier barrier_id(%barrier3A_16)
    %lt3A_17 = arith.constant 10 : i32
    %lt3A_18 = arith.cmpi slt, %arg1, %lt3A_17 : i32
    %convert_element_type3A_19 = arith.extui %lt3A_18 : i1 to i32
    %cond3A_20 = arith.constant 0 : i32
    %cond3A_21 = arith.cmpi ne, %convert_element_type3A_19, %cond3A_20 : i32
    scf.if %cond3A_21 {
      %eq3A_22 = arith.constant 0 : i32
      %eq3A_23 = arith.cmpi eq, %arg0, %eq3A_22 : i32
      %convert_element_type3A_24 = arith.extui %eq3A_23 : i1 to i32
      %cond3A_25 = arith.constant 0 : i32
      %cond3A_26 = arith.cmpi ne, %convert_element_type3A_24, %cond3A_25 : i32
      scf.if %cond3A_26 {
        %mul3A = arith.constant 1000 : i32
        %mul3A_32 = arith.muli %arg1, %mul3A : i32
        %add3A = arith.constant 0 : i32
        %add3A_33 = arith.addi %mul3A_32, %add3A : i32
        "tpu.region"() ({
          %run_scoped3A = tpu.sem_alloc : memref<!tpu.dma_semaphore, #tpu.memory_space<semaphore_mem>>
          %dma_start3A_316 = arith.constant 0 : i32
          %dma_start3A_317 = arith.constant 0 : i32
          %dma_start3A_318 = tpu.memref_slice %arg12[%dma_start3A_316, %dma_start3A_317] : memref<125x128xf32, #tpu.memory_space<vmem>> -> memref<120x128xf32, #tpu.memory_space<vmem>>
          %dma_start3A_319 = arith.constant 0 : i32
          %dma_start3A_320 = tpu.memref_slice %arg14[%add3A_33, %dma_start3A_319] : memref<10000x128xf32, #tpu.memory_space<vmem_shared>> -> memref<120x128xf32, #tpu.memory_space<vmem_shared>>
          %dma_start3A_321 = arith.constant 0 : i32
          %dma_start3A_322 = arith.constant 0 : i32
          %dma_start3A_323 = tpu.memref_slice %arg12[%dma_start3A_321, %dma_start3A_322] : memref<125x128xf32, #tpu.memory_space<vmem>> -> memref<120x128xf32, #tpu.memory_space<vmem>>
          %dma_start3A_324 = arith.constant 0 : i32
          %dma_start3A_325 = tpu.memref_slice %arg14[%add3A_33, %dma_start3A_324] : memref<10000x128xf32, #tpu.memory_space<vmem_shared>> -> memref<120x128xf32, #tpu.memory_space<vmem_shared>>
          tpu.enqueue_dma source(%dma_start3A_325 : memref<120x128xf32, #tpu.memory_space<vmem_shared>>) target(%dma_start3A_323 : memref<120x128xf32, #tpu.memory_space<vmem>>) target_semaphore(%run_scoped3A : memref<!tpu.dma_semaphore, #tpu.memory_space<semaphore_mem>>)
          %dma_wait3A_326 = arith.constant 0 : i32
          %dma_wait3A_327 = arith.constant 0 : i32
          %dma_wait3A_328 = tpu.memref_slice %arg12[%dma_wait3A_326, %dma_wait3A_327] : memref<125x128xf32, #tpu.memory_space<vmem>> -> memref<120x128xf32, #tpu.memory_space<vmem>>
          %dma_wait3A_329 = arith.constant 0 : i32
          %dma_wait3A_330 = tpu.memref_slice %arg14[%add3A_33, %dma_wait3A_329] : memref<10000x128xf32, #tpu.memory_space<vmem_shared>> -> memref<120x128xf32, #tpu.memory_space<vmem_shared>>
          %dma_wait3A_331 = arith.constant 0 : i32
          %dma_wait3A_332 = arith.constant 0 : i32
          %dma_wait3A_333 = tpu.memref_slice %arg12[%dma_wait3A_331, %dma_wait3A_332] : memref<125x128xf32, #tpu.memory_space<vmem>> -> memref<120x128xf32, #tpu.memory_space<vmem>>
          %dma_wait3A_334 = arith.constant 0 : i32
          %dma_wait3A_335 = tpu.memref_slice %arg14[%add3A_33, %dma_wait3A_334] : memref<10000x128xf32, #tpu.memory_space<vmem_shared>> -> memref<120x128xf32, #tpu.memory_space<vmem_shared>>
          tpu.wait_dma2 semaphore(%run_scoped3A : memref<!tpu.dma_semaphore, #tpu.memory_space<semaphore_mem>>) src(%dma_wait3A_335 : memref<120x128xf32, #tpu.memory_space<vmem_shared>>) dst(%dma_wait3A_333 : memref<120x128xf32, #tpu.memory_space<vmem>>)
          tpu.yield
        }) : () -> ()
        %mul3A_34 = arith.constant 1000 : i32
        %mul3A_35 = arith.muli %arg1, %mul3A_34 : i32
        %add3A_36 = arith.constant 0 : i32
        %add3A_37 = arith.addi %mul3A_35, %add3A_36 : i32
        %dma_start3A = arith.constant 0 : i32
        %dma_start3A_38 = arith.constant 0 : i32
        %dma_start3A_39 = tpu.memref_slice %arg12[%dma_start3A, %dma_start3A_38] : memref<125x128xf32, #tpu.memory_space<vmem>> -> memref<120x128xf32, #tpu.memory_space<vmem>>
        %dma_start3A_40 = arith.constant 0 : i32
        %dma_start3A_41 = tpu.memref_slice %arg8[%add3A_37, %dma_start3A_40] : memref<10000x128xf32, #tpu.memory_space<hbm>> -> memref<120x128xf32, #tpu.memory_space<hbm>>
        %dma_start3A_42 = arith.constant 0 : i32
        %dma_start3A_43 = tpu.memref_slice %arg8[%add3A_37, %dma_start3A_42] : memref<10000x128xf32, #tpu.memory_space<hbm>> -> memref<120x128xf32, #tpu.memory_space<hbm>>
        %dma_start3A_44 = arith.constant 0 : i32
        %dma_start3A_45 = arith.constant 0 : i32
        %dma_start3A_46 = tpu.memref_slice %arg12[%dma_start3A_44, %dma_start3A_45] : memref<125x128xf32, #tpu.memory_space<vmem>> -> memref<120x128xf32, #tpu.memory_space<vmem>>
        tpu.enqueue_dma source(%dma_start3A_46 : memref<120x128xf32, #tpu.memory_space<vmem>>) target(%dma_start3A_43 : memref<120x128xf32, #tpu.memory_space<hbm>>) target_semaphore(%arg15 : memref<!tpu.dma_semaphore, #tpu.memory_space<semaphore_mem>>)
        %mul3A_47 = arith.constant 1000 : i32
        %mul3A_48 = arith.muli %arg1, %mul3A_47 : i32
        %add3A_49 = arith.constant 120 : i32
        %add3A_50 = arith.addi %mul3A_48, %add3A_49 : i32
        "tpu.region"() ({
          %run_scoped3A = tpu.sem_alloc : memref<!tpu.dma_semaphore, #tpu.memory_space<semaphore_mem>>
          %dma_start3A_316 = arith.constant 0 : i32
          %dma_start3A_317 = arith.constant 0 : i32
          %dma_start3A_318 = tpu.memref_slice %arg13[%dma_start3A_316, %dma_start3A_317] : memref<125x128xf32, #tpu.memory_space<vmem>> -> memref<120x128xf32, #tpu.memory_space<vmem>>
          %dma_start3A_319 = arith.constant 0 : i32
          %dma_start3A_320 = tpu.memref_slice %arg14[%add3A_50, %dma_start3A_319] : memref<10000x128xf32, #tpu.memory_space<vmem_shared>> -> memref<120x128xf32, #tpu.memory_space<vmem_shared>>
          %dma_start3A_321 = arith.constant 0 : i32
          %dma_start3A_322 = arith.constant 0 : i32
          %dma_start3A_323 = tpu.memref_slice %arg13[%dma_start3A_321, %dma_start3A_322] : memref<125x128xf32, #tpu.memory_space<vmem>> -> memref<120x128xf32, #tpu.memory_space<vmem>>
          %dma_start3A_324 = arith.constant 0 : i32
          %dma_start3A_325 = tpu.memref_slice %arg14[%add3A_50, %dma_start3A_324] : memref<10000x128xf32, #tpu.memory_space<vmem_shared>> -> memref<120x128xf32, #tpu.memory_space<vmem_shared>>
          tpu.enqueue_dma source(%dma_start3A_325 : memref<120x128xf32, #tpu.memory_space<vmem_shared>>) target(%dma_start3A_323 : memref<120x128xf32, #tpu.memory_space<vmem>>) target_semaphore(%run_scoped3A : memref<!tpu.dma_semaphore, #tpu.memory_space<semaphore_mem>>)
          %dma_wait3A_326 = arith.constant 0 : i32
          %dma_wait3A_327 = arith.constant 0 : i32
          %dma_wait3A_328 = tpu.memref_slice %arg13[%dma_wait3A_326, %dma_wait3A_327] : memref<125x128xf32, #tpu.memory_space<vmem>> -> memref<120x128xf32, #tpu.memory_space<vmem>>
          %dma_wait3A_329 = arith.constant 0 : i32
          %dma_wait3A_330 = tpu.memref_slice %arg14[%add3A_50, %dma_wait3A_329] : memref<10000x128xf32, #tpu.memory_space<vmem_shared>> -> memref<120x128xf32, #tpu.memory_space<vmem_shared>>
          %dma_wait3A_331 = arith.constant 0 : i32
          %dma_wait3A_332 = arith.constant 0 : i32
          %dma_wait3A_333 = tpu.memref_slice %arg13[%dma_wait3A_331, %dma_wait3A_332] : memref<125x128xf32, #tpu.memory_space<vmem>> -> memref<120x128xf32, #tpu.memory_space<vmem>>
          %dma_wait3A_334 = arith.constant 0 : i32
          %dma_wait3A_335 = tpu.memref_slice %arg14[%add3A_50, %dma_wait3A_334] : memref<10000x128xf32, #tpu.memory_space<vmem_shared>> -> memref<120x128xf32, #tpu.memory_space<vmem_shared>>
          tpu.wait_dma2 semaphore(%run_scoped3A : memref<!tpu.dma_semaphore, #tpu.memory_space<semaphore_mem>>) src(%dma_wait3A_335 : memref<120x128xf32, #tpu.memory_space<vmem_shared>>) dst(%dma_wait3A_333 : memref<120x128xf32, #tpu.memory_space<vmem>>)
          tpu.yield
        }) : () -> ()
        %mul3A_51 = arith.constant 1000 : i32
        %mul3A_52 = arith.muli %arg1, %mul3A_51 : i32
        %add3A_53 = arith.constant 120 : i32
        %add3A_54 = arith.addi %mul3A_52, %add3A_53 : i32
        %dma_start3A_55 = arith.constant 0 : i32
        %dma_start3A_56 = arith.constant 0 : i32
        %dma_start3A_57 = tpu.memref_slice %arg13[%dma_start3A_55, %dma_start3A_56] : memref<125x128xf32, #tpu.memory_space<vmem>> -> memref<120x128xf32, #tpu.memory_space<vmem>>
        %dma_start3A_58 = arith.constant 0 : i32
        %dma_start3A_59 = tpu.memref_slice %arg8[%add3A_54, %dma_start3A_58] : memref<10000x128xf32, #tpu.memory_space<hbm>> -> memref<120x128xf32, #tpu.memory_space<hbm>>
        %dma_start3A_60 = arith.constant 0 : i32
        %dma_start3A_61 = tpu.memref_slice %arg8[%add3A_54, %dma_start3A_60] : memref<10000x128xf32, #tpu.memory_space<hbm>> -> memref<120x128xf32, #tpu.memory_space<hbm>>
        %dma_start3A_62 = arith.constant 0 : i32
        %dma_start3A_63 = arith.constant 0 : i32
        %dma_start3A_64 = tpu.memref_slice %arg13[%dma_start3A_62, %dma_start3A_63] : memref<125x128xf32, #tpu.memory_space<vmem>> -> memref<120x128xf32, #tpu.memory_space<vmem>>
        tpu.enqueue_dma source(%dma_start3A_64 : memref<120x128xf32, #tpu.memory_space<vmem>>) target(%dma_start3A_61 : memref<120x128xf32, #tpu.memory_space<hbm>>) target_semaphore(%arg16 : memref<!tpu.dma_semaphore, #tpu.memory_space<semaphore_mem>>)
        %mul3A_65 = arith.constant 1000 : i32
        %mul3A_66 = arith.muli %arg1, %mul3A_65 : i32
        %add3A_67 = arith.constant 0 : i32
        %add3A_68 = arith.addi %mul3A_66, %add3A_67 : i32
        %dma_wait3A = arith.constant 0 : i32
        %dma_wait3A_69 = arith.constant 0 : i32
        %dma_wait3A_70 = tpu.memref_slice %arg12[%dma_wait3A, %dma_wait3A_69] : memref<125x128xf32, #tpu.memory_space<vmem>> -> memref<120x128xf32, #tpu.memory_space<vmem>>
        %dma_wait3A_71 = arith.constant 0 : i32
        %dma_wait3A_72 = tpu.memref_slice %arg8[%add3A_68, %dma_wait3A_71] : memref<10000x128xf32, #tpu.memory_space<hbm>> -> memref<120x128xf32, #tpu.memory_space<hbm>>
        %dma_wait3A_73 = arith.constant 0 : i32
        %dma_wait3A_74 = tpu.memref_slice %arg8[%add3A_68, %dma_wait3A_73] : memref<10000x128xf32, #tpu.memory_space<hbm>> -> memref<120x128xf32, #tpu.memory_space<hbm>>
        %dma_wait3A_75 = arith.constant 0 : i32
        %dma_wait3A_76 = arith.constant 0 : i32
        %dma_wait3A_77 = tpu.memref_slice %arg12[%dma_wait3A_75, %dma_wait3A_76] : memref<125x128xf32, #tpu.memory_space<vmem>> -> memref<120x128xf32, #tpu.memory_space<vmem>>
        tpu.wait_dma2 semaphore(%arg15 : memref<!tpu.dma_semaphore, #tpu.memory_space<semaphore_mem>>) src(%dma_wait3A_77 : memref<120x128xf32, #tpu.memory_space<vmem>>) dst(%dma_wait3A_74 : memref<120x128xf32, #tpu.memory_space<hbm>>)
        %mul3A_78 = arith.constant 1000 : i32
        %mul3A_79 = arith.muli %arg1, %mul3A_78 : i32
        %add3A_80 = arith.constant 240 : i32
        %add3A_81 = arith.addi %mul3A_79, %add3A_80 : i32
        "tpu.region"() ({
          %run_scoped3A = tpu.sem_alloc : memref<!tpu.dma_semaphore, #tpu.memory_space<semaphore_mem>>
          %dma_start3A_316 = arith.constant 0 : i32
          %dma_start3A_317 = arith.constant 0 : i32
          %dma_start3A_318 = tpu.memref_slice %arg12[%dma_start3A_316, %dma_start3A_317] : memref<125x128xf32, #tpu.memory_space<vmem>> -> memref<120x128xf32, #tpu.memory_space<vmem>>
          %dma_start3A_319 = arith.constant 0 : i32
          %dma_start3A_320 = tpu.memref_slice %arg14[%add3A_81, %dma_start3A_319] : memref<10000x128xf32, #tpu.memory_space<vmem_shared>> -> memref<120x128xf32, #tpu.memory_space<vmem_shared>>
          %dma_start3A_321 = arith.constant 0 : i32
          %dma_start3A_322 = arith.constant 0 : i32
          %dma_start3A_323 = tpu.memref_slice %arg12[%dma_start3A_321, %dma_start3A_322] : memref<125x128xf32, #tpu.memory_space<vmem>> -> memref<120x128xf32, #tpu.memory_space<vmem>>
          %dma_start3A_324 = arith.constant 0 : i32
          %dma_start3A_325 = tpu.memref_slice %arg14[%add3A_81, %dma_start3A_324] : memref<10000x128xf32, #tpu.memory_space<vmem_shared>> -> memref<120x128xf32, #tpu.memory_space<vmem_shared>>
          tpu.enqueue_dma source(%dma_start3A_325 : memref<120x128xf32, #tpu.memory_space<vmem_shared>>) target(%dma_start3A_323 : memref<120x128xf32, #tpu.memory_space<vmem>>) target_semaphore(%run_scoped3A : memref<!tpu.dma_semaphore, #tpu.memory_space<semaphore_mem>>)
          %dma_wait3A_326 = arith.constant 0 : i32
          %dma_wait3A_327 = arith.constant 0 : i32
          %dma_wait3A_328 = tpu.memref_slice %arg12[%dma_wait3A_326, %dma_wait3A_327] : memref<125x128xf32, #tpu.memory_space<vmem>> -> memref<120x128xf32, #tpu.memory_space<vmem>>
          %dma_wait3A_329 = arith.constant 0 : i32
          %dma_wait3A_330 = tpu.memref_slice %arg14[%add3A_81, %dma_wait3A_329] : memref<10000x128xf32, #tpu.memory_space<vmem_shared>> -> memref<120x128xf32, #tpu.memory_space<vmem_shared>>
          %dma_wait3A_331 = arith.constant 0 : i32
          %dma_wait3A_332 = arith.constant 0 : i32
          %dma_wait3A_333 = tpu.memref_slice %arg12[%dma_wait3A_331, %dma_wait3A_332] : memref<125x128xf32, #tpu.memory_space<vmem>> -> memref<120x128xf32, #tpu.memory_space<vmem>>
          %dma_wait3A_334 = arith.constant 0 : i32
          %dma_wait3A_335 = tpu.memref_slice %arg14[%add3A_81, %dma_wait3A_334] : memref<10000x128xf32, #tpu.memory_space<vmem_shared>> -> memref<120x128xf32, #tpu.memory_space<vmem_shared>>
          tpu.wait_dma2 semaphore(%run_scoped3A : memref<!tpu.dma_semaphore, #tpu.memory_space<semaphore_mem>>) src(%dma_wait3A_335 : memref<120x128xf32, #tpu.memory_space<vmem_shared>>) dst(%dma_wait3A_333 : memref<120x128xf32, #tpu.memory_space<vmem>>)
          tpu.yield
        }) : () -> ()
        %mul3A_82 = arith.constant 1000 : i32
        %mul3A_83 = arith.muli %arg1, %mul3A_82 : i32
        %add3A_84 = arith.constant 240 : i32
        %add3A_85 = arith.addi %mul3A_83, %add3A_84 : i32
        %dma_start3A_86 = arith.constant 0 : i32
        %dma_start3A_87 = arith.constant 0 : i32
        %dma_start3A_88 = tpu.memref_slice %arg12[%dma_start3A_86, %dma_start3A_87] : memref<125x128xf32, #tpu.memory_space<vmem>> -> memref<120x128xf32, #tpu.memory_space<vmem>>
        %dma_start3A_89 = arith.constant 0 : i32
        %dma_start3A_90 = tpu.memref_slice %arg8[%add3A_85, %dma_start3A_89] : memref<10000x128xf32, #tpu.memory_space<hbm>> -> memref<120x128xf32, #tpu.memory_space<hbm>>
        %dma_start3A_91 = arith.constant 0 : i32
        %dma_start3A_92 = tpu.memref_slice %arg8[%add3A_85, %dma_start3A_91] : memref<10000x128xf32, #tpu.memory_space<hbm>> -> memref<120x128xf32, #tpu.memory_space<hbm>>
        %dma_start3A_93 = arith.constant 0 : i32
        %dma_start3A_94 = arith.constant 0 : i32
        %dma_start3A_95 = tpu.memref_slice %arg12[%dma_start3A_93, %dma_start3A_94] : memref<125x128xf32, #tpu.memory_space<vmem>> -> memref<120x128xf32, #tpu.memory_space<vmem>>
        tpu.enqueue_dma source(%dma_start3A_95 : memref<120x128xf32, #tpu.memory_space<vmem>>) target(%dma_start3A_92 : memref<120x128xf32, #tpu.memory_space<hbm>>) target_semaphore(%arg15 : memref<!tpu.dma_semaphore, #tpu.memory_space<semaphore_mem>>)
        %mul3A_96 = arith.constant 1000 : i32
        %mul3A_97 = arith.muli %arg1, %mul3A_96 : i32
        %add3A_98 = arith.constant 120 : i32
        %add3A_99 = arith.addi %mul3A_97, %add3A_98 : i32
        %dma_wait3A_100 = arith.constant 0 : i32
        %dma_wait3A_101 = arith.constant 0 : i32
        %dma_wait3A_102 = tpu.memref_slice %arg13[%dma_wait3A_100, %dma_wait3A_101] : memref<125x128xf32, #tpu.memory_space<vmem>> -> memref<120x128xf32, #tpu.memory_space<vmem>>
        %dma_wait3A_103 = arith.constant 0 : i32
        %dma_wait3A_104 = tpu.memref_slice %arg8[%add3A_99, %dma_wait3A_103] : memref<10000x128xf32, #tpu.memory_space<hbm>> -> memref<120x128xf32, #tpu.memory_space<hbm>>
        %dma_wait3A_105 = arith.constant 0 : i32
        %dma_wait3A_106 = tpu.memref_slice %arg8[%add3A_99, %dma_wait3A_105] : memref<10000x128xf32, #tpu.memory_space<hbm>> -> memref<120x128xf32, #tpu.memory_space<hbm>>
        %dma_wait3A_107 = arith.constant 0 : i32
        %dma_wait3A_108 = arith.constant 0 : i32
        %dma_wait3A_109 = tpu.memref_slice %arg13[%dma_wait3A_107, %dma_wait3A_108] : memref<125x128xf32, #tpu.memory_space<vmem>> -> memref<120x128xf32, #tpu.memory_space<vmem>>
        tpu.wait_dma2 semaphore(%arg16 : memref<!tpu.dma_semaphore, #tpu.memory_space<semaphore_mem>>) src(%dma_wait3A_109 : memref<120x128xf32, #tpu.memory_space<vmem>>) dst(%dma_wait3A_106 : memref<120x128xf32, #tpu.memory_space<hbm>>)
        %mul3A_110 = arith.constant 1000 : i32
        %mul3A_111 = arith.muli %arg1, %mul3A_110 : i32
        %add3A_112 = arith.constant 360 : i32
        %add3A_113 = arith.addi %mul3A_111, %add3A_112 : i32
        "tpu.region"() ({
          %run_scoped3A = tpu.sem_alloc : memref<!tpu.dma_semaphore, #tpu.memory_space<semaphore_mem>>
          %dma_start3A_316 = arith.constant 0 : i32
          %dma_start3A_317 = arith.constant 0 : i32
          %dma_start3A_318 = tpu.memref_slice %arg13[%dma_start3A_316, %dma_start3A_317] : memref<125x128xf32, #tpu.memory_space<vmem>> -> memref<120x128xf32, #tpu.memory_space<vmem>>
          %dma_start3A_319 = arith.constant 0 : i32
          %dma_start3A_320 = tpu.memref_slice %arg14[%add3A_113, %dma_start3A_319] : memref<10000x128xf32, #tpu.memory_space<vmem_shared>> -> memref<120x128xf32, #tpu.memory_space<vmem_shared>>
          %dma_start3A_321 = arith.constant 0 : i32
          %dma_start3A_322 = arith.constant 0 : i32
          %dma_start3A_323 = tpu.memref_slice %arg13[%dma_start3A_321, %dma_start3A_322] : memref<125x128xf32, #tpu.memory_space<vmem>> -> memref<120x128xf32, #tpu.memory_space<vmem>>
          %dma_start3A_324 = arith.constant 0 : i32
          %dma_start3A_325 = tpu.memref_slice %arg14[%add3A_113, %dma_start3A_324] : memref<10000x128xf32, #tpu.memory_space<vmem_shared>> -> memref<120x128xf32, #tpu.memory_space<vmem_shared>>
          tpu.enqueue_dma source(%dma_start3A_325 : memref<120x128xf32, #tpu.memory_space<vmem_shared>>) target(%dma_start3A_323 : memref<120x128xf32, #tpu.memory_space<vmem>>) target_semaphore(%run_scoped3A : memref<!tpu.dma_semaphore, #tpu.memory_space<semaphore_mem>>)
          %dma_wait3A_326 = arith.constant 0 : i32
          %dma_wait3A_327 = arith.constant 0 : i32
          %dma_wait3A_328 = tpu.memref_slice %arg13[%dma_wait3A_326, %dma_wait3A_327] : memref<125x128xf32, #tpu.memory_space<vmem>> -> memref<120x128xf32, #tpu.memory_space<vmem>>
          %dma_wait3A_329 = arith.constant 0 : i32
          %dma_wait3A_330 = tpu.memref_slice %arg14[%add3A_113, %dma_wait3A_329] : memref<10000x128xf32, #tpu.memory_space<vmem_shared>> -> memref<120x128xf32, #tpu.memory_space<vmem_shared>>
          %dma_wait3A_331 = arith.constant 0 : i32
          %dma_wait3A_332 = arith.constant 0 : i32
          %dma_wait3A_333 = tpu.memref_slice %arg13[%dma_wait3A_331, %dma_wait3A_332] : memref<125x128xf32, #tpu.memory_space<vmem>> -> memref<120x128xf32, #tpu.memory_space<vmem>>
          %dma_wait3A_334 = arith.constant 0 : i32
          %dma_wait3A_335 = tpu.memref_slice %arg14[%add3A_113, %dma_wait3A_334] : memref<10000x128xf32, #tpu.memory_space<vmem_shared>> -> memref<120x128xf32, #tpu.memory_space<vmem_shared>>
          tpu.wait_dma2 semaphore(%run_scoped3A : memref<!tpu.dma_semaphore, #tpu.memory_space<semaphore_mem>>) src(%dma_wait3A_335 : memref<120x128xf32, #tpu.memory_space<vmem_shared>>) dst(%dma_wait3A_333 : memref<120x128xf32, #tpu.memory_space<vmem>>)
          tpu.yield
        }) : () -> ()
        %mul3A_114 = arith.constant 1000 : i32
        %mul3A_115 = arith.muli %arg1, %mul3A_114 : i32
        %add3A_116 = arith.constant 360 : i32
        %add3A_117 = arith.addi %mul3A_115, %add3A_116 : i32
        %dma_start3A_118 = arith.constant 0 : i32
        %dma_start3A_119 = arith.constant 0 : i32
        %dma_start3A_120 = tpu.memref_slice %arg13[%dma_start3A_118, %dma_start3A_119] : memref<125x128xf32, #tpu.memory_space<vmem>> -> memref<120x128xf32, #tpu.memory_space<vmem>>
        %dma_start3A_121 = arith.constant 0 : i32
        %dma_start3A_122 = tpu.memref_slice %arg8[%add3A_117, %dma_start3A_121] : memref<10000x128xf32, #tpu.memory_space<hbm>> -> memref<120x128xf32, #tpu.memory_space<hbm>>
        %dma_start3A_123 = arith.constant 0 : i32
        %dma_start3A_124 = tpu.memref_slice %arg8[%add3A_117, %dma_start3A_123] : memref<10000x128xf32, #tpu.memory_space<hbm>> -> memref<120x128xf32, #tpu.memory_space<hbm>>
        %dma_start3A_125 = arith.constant 0 : i32
        %dma_start3A_126 = arith.constant 0 : i32
        %dma_start3A_127 = tpu.memref_slice %arg13[%dma_start3A_125, %dma_start3A_126] : memref<125x128xf32, #tpu.memory_space<vmem>> -> memref<120x128xf32, #tpu.memory_space<vmem>>
        tpu.enqueue_dma source(%dma_start3A_127 : memref<120x128xf32, #tpu.memory_space<vmem>>) target(%dma_start3A_124 : memref<120x128xf32, #tpu.memory_space<hbm>>) target_semaphore(%arg16 : memref<!tpu.dma_semaphore, #tpu.memory_space<semaphore_mem>>)
        %mul3A_128 = arith.constant 1000 : i32
        %mul3A_129 = arith.muli %arg1, %mul3A_128 : i32
        %add3A_130 = arith.constant 240 : i32
        %add3A_131 = arith.addi %mul3A_129, %add3A_130 : i32
        %dma_wait3A_132 = arith.constant 0 : i32
        %dma_wait3A_133 = arith.constant 0 : i32
        %dma_wait3A_134 = tpu.memref_slice %arg12[%dma_wait3A_132, %dma_wait3A_133] : memref<125x128xf32, #tpu.memory_space<vmem>> -> memref<120x128xf32, #tpu.memory_space<vmem>>
        %dma_wait3A_135 = arith.constant 0 : i32
        %dma_wait3A_136 = tpu.memref_slice %arg8[%add3A_131, %dma_wait3A_135] : memref<10000x128xf32, #tpu.memory_space<hbm>> -> memref<120x128xf32, #tpu.memory_space<hbm>>
        %dma_wait3A_137 = arith.constant 0 : i32
        %dma_wait3A_138 = tpu.memref_slice %arg8[%add3A_131, %dma_wait3A_137] : memref<10000x128xf32, #tpu.memory_space<hbm>> -> memref<120x128xf32, #tpu.memory_space<hbm>>
        %dma_wait3A_139 = arith.constant 0 : i32
        %dma_wait3A_140 = arith.constant 0 : i32
        %dma_wait3A_141 = tpu.memref_slice %arg12[%dma_wait3A_139, %dma_wait3A_140] : memref<125x128xf32, #tpu.memory_space<vmem>> -> memref<120x128xf32, #tpu.memory_space<vmem>>
        tpu.wait_dma2 semaphore(%arg15 : memref<!tpu.dma_semaphore, #tpu.memory_space<semaphore_mem>>) src(%dma_wait3A_141 : memref<120x128xf32, #tpu.memory_space<vmem>>) dst(%dma_wait3A_138 : memref<120x128xf32, #tpu.memory_space<hbm>>)
        %mul3A_142 = arith.constant 1000 : i32
        %mul3A_143 = arith.muli %arg1, %mul3A_142 : i32
        %add3A_144 = arith.constant 480 : i32
        %add3A_145 = arith.addi %mul3A_143, %add3A_144 : i32
        "tpu.region"() ({
          %run_scoped3A = tpu.sem_alloc : memref<!tpu.dma_semaphore, #tpu.memory_space<semaphore_mem>>
          %dma_start3A_316 = arith.constant 0 : i32
          %dma_start3A_317 = arith.constant 0 : i32
          %dma_start3A_318 = tpu.memref_slice %arg12[%dma_start3A_316, %dma_start3A_317] : memref<125x128xf32, #tpu.memory_space<vmem>> -> memref<120x128xf32, #tpu.memory_space<vmem>>
          %dma_start3A_319 = arith.constant 0 : i32
          %dma_start3A_320 = tpu.memref_slice %arg14[%add3A_145, %dma_start3A_319] : memref<10000x128xf32, #tpu.memory_space<vmem_shared>> -> memref<120x128xf32, #tpu.memory_space<vmem_shared>>
          %dma_start3A_321 = arith.constant 0 : i32
          %dma_start3A_322 = arith.constant 0 : i32
          %dma_start3A_323 = tpu.memref_slice %arg12[%dma_start3A_321, %dma_start3A_322] : memref<125x128xf32, #tpu.memory_space<vmem>> -> memref<120x128xf32, #tpu.memory_space<vmem>>
          %dma_start3A_324 = arith.constant 0 : i32
          %dma_start3A_325 = tpu.memref_slice %arg14[%add3A_145, %dma_start3A_324] : memref<10000x128xf32, #tpu.memory_space<vmem_shared>> -> memref<120x128xf32, #tpu.memory_space<vmem_shared>>
          tpu.enqueue_dma source(%dma_start3A_325 : memref<120x128xf32, #tpu.memory_space<vmem_shared>>) target(%dma_start3A_323 : memref<120x128xf32, #tpu.memory_space<vmem>>) target_semaphore(%run_scoped3A : memref<!tpu.dma_semaphore, #tpu.memory_space<semaphore_mem>>)
          %dma_wait3A_326 = arith.constant 0 : i32
          %dma_wait3A_327 = arith.constant 0 : i32
          %dma_wait3A_328 = tpu.memref_slice %arg12[%dma_wait3A_326, %dma_wait3A_327] : memref<125x128xf32, #tpu.memory_space<vmem>> -> memref<120x128xf32, #tpu.memory_space<vmem>>
          %dma_wait3A_329 = arith.constant 0 : i32
          %dma_wait3A_330 = tpu.memref_slice %arg14[%add3A_145, %dma_wait3A_329] : memref<10000x128xf32, #tpu.memory_space<vmem_shared>> -> memref<120x128xf32, #tpu.memory_space<vmem_shared>>
          %dma_wait3A_331 = arith.constant 0 : i32
          %dma_wait3A_332 = arith.constant 0 : i32
          %dma_wait3A_333 = tpu.memref_slice %arg12[%dma_wait3A_331, %dma_wait3A_332] : memref<125x128xf32, #tpu.memory_space<vmem>> -> memref<120x128xf32, #tpu.memory_space<vmem>>
          %dma_wait3A_334 = arith.constant 0 : i32
          %dma_wait3A_335 = tpu.memref_slice %arg14[%add3A_145, %dma_wait3A_334] : memref<10000x128xf32, #tpu.memory_space<vmem_shared>> -> memref<120x128xf32, #tpu.memory_space<vmem_shared>>
          tpu.wait_dma2 semaphore(%run_scoped3A : memref<!tpu.dma_semaphore, #tpu.memory_space<semaphore_mem>>) src(%dma_wait3A_335 : memref<120x128xf32, #tpu.memory_space<vmem_shared>>) dst(%dma_wait3A_333 : memref<120x128xf32, #tpu.memory_space<vmem>>)
          tpu.yield
        }) : () -> ()
        %mul3A_146 = arith.constant 1000 : i32
        %mul3A_147 = arith.muli %arg1, %mul3A_146 : i32
        %add3A_148 = arith.constant 480 : i32
        %add3A_149 = arith.addi %mul3A_147, %add3A_148 : i32
        %dma_start3A_150 = arith.constant 0 : i32
        %dma_start3A_151 = arith.constant 0 : i32
        %dma_start3A_152 = tpu.memref_slice %arg12[%dma_start3A_150, %dma_start3A_151] : memref<125x128xf32, #tpu.memory_space<vmem>> -> memref<120x128xf32, #tpu.memory_space<vmem>>
        %dma_start3A_153 = arith.constant 0 : i32
        %dma_start3A_154 = tpu.memref_slice %arg8[%add3A_149, %dma_start3A_153] : memref<10000x128xf32, #tpu.memory_space<hbm>> -> memref<120x128xf32, #tpu.memory_space<hbm>>
        %dma_start3A_155 = arith.constant 0 : i32
        %dma_start3A_156 = tpu.memref_slice %arg8[%add3A_149, %dma_start3A_155] : memref<10000x128xf32, #tpu.memory_space<hbm>> -> memref<120x128xf32, #tpu.memory_space<hbm>>
        %dma_start3A_157 = arith.constant 0 : i32
        %dma_start3A_158 = arith.constant 0 : i32
        %dma_start3A_159 = tpu.memref_slice %arg12[%dma_start3A_157, %dma_start3A_158] : memref<125x128xf32, #tpu.memory_space<vmem>> -> memref<120x128xf32, #tpu.memory_space<vmem>>
        tpu.enqueue_dma source(%dma_start3A_159 : memref<120x128xf32, #tpu.memory_space<vmem>>) target(%dma_start3A_156 : memref<120x128xf32, #tpu.memory_space<hbm>>) target_semaphore(%arg15 : memref<!tpu.dma_semaphore, #tpu.memory_space<semaphore_mem>>)
        %mul3A_160 = arith.constant 1000 : i32
        %mul3A_161 = arith.muli %arg1, %mul3A_160 : i32
        %add3A_162 = arith.constant 360 : i32
        %add3A_163 = arith.addi %mul3A_161, %add3A_162 : i32
        %dma_wait3A_164 = arith.constant 0 : i32
        %dma_wait3A_165 = arith.constant 0 : i32
        %dma_wait3A_166 = tpu.memref_slice %arg13[%dma_wait3A_164, %dma_wait3A_165] : memref<125x128xf32, #tpu.memory_space<vmem>> -> memref<120x128xf32, #tpu.memory_space<vmem>>
        %dma_wait3A_167 = arith.constant 0 : i32
        %dma_wait3A_168 = tpu.memref_slice %arg8[%add3A_163, %dma_wait3A_167] : memref<10000x128xf32, #tpu.memory_space<hbm>> -> memref<120x128xf32, #tpu.memory_space<hbm>>
        %dma_wait3A_169 = arith.constant 0 : i32
        %dma_wait3A_170 = tpu.memref_slice %arg8[%add3A_163, %dma_wait3A_169] : memref<10000x128xf32, #tpu.memory_space<hbm>> -> memref<120x128xf32, #tpu.memory_space<hbm>>
        %dma_wait3A_171 = arith.constant 0 : i32
        %dma_wait3A_172 = arith.constant 0 : i32
        %dma_wait3A_173 = tpu.memref_slice %arg13[%dma_wait3A_171, %dma_wait3A_172] : memref<125x128xf32, #tpu.memory_space<vmem>> -> memref<120x128xf32, #tpu.memory_space<vmem>>
        tpu.wait_dma2 semaphore(%arg16 : memref<!tpu.dma_semaphore, #tpu.memory_space<semaphore_mem>>) src(%dma_wait3A_173 : memref<120x128xf32, #tpu.memory_space<vmem>>) dst(%dma_wait3A_170 : memref<120x128xf32, #tpu.memory_space<hbm>>)
        %mul3A_174 = arith.constant 1000 : i32
        %mul3A_175 = arith.muli %arg1, %mul3A_174 : i32
        %add3A_176 = arith.constant 600 : i32
        %add3A_177 = arith.addi %mul3A_175, %add3A_176 : i32
        "tpu.region"() ({
          %run_scoped3A = tpu.sem_alloc : memref<!tpu.dma_semaphore, #tpu.memory_space<semaphore_mem>>
          %dma_start3A_316 = arith.constant 0 : i32
          %dma_start3A_317 = arith.constant 0 : i32
          %dma_start3A_318 = tpu.memref_slice %arg13[%dma_start3A_316, %dma_start3A_317] : memref<125x128xf32, #tpu.memory_space<vmem>> -> memref<120x128xf32, #tpu.memory_space<vmem>>
          %dma_start3A_319 = arith.constant 0 : i32
          %dma_start3A_320 = tpu.memref_slice %arg14[%add3A_177, %dma_start3A_319] : memref<10000x128xf32, #tpu.memory_space<vmem_shared>> -> memref<120x128xf32, #tpu.memory_space<vmem_shared>>
          %dma_start3A_321 = arith.constant 0 : i32
          %dma_start3A_322 = arith.constant 0 : i32
          %dma_start3A_323 = tpu.memref_slice %arg13[%dma_start3A_321, %dma_start3A_322] : memref<125x128xf32, #tpu.memory_space<vmem>> -> memref<120x128xf32, #tpu.memory_space<vmem>>
          %dma_start3A_324 = arith.constant 0 : i32
          %dma_start3A_325 = tpu.memref_slice %arg14[%add3A_177, %dma_start3A_324] : memref<10000x128xf32, #tpu.memory_space<vmem_shared>> -> memref<120x128xf32, #tpu.memory_space<vmem_shared>>
          tpu.enqueue_dma source(%dma_start3A_325 : memref<120x128xf32, #tpu.memory_space<vmem_shared>>) target(%dma_start3A_323 : memref<120x128xf32, #tpu.memory_space<vmem>>) target_semaphore(%run_scoped3A : memref<!tpu.dma_semaphore, #tpu.memory_space<semaphore_mem>>)
          %dma_wait3A_326 = arith.constant 0 : i32
          %dma_wait3A_327 = arith.constant 0 : i32
          %dma_wait3A_328 = tpu.memref_slice %arg13[%dma_wait3A_326, %dma_wait3A_327] : memref<125x128xf32, #tpu.memory_space<vmem>> -> memref<120x128xf32, #tpu.memory_space<vmem>>
          %dma_wait3A_329 = arith.constant 0 : i32
          %dma_wait3A_330 = tpu.memref_slice %arg14[%add3A_177, %dma_wait3A_329] : memref<10000x128xf32, #tpu.memory_space<vmem_shared>> -> memref<120x128xf32, #tpu.memory_space<vmem_shared>>
          %dma_wait3A_331 = arith.constant 0 : i32
          %dma_wait3A_332 = arith.constant 0 : i32
          %dma_wait3A_333 = tpu.memref_slice %arg13[%dma_wait3A_331, %dma_wait3A_332] : memref<125x128xf32, #tpu.memory_space<vmem>> -> memref<120x128xf32, #tpu.memory_space<vmem>>
          %dma_wait3A_334 = arith.constant 0 : i32
          %dma_wait3A_335 = tpu.memref_slice %arg14[%add3A_177, %dma_wait3A_334] : memref<10000x128xf32, #tpu.memory_space<vmem_shared>> -> memref<120x128xf32, #tpu.memory_space<vmem_shared>>
          tpu.wait_dma2 semaphore(%run_scoped3A : memref<!tpu.dma_semaphore, #tpu.memory_space<semaphore_mem>>) src(%dma_wait3A_335 : memref<120x128xf32, #tpu.memory_space<vmem_shared>>) dst(%dma_wait3A_333 : memref<120x128xf32, #tpu.memory_space<vmem>>)
          tpu.yield
        }) : () -> ()
        %mul3A_178 = arith.constant 1000 : i32
        %mul3A_179 = arith.muli %arg1, %mul3A_178 : i32
        %add3A_180 = arith.constant 600 : i32
        %add3A_181 = arith.addi %mul3A_179, %add3A_180 : i32
        %dma_start3A_182 = arith.constant 0 : i32
        %dma_start3A_183 = arith.constant 0 : i32
        %dma_start3A_184 = tpu.memref_slice %arg13[%dma_start3A_182, %dma_start3A_183] : memref<125x128xf32, #tpu.memory_space<vmem>> -> memref<120x128xf32, #tpu.memory_space<vmem>>
        %dma_start3A_185 = arith.constant 0 : i32
        %dma_start3A_186 = tpu.memref_slice %arg8[%add3A_181, %dma_start3A_185] : memref<10000x128xf32, #tpu.memory_space<hbm>> -> memref<120x128xf32, #tpu.memory_space<hbm>>
        %dma_start3A_187 = arith.constant 0 : i32
        %dma_start3A_188 = tpu.memref_slice %arg8[%add3A_181, %dma_start3A_187] : memref<10000x128xf32, #tpu.memory_space<hbm>> -> memref<120x128xf32, #tpu.memory_space<hbm>>
        %dma_start3A_189 = arith.constant 0 : i32
        %dma_start3A_190 = arith.constant 0 : i32
        %dma_start3A_191 = tpu.memref_slice %arg13[%dma_start3A_189, %dma_start3A_190] : memref<125x128xf32, #tpu.memory_space<vmem>> -> memref<120x128xf32, #tpu.memory_space<vmem>>
        tpu.enqueue_dma source(%dma_start3A_191 : memref<120x128xf32, #tpu.memory_space<vmem>>) target(%dma_start3A_188 : memref<120x128xf32, #tpu.memory_space<hbm>>) target_semaphore(%arg16 : memref<!tpu.dma_semaphore, #tpu.memory_space<semaphore_mem>>)
        %mul3A_192 = arith.constant 1000 : i32
        %mul3A_193 = arith.muli %arg1, %mul3A_192 : i32
        %add3A_194 = arith.constant 480 : i32
        %add3A_195 = arith.addi %mul3A_193, %add3A_194 : i32
        %dma_wait3A_196 = arith.constant 0 : i32
        %dma_wait3A_197 = arith.constant 0 : i32
        %dma_wait3A_198 = tpu.memref_slice %arg12[%dma_wait3A_196, %dma_wait3A_197] : memref<125x128xf32, #tpu.memory_space<vmem>> -> memref<120x128xf32, #tpu.memory_space<vmem>>
        %dma_wait3A_199 = arith.constant 0 : i32
        %dma_wait3A_200 = tpu.memref_slice %arg8[%add3A_195, %dma_wait3A_199] : memref<10000x128xf32, #tpu.memory_space<hbm>> -> memref<120x128xf32, #tpu.memory_space<hbm>>
        %dma_wait3A_201 = arith.constant 0 : i32
        %dma_wait3A_202 = tpu.memref_slice %arg8[%add3A_195, %dma_wait3A_201] : memref<10000x128xf32, #tpu.memory_space<hbm>> -> memref<120x128xf32, #tpu.memory_space<hbm>>
        %dma_wait3A_203 = arith.constant 0 : i32
        %dma_wait3A_204 = arith.constant 0 : i32
        %dma_wait3A_205 = tpu.memref_slice %arg12[%dma_wait3A_203, %dma_wait3A_204] : memref<125x128xf32, #tpu.memory_space<vmem>> -> memref<120x128xf32, #tpu.memory_space<vmem>>
        tpu.wait_dma2 semaphore(%arg15 : memref<!tpu.dma_semaphore, #tpu.memory_space<semaphore_mem>>) src(%dma_wait3A_205 : memref<120x128xf32, #tpu.memory_space<vmem>>) dst(%dma_wait3A_202 : memref<120x128xf32, #tpu.memory_space<hbm>>)
        %mul3A_206 = arith.constant 1000 : i32
        %mul3A_207 = arith.muli %arg1, %mul3A_206 : i32
        %add3A_208 = arith.constant 720 : i32
        %add3A_209 = arith.addi %mul3A_207, %add3A_208 : i32
        "tpu.region"() ({
          %run_scoped3A = tpu.sem_alloc : memref<!tpu.dma_semaphore, #tpu.memory_space<semaphore_mem>>
          %dma_start3A_316 = arith.constant 0 : i32
          %dma_start3A_317 = arith.constant 0 : i32
          %dma_start3A_318 = tpu.memref_slice %arg12[%dma_start3A_316, %dma_start3A_317] : memref<125x128xf32, #tpu.memory_space<vmem>> -> memref<120x128xf32, #tpu.memory_space<vmem>>
          %dma_start3A_319 = arith.constant 0 : i32
          %dma_start3A_320 = tpu.memref_slice %arg14[%add3A_209, %dma_start3A_319] : memref<10000x128xf32, #tpu.memory_space<vmem_shared>> -> memref<120x128xf32, #tpu.memory_space<vmem_shared>>
          %dma_start3A_321 = arith.constant 0 : i32
          %dma_start3A_322 = arith.constant 0 : i32
          %dma_start3A_323 = tpu.memref_slice %arg12[%dma_start3A_321, %dma_start3A_322] : memref<125x128xf32, #tpu.memory_space<vmem>> -> memref<120x128xf32, #tpu.memory_space<vmem>>
          %dma_start3A_324 = arith.constant 0 : i32
          %dma_start3A_325 = tpu.memref_slice %arg14[%add3A_209, %dma_start3A_324] : memref<10000x128xf32, #tpu.memory_space<vmem_shared>> -> memref<120x128xf32, #tpu.memory_space<vmem_shared>>
          tpu.enqueue_dma source(%dma_start3A_325 : memref<120x128xf32, #tpu.memory_space<vmem_shared>>) target(%dma_start3A_323 : memref<120x128xf32, #tpu.memory_space<vmem>>) target_semaphore(%run_scoped3A : memref<!tpu.dma_semaphore, #tpu.memory_space<semaphore_mem>>)
          %dma_wait3A_326 = arith.constant 0 : i32
          %dma_wait3A_327 = arith.constant 0 : i32
          %dma_wait3A_328 = tpu.memref_slice %arg12[%dma_wait3A_326, %dma_wait3A_327] : memref<125x128xf32, #tpu.memory_space<vmem>> -> memref<120x128xf32, #tpu.memory_space<vmem>>
          %dma_wait3A_329 = arith.constant 0 : i32
          %dma_wait3A_330 = tpu.memref_slice %arg14[%add3A_209, %dma_wait3A_329] : memref<10000x128xf32, #tpu.memory_space<vmem_shared>> -> memref<120x128xf32, #tpu.memory_space<vmem_shared>>
          %dma_wait3A_331 = arith.constant 0 : i32
          %dma_wait3A_332 = arith.constant 0 : i32
          %dma_wait3A_333 = tpu.memref_slice %arg12[%dma_wait3A_331, %dma_wait3A_332] : memref<125x128xf32, #tpu.memory_space<vmem>> -> memref<120x128xf32, #tpu.memory_space<vmem>>
          %dma_wait3A_334 = arith.constant 0 : i32
          %dma_wait3A_335 = tpu.memref_slice %arg14[%add3A_209, %dma_wait3A_334] : memref<10000x128xf32, #tpu.memory_space<vmem_shared>> -> memref<120x128xf32, #tpu.memory_space<vmem_shared>>
          tpu.wait_dma2 semaphore(%run_scoped3A : memref<!tpu.dma_semaphore, #tpu.memory_space<semaphore_mem>>) src(%dma_wait3A_335 : memref<120x128xf32, #tpu.memory_space<vmem_shared>>) dst(%dma_wait3A_333 : memref<120x128xf32, #tpu.memory_space<vmem>>)
          tpu.yield
        }) : () -> ()
        %mul3A_210 = arith.constant 1000 : i32
        %mul3A_211 = arith.muli %arg1, %mul3A_210 : i32
        %add3A_212 = arith.constant 720 : i32
        %add3A_213 = arith.addi %mul3A_211, %add3A_212 : i32
        %dma_start3A_214 = arith.constant 0 : i32
        %dma_start3A_215 = arith.constant 0 : i32
        %dma_start3A_216 = tpu.memref_slice %arg12[%dma_start3A_214, %dma_start3A_215] : memref<125x128xf32, #tpu.memory_space<vmem>> -> memref<120x128xf32, #tpu.memory_space<vmem>>
        %dma_start3A_217 = arith.constant 0 : i32
        %dma_start3A_218 = tpu.memref_slice %arg8[%add3A_213, %dma_start3A_217] : memref<10000x128xf32, #tpu.memory_space<hbm>> -> memref<120x128xf32, #tpu.memory_space<hbm>>
        %dma_start3A_219 = arith.constant 0 : i32
        %dma_start3A_220 = tpu.memref_slice %arg8[%add3A_213, %dma_start3A_219] : memref<10000x128xf32, #tpu.memory_space<hbm>> -> memref<120x128xf32, #tpu.memory_space<hbm>>
        %dma_start3A_221 = arith.constant 0 : i32
        %dma_start3A_222 = arith.constant 0 : i32
        %dma_start3A_223 = tpu.memref_slice %arg12[%dma_start3A_221, %dma_start3A_222] : memref<125x128xf32, #tpu.memory_space<vmem>> -> memref<120x128xf32, #tpu.memory_space<vmem>>
        tpu.enqueue_dma source(%dma_start3A_223 : memref<120x128xf32, #tpu.memory_space<vmem>>) target(%dma_start3A_220 : memref<120x128xf32, #tpu.memory_space<hbm>>) target_semaphore(%arg15 : memref<!tpu.dma_semaphore, #tpu.memory_space<semaphore_mem>>)
        %mul3A_224 = arith.constant 1000 : i32
        %mul3A_225 = arith.muli %arg1, %mul3A_224 : i32
        %add3A_226 = arith.constant 600 : i32
        %add3A_227 = arith.addi %mul3A_225, %add3A_226 : i32
        %dma_wait3A_228 = arith.constant 0 : i32
        %dma_wait3A_229 = arith.constant 0 : i32
        %dma_wait3A_230 = tpu.memref_slice %arg13[%dma_wait3A_228, %dma_wait3A_229] : memref<125x128xf32, #tpu.memory_space<vmem>> -> memref<120x128xf32, #tpu.memory_space<vmem>>
        %dma_wait3A_231 = arith.constant 0 : i32
        %dma_wait3A_232 = tpu.memref_slice %arg8[%add3A_227, %dma_wait3A_231] : memref<10000x128xf32, #tpu.memory_space<hbm>> -> memref<120x128xf32, #tpu.memory_space<hbm>>
        %dma_wait3A_233 = arith.constant 0 : i32
        %dma_wait3A_234 = tpu.memref_slice %arg8[%add3A_227, %dma_wait3A_233] : memref<10000x128xf32, #tpu.memory_space<hbm>> -> memref<120x128xf32, #tpu.memory_space<hbm>>
        %dma_wait3A_235 = arith.constant 0 : i32
        %dma_wait3A_236 = arith.constant 0 : i32
        %dma_wait3A_237 = tpu.memref_slice %arg13[%dma_wait3A_235, %dma_wait3A_236] : memref<125x128xf32, #tpu.memory_space<vmem>> -> memref<120x128xf32, #tpu.memory_space<vmem>>
        tpu.wait_dma2 semaphore(%arg16 : memref<!tpu.dma_semaphore, #tpu.memory_space<semaphore_mem>>) src(%dma_wait3A_237 : memref<120x128xf32, #tpu.memory_space<vmem>>) dst(%dma_wait3A_234 : memref<120x128xf32, #tpu.memory_space<hbm>>)
        %mul3A_238 = arith.constant 1000 : i32
        %mul3A_239 = arith.muli %arg1, %mul3A_238 : i32
        %add3A_240 = arith.constant 840 : i32
        %add3A_241 = arith.addi %mul3A_239, %add3A_240 : i32
        "tpu.region"() ({
          %run_scoped3A = tpu.sem_alloc : memref<!tpu.dma_semaphore, #tpu.memory_space<semaphore_mem>>
          %dma_start3A_316 = arith.constant 0 : i32
          %dma_start3A_317 = arith.constant 0 : i32
          %dma_start3A_318 = tpu.memref_slice %arg13[%dma_start3A_316, %dma_start3A_317] : memref<125x128xf32, #tpu.memory_space<vmem>> -> memref<120x128xf32, #tpu.memory_space<vmem>>
          %dma_start3A_319 = arith.constant 0 : i32
          %dma_start3A_320 = tpu.memref_slice %arg14[%add3A_241, %dma_start3A_319] : memref<10000x128xf32, #tpu.memory_space<vmem_shared>> -> memref<120x128xf32, #tpu.memory_space<vmem_shared>>
          %dma_start3A_321 = arith.constant 0 : i32
          %dma_start3A_322 = arith.constant 0 : i32
          %dma_start3A_323 = tpu.memref_slice %arg13[%dma_start3A_321, %dma_start3A_322] : memref<125x128xf32, #tpu.memory_space<vmem>> -> memref<120x128xf32, #tpu.memory_space<vmem>>
          %dma_start3A_324 = arith.constant 0 : i32
          %dma_start3A_325 = tpu.memref_slice %arg14[%add3A_241, %dma_start3A_324] : memref<10000x128xf32, #tpu.memory_space<vmem_shared>> -> memref<120x128xf32, #tpu.memory_space<vmem_shared>>
          tpu.enqueue_dma source(%dma_start3A_325 : memref<120x128xf32, #tpu.memory_space<vmem_shared>>) target(%dma_start3A_323 : memref<120x128xf32, #tpu.memory_space<vmem>>) target_semaphore(%run_scoped3A : memref<!tpu.dma_semaphore, #tpu.memory_space<semaphore_mem>>)
          %dma_wait3A_326 = arith.constant 0 : i32
          %dma_wait3A_327 = arith.constant 0 : i32
          %dma_wait3A_328 = tpu.memref_slice %arg13[%dma_wait3A_326, %dma_wait3A_327] : memref<125x128xf32, #tpu.memory_space<vmem>> -> memref<120x128xf32, #tpu.memory_space<vmem>>
          %dma_wait3A_329 = arith.constant 0 : i32
          %dma_wait3A_330 = tpu.memref_slice %arg14[%add3A_241, %dma_wait3A_329] : memref<10000x128xf32, #tpu.memory_space<vmem_shared>> -> memref<120x128xf32, #tpu.memory_space<vmem_shared>>
          %dma_wait3A_331 = arith.constant 0 : i32
          %dma_wait3A_332 = arith.constant 0 : i32
          %dma_wait3A_333 = tpu.memref_slice %arg13[%dma_wait3A_331, %dma_wait3A_332] : memref<125x128xf32, #tpu.memory_space<vmem>> -> memref<120x128xf32, #tpu.memory_space<vmem>>
          %dma_wait3A_334 = arith.constant 0 : i32
          %dma_wait3A_335 = tpu.memref_slice %arg14[%add3A_241, %dma_wait3A_334] : memref<10000x128xf32, #tpu.memory_space<vmem_shared>> -> memref<120x128xf32, #tpu.memory_space<vmem_shared>>
          tpu.wait_dma2 semaphore(%run_scoped3A : memref<!tpu.dma_semaphore, #tpu.memory_space<semaphore_mem>>) src(%dma_wait3A_335 : memref<120x128xf32, #tpu.memory_space<vmem_shared>>) dst(%dma_wait3A_333 : memref<120x128xf32, #tpu.memory_space<vmem>>)
          tpu.yield
        }) : () -> ()
        %mul3A_242 = arith.constant 1000 : i32
        %mul3A_243 = arith.muli %arg1, %mul3A_242 : i32
        %add3A_244 = arith.constant 840 : i32
        %add3A_245 = arith.addi %mul3A_243, %add3A_244 : i32
        %dma_start3A_246 = arith.constant 0 : i32
        %dma_start3A_247 = arith.constant 0 : i32
        %dma_start3A_248 = tpu.memref_slice %arg13[%dma_start3A_246, %dma_start3A_247] : memref<125x128xf32, #tpu.memory_space<vmem>> -> memref<120x128xf32, #tpu.memory_space<vmem>>
        %dma_start3A_249 = arith.constant 0 : i32
        %dma_start3A_250 = tpu.memref_slice %arg8[%add3A_245, %dma_start3A_249] : memref<10000x128xf32, #tpu.memory_space<hbm>> -> memref<120x128xf32, #tpu.memory_space<hbm>>
        %dma_start3A_251 = arith.constant 0 : i32
        %dma_start3A_252 = tpu.memref_slice %arg8[%add3A_245, %dma_start3A_251] : memref<10000x128xf32, #tpu.memory_space<hbm>> -> memref<120x128xf32, #tpu.memory_space<hbm>>
        %dma_start3A_253 = arith.constant 0 : i32
        %dma_start3A_254 = arith.constant 0 : i32
        %dma_start3A_255 = tpu.memref_slice %arg13[%dma_start3A_253, %dma_start3A_254] : memref<125x128xf32, #tpu.memory_space<vmem>> -> memref<120x128xf32, #tpu.memory_space<vmem>>
        tpu.enqueue_dma source(%dma_start3A_255 : memref<120x128xf32, #tpu.memory_space<vmem>>) target(%dma_start3A_252 : memref<120x128xf32, #tpu.memory_space<hbm>>) target_semaphore(%arg16 : memref<!tpu.dma_semaphore, #tpu.memory_space<semaphore_mem>>)
        %mul3A_256 = arith.constant 1000 : i32
        %mul3A_257 = arith.muli %arg1, %mul3A_256 : i32
        %add3A_258 = arith.constant 720 : i32
        %add3A_259 = arith.addi %mul3A_257, %add3A_258 : i32
        %dma_wait3A_260 = arith.constant 0 : i32
        %dma_wait3A_261 = arith.constant 0 : i32
        %dma_wait3A_262 = tpu.memref_slice %arg12[%dma_wait3A_260, %dma_wait3A_261] : memref<125x128xf32, #tpu.memory_space<vmem>> -> memref<120x128xf32, #tpu.memory_space<vmem>>
        %dma_wait3A_263 = arith.constant 0 : i32
        %dma_wait3A_264 = tpu.memref_slice %arg8[%add3A_259, %dma_wait3A_263] : memref<10000x128xf32, #tpu.memory_space<hbm>> -> memref<120x128xf32, #tpu.memory_space<hbm>>
        %dma_wait3A_265 = arith.constant 0 : i32
        %dma_wait3A_266 = tpu.memref_slice %arg8[%add3A_259, %dma_wait3A_265] : memref<10000x128xf32, #tpu.memory_space<hbm>> -> memref<120x128xf32, #tpu.memory_space<hbm>>
        %dma_wait3A_267 = arith.constant 0 : i32
        %dma_wait3A_268 = arith.constant 0 : i32
        %dma_wait3A_269 = tpu.memref_slice %arg12[%dma_wait3A_267, %dma_wait3A_268] : memref<125x128xf32, #tpu.memory_space<vmem>> -> memref<120x128xf32, #tpu.memory_space<vmem>>
        tpu.wait_dma2 semaphore(%arg15 : memref<!tpu.dma_semaphore, #tpu.memory_space<semaphore_mem>>) src(%dma_wait3A_269 : memref<120x128xf32, #tpu.memory_space<vmem>>) dst(%dma_wait3A_266 : memref<120x128xf32, #tpu.memory_space<hbm>>)
        %mul3A_270 = arith.constant 1000 : i32
        %mul3A_271 = arith.muli %arg1, %mul3A_270 : i32
        %add3A_272 = arith.constant 960 : i32
        %add3A_273 = arith.addi %mul3A_271, %add3A_272 : i32
        "tpu.region"() ({
          %run_scoped3A = tpu.sem_alloc : memref<!tpu.dma_semaphore, #tpu.memory_space<semaphore_mem>>
          %dma_start3A_316 = arith.constant 0 : i32
          %dma_start3A_317 = arith.constant 0 : i32
          %dma_start3A_318 = tpu.memref_slice %arg12[%dma_start3A_316, %dma_start3A_317] : memref<125x128xf32, #tpu.memory_space<vmem>> -> memref<40x128xf32, #tpu.memory_space<vmem>>
          %dma_start3A_319 = arith.constant 0 : i32
          %dma_start3A_320 = tpu.memref_slice %arg14[%add3A_273, %dma_start3A_319] : memref<10000x128xf32, #tpu.memory_space<vmem_shared>> -> memref<40x128xf32, #tpu.memory_space<vmem_shared>>
          %dma_start3A_321 = arith.constant 0 : i32
          %dma_start3A_322 = arith.constant 0 : i32
          %dma_start3A_323 = tpu.memref_slice %arg12[%dma_start3A_321, %dma_start3A_322] : memref<125x128xf32, #tpu.memory_space<vmem>> -> memref<40x128xf32, #tpu.memory_space<vmem>>
          %dma_start3A_324 = arith.constant 0 : i32
          %dma_start3A_325 = tpu.memref_slice %arg14[%add3A_273, %dma_start3A_324] : memref<10000x128xf32, #tpu.memory_space<vmem_shared>> -> memref<40x128xf32, #tpu.memory_space<vmem_shared>>
          tpu.enqueue_dma source(%dma_start3A_325 : memref<40x128xf32, #tpu.memory_space<vmem_shared>>) target(%dma_start3A_323 : memref<40x128xf32, #tpu.memory_space<vmem>>) target_semaphore(%run_scoped3A : memref<!tpu.dma_semaphore, #tpu.memory_space<semaphore_mem>>)
          %dma_wait3A_326 = arith.constant 0 : i32
          %dma_wait3A_327 = arith.constant 0 : i32
          %dma_wait3A_328 = tpu.memref_slice %arg12[%dma_wait3A_326, %dma_wait3A_327] : memref<125x128xf32, #tpu.memory_space<vmem>> -> memref<40x128xf32, #tpu.memory_space<vmem>>
          %dma_wait3A_329 = arith.constant 0 : i32
          %dma_wait3A_330 = tpu.memref_slice %arg14[%add3A_273, %dma_wait3A_329] : memref<10000x128xf32, #tpu.memory_space<vmem_shared>> -> memref<40x128xf32, #tpu.memory_space<vmem_shared>>
          %dma_wait3A_331 = arith.constant 0 : i32
          %dma_wait3A_332 = arith.constant 0 : i32
          %dma_wait3A_333 = tpu.memref_slice %arg12[%dma_wait3A_331, %dma_wait3A_332] : memref<125x128xf32, #tpu.memory_space<vmem>> -> memref<40x128xf32, #tpu.memory_space<vmem>>
          %dma_wait3A_334 = arith.constant 0 : i32
          %dma_wait3A_335 = tpu.memref_slice %arg14[%add3A_273, %dma_wait3A_334] : memref<10000x128xf32, #tpu.memory_space<vmem_shared>> -> memref<40x128xf32, #tpu.memory_space<vmem_shared>>
          tpu.wait_dma2 semaphore(%run_scoped3A : memref<!tpu.dma_semaphore, #tpu.memory_space<semaphore_mem>>) src(%dma_wait3A_335 : memref<40x128xf32, #tpu.memory_space<vmem_shared>>) dst(%dma_wait3A_333 : memref<40x128xf32, #tpu.memory_space<vmem>>)
          tpu.yield
        }) : () -> ()
        %mul3A_274 = arith.constant 1000 : i32
        %mul3A_275 = arith.muli %arg1, %mul3A_274 : i32
        %add3A_276 = arith.constant 960 : i32
        %add3A_277 = arith.addi %mul3A_275, %add3A_276 : i32
        %dma_start3A_278 = arith.constant 0 : i32
        %dma_start3A_279 = arith.constant 0 : i32
        %dma_start3A_280 = tpu.memref_slice %arg12[%dma_start3A_278, %dma_start3A_279] : memref<125x128xf32, #tpu.memory_space<vmem>> -> memref<40x128xf32, #tpu.memory_space<vmem>>
        %dma_start3A_281 = arith.constant 0 : i32
        %dma_start3A_282 = tpu.memref_slice %arg8[%add3A_277, %dma_start3A_281] : memref<10000x128xf32, #tpu.memory_space<hbm>> -> memref<40x128xf32, #tpu.memory_space<hbm>>
        %dma_start3A_283 = arith.constant 0 : i32
        %dma_start3A_284 = tpu.memref_slice %arg8[%add3A_277, %dma_start3A_283] : memref<10000x128xf32, #tpu.memory_space<hbm>> -> memref<40x128xf32, #tpu.memory_space<hbm>>
        %dma_start3A_285 = arith.constant 0 : i32
        %dma_start3A_286 = arith.constant 0 : i32
        %dma_start3A_287 = tpu.memref_slice %arg12[%dma_start3A_285, %dma_start3A_286] : memref<125x128xf32, #tpu.memory_space<vmem>> -> memref<40x128xf32, #tpu.memory_space<vmem>>
        tpu.enqueue_dma source(%dma_start3A_287 : memref<40x128xf32, #tpu.memory_space<vmem>>) target(%dma_start3A_284 : memref<40x128xf32, #tpu.memory_space<hbm>>) target_semaphore(%arg15 : memref<!tpu.dma_semaphore, #tpu.memory_space<semaphore_mem>>)
        %mul3A_288 = arith.constant 1000 : i32
        %mul3A_289 = arith.muli %arg1, %mul3A_288 : i32
        %add3A_290 = arith.constant 840 : i32
        %add3A_291 = arith.addi %mul3A_289, %add3A_290 : i32
        %dma_wait3A_292 = arith.constant 0 : i32
        %dma_wait3A_293 = arith.constant 0 : i32
        %dma_wait3A_294 = tpu.memref_slice %arg13[%dma_wait3A_292, %dma_wait3A_293] : memref<125x128xf32, #tpu.memory_space<vmem>> -> memref<120x128xf32, #tpu.memory_space<vmem>>
        %dma_wait3A_295 = arith.constant 0 : i32
        %dma_wait3A_296 = tpu.memref_slice %arg8[%add3A_291, %dma_wait3A_295] : memref<10000x128xf32, #tpu.memory_space<hbm>> -> memref<120x128xf32, #tpu.memory_space<hbm>>
        %dma_wait3A_297 = arith.constant 0 : i32
        %dma_wait3A_298 = tpu.memref_slice %arg8[%add3A_291, %dma_wait3A_297] : memref<10000x128xf32, #tpu.memory_space<hbm>> -> memref<120x128xf32, #tpu.memory_space<hbm>>
        %dma_wait3A_299 = arith.constant 0 : i32
        %dma_wait3A_300 = arith.constant 0 : i32
        %dma_wait3A_301 = tpu.memref_slice %arg13[%dma_wait3A_299, %dma_wait3A_300] : memref<125x128xf32, #tpu.memory_space<vmem>> -> memref<120x128xf32, #tpu.memory_space<vmem>>
        tpu.wait_dma2 semaphore(%arg16 : memref<!tpu.dma_semaphore, #tpu.memory_space<semaphore_mem>>) src(%dma_wait3A_301 : memref<120x128xf32, #tpu.memory_space<vmem>>) dst(%dma_wait3A_298 : memref<120x128xf32, #tpu.memory_space<hbm>>)
        %mul3A_302 = arith.constant 1000 : i32
        %mul3A_303 = arith.muli %arg1, %mul3A_302 : i32
        %add3A_304 = arith.constant 960 : i32
        %add3A_305 = arith.addi %mul3A_303, %add3A_304 : i32
        %dma_wait3A_306 = arith.constant 0 : i32
        %dma_wait3A_307 = arith.constant 0 : i32
        %dma_wait3A_308 = tpu.memref_slice %arg12[%dma_wait3A_306, %dma_wait3A_307] : memref<125x128xf32, #tpu.memory_space<vmem>> -> memref<40x128xf32, #tpu.memory_space<vmem>>
        %dma_wait3A_309 = arith.constant 0 : i32
        %dma_wait3A_310 = tpu.memref_slice %arg8[%add3A_305, %dma_wait3A_309] : memref<10000x128xf32, #tpu.memory_space<hbm>> -> memref<40x128xf32, #tpu.memory_space<hbm>>
        %dma_wait3A_311 = arith.constant 0 : i32
        %dma_wait3A_312 = tpu.memref_slice %arg8[%add3A_305, %dma_wait3A_311] : memref<10000x128xf32, #tpu.memory_space<hbm>> -> memref<40x128xf32, #tpu.memory_space<hbm>>
        %dma_wait3A_313 = arith.constant 0 : i32
        %dma_wait3A_314 = arith.constant 0 : i32
        %dma_wait3A_315 = tpu.memref_slice %arg12[%dma_wait3A_313, %dma_wait3A_314] : memref<125x128xf32, #tpu.memory_space<vmem>> -> memref<40x128xf32, #tpu.memory_space<vmem>>
        tpu.wait_dma2 semaphore(%arg15 : memref<!tpu.dma_semaphore, #tpu.memory_space<semaphore_mem>>) src(%dma_wait3A_315 : memref<40x128xf32, #tpu.memory_space<vmem>>) dst(%dma_wait3A_312 : memref<40x128xf32, #tpu.memory_space<hbm>>)
      } else {
      }
      %eq3A_27 = arith.constant 1 : i32
      %eq3A_28 = arith.cmpi eq, %arg0, %eq3A_27 : i32
      %convert_element_type3A_29 = arith.extui %eq3A_28 : i1 to i32
      %cond3A_30 = arith.constant 0 : i32
      %cond3A_31 = arith.cmpi ne, %convert_element_type3A_29, %cond3A_30 : i32
      scf.if %cond3A_31 {
        %mul3A = arith.constant 1000 : i32
        %mul3A_32 = arith.muli %arg1, %mul3A : i32
        %add3A = arith.constant 0 : i32
        %add3A_33 = arith.addi %mul3A_32, %add3A : i32
        "tpu.region"() ({
          %run_scoped3A = tpu.sem_alloc : memref<!tpu.dma_semaphore, #tpu.memory_space<semaphore_mem>>
          %dma_start3A_316 = arith.constant 0 : i32
          %dma_start3A_317 = arith.constant 0 : i32
          %dma_start3A_318 = tpu.memref_slice %arg12[%dma_start3A_316, %dma_start3A_317] : memref<125x128xf32, #tpu.memory_space<vmem>> -> memref<120x128xf32, #tpu.memory_space<vmem>>
          %dma_start3A_319 = arith.constant 0 : i32
          %dma_start3A_320 = tpu.memref_slice %arg14[%add3A_33, %dma_start3A_319] : memref<10000x128xf32, #tpu.memory_space<vmem_shared>> -> memref<120x128xf32, #tpu.memory_space<vmem_shared>>
          %dma_start3A_321 = arith.constant 0 : i32
          %dma_start3A_322 = arith.constant 0 : i32
          %dma_start3A_323 = tpu.memref_slice %arg12[%dma_start3A_321, %dma_start3A_322] : memref<125x128xf32, #tpu.memory_space<vmem>> -> memref<120x128xf32, #tpu.memory_space<vmem>>
          %dma_start3A_324 = arith.constant 0 : i32
          %dma_start3A_325 = tpu.memref_slice %arg14[%add3A_33, %dma_start3A_324] : memref<10000x128xf32, #tpu.memory_space<vmem_shared>> -> memref<120x128xf32, #tpu.memory_space<vmem_shared>>
          tpu.enqueue_dma source(%dma_start3A_325 : memref<120x128xf32, #tpu.memory_space<vmem_shared>>) target(%dma_start3A_323 : memref<120x128xf32, #tpu.memory_space<vmem>>) target_semaphore(%run_scoped3A : memref<!tpu.dma_semaphore, #tpu.memory_space<semaphore_mem>>)
          %dma_wait3A_326 = arith.constant 0 : i32
          %dma_wait3A_327 = arith.constant 0 : i32
          %dma_wait3A_328 = tpu.memref_slice %arg12[%dma_wait3A_326, %dma_wait3A_327] : memref<125x128xf32, #tpu.memory_space<vmem>> -> memref<120x128xf32, #tpu.memory_space<vmem>>
          %dma_wait3A_329 = arith.constant 0 : i32
          %dma_wait3A_330 = tpu.memref_slice %arg14[%add3A_33, %dma_wait3A_329] : memref<10000x128xf32, #tpu.memory_space<vmem_shared>> -> memref<120x128xf32, #tpu.memory_space<vmem_shared>>
          %dma_wait3A_331 = arith.constant 0 : i32
          %dma_wait3A_332 = arith.constant 0 : i32
          %dma_wait3A_333 = tpu.memref_slice %arg12[%dma_wait3A_331, %dma_wait3A_332] : memref<125x128xf32, #tpu.memory_space<vmem>> -> memref<120x128xf32, #tpu.memory_space<vmem>>
          %dma_wait3A_334 = arith.constant 0 : i32
          %dma_wait3A_335 = tpu.memref_slice %arg14[%add3A_33, %dma_wait3A_334] : memref<10000x128xf32, #tpu.memory_space<vmem_shared>> -> memref<120x128xf32, #tpu.memory_space<vmem_shared>>
          tpu.wait_dma2 semaphore(%run_scoped3A : memref<!tpu.dma_semaphore, #tpu.memory_space<semaphore_mem>>) src(%dma_wait3A_335 : memref<120x128xf32, #tpu.memory_space<vmem_shared>>) dst(%dma_wait3A_333 : memref<120x128xf32, #tpu.memory_space<vmem>>)
          tpu.yield
        }) : () -> ()
        %mul3A_34 = arith.constant 1000 : i32
        %mul3A_35 = arith.muli %arg1, %mul3A_34 : i32
        %add3A_36 = arith.constant 0 : i32
        %add3A_37 = arith.addi %mul3A_35, %add3A_36 : i32
        %dma_start3A = arith.constant 0 : i32
        %dma_start3A_38 = arith.constant 0 : i32
        %dma_start3A_39 = tpu.memref_slice %arg12[%dma_start3A, %dma_start3A_38] : memref<125x128xf32, #tpu.memory_space<vmem>> -> memref<120x128xf32, #tpu.memory_space<vmem>>
        %dma_start3A_40 = arith.constant 0 : i32
        %dma_start3A_41 = tpu.memref_slice %arg9[%add3A_37, %dma_start3A_40] : memref<10000x128xf32, #tpu.memory_space<hbm>> -> memref<120x128xf32, #tpu.memory_space<hbm>>
        %dma_start3A_42 = arith.constant 0 : i32
        %dma_start3A_43 = tpu.memref_slice %arg9[%add3A_37, %dma_start3A_42] : memref<10000x128xf32, #tpu.memory_space<hbm>> -> memref<120x128xf32, #tpu.memory_space<hbm>>
        %dma_start3A_44 = arith.constant 0 : i32
        %dma_start3A_45 = arith.constant 0 : i32
        %dma_start3A_46 = tpu.memref_slice %arg12[%dma_start3A_44, %dma_start3A_45] : memref<125x128xf32, #tpu.memory_space<vmem>> -> memref<120x128xf32, #tpu.memory_space<vmem>>
        tpu.enqueue_dma source(%dma_start3A_46 : memref<120x128xf32, #tpu.memory_space<vmem>>) target(%dma_start3A_43 : memref<120x128xf32, #tpu.memory_space<hbm>>) target_semaphore(%arg15 : memref<!tpu.dma_semaphore, #tpu.memory_space<semaphore_mem>>)
        %mul3A_47 = arith.constant 1000 : i32
        %mul3A_48 = arith.muli %arg1, %mul3A_47 : i32
        %add3A_49 = arith.constant 120 : i32
        %add3A_50 = arith.addi %mul3A_48, %add3A_49 : i32
        "tpu.region"() ({
          %run_scoped3A = tpu.sem_alloc : memref<!tpu.dma_semaphore, #tpu.memory_space<semaphore_mem>>
          %dma_start3A_316 = arith.constant 0 : i32
          %dma_start3A_317 = arith.constant 0 : i32
          %dma_start3A_318 = tpu.memref_slice %arg13[%dma_start3A_316, %dma_start3A_317] : memref<125x128xf32, #tpu.memory_space<vmem>> -> memref<120x128xf32, #tpu.memory_space<vmem>>
          %dma_start3A_319 = arith.constant 0 : i32
          %dma_start3A_320 = tpu.memref_slice %arg14[%add3A_50, %dma_start3A_319] : memref<10000x128xf32, #tpu.memory_space<vmem_shared>> -> memref<120x128xf32, #tpu.memory_space<vmem_shared>>
          %dma_start3A_321 = arith.constant 0 : i32
          %dma_start3A_322 = arith.constant 0 : i32
          %dma_start3A_323 = tpu.memref_slice %arg13[%dma_start3A_321, %dma_start3A_322] : memref<125x128xf32, #tpu.memory_space<vmem>> -> memref<120x128xf32, #tpu.memory_space<vmem>>
          %dma_start3A_324 = arith.constant 0 : i32
          %dma_start3A_325 = tpu.memref_slice %arg14[%add3A_50, %dma_start3A_324] : memref<10000x128xf32, #tpu.memory_space<vmem_shared>> -> memref<120x128xf32, #tpu.memory_space<vmem_shared>>
          tpu.enqueue_dma source(%dma_start3A_325 : memref<120x128xf32, #tpu.memory_space<vmem_shared>>) target(%dma_start3A_323 : memref<120x128xf32, #tpu.memory_space<vmem>>) target_semaphore(%run_scoped3A : memref<!tpu.dma_semaphore, #tpu.memory_space<semaphore_mem>>)
          %dma_wait3A_326 = arith.constant 0 : i32
          %dma_wait3A_327 = arith.constant 0 : i32
          %dma_wait3A_328 = tpu.memref_slice %arg13[%dma_wait3A_326, %dma_wait3A_327] : memref<125x128xf32, #tpu.memory_space<vmem>> -> memref<120x128xf32, #tpu.memory_space<vmem>>
          %dma_wait3A_329 = arith.constant 0 : i32
          %dma_wait3A_330 = tpu.memref_slice %arg14[%add3A_50, %dma_wait3A_329] : memref<10000x128xf32, #tpu.memory_space<vmem_shared>> -> memref<120x128xf32, #tpu.memory_space<vmem_shared>>
          %dma_wait3A_331 = arith.constant 0 : i32
          %dma_wait3A_332 = arith.constant 0 : i32
          %dma_wait3A_333 = tpu.memref_slice %arg13[%dma_wait3A_331, %dma_wait3A_332] : memref<125x128xf32, #tpu.memory_space<vmem>> -> memref<120x128xf32, #tpu.memory_space<vmem>>
          %dma_wait3A_334 = arith.constant 0 : i32
          %dma_wait3A_335 = tpu.memref_slice %arg14[%add3A_50, %dma_wait3A_334] : memref<10000x128xf32, #tpu.memory_space<vmem_shared>> -> memref<120x128xf32, #tpu.memory_space<vmem_shared>>
          tpu.wait_dma2 semaphore(%run_scoped3A : memref<!tpu.dma_semaphore, #tpu.memory_space<semaphore_mem>>) src(%dma_wait3A_335 : memref<120x128xf32, #tpu.memory_space<vmem_shared>>) dst(%dma_wait3A_333 : memref<120x128xf32, #tpu.memory_space<vmem>>)
          tpu.yield
        }) : () -> ()
        %mul3A_51 = arith.constant 1000 : i32
        %mul3A_52 = arith.muli %arg1, %mul3A_51 : i32
        %add3A_53 = arith.constant 120 : i32
        %add3A_54 = arith.addi %mul3A_52, %add3A_53 : i32
        %dma_start3A_55 = arith.constant 0 : i32
        %dma_start3A_56 = arith.constant 0 : i32
        %dma_start3A_57 = tpu.memref_slice %arg13[%dma_start3A_55, %dma_start3A_56] : memref<125x128xf32, #tpu.memory_space<vmem>> -> memref<120x128xf32, #tpu.memory_space<vmem>>
        %dma_start3A_58 = arith.constant 0 : i32
        %dma_start3A_59 = tpu.memref_slice %arg9[%add3A_54, %dma_start3A_58] : memref<10000x128xf32, #tpu.memory_space<hbm>> -> memref<120x128xf32, #tpu.memory_space<hbm>>
        %dma_start3A_60 = arith.constant 0 : i32
        %dma_start3A_61 = tpu.memref_slice %arg9[%add3A_54, %dma_start3A_60] : memref<10000x128xf32, #tpu.memory_space<hbm>> -> memref<120x128xf32, #tpu.memory_space<hbm>>
        %dma_start3A_62 = arith.constant 0 : i32
        %dma_start3A_63 = arith.constant 0 : i32
        %dma_start3A_64 = tpu.memref_slice %arg13[%dma_start3A_62, %dma_start3A_63] : memref<125x128xf32, #tpu.memory_space<vmem>> -> memref<120x128xf32, #tpu.memory_space<vmem>>
        tpu.enqueue_dma source(%dma_start3A_64 : memref<120x128xf32, #tpu.memory_space<vmem>>) target(%dma_start3A_61 : memref<120x128xf32, #tpu.memory_space<hbm>>) target_semaphore(%arg16 : memref<!tpu.dma_semaphore, #tpu.memory_space<semaphore_mem>>)
        %mul3A_65 = arith.constant 1000 : i32
        %mul3A_66 = arith.muli %arg1, %mul3A_65 : i32
        %add3A_67 = arith.constant 0 : i32
        %add3A_68 = arith.addi %mul3A_66, %add3A_67 : i32
        %dma_wait3A = arith.constant 0 : i32
        %dma_wait3A_69 = arith.constant 0 : i32
        %dma_wait3A_70 = tpu.memref_slice %arg12[%dma_wait3A, %dma_wait3A_69] : memref<125x128xf32, #tpu.memory_space<vmem>> -> memref<120x128xf32, #tpu.memory_space<vmem>>
        %dma_wait3A_71 = arith.constant 0 : i32
        %dma_wait3A_72 = tpu.memref_slice %arg9[%add3A_68, %dma_wait3A_71] : memref<10000x128xf32, #tpu.memory_space<hbm>> -> memref<120x128xf32, #tpu.memory_space<hbm>>
        %dma_wait3A_73 = arith.constant 0 : i32
        %dma_wait3A_74 = tpu.memref_slice %arg9[%add3A_68, %dma_wait3A_73] : memref<10000x128xf32, #tpu.memory_space<hbm>> -> memref<120x128xf32, #tpu.memory_space<hbm>>
        %dma_wait3A_75 = arith.constant 0 : i32
        %dma_wait3A_76 = arith.constant 0 : i32
        %dma_wait3A_77 = tpu.memref_slice %arg12[%dma_wait3A_75, %dma_wait3A_76] : memref<125x128xf32, #tpu.memory_space<vmem>> -> memref<120x128xf32, #tpu.memory_space<vmem>>
        tpu.wait_dma2 semaphore(%arg15 : memref<!tpu.dma_semaphore, #tpu.memory_space<semaphore_mem>>) src(%dma_wait3A_77 : memref<120x128xf32, #tpu.memory_space<vmem>>) dst(%dma_wait3A_74 : memref<120x128xf32, #tpu.memory_space<hbm>>)
        %mul3A_78 = arith.constant 1000 : i32
        %mul3A_79 = arith.muli %arg1, %mul3A_78 : i32
        %add3A_80 = arith.constant 240 : i32
        %add3A_81 = arith.addi %mul3A_79, %add3A_80 : i32
        "tpu.region"() ({
          %run_scoped3A = tpu.sem_alloc : memref<!tpu.dma_semaphore, #tpu.memory_space<semaphore_mem>>
          %dma_start3A_316 = arith.constant 0 : i32
          %dma_start3A_317 = arith.constant 0 : i32
          %dma_start3A_318 = tpu.memref_slice %arg12[%dma_start3A_316, %dma_start3A_317] : memref<125x128xf32, #tpu.memory_space<vmem>> -> memref<120x128xf32, #tpu.memory_space<vmem>>
          %dma_start3A_319 = arith.constant 0 : i32
          %dma_start3A_320 = tpu.memref_slice %arg14[%add3A_81, %dma_start3A_319] : memref<10000x128xf32, #tpu.memory_space<vmem_shared>> -> memref<120x128xf32, #tpu.memory_space<vmem_shared>>
          %dma_start3A_321 = arith.constant 0 : i32
          %dma_start3A_322 = arith.constant 0 : i32
          %dma_start3A_323 = tpu.memref_slice %arg12[%dma_start3A_321, %dma_start3A_322] : memref<125x128xf32, #tpu.memory_space<vmem>> -> memref<120x128xf32, #tpu.memory_space<vmem>>
          %dma_start3A_324 = arith.constant 0 : i32
          %dma_start3A_325 = tpu.memref_slice %arg14[%add3A_81, %dma_start3A_324] : memref<10000x128xf32, #tpu.memory_space<vmem_shared>> -> memref<120x128xf32, #tpu.memory_space<vmem_shared>>
          tpu.enqueue_dma source(%dma_start3A_325 : memref<120x128xf32, #tpu.memory_space<vmem_shared>>) target(%dma_start3A_323 : memref<120x128xf32, #tpu.memory_space<vmem>>) target_semaphore(%run_scoped3A : memref<!tpu.dma_semaphore, #tpu.memory_space<semaphore_mem>>)
          %dma_wait3A_326 = arith.constant 0 : i32
          %dma_wait3A_327 = arith.constant 0 : i32
          %dma_wait3A_328 = tpu.memref_slice %arg12[%dma_wait3A_326, %dma_wait3A_327] : memref<125x128xf32, #tpu.memory_space<vmem>> -> memref<120x128xf32, #tpu.memory_space<vmem>>
          %dma_wait3A_329 = arith.constant 0 : i32
          %dma_wait3A_330 = tpu.memref_slice %arg14[%add3A_81, %dma_wait3A_329] : memref<10000x128xf32, #tpu.memory_space<vmem_shared>> -> memref<120x128xf32, #tpu.memory_space<vmem_shared>>
          %dma_wait3A_331 = arith.constant 0 : i32
          %dma_wait3A_332 = arith.constant 0 : i32
          %dma_wait3A_333 = tpu.memref_slice %arg12[%dma_wait3A_331, %dma_wait3A_332] : memref<125x128xf32, #tpu.memory_space<vmem>> -> memref<120x128xf32, #tpu.memory_space<vmem>>
          %dma_wait3A_334 = arith.constant 0 : i32
          %dma_wait3A_335 = tpu.memref_slice %arg14[%add3A_81, %dma_wait3A_334] : memref<10000x128xf32, #tpu.memory_space<vmem_shared>> -> memref<120x128xf32, #tpu.memory_space<vmem_shared>>
          tpu.wait_dma2 semaphore(%run_scoped3A : memref<!tpu.dma_semaphore, #tpu.memory_space<semaphore_mem>>) src(%dma_wait3A_335 : memref<120x128xf32, #tpu.memory_space<vmem_shared>>) dst(%dma_wait3A_333 : memref<120x128xf32, #tpu.memory_space<vmem>>)
          tpu.yield
        }) : () -> ()
        %mul3A_82 = arith.constant 1000 : i32
        %mul3A_83 = arith.muli %arg1, %mul3A_82 : i32
        %add3A_84 = arith.constant 240 : i32
        %add3A_85 = arith.addi %mul3A_83, %add3A_84 : i32
        %dma_start3A_86 = arith.constant 0 : i32
        %dma_start3A_87 = arith.constant 0 : i32
        %dma_start3A_88 = tpu.memref_slice %arg12[%dma_start3A_86, %dma_start3A_87] : memref<125x128xf32, #tpu.memory_space<vmem>> -> memref<120x128xf32, #tpu.memory_space<vmem>>
        %dma_start3A_89 = arith.constant 0 : i32
        %dma_start3A_90 = tpu.memref_slice %arg9[%add3A_85, %dma_start3A_89] : memref<10000x128xf32, #tpu.memory_space<hbm>> -> memref<120x128xf32, #tpu.memory_space<hbm>>
        %dma_start3A_91 = arith.constant 0 : i32
        %dma_start3A_92 = tpu.memref_slice %arg9[%add3A_85, %dma_start3A_91] : memref<10000x128xf32, #tpu.memory_space<hbm>> -> memref<120x128xf32, #tpu.memory_space<hbm>>
        %dma_start3A_93 = arith.constant 0 : i32
        %dma_start3A_94 = arith.constant 0 : i32
        %dma_start3A_95 = tpu.memref_slice %arg12[%dma_start3A_93, %dma_start3A_94] : memref<125x128xf32, #tpu.memory_space<vmem>> -> memref<120x128xf32, #tpu.memory_space<vmem>>
        tpu.enqueue_dma source(%dma_start3A_95 : memref<120x128xf32, #tpu.memory_space<vmem>>) target(%dma_start3A_92 : memref<120x128xf32, #tpu.memory_space<hbm>>) target_semaphore(%arg15 : memref<!tpu.dma_semaphore, #tpu.memory_space<semaphore_mem>>)
        %mul3A_96 = arith.constant 1000 : i32
        %mul3A_97 = arith.muli %arg1, %mul3A_96 : i32
        %add3A_98 = arith.constant 120 : i32
        %add3A_99 = arith.addi %mul3A_97, %add3A_98 : i32
        %dma_wait3A_100 = arith.constant 0 : i32
        %dma_wait3A_101 = arith.constant 0 : i32
        %dma_wait3A_102 = tpu.memref_slice %arg13[%dma_wait3A_100, %dma_wait3A_101] : memref<125x128xf32, #tpu.memory_space<vmem>> -> memref<120x128xf32, #tpu.memory_space<vmem>>
        %dma_wait3A_103 = arith.constant 0 : i32
        %dma_wait3A_104 = tpu.memref_slice %arg9[%add3A_99, %dma_wait3A_103] : memref<10000x128xf32, #tpu.memory_space<hbm>> -> memref<120x128xf32, #tpu.memory_space<hbm>>
        %dma_wait3A_105 = arith.constant 0 : i32
        %dma_wait3A_106 = tpu.memref_slice %arg9[%add3A_99, %dma_wait3A_105] : memref<10000x128xf32, #tpu.memory_space<hbm>> -> memref<120x128xf32, #tpu.memory_space<hbm>>
        %dma_wait3A_107 = arith.constant 0 : i32
        %dma_wait3A_108 = arith.constant 0 : i32
        %dma_wait3A_109 = tpu.memref_slice %arg13[%dma_wait3A_107, %dma_wait3A_108] : memref<125x128xf32, #tpu.memory_space<vmem>> -> memref<120x128xf32, #tpu.memory_space<vmem>>
        tpu.wait_dma2 semaphore(%arg16 : memref<!tpu.dma_semaphore, #tpu.memory_space<semaphore_mem>>) src(%dma_wait3A_109 : memref<120x128xf32, #tpu.memory_space<vmem>>) dst(%dma_wait3A_106 : memref<120x128xf32, #tpu.memory_space<hbm>>)
        %mul3A_110 = arith.constant 1000 : i32
        %mul3A_111 = arith.muli %arg1, %mul3A_110 : i32
        %add3A_112 = arith.constant 360 : i32
        %add3A_113 = arith.addi %mul3A_111, %add3A_112 : i32
        "tpu.region"() ({
          %run_scoped3A = tpu.sem_alloc : memref<!tpu.dma_semaphore, #tpu.memory_space<semaphore_mem>>
          %dma_start3A_316 = arith.constant 0 : i32
          %dma_start3A_317 = arith.constant 0 : i32
          %dma_start3A_318 = tpu.memref_slice %arg13[%dma_start3A_316, %dma_start3A_317] : memref<125x128xf32, #tpu.memory_space<vmem>> -> memref<120x128xf32, #tpu.memory_space<vmem>>
          %dma_start3A_319 = arith.constant 0 : i32
          %dma_start3A_320 = tpu.memref_slice %arg14[%add3A_113, %dma_start3A_319] : memref<10000x128xf32, #tpu.memory_space<vmem_shared>> -> memref<120x128xf32, #tpu.memory_space<vmem_shared>>
          %dma_start3A_321 = arith.constant 0 : i32
          %dma_start3A_322 = arith.constant 0 : i32
          %dma_start3A_323 = tpu.memref_slice %arg13[%dma_start3A_321, %dma_start3A_322] : memref<125x128xf32, #tpu.memory_space<vmem>> -> memref<120x128xf32, #tpu.memory_space<vmem>>
          %dma_start3A_324 = arith.constant 0 : i32
          %dma_start3A_325 = tpu.memref_slice %arg14[%add3A_113, %dma_start3A_324] : memref<10000x128xf32, #tpu.memory_space<vmem_shared>> -> memref<120x128xf32, #tpu.memory_space<vmem_shared>>
          tpu.enqueue_dma source(%dma_start3A_325 : memref<120x128xf32, #tpu.memory_space<vmem_shared>>) target(%dma_start3A_323 : memref<120x128xf32, #tpu.memory_space<vmem>>) target_semaphore(%run_scoped3A : memref<!tpu.dma_semaphore, #tpu.memory_space<semaphore_mem>>)
          %dma_wait3A_326 = arith.constant 0 : i32
          %dma_wait3A_327 = arith.constant 0 : i32
          %dma_wait3A_328 = tpu.memref_slice %arg13[%dma_wait3A_326, %dma_wait3A_327] : memref<125x128xf32, #tpu.memory_space<vmem>> -> memref<120x128xf32, #tpu.memory_space<vmem>>
          %dma_wait3A_329 = arith.constant 0 : i32
          %dma_wait3A_330 = tpu.memref_slice %arg14[%add3A_113, %dma_wait3A_329] : memref<10000x128xf32, #tpu.memory_space<vmem_shared>> -> memref<120x128xf32, #tpu.memory_space<vmem_shared>>
          %dma_wait3A_331 = arith.constant 0 : i32
          %dma_wait3A_332 = arith.constant 0 : i32
          %dma_wait3A_333 = tpu.memref_slice %arg13[%dma_wait3A_331, %dma_wait3A_332] : memref<125x128xf32, #tpu.memory_space<vmem>> -> memref<120x128xf32, #tpu.memory_space<vmem>>
          %dma_wait3A_334 = arith.constant 0 : i32
          %dma_wait3A_335 = tpu.memref_slice %arg14[%add3A_113, %dma_wait3A_334] : memref<10000x128xf32, #tpu.memory_space<vmem_shared>> -> memref<120x128xf32, #tpu.memory_space<vmem_shared>>
          tpu.wait_dma2 semaphore(%run_scoped3A : memref<!tpu.dma_semaphore, #tpu.memory_space<semaphore_mem>>) src(%dma_wait3A_335 : memref<120x128xf32, #tpu.memory_space<vmem_shared>>) dst(%dma_wait3A_333 : memref<120x128xf32, #tpu.memory_space<vmem>>)
          tpu.yield
        }) : () -> ()
        %mul3A_114 = arith.constant 1000 : i32
        %mul3A_115 = arith.muli %arg1, %mul3A_114 : i32
        %add3A_116 = arith.constant 360 : i32
        %add3A_117 = arith.addi %mul3A_115, %add3A_116 : i32
        %dma_start3A_118 = arith.constant 0 : i32
        %dma_start3A_119 = arith.constant 0 : i32
        %dma_start3A_120 = tpu.memref_slice %arg13[%dma_start3A_118, %dma_start3A_119] : memref<125x128xf32, #tpu.memory_space<vmem>> -> memref<120x128xf32, #tpu.memory_space<vmem>>
        %dma_start3A_121 = arith.constant 0 : i32
        %dma_start3A_122 = tpu.memref_slice %arg9[%add3A_117, %dma_start3A_121] : memref<10000x128xf32, #tpu.memory_space<hbm>> -> memref<120x128xf32, #tpu.memory_space<hbm>>
        %dma_start3A_123 = arith.constant 0 : i32
        %dma_start3A_124 = tpu.memref_slice %arg9[%add3A_117, %dma_start3A_123] : memref<10000x128xf32, #tpu.memory_space<hbm>> -> memref<120x128xf32, #tpu.memory_space<hbm>>
        %dma_start3A_125 = arith.constant 0 : i32
        %dma_start3A_126 = arith.constant 0 : i32
        %dma_start3A_127 = tpu.memref_slice %arg13[%dma_start3A_125, %dma_start3A_126] : memref<125x128xf32, #tpu.memory_space<vmem>> -> memref<120x128xf32, #tpu.memory_space<vmem>>
        tpu.enqueue_dma source(%dma_start3A_127 : memref<120x128xf32, #tpu.memory_space<vmem>>) target(%dma_start3A_124 : memref<120x128xf32, #tpu.memory_space<hbm>>) target_semaphore(%arg16 : memref<!tpu.dma_semaphore, #tpu.memory_space<semaphore_mem>>)
        %mul3A_128 = arith.constant 1000 : i32
        %mul3A_129 = arith.muli %arg1, %mul3A_128 : i32
        %add3A_130 = arith.constant 240 : i32
        %add3A_131 = arith.addi %mul3A_129, %add3A_130 : i32
        %dma_wait3A_132 = arith.constant 0 : i32
        %dma_wait3A_133 = arith.constant 0 : i32
        %dma_wait3A_134 = tpu.memref_slice %arg12[%dma_wait3A_132, %dma_wait3A_133] : memref<125x128xf32, #tpu.memory_space<vmem>> -> memref<120x128xf32, #tpu.memory_space<vmem>>
        %dma_wait3A_135 = arith.constant 0 : i32
        %dma_wait3A_136 = tpu.memref_slice %arg9[%add3A_131, %dma_wait3A_135] : memref<10000x128xf32, #tpu.memory_space<hbm>> -> memref<120x128xf32, #tpu.memory_space<hbm>>
        %dma_wait3A_137 = arith.constant 0 : i32
        %dma_wait3A_138 = tpu.memref_slice %arg9[%add3A_131, %dma_wait3A_137] : memref<10000x128xf32, #tpu.memory_space<hbm>> -> memref<120x128xf32, #tpu.memory_space<hbm>>
        %dma_wait3A_139 = arith.constant 0 : i32
        %dma_wait3A_140 = arith.constant 0 : i32
        %dma_wait3A_141 = tpu.memref_slice %arg12[%dma_wait3A_139, %dma_wait3A_140] : memref<125x128xf32, #tpu.memory_space<vmem>> -> memref<120x128xf32, #tpu.memory_space<vmem>>
        tpu.wait_dma2 semaphore(%arg15 : memref<!tpu.dma_semaphore, #tpu.memory_space<semaphore_mem>>) src(%dma_wait3A_141 : memref<120x128xf32, #tpu.memory_space<vmem>>) dst(%dma_wait3A_138 : memref<120x128xf32, #tpu.memory_space<hbm>>)
        %mul3A_142 = arith.constant 1000 : i32
        %mul3A_143 = arith.muli %arg1, %mul3A_142 : i32
        %add3A_144 = arith.constant 480 : i32
        %add3A_145 = arith.addi %mul3A_143, %add3A_144 : i32
        "tpu.region"() ({
          %run_scoped3A = tpu.sem_alloc : memref<!tpu.dma_semaphore, #tpu.memory_space<semaphore_mem>>
          %dma_start3A_316 = arith.constant 0 : i32
          %dma_start3A_317 = arith.constant 0 : i32
          %dma_start3A_318 = tpu.memref_slice %arg12[%dma_start3A_316, %dma_start3A_317] : memref<125x128xf32, #tpu.memory_space<vmem>> -> memref<120x128xf32, #tpu.memory_space<vmem>>
          %dma_start3A_319 = arith.constant 0 : i32
          %dma_start3A_320 = tpu.memref_slice %arg14[%add3A_145, %dma_start3A_319] : memref<10000x128xf32, #tpu.memory_space<vmem_shared>> -> memref<120x128xf32, #tpu.memory_space<vmem_shared>>
          %dma_start3A_321 = arith.constant 0 : i32
          %dma_start3A_322 = arith.constant 0 : i32
          %dma_start3A_323 = tpu.memref_slice %arg12[%dma_start3A_321, %dma_start3A_322] : memref<125x128xf32, #tpu.memory_space<vmem>> -> memref<120x128xf32, #tpu.memory_space<vmem>>
          %dma_start3A_324 = arith.constant 0 : i32
          %dma_start3A_325 = tpu.memref_slice %arg14[%add3A_145, %dma_start3A_324] : memref<10000x128xf32, #tpu.memory_space<vmem_shared>> -> memref<120x128xf32, #tpu.memory_space<vmem_shared>>
          tpu.enqueue_dma source(%dma_start3A_325 : memref<120x128xf32, #tpu.memory_space<vmem_shared>>) target(%dma_start3A_323 : memref<120x128xf32, #tpu.memory_space<vmem>>) target_semaphore(%run_scoped3A : memref<!tpu.dma_semaphore, #tpu.memory_space<semaphore_mem>>)
          %dma_wait3A_326 = arith.constant 0 : i32
          %dma_wait3A_327 = arith.constant 0 : i32
          %dma_wait3A_328 = tpu.memref_slice %arg12[%dma_wait3A_326, %dma_wait3A_327] : memref<125x128xf32, #tpu.memory_space<vmem>> -> memref<120x128xf32, #tpu.memory_space<vmem>>
          %dma_wait3A_329 = arith.constant 0 : i32
          %dma_wait3A_330 = tpu.memref_slice %arg14[%add3A_145, %dma_wait3A_329] : memref<10000x128xf32, #tpu.memory_space<vmem_shared>> -> memref<120x128xf32, #tpu.memory_space<vmem_shared>>
          %dma_wait3A_331 = arith.constant 0 : i32
          %dma_wait3A_332 = arith.constant 0 : i32
          %dma_wait3A_333 = tpu.memref_slice %arg12[%dma_wait3A_331, %dma_wait3A_332] : memref<125x128xf32, #tpu.memory_space<vmem>> -> memref<120x128xf32, #tpu.memory_space<vmem>>
          %dma_wait3A_334 = arith.constant 0 : i32
          %dma_wait3A_335 = tpu.memref_slice %arg14[%add3A_145, %dma_wait3A_334] : memref<10000x128xf32, #tpu.memory_space<vmem_shared>> -> memref<120x128xf32, #tpu.memory_space<vmem_shared>>
          tpu.wait_dma2 semaphore(%run_scoped3A : memref<!tpu.dma_semaphore, #tpu.memory_space<semaphore_mem>>) src(%dma_wait3A_335 : memref<120x128xf32, #tpu.memory_space<vmem_shared>>) dst(%dma_wait3A_333 : memref<120x128xf32, #tpu.memory_space<vmem>>)
          tpu.yield
        }) : () -> ()
        %mul3A_146 = arith.constant 1000 : i32
        %mul3A_147 = arith.muli %arg1, %mul3A_146 : i32
        %add3A_148 = arith.constant 480 : i32
        %add3A_149 = arith.addi %mul3A_147, %add3A_148 : i32
        %dma_start3A_150 = arith.constant 0 : i32
        %dma_start3A_151 = arith.constant 0 : i32
        %dma_start3A_152 = tpu.memref_slice %arg12[%dma_start3A_150, %dma_start3A_151] : memref<125x128xf32, #tpu.memory_space<vmem>> -> memref<120x128xf32, #tpu.memory_space<vmem>>
        %dma_start3A_153 = arith.constant 0 : i32
        %dma_start3A_154 = tpu.memref_slice %arg9[%add3A_149, %dma_start3A_153] : memref<10000x128xf32, #tpu.memory_space<hbm>> -> memref<120x128xf32, #tpu.memory_space<hbm>>
        %dma_start3A_155 = arith.constant 0 : i32
        %dma_start3A_156 = tpu.memref_slice %arg9[%add3A_149, %dma_start3A_155] : memref<10000x128xf32, #tpu.memory_space<hbm>> -> memref<120x128xf32, #tpu.memory_space<hbm>>
        %dma_start3A_157 = arith.constant 0 : i32
        %dma_start3A_158 = arith.constant 0 : i32
        %dma_start3A_159 = tpu.memref_slice %arg12[%dma_start3A_157, %dma_start3A_158] : memref<125x128xf32, #tpu.memory_space<vmem>> -> memref<120x128xf32, #tpu.memory_space<vmem>>
        tpu.enqueue_dma source(%dma_start3A_159 : memref<120x128xf32, #tpu.memory_space<vmem>>) target(%dma_start3A_156 : memref<120x128xf32, #tpu.memory_space<hbm>>) target_semaphore(%arg15 : memref<!tpu.dma_semaphore, #tpu.memory_space<semaphore_mem>>)
        %mul3A_160 = arith.constant 1000 : i32
        %mul3A_161 = arith.muli %arg1, %mul3A_160 : i32
        %add3A_162 = arith.constant 360 : i32
        %add3A_163 = arith.addi %mul3A_161, %add3A_162 : i32
        %dma_wait3A_164 = arith.constant 0 : i32
        %dma_wait3A_165 = arith.constant 0 : i32
        %dma_wait3A_166 = tpu.memref_slice %arg13[%dma_wait3A_164, %dma_wait3A_165] : memref<125x128xf32, #tpu.memory_space<vmem>> -> memref<120x128xf32, #tpu.memory_space<vmem>>
        %dma_wait3A_167 = arith.constant 0 : i32
        %dma_wait3A_168 = tpu.memref_slice %arg9[%add3A_163, %dma_wait3A_167] : memref<10000x128xf32, #tpu.memory_space<hbm>> -> memref<120x128xf32, #tpu.memory_space<hbm>>
        %dma_wait3A_169 = arith.constant 0 : i32
        %dma_wait3A_170 = tpu.memref_slice %arg9[%add3A_163, %dma_wait3A_169] : memref<10000x128xf32, #tpu.memory_space<hbm>> -> memref<120x128xf32, #tpu.memory_space<hbm>>
        %dma_wait3A_171 = arith.constant 0 : i32
        %dma_wait3A_172 = arith.constant 0 : i32
        %dma_wait3A_173 = tpu.memref_slice %arg13[%dma_wait3A_171, %dma_wait3A_172] : memref<125x128xf32, #tpu.memory_space<vmem>> -> memref<120x128xf32, #tpu.memory_space<vmem>>
        tpu.wait_dma2 semaphore(%arg16 : memref<!tpu.dma_semaphore, #tpu.memory_space<semaphore_mem>>) src(%dma_wait3A_173 : memref<120x128xf32, #tpu.memory_space<vmem>>) dst(%dma_wait3A_170 : memref<120x128xf32, #tpu.memory_space<hbm>>)
        %mul3A_174 = arith.constant 1000 : i32
        %mul3A_175 = arith.muli %arg1, %mul3A_174 : i32
        %add3A_176 = arith.constant 600 : i32
        %add3A_177 = arith.addi %mul3A_175, %add3A_176 : i32
        "tpu.region"() ({
          %run_scoped3A = tpu.sem_alloc : memref<!tpu.dma_semaphore, #tpu.memory_space<semaphore_mem>>
          %dma_start3A_316 = arith.constant 0 : i32
          %dma_start3A_317 = arith.constant 0 : i32
          %dma_start3A_318 = tpu.memref_slice %arg13[%dma_start3A_316, %dma_start3A_317] : memref<125x128xf32, #tpu.memory_space<vmem>> -> memref<120x128xf32, #tpu.memory_space<vmem>>
          %dma_start3A_319 = arith.constant 0 : i32
          %dma_start3A_320 = tpu.memref_slice %arg14[%add3A_177, %dma_start3A_319] : memref<10000x128xf32, #tpu.memory_space<vmem_shared>> -> memref<120x128xf32, #tpu.memory_space<vmem_shared>>
          %dma_start3A_321 = arith.constant 0 : i32
          %dma_start3A_322 = arith.constant 0 : i32
          %dma_start3A_323 = tpu.memref_slice %arg13[%dma_start3A_321, %dma_start3A_322] : memref<125x128xf32, #tpu.memory_space<vmem>> -> memref<120x128xf32, #tpu.memory_space<vmem>>
          %dma_start3A_324 = arith.constant 0 : i32
          %dma_start3A_325 = tpu.memref_slice %arg14[%add3A_177, %dma_start3A_324] : memref<10000x128xf32, #tpu.memory_space<vmem_shared>> -> memref<120x128xf32, #tpu.memory_space<vmem_shared>>
          tpu.enqueue_dma source(%dma_start3A_325 : memref<120x128xf32, #tpu.memory_space<vmem_shared>>) target(%dma_start3A_323 : memref<120x128xf32, #tpu.memory_space<vmem>>) target_semaphore(%run_scoped3A : memref<!tpu.dma_semaphore, #tpu.memory_space<semaphore_mem>>)
          %dma_wait3A_326 = arith.constant 0 : i32
          %dma_wait3A_327 = arith.constant 0 : i32
          %dma_wait3A_328 = tpu.memref_slice %arg13[%dma_wait3A_326, %dma_wait3A_327] : memref<125x128xf32, #tpu.memory_space<vmem>> -> memref<120x128xf32, #tpu.memory_space<vmem>>
          %dma_wait3A_329 = arith.constant 0 : i32
          %dma_wait3A_330 = tpu.memref_slice %arg14[%add3A_177, %dma_wait3A_329] : memref<10000x128xf32, #tpu.memory_space<vmem_shared>> -> memref<120x128xf32, #tpu.memory_space<vmem_shared>>
          %dma_wait3A_331 = arith.constant 0 : i32
          %dma_wait3A_332 = arith.constant 0 : i32
          %dma_wait3A_333 = tpu.memref_slice %arg13[%dma_wait3A_331, %dma_wait3A_332] : memref<125x128xf32, #tpu.memory_space<vmem>> -> memref<120x128xf32, #tpu.memory_space<vmem>>
          %dma_wait3A_334 = arith.constant 0 : i32
          %dma_wait3A_335 = tpu.memref_slice %arg14[%add3A_177, %dma_wait3A_334] : memref<10000x128xf32, #tpu.memory_space<vmem_shared>> -> memref<120x128xf32, #tpu.memory_space<vmem_shared>>
          tpu.wait_dma2 semaphore(%run_scoped3A : memref<!tpu.dma_semaphore, #tpu.memory_space<semaphore_mem>>) src(%dma_wait3A_335 : memref<120x128xf32, #tpu.memory_space<vmem_shared>>) dst(%dma_wait3A_333 : memref<120x128xf32, #tpu.memory_space<vmem>>)
          tpu.yield
        }) : () -> ()
        %mul3A_178 = arith.constant 1000 : i32
        %mul3A_179 = arith.muli %arg1, %mul3A_178 : i32
        %add3A_180 = arith.constant 600 : i32
        %add3A_181 = arith.addi %mul3A_179, %add3A_180 : i32
        %dma_start3A_182 = arith.constant 0 : i32
        %dma_start3A_183 = arith.constant 0 : i32
        %dma_start3A_184 = tpu.memref_slice %arg13[%dma_start3A_182, %dma_start3A_183] : memref<125x128xf32, #tpu.memory_space<vmem>> -> memref<120x128xf32, #tpu.memory_space<vmem>>
        %dma_start3A_185 = arith.constant 0 : i32
        %dma_start3A_186 = tpu.memref_slice %arg9[%add3A_181, %dma_start3A_185] : memref<10000x128xf32, #tpu.memory_space<hbm>> -> memref<120x128xf32, #tpu.memory_space<hbm>>
        %dma_start3A_187 = arith.constant 0 : i32
        %dma_start3A_188 = tpu.memref_slice %arg9[%add3A_181, %dma_start3A_187] : memref<10000x128xf32, #tpu.memory_space<hbm>> -> memref<120x128xf32, #tpu.memory_space<hbm>>
        %dma_start3A_189 = arith.constant 0 : i32
        %dma_start3A_190 = arith.constant 0 : i32
        %dma_start3A_191 = tpu.memref_slice %arg13[%dma_start3A_189, %dma_start3A_190] : memref<125x128xf32, #tpu.memory_space<vmem>> -> memref<120x128xf32, #tpu.memory_space<vmem>>
        tpu.enqueue_dma source(%dma_start3A_191 : memref<120x128xf32, #tpu.memory_space<vmem>>) target(%dma_start3A_188 : memref<120x128xf32, #tpu.memory_space<hbm>>) target_semaphore(%arg16 : memref<!tpu.dma_semaphore, #tpu.memory_space<semaphore_mem>>)
        %mul3A_192 = arith.constant 1000 : i32
        %mul3A_193 = arith.muli %arg1, %mul3A_192 : i32
        %add3A_194 = arith.constant 480 : i32
        %add3A_195 = arith.addi %mul3A_193, %add3A_194 : i32
        %dma_wait3A_196 = arith.constant 0 : i32
        %dma_wait3A_197 = arith.constant 0 : i32
        %dma_wait3A_198 = tpu.memref_slice %arg12[%dma_wait3A_196, %dma_wait3A_197] : memref<125x128xf32, #tpu.memory_space<vmem>> -> memref<120x128xf32, #tpu.memory_space<vmem>>
        %dma_wait3A_199 = arith.constant 0 : i32
        %dma_wait3A_200 = tpu.memref_slice %arg9[%add3A_195, %dma_wait3A_199] : memref<10000x128xf32, #tpu.memory_space<hbm>> -> memref<120x128xf32, #tpu.memory_space<hbm>>
        %dma_wait3A_201 = arith.constant 0 : i32
        %dma_wait3A_202 = tpu.memref_slice %arg9[%add3A_195, %dma_wait3A_201] : memref<10000x128xf32, #tpu.memory_space<hbm>> -> memref<120x128xf32, #tpu.memory_space<hbm>>
        %dma_wait3A_203 = arith.constant 0 : i32
        %dma_wait3A_204 = arith.constant 0 : i32
        %dma_wait3A_205 = tpu.memref_slice %arg12[%dma_wait3A_203, %dma_wait3A_204] : memref<125x128xf32, #tpu.memory_space<vmem>> -> memref<120x128xf32, #tpu.memory_space<vmem>>
        tpu.wait_dma2 semaphore(%arg15 : memref<!tpu.dma_semaphore, #tpu.memory_space<semaphore_mem>>) src(%dma_wait3A_205 : memref<120x128xf32, #tpu.memory_space<vmem>>) dst(%dma_wait3A_202 : memref<120x128xf32, #tpu.memory_space<hbm>>)
        %mul3A_206 = arith.constant 1000 : i32
        %mul3A_207 = arith.muli %arg1, %mul3A_206 : i32
        %add3A_208 = arith.constant 720 : i32
        %add3A_209 = arith.addi %mul3A_207, %add3A_208 : i32
        "tpu.region"() ({
          %run_scoped3A = tpu.sem_alloc : memref<!tpu.dma_semaphore, #tpu.memory_space<semaphore_mem>>
          %dma_start3A_316 = arith.constant 0 : i32
          %dma_start3A_317 = arith.constant 0 : i32
          %dma_start3A_318 = tpu.memref_slice %arg12[%dma_start3A_316, %dma_start3A_317] : memref<125x128xf32, #tpu.memory_space<vmem>> -> memref<120x128xf32, #tpu.memory_space<vmem>>
          %dma_start3A_319 = arith.constant 0 : i32
          %dma_start3A_320 = tpu.memref_slice %arg14[%add3A_209, %dma_start3A_319] : memref<10000x128xf32, #tpu.memory_space<vmem_shared>> -> memref<120x128xf32, #tpu.memory_space<vmem_shared>>
          %dma_start3A_321 = arith.constant 0 : i32
          %dma_start3A_322 = arith.constant 0 : i32
          %dma_start3A_323 = tpu.memref_slice %arg12[%dma_start3A_321, %dma_start3A_322] : memref<125x128xf32, #tpu.memory_space<vmem>> -> memref<120x128xf32, #tpu.memory_space<vmem>>
          %dma_start3A_324 = arith.constant 0 : i32
          %dma_start3A_325 = tpu.memref_slice %arg14[%add3A_209, %dma_start3A_324] : memref<10000x128xf32, #tpu.memory_space<vmem_shared>> -> memref<120x128xf32, #tpu.memory_space<vmem_shared>>
          tpu.enqueue_dma source(%dma_start3A_325 : memref<120x128xf32, #tpu.memory_space<vmem_shared>>) target(%dma_start3A_323 : memref<120x128xf32, #tpu.memory_space<vmem>>) target_semaphore(%run_scoped3A : memref<!tpu.dma_semaphore, #tpu.memory_space<semaphore_mem>>)
          %dma_wait3A_326 = arith.constant 0 : i32
          %dma_wait3A_327 = arith.constant 0 : i32
          %dma_wait3A_328 = tpu.memref_slice %arg12[%dma_wait3A_326, %dma_wait3A_327] : memref<125x128xf32, #tpu.memory_space<vmem>> -> memref<120x128xf32, #tpu.memory_space<vmem>>
          %dma_wait3A_329 = arith.constant 0 : i32
          %dma_wait3A_330 = tpu.memref_slice %arg14[%add3A_209, %dma_wait3A_329] : memref<10000x128xf32, #tpu.memory_space<vmem_shared>> -> memref<120x128xf32, #tpu.memory_space<vmem_shared>>
          %dma_wait3A_331 = arith.constant 0 : i32
          %dma_wait3A_332 = arith.constant 0 : i32
          %dma_wait3A_333 = tpu.memref_slice %arg12[%dma_wait3A_331, %dma_wait3A_332] : memref<125x128xf32, #tpu.memory_space<vmem>> -> memref<120x128xf32, #tpu.memory_space<vmem>>
          %dma_wait3A_334 = arith.constant 0 : i32
          %dma_wait3A_335 = tpu.memref_slice %arg14[%add3A_209, %dma_wait3A_334] : memref<10000x128xf32, #tpu.memory_space<vmem_shared>> -> memref<120x128xf32, #tpu.memory_space<vmem_shared>>
          tpu.wait_dma2 semaphore(%run_scoped3A : memref<!tpu.dma_semaphore, #tpu.memory_space<semaphore_mem>>) src(%dma_wait3A_335 : memref<120x128xf32, #tpu.memory_space<vmem_shared>>) dst(%dma_wait3A_333 : memref<120x128xf32, #tpu.memory_space<vmem>>)
          tpu.yield
        }) : () -> ()
        %mul3A_210 = arith.constant 1000 : i32
        %mul3A_211 = arith.muli %arg1, %mul3A_210 : i32
        %add3A_212 = arith.constant 720 : i32
        %add3A_213 = arith.addi %mul3A_211, %add3A_212 : i32
        %dma_start3A_214 = arith.constant 0 : i32
        %dma_start3A_215 = arith.constant 0 : i32
        %dma_start3A_216 = tpu.memref_slice %arg12[%dma_start3A_214, %dma_start3A_215] : memref<125x128xf32, #tpu.memory_space<vmem>> -> memref<120x128xf32, #tpu.memory_space<vmem>>
        %dma_start3A_217 = arith.constant 0 : i32
        %dma_start3A_218 = tpu.memref_slice %arg9[%add3A_213, %dma_start3A_217] : memref<10000x128xf32, #tpu.memory_space<hbm>> -> memref<120x128xf32, #tpu.memory_space<hbm>>
        %dma_start3A_219 = arith.constant 0 : i32
        %dma_start3A_220 = tpu.memref_slice %arg9[%add3A_213, %dma_start3A_219] : memref<10000x128xf32, #tpu.memory_space<hbm>> -> memref<120x128xf32, #tpu.memory_space<hbm>>
        %dma_start3A_221 = arith.constant 0 : i32
        %dma_start3A_222 = arith.constant 0 : i32
        %dma_start3A_223 = tpu.memref_slice %arg12[%dma_start3A_221, %dma_start3A_222] : memref<125x128xf32, #tpu.memory_space<vmem>> -> memref<120x128xf32, #tpu.memory_space<vmem>>
        tpu.enqueue_dma source(%dma_start3A_223 : memref<120x128xf32, #tpu.memory_space<vmem>>) target(%dma_start3A_220 : memref<120x128xf32, #tpu.memory_space<hbm>>) target_semaphore(%arg15 : memref<!tpu.dma_semaphore, #tpu.memory_space<semaphore_mem>>)
        %mul3A_224 = arith.constant 1000 : i32
        %mul3A_225 = arith.muli %arg1, %mul3A_224 : i32
        %add3A_226 = arith.constant 600 : i32
        %add3A_227 = arith.addi %mul3A_225, %add3A_226 : i32
        %dma_wait3A_228 = arith.constant 0 : i32
        %dma_wait3A_229 = arith.constant 0 : i32
        %dma_wait3A_230 = tpu.memref_slice %arg13[%dma_wait3A_228, %dma_wait3A_229] : memref<125x128xf32, #tpu.memory_space<vmem>> -> memref<120x128xf32, #tpu.memory_space<vmem>>
        %dma_wait3A_231 = arith.constant 0 : i32
        %dma_wait3A_232 = tpu.memref_slice %arg9[%add3A_227, %dma_wait3A_231] : memref<10000x128xf32, #tpu.memory_space<hbm>> -> memref<120x128xf32, #tpu.memory_space<hbm>>
        %dma_wait3A_233 = arith.constant 0 : i32
        %dma_wait3A_234 = tpu.memref_slice %arg9[%add3A_227, %dma_wait3A_233] : memref<10000x128xf32, #tpu.memory_space<hbm>> -> memref<120x128xf32, #tpu.memory_space<hbm>>
        %dma_wait3A_235 = arith.constant 0 : i32
        %dma_wait3A_236 = arith.constant 0 : i32
        %dma_wait3A_237 = tpu.memref_slice %arg13[%dma_wait3A_235, %dma_wait3A_236] : memref<125x128xf32, #tpu.memory_space<vmem>> -> memref<120x128xf32, #tpu.memory_space<vmem>>
        tpu.wait_dma2 semaphore(%arg16 : memref<!tpu.dma_semaphore, #tpu.memory_space<semaphore_mem>>) src(%dma_wait3A_237 : memref<120x128xf32, #tpu.memory_space<vmem>>) dst(%dma_wait3A_234 : memref<120x128xf32, #tpu.memory_space<hbm>>)
        %mul3A_238 = arith.constant 1000 : i32
        %mul3A_239 = arith.muli %arg1, %mul3A_238 : i32
        %add3A_240 = arith.constant 840 : i32
        %add3A_241 = arith.addi %mul3A_239, %add3A_240 : i32
        "tpu.region"() ({
          %run_scoped3A = tpu.sem_alloc : memref<!tpu.dma_semaphore, #tpu.memory_space<semaphore_mem>>
          %dma_start3A_316 = arith.constant 0 : i32
          %dma_start3A_317 = arith.constant 0 : i32
          %dma_start3A_318 = tpu.memref_slice %arg13[%dma_start3A_316, %dma_start3A_317] : memref<125x128xf32, #tpu.memory_space<vmem>> -> memref<120x128xf32, #tpu.memory_space<vmem>>
          %dma_start3A_319 = arith.constant 0 : i32
          %dma_start3A_320 = tpu.memref_slice %arg14[%add3A_241, %dma_start3A_319] : memref<10000x128xf32, #tpu.memory_space<vmem_shared>> -> memref<120x128xf32, #tpu.memory_space<vmem_shared>>
          %dma_start3A_321 = arith.constant 0 : i32
          %dma_start3A_322 = arith.constant 0 : i32
          %dma_start3A_323 = tpu.memref_slice %arg13[%dma_start3A_321, %dma_start3A_322] : memref<125x128xf32, #tpu.memory_space<vmem>> -> memref<120x128xf32, #tpu.memory_space<vmem>>
          %dma_start3A_324 = arith.constant 0 : i32
          %dma_start3A_325 = tpu.memref_slice %arg14[%add3A_241, %dma_start3A_324] : memref<10000x128xf32, #tpu.memory_space<vmem_shared>> -> memref<120x128xf32, #tpu.memory_space<vmem_shared>>
          tpu.enqueue_dma source(%dma_start3A_325 : memref<120x128xf32, #tpu.memory_space<vmem_shared>>) target(%dma_start3A_323 : memref<120x128xf32, #tpu.memory_space<vmem>>) target_semaphore(%run_scoped3A : memref<!tpu.dma_semaphore, #tpu.memory_space<semaphore_mem>>)
          %dma_wait3A_326 = arith.constant 0 : i32
          %dma_wait3A_327 = arith.constant 0 : i32
          %dma_wait3A_328 = tpu.memref_slice %arg13[%dma_wait3A_326, %dma_wait3A_327] : memref<125x128xf32, #tpu.memory_space<vmem>> -> memref<120x128xf32, #tpu.memory_space<vmem>>
          %dma_wait3A_329 = arith.constant 0 : i32
          %dma_wait3A_330 = tpu.memref_slice %arg14[%add3A_241, %dma_wait3A_329] : memref<10000x128xf32, #tpu.memory_space<vmem_shared>> -> memref<120x128xf32, #tpu.memory_space<vmem_shared>>
          %dma_wait3A_331 = arith.constant 0 : i32
          %dma_wait3A_332 = arith.constant 0 : i32
          %dma_wait3A_333 = tpu.memref_slice %arg13[%dma_wait3A_331, %dma_wait3A_332] : memref<125x128xf32, #tpu.memory_space<vmem>> -> memref<120x128xf32, #tpu.memory_space<vmem>>
          %dma_wait3A_334 = arith.constant 0 : i32
          %dma_wait3A_335 = tpu.memref_slice %arg14[%add3A_241, %dma_wait3A_334] : memref<10000x128xf32, #tpu.memory_space<vmem_shared>> -> memref<120x128xf32, #tpu.memory_space<vmem_shared>>
          tpu.wait_dma2 semaphore(%run_scoped3A : memref<!tpu.dma_semaphore, #tpu.memory_space<semaphore_mem>>) src(%dma_wait3A_335 : memref<120x128xf32, #tpu.memory_space<vmem_shared>>) dst(%dma_wait3A_333 : memref<120x128xf32, #tpu.memory_space<vmem>>)
          tpu.yield
        }) : () -> ()
        %mul3A_242 = arith.constant 1000 : i32
        %mul3A_243 = arith.muli %arg1, %mul3A_242 : i32
        %add3A_244 = arith.constant 840 : i32
        %add3A_245 = arith.addi %mul3A_243, %add3A_244 : i32
        %dma_start3A_246 = arith.constant 0 : i32
        %dma_start3A_247 = arith.constant 0 : i32
        %dma_start3A_248 = tpu.memref_slice %arg13[%dma_start3A_246, %dma_start3A_247] : memref<125x128xf32, #tpu.memory_space<vmem>> -> memref<120x128xf32, #tpu.memory_space<vmem>>
        %dma_start3A_249 = arith.constant 0 : i32
        %dma_start3A_250 = tpu.memref_slice %arg9[%add3A_245, %dma_start3A_249] : memref<10000x128xf32, #tpu.memory_space<hbm>> -> memref<120x128xf32, #tpu.memory_space<hbm>>
        %dma_start3A_251 = arith.constant 0 : i32
        %dma_start3A_252 = tpu.memref_slice %arg9[%add3A_245, %dma_start3A_251] : memref<10000x128xf32, #tpu.memory_space<hbm>> -> memref<120x128xf32, #tpu.memory_space<hbm>>
        %dma_start3A_253 = arith.constant 0 : i32
        %dma_start3A_254 = arith.constant 0 : i32
        %dma_start3A_255 = tpu.memref_slice %arg13[%dma_start3A_253, %dma_start3A_254] : memref<125x128xf32, #tpu.memory_space<vmem>> -> memref<120x128xf32, #tpu.memory_space<vmem>>
        tpu.enqueue_dma source(%dma_start3A_255 : memref<120x128xf32, #tpu.memory_space<vmem>>) target(%dma_start3A_252 : memref<120x128xf32, #tpu.memory_space<hbm>>) target_semaphore(%arg16 : memref<!tpu.dma_semaphore, #tpu.memory_space<semaphore_mem>>)
        %mul3A_256 = arith.constant 1000 : i32
        %mul3A_257 = arith.muli %arg1, %mul3A_256 : i32
        %add3A_258 = arith.constant 720 : i32
        %add3A_259 = arith.addi %mul3A_257, %add3A_258 : i32
        %dma_wait3A_260 = arith.constant 0 : i32
        %dma_wait3A_261 = arith.constant 0 : i32
        %dma_wait3A_262 = tpu.memref_slice %arg12[%dma_wait3A_260, %dma_wait3A_261] : memref<125x128xf32, #tpu.memory_space<vmem>> -> memref<120x128xf32, #tpu.memory_space<vmem>>
        %dma_wait3A_263 = arith.constant 0 : i32
        %dma_wait3A_264 = tpu.memref_slice %arg9[%add3A_259, %dma_wait3A_263] : memref<10000x128xf32, #tpu.memory_space<hbm>> -> memref<120x128xf32, #tpu.memory_space<hbm>>
        %dma_wait3A_265 = arith.constant 0 : i32
        %dma_wait3A_266 = tpu.memref_slice %arg9[%add3A_259, %dma_wait3A_265] : memref<10000x128xf32, #tpu.memory_space<hbm>> -> memref<120x128xf32, #tpu.memory_space<hbm>>
        %dma_wait3A_267 = arith.constant 0 : i32
        %dma_wait3A_268 = arith.constant 0 : i32
        %dma_wait3A_269 = tpu.memref_slice %arg12[%dma_wait3A_267, %dma_wait3A_268] : memref<125x128xf32, #tpu.memory_space<vmem>> -> memref<120x128xf32, #tpu.memory_space<vmem>>
        tpu.wait_dma2 semaphore(%arg15 : memref<!tpu.dma_semaphore, #tpu.memory_space<semaphore_mem>>) src(%dma_wait3A_269 : memref<120x128xf32, #tpu.memory_space<vmem>>) dst(%dma_wait3A_266 : memref<120x128xf32, #tpu.memory_space<hbm>>)
        %mul3A_270 = arith.constant 1000 : i32
        %mul3A_271 = arith.muli %arg1, %mul3A_270 : i32
        %add3A_272 = arith.constant 960 : i32
        %add3A_273 = arith.addi %mul3A_271, %add3A_272 : i32
        "tpu.region"() ({
          %run_scoped3A = tpu.sem_alloc : memref<!tpu.dma_semaphore, #tpu.memory_space<semaphore_mem>>
          %dma_start3A_316 = arith.constant 0 : i32
          %dma_start3A_317 = arith.constant 0 : i32
          %dma_start3A_318 = tpu.memref_slice %arg12[%dma_start3A_316, %dma_start3A_317] : memref<125x128xf32, #tpu.memory_space<vmem>> -> memref<40x128xf32, #tpu.memory_space<vmem>>
          %dma_start3A_319 = arith.constant 0 : i32
          %dma_start3A_320 = tpu.memref_slice %arg14[%add3A_273, %dma_start3A_319] : memref<10000x128xf32, #tpu.memory_space<vmem_shared>> -> memref<40x128xf32, #tpu.memory_space<vmem_shared>>
          %dma_start3A_321 = arith.constant 0 : i32
          %dma_start3A_322 = arith.constant 0 : i32
          %dma_start3A_323 = tpu.memref_slice %arg12[%dma_start3A_321, %dma_start3A_322] : memref<125x128xf32, #tpu.memory_space<vmem>> -> memref<40x128xf32, #tpu.memory_space<vmem>>
          %dma_start3A_324 = arith.constant 0 : i32
          %dma_start3A_325 = tpu.memref_slice %arg14[%add3A_273, %dma_start3A_324] : memref<10000x128xf32, #tpu.memory_space<vmem_shared>> -> memref<40x128xf32, #tpu.memory_space<vmem_shared>>
          tpu.enqueue_dma source(%dma_start3A_325 : memref<40x128xf32, #tpu.memory_space<vmem_shared>>) target(%dma_start3A_323 : memref<40x128xf32, #tpu.memory_space<vmem>>) target_semaphore(%run_scoped3A : memref<!tpu.dma_semaphore, #tpu.memory_space<semaphore_mem>>)
          %dma_wait3A_326 = arith.constant 0 : i32
          %dma_wait3A_327 = arith.constant 0 : i32
          %dma_wait3A_328 = tpu.memref_slice %arg12[%dma_wait3A_326, %dma_wait3A_327] : memref<125x128xf32, #tpu.memory_space<vmem>> -> memref<40x128xf32, #tpu.memory_space<vmem>>
          %dma_wait3A_329 = arith.constant 0 : i32
          %dma_wait3A_330 = tpu.memref_slice %arg14[%add3A_273, %dma_wait3A_329] : memref<10000x128xf32, #tpu.memory_space<vmem_shared>> -> memref<40x128xf32, #tpu.memory_space<vmem_shared>>
          %dma_wait3A_331 = arith.constant 0 : i32
          %dma_wait3A_332 = arith.constant 0 : i32
          %dma_wait3A_333 = tpu.memref_slice %arg12[%dma_wait3A_331, %dma_wait3A_332] : memref<125x128xf32, #tpu.memory_space<vmem>> -> memref<40x128xf32, #tpu.memory_space<vmem>>
          %dma_wait3A_334 = arith.constant 0 : i32
          %dma_wait3A_335 = tpu.memref_slice %arg14[%add3A_273, %dma_wait3A_334] : memref<10000x128xf32, #tpu.memory_space<vmem_shared>> -> memref<40x128xf32, #tpu.memory_space<vmem_shared>>
          tpu.wait_dma2 semaphore(%run_scoped3A : memref<!tpu.dma_semaphore, #tpu.memory_space<semaphore_mem>>) src(%dma_wait3A_335 : memref<40x128xf32, #tpu.memory_space<vmem_shared>>) dst(%dma_wait3A_333 : memref<40x128xf32, #tpu.memory_space<vmem>>)
          tpu.yield
        }) : () -> ()
        %mul3A_274 = arith.constant 1000 : i32
        %mul3A_275 = arith.muli %arg1, %mul3A_274 : i32
        %add3A_276 = arith.constant 960 : i32
        %add3A_277 = arith.addi %mul3A_275, %add3A_276 : i32
        %dma_start3A_278 = arith.constant 0 : i32
        %dma_start3A_279 = arith.constant 0 : i32
        %dma_start3A_280 = tpu.memref_slice %arg12[%dma_start3A_278, %dma_start3A_279] : memref<125x128xf32, #tpu.memory_space<vmem>> -> memref<40x128xf32, #tpu.memory_space<vmem>>
        %dma_start3A_281 = arith.constant 0 : i32
        %dma_start3A_282 = tpu.memref_slice %arg9[%add3A_277, %dma_start3A_281] : memref<10000x128xf32, #tpu.memory_space<hbm>> -> memref<40x128xf32, #tpu.memory_space<hbm>>
        %dma_start3A_283 = arith.constant 0 : i32
        %dma_start3A_284 = tpu.memref_slice %arg9[%add3A_277, %dma_start3A_283] : memref<10000x128xf32, #tpu.memory_space<hbm>> -> memref<40x128xf32, #tpu.memory_space<hbm>>
        %dma_start3A_285 = arith.constant 0 : i32
        %dma_start3A_286 = arith.constant 0 : i32
        %dma_start3A_287 = tpu.memref_slice %arg12[%dma_start3A_285, %dma_start3A_286] : memref<125x128xf32, #tpu.memory_space<vmem>> -> memref<40x128xf32, #tpu.memory_space<vmem>>
        tpu.enqueue_dma source(%dma_start3A_287 : memref<40x128xf32, #tpu.memory_space<vmem>>) target(%dma_start3A_284 : memref<40x128xf32, #tpu.memory_space<hbm>>) target_semaphore(%arg15 : memref<!tpu.dma_semaphore, #tpu.memory_space<semaphore_mem>>)
        %mul3A_288 = arith.constant 1000 : i32
        %mul3A_289 = arith.muli %arg1, %mul3A_288 : i32
        %add3A_290 = arith.constant 840 : i32
        %add3A_291 = arith.addi %mul3A_289, %add3A_290 : i32
        %dma_wait3A_292 = arith.constant 0 : i32
        %dma_wait3A_293 = arith.constant 0 : i32
        %dma_wait3A_294 = tpu.memref_slice %arg13[%dma_wait3A_292, %dma_wait3A_293] : memref<125x128xf32, #tpu.memory_space<vmem>> -> memref<120x128xf32, #tpu.memory_space<vmem>>
        %dma_wait3A_295 = arith.constant 0 : i32
        %dma_wait3A_296 = tpu.memref_slice %arg9[%add3A_291, %dma_wait3A_295] : memref<10000x128xf32, #tpu.memory_space<hbm>> -> memref<120x128xf32, #tpu.memory_space<hbm>>
        %dma_wait3A_297 = arith.constant 0 : i32
        %dma_wait3A_298 = tpu.memref_slice %arg9[%add3A_291, %dma_wait3A_297] : memref<10000x128xf32, #tpu.memory_space<hbm>> -> memref<120x128xf32, #tpu.memory_space<hbm>>
        %dma_wait3A_299 = arith.constant 0 : i32
        %dma_wait3A_300 = arith.constant 0 : i32
        %dma_wait3A_301 = tpu.memref_slice %arg13[%dma_wait3A_299, %dma_wait3A_300] : memref<125x128xf32, #tpu.memory_space<vmem>> -> memref<120x128xf32, #tpu.memory_space<vmem>>
        tpu.wait_dma2 semaphore(%arg16 : memref<!tpu.dma_semaphore, #tpu.memory_space<semaphore_mem>>) src(%dma_wait3A_301 : memref<120x128xf32, #tpu.memory_space<vmem>>) dst(%dma_wait3A_298 : memref<120x128xf32, #tpu.memory_space<hbm>>)
        %mul3A_302 = arith.constant 1000 : i32
        %mul3A_303 = arith.muli %arg1, %mul3A_302 : i32
        %add3A_304 = arith.constant 960 : i32
        %add3A_305 = arith.addi %mul3A_303, %add3A_304 : i32
        %dma_wait3A_306 = arith.constant 0 : i32
        %dma_wait3A_307 = arith.constant 0 : i32
        %dma_wait3A_308 = tpu.memref_slice %arg12[%dma_wait3A_306, %dma_wait3A_307] : memref<125x128xf32, #tpu.memory_space<vmem>> -> memref<40x128xf32, #tpu.memory_space<vmem>>
        %dma_wait3A_309 = arith.constant 0 : i32
        %dma_wait3A_310 = tpu.memref_slice %arg9[%add3A_305, %dma_wait3A_309] : memref<10000x128xf32, #tpu.memory_space<hbm>> -> memref<40x128xf32, #tpu.memory_space<hbm>>
        %dma_wait3A_311 = arith.constant 0 : i32
        %dma_wait3A_312 = tpu.memref_slice %arg9[%add3A_305, %dma_wait3A_311] : memref<10000x128xf32, #tpu.memory_space<hbm>> -> memref<40x128xf32, #tpu.memory_space<hbm>>
        %dma_wait3A_313 = arith.constant 0 : i32
        %dma_wait3A_314 = arith.constant 0 : i32
        %dma_wait3A_315 = tpu.memref_slice %arg12[%dma_wait3A_313, %dma_wait3A_314] : memref<125x128xf32, #tpu.memory_space<vmem>> -> memref<40x128xf32, #tpu.memory_space<vmem>>
        tpu.wait_dma2 semaphore(%arg15 : memref<!tpu.dma_semaphore, #tpu.memory_space<semaphore_mem>>) src(%dma_wait3A_315 : memref<40x128xf32, #tpu.memory_space<vmem>>) dst(%dma_wait3A_312 : memref<40x128xf32, #tpu.memory_space<hbm>>)
      } else {
      }
    } else {
    }
    return
  }
}

module attributes {stable_mosaic.version = 14 : i64} {
  func.func @_kan_body(%arg0: i32, %arg1: memref<400x128xf32, #tpu.memory_space<vmem>>, %arg2: memref<12x128xf32, #tpu.memory_space<vmem>>, %arg3: memref<1152x384xf32, #tpu.memory_space<vmem>>, %arg4: memref<400x128xf32, #tpu.memory_space<vmem>>, %arg5: memref<400x128xf32, #tpu.memory_space<vmem>>, %arg6: memref<400x128xf32, #tpu.memory_space<vmem>>) attributes {dimension_semantics = [#tpu.dimension_semantics<arbitrary>], iteration_bounds = array<i64: 25>, scalar_prefetch = 0 : i64, scratch_operands = 0 : i64, tpu.core_type = #tpu.core_type<tc>, window_params = [{transform_indices = @transform_0, window_bounds = array<i64: 400, 128>}, {pipeline_mode = #tpu.pipeline_mode<synchronous>, transform_indices = @transform_1, window_bounds = array<i64: 12, 128>}, {pipeline_mode = #tpu.pipeline_mode<synchronous>, transform_indices = @transform_2, window_bounds = array<i64: 1152, 384>}, {transform_indices = @transform_3, window_bounds = array<i64: 400, 128>}, {transform_indices = @transform_4, window_bounds = array<i64: 400, 128>}, {transform_indices = @transform_5, window_bounds = array<i64: 400, 128>}]} {
    %get3A = arith.constant 0 : index
    %get3A_0 = arith.constant 0 : index
    %get3A_1 = vector.load %arg1[%get3A, %get3A_0] : memref<400x128xf32, #tpu.memory_space<vmem>>, vector<400x128xf32>
    %get3A_2 = arith.constant 0 : index
    %get3A_3 = arith.constant 0 : index
    %get3A_4 = vector.load %arg2[%get3A_2, %get3A_3] : memref<12x128xf32, #tpu.memory_space<vmem>>, vector<1x128xf32>
    %get3A_5 = vector.shape_cast %get3A_4 : vector<1x128xf32> to vector<128xf32>
    %get3A_6 = arith.constant 1 : index
    %get3A_7 = arith.constant 0 : index
    %get3A_8 = vector.load %arg2[%get3A_6, %get3A_7] : memref<12x128xf32, #tpu.memory_space<vmem>>, vector<1x128xf32>
    %get3A_9 = vector.shape_cast %get3A_8 : vector<1x128xf32> to vector<128xf32>
    %get3A_10 = arith.constant 2 : index
    %get3A_11 = arith.constant 0 : index
    %get3A_12 = vector.load %arg2[%get3A_10, %get3A_11] : memref<12x128xf32, #tpu.memory_space<vmem>>, vector<1x128xf32>
    %get3A_13 = vector.shape_cast %get3A_12 : vector<1x128xf32> to vector<128xf32>
    %get3A_14 = arith.constant 3 : index
    %get3A_15 = arith.constant 0 : index
    %get3A_16 = vector.load %arg2[%get3A_14, %get3A_15] : memref<12x128xf32, #tpu.memory_space<vmem>>, vector<1x128xf32>
    %get3A_17 = vector.shape_cast %get3A_16 : vector<1x128xf32> to vector<128xf32>
    %get3A_18 = arith.constant 4 : index
    %get3A_19 = arith.constant 0 : index
    %get3A_20 = vector.load %arg2[%get3A_18, %get3A_19] : memref<12x128xf32, #tpu.memory_space<vmem>>, vector<1x128xf32>
    %get3A_21 = vector.shape_cast %get3A_20 : vector<1x128xf32> to vector<128xf32>
    %get3A_22 = arith.constant 5 : index
    %get3A_23 = arith.constant 0 : index
    %get3A_24 = vector.load %arg2[%get3A_22, %get3A_23] : memref<12x128xf32, #tpu.memory_space<vmem>>, vector<1x128xf32>
    %get3A_25 = vector.shape_cast %get3A_24 : vector<1x128xf32> to vector<128xf32>
    %get3A_26 = arith.constant 6 : index
    %get3A_27 = arith.constant 0 : index
    %get3A_28 = vector.load %arg2[%get3A_26, %get3A_27] : memref<12x128xf32, #tpu.memory_space<vmem>>, vector<1x128xf32>
    %get3A_29 = vector.shape_cast %get3A_28 : vector<1x128xf32> to vector<128xf32>
    %get3A_30 = arith.constant 7 : index
    %get3A_31 = arith.constant 0 : index
    %get3A_32 = vector.load %arg2[%get3A_30, %get3A_31] : memref<12x128xf32, #tpu.memory_space<vmem>>, vector<1x128xf32>
    %get3A_33 = vector.shape_cast %get3A_32 : vector<1x128xf32> to vector<128xf32>
    %get3A_34 = arith.constant 8 : index
    %get3A_35 = arith.constant 0 : index
    %get3A_36 = vector.load %arg2[%get3A_34, %get3A_35] : memref<12x128xf32, #tpu.memory_space<vmem>>, vector<1x128xf32>
    %get3A_37 = vector.shape_cast %get3A_36 : vector<1x128xf32> to vector<128xf32>
    %get3A_38 = arith.constant 9 : index
    %get3A_39 = arith.constant 0 : index
    %get3A_40 = vector.load %arg2[%get3A_38, %get3A_39] : memref<12x128xf32, #tpu.memory_space<vmem>>, vector<1x128xf32>
    %get3A_41 = vector.shape_cast %get3A_40 : vector<1x128xf32> to vector<128xf32>
    %get3A_42 = arith.constant 10 : index
    %get3A_43 = arith.constant 0 : index
    %get3A_44 = vector.load %arg2[%get3A_42, %get3A_43] : memref<12x128xf32, #tpu.memory_space<vmem>>, vector<1x128xf32>
    %get3A_45 = vector.shape_cast %get3A_44 : vector<1x128xf32> to vector<128xf32>
    %get3A_46 = arith.constant 11 : index
    %get3A_47 = arith.constant 0 : index
    %get3A_48 = vector.load %arg2[%get3A_46, %get3A_47] : memref<12x128xf32, #tpu.memory_space<vmem>>, vector<1x128xf32>
    %get3A_49 = vector.shape_cast %get3A_48 : vector<1x128xf32> to vector<128xf32>
    %broadcast_in_dim3A = vector.shape_cast %get3A_5 : vector<128xf32> to vector<1x128xf32>
    %sub3A = vector.broadcast %broadcast_in_dim3A : vector<1x128xf32> to vector<400x128xf32>
    %sub3A_50 = arith.subf %get3A_1, %sub3A : vector<400x128xf32>
    %broadcast_in_dim3A_51 = vector.shape_cast %get3A_9 : vector<128xf32> to vector<1x128xf32>
    %sub3A_52 = vector.broadcast %broadcast_in_dim3A_51 : vector<1x128xf32> to vector<400x128xf32>
    %sub3A_53 = arith.subf %get3A_1, %sub3A_52 : vector<400x128xf32>
    %broadcast_in_dim3A_54 = vector.shape_cast %get3A_13 : vector<128xf32> to vector<1x128xf32>
    %sub3A_55 = vector.broadcast %broadcast_in_dim3A_54 : vector<1x128xf32> to vector<400x128xf32>
    %sub3A_56 = arith.subf %get3A_1, %sub3A_55 : vector<400x128xf32>
    %broadcast_in_dim3A_57 = vector.shape_cast %get3A_17 : vector<128xf32> to vector<1x128xf32>
    %sub3A_58 = vector.broadcast %broadcast_in_dim3A_57 : vector<1x128xf32> to vector<400x128xf32>
    %sub3A_59 = arith.subf %get3A_1, %sub3A_58 : vector<400x128xf32>
    %broadcast_in_dim3A_60 = vector.shape_cast %get3A_21 : vector<128xf32> to vector<1x128xf32>
    %sub3A_61 = vector.broadcast %broadcast_in_dim3A_60 : vector<1x128xf32> to vector<400x128xf32>
    %sub3A_62 = arith.subf %get3A_1, %sub3A_61 : vector<400x128xf32>
    %broadcast_in_dim3A_63 = vector.shape_cast %get3A_25 : vector<128xf32> to vector<1x128xf32>
    %sub3A_64 = vector.broadcast %broadcast_in_dim3A_63 : vector<1x128xf32> to vector<400x128xf32>
    %sub3A_65 = arith.subf %get3A_1, %sub3A_64 : vector<400x128xf32>
    %broadcast_in_dim3A_66 = vector.shape_cast %get3A_29 : vector<128xf32> to vector<1x128xf32>
    %sub3A_67 = vector.broadcast %broadcast_in_dim3A_66 : vector<1x128xf32> to vector<400x128xf32>
    %sub3A_68 = arith.subf %get3A_1, %sub3A_67 : vector<400x128xf32>
    %broadcast_in_dim3A_69 = vector.shape_cast %get3A_33 : vector<128xf32> to vector<1x128xf32>
    %sub3A_70 = vector.broadcast %broadcast_in_dim3A_69 : vector<1x128xf32> to vector<400x128xf32>
    %sub3A_71 = arith.subf %get3A_1, %sub3A_70 : vector<400x128xf32>
    %broadcast_in_dim3A_72 = vector.shape_cast %get3A_37 : vector<128xf32> to vector<1x128xf32>
    %sub3A_73 = vector.broadcast %broadcast_in_dim3A_72 : vector<1x128xf32> to vector<400x128xf32>
    %sub3A_74 = arith.subf %get3A_1, %sub3A_73 : vector<400x128xf32>
    %broadcast_in_dim3A_75 = vector.shape_cast %get3A_41 : vector<128xf32> to vector<1x128xf32>
    %sub3A_76 = vector.broadcast %broadcast_in_dim3A_75 : vector<1x128xf32> to vector<400x128xf32>
    %sub3A_77 = arith.subf %get3A_1, %sub3A_76 : vector<400x128xf32>
    %broadcast_in_dim3A_78 = vector.shape_cast %get3A_45 : vector<128xf32> to vector<1x128xf32>
    %sub3A_79 = vector.broadcast %broadcast_in_dim3A_78 : vector<1x128xf32> to vector<400x128xf32>
    %sub3A_80 = arith.subf %get3A_1, %sub3A_79 : vector<400x128xf32>
    %broadcast_in_dim3A_81 = vector.shape_cast %get3A_49 : vector<128xf32> to vector<1x128xf32>
    %sub3A_82 = vector.broadcast %broadcast_in_dim3A_81 : vector<1x128xf32> to vector<400x128xf32>
    %sub3A_83 = arith.subf %get3A_1, %sub3A_82 : vector<400x128xf32>
    %broadcast_in_dim3A_84 = vector.shape_cast %get3A_5 : vector<128xf32> to vector<1x128xf32>
    %ge3A = vector.broadcast %broadcast_in_dim3A_84 : vector<1x128xf32> to vector<400x128xf32>
    %ge3A_85 = arith.cmpf oge, %get3A_1, %ge3A : vector<400x128xf32>
    %broadcast_in_dim3A_86 = vector.shape_cast %get3A_9 : vector<128xf32> to vector<1x128xf32>
    %lt3A = vector.broadcast %broadcast_in_dim3A_86 : vector<1x128xf32> to vector<400x128xf32>
    %lt3A_87 = arith.cmpf olt, %get3A_1, %lt3A : vector<400x128xf32>
    %and3A = arith.andi %ge3A_85, %lt3A_87 : vector<400x128xi1>
    %convert_element_type3A = arith.extui %and3A : vector<400x128xi1> to vector<400x128xi32>
    %convert_element_type3A_88 = arith.sitofp %convert_element_type3A : vector<400x128xi32> to vector<400x128xf32>
    %broadcast_in_dim3A_89 = vector.shape_cast %get3A_9 : vector<128xf32> to vector<1x128xf32>
    %ge3A_90 = vector.broadcast %broadcast_in_dim3A_89 : vector<1x128xf32> to vector<400x128xf32>
    %ge3A_91 = arith.cmpf oge, %get3A_1, %ge3A_90 : vector<400x128xf32>
    %broadcast_in_dim3A_92 = vector.shape_cast %get3A_13 : vector<128xf32> to vector<1x128xf32>
    %lt3A_93 = vector.broadcast %broadcast_in_dim3A_92 : vector<1x128xf32> to vector<400x128xf32>
    %lt3A_94 = arith.cmpf olt, %get3A_1, %lt3A_93 : vector<400x128xf32>
    %and3A_95 = arith.andi %ge3A_91, %lt3A_94 : vector<400x128xi1>
    %convert_element_type3A_96 = arith.extui %and3A_95 : vector<400x128xi1> to vector<400x128xi32>
    %convert_element_type3A_97 = arith.sitofp %convert_element_type3A_96 : vector<400x128xi32> to vector<400x128xf32>
    %broadcast_in_dim3A_98 = vector.shape_cast %get3A_13 : vector<128xf32> to vector<1x128xf32>
    %ge3A_99 = vector.broadcast %broadcast_in_dim3A_98 : vector<1x128xf32> to vector<400x128xf32>
    %ge3A_100 = arith.cmpf oge, %get3A_1, %ge3A_99 : vector<400x128xf32>
    %broadcast_in_dim3A_101 = vector.shape_cast %get3A_17 : vector<128xf32> to vector<1x128xf32>
    %lt3A_102 = vector.broadcast %broadcast_in_dim3A_101 : vector<1x128xf32> to vector<400x128xf32>
    %lt3A_103 = arith.cmpf olt, %get3A_1, %lt3A_102 : vector<400x128xf32>
    %and3A_104 = arith.andi %ge3A_100, %lt3A_103 : vector<400x128xi1>
    %convert_element_type3A_105 = arith.extui %and3A_104 : vector<400x128xi1> to vector<400x128xi32>
    %convert_element_type3A_106 = arith.sitofp %convert_element_type3A_105 : vector<400x128xi32> to vector<400x128xf32>
    %broadcast_in_dim3A_107 = vector.shape_cast %get3A_17 : vector<128xf32> to vector<1x128xf32>
    %ge3A_108 = vector.broadcast %broadcast_in_dim3A_107 : vector<1x128xf32> to vector<400x128xf32>
    %ge3A_109 = arith.cmpf oge, %get3A_1, %ge3A_108 : vector<400x128xf32>
    %broadcast_in_dim3A_110 = vector.shape_cast %get3A_21 : vector<128xf32> to vector<1x128xf32>
    %lt3A_111 = vector.broadcast %broadcast_in_dim3A_110 : vector<1x128xf32> to vector<400x128xf32>
    %lt3A_112 = arith.cmpf olt, %get3A_1, %lt3A_111 : vector<400x128xf32>
    %and3A_113 = arith.andi %ge3A_109, %lt3A_112 : vector<400x128xi1>
    %convert_element_type3A_114 = arith.extui %and3A_113 : vector<400x128xi1> to vector<400x128xi32>
    %convert_element_type3A_115 = arith.sitofp %convert_element_type3A_114 : vector<400x128xi32> to vector<400x128xf32>
    %broadcast_in_dim3A_116 = vector.shape_cast %get3A_21 : vector<128xf32> to vector<1x128xf32>
    %ge3A_117 = vector.broadcast %broadcast_in_dim3A_116 : vector<1x128xf32> to vector<400x128xf32>
    %ge3A_118 = arith.cmpf oge, %get3A_1, %ge3A_117 : vector<400x128xf32>
    %broadcast_in_dim3A_119 = vector.shape_cast %get3A_25 : vector<128xf32> to vector<1x128xf32>
    %lt3A_120 = vector.broadcast %broadcast_in_dim3A_119 : vector<1x128xf32> to vector<400x128xf32>
    %lt3A_121 = arith.cmpf olt, %get3A_1, %lt3A_120 : vector<400x128xf32>
    %and3A_122 = arith.andi %ge3A_118, %lt3A_121 : vector<400x128xi1>
    %convert_element_type3A_123 = arith.extui %and3A_122 : vector<400x128xi1> to vector<400x128xi32>
    %convert_element_type3A_124 = arith.sitofp %convert_element_type3A_123 : vector<400x128xi32> to vector<400x128xf32>
    %broadcast_in_dim3A_125 = vector.shape_cast %get3A_25 : vector<128xf32> to vector<1x128xf32>
    %ge3A_126 = vector.broadcast %broadcast_in_dim3A_125 : vector<1x128xf32> to vector<400x128xf32>
    %ge3A_127 = arith.cmpf oge, %get3A_1, %ge3A_126 : vector<400x128xf32>
    %broadcast_in_dim3A_128 = vector.shape_cast %get3A_29 : vector<128xf32> to vector<1x128xf32>
    %lt3A_129 = vector.broadcast %broadcast_in_dim3A_128 : vector<1x128xf32> to vector<400x128xf32>
    %lt3A_130 = arith.cmpf olt, %get3A_1, %lt3A_129 : vector<400x128xf32>
    %and3A_131 = arith.andi %ge3A_127, %lt3A_130 : vector<400x128xi1>
    %convert_element_type3A_132 = arith.extui %and3A_131 : vector<400x128xi1> to vector<400x128xi32>
    %convert_element_type3A_133 = arith.sitofp %convert_element_type3A_132 : vector<400x128xi32> to vector<400x128xf32>
    %broadcast_in_dim3A_134 = vector.shape_cast %get3A_29 : vector<128xf32> to vector<1x128xf32>
    %ge3A_135 = vector.broadcast %broadcast_in_dim3A_134 : vector<1x128xf32> to vector<400x128xf32>
    %ge3A_136 = arith.cmpf oge, %get3A_1, %ge3A_135 : vector<400x128xf32>
    %broadcast_in_dim3A_137 = vector.shape_cast %get3A_33 : vector<128xf32> to vector<1x128xf32>
    %lt3A_138 = vector.broadcast %broadcast_in_dim3A_137 : vector<1x128xf32> to vector<400x128xf32>
    %lt3A_139 = arith.cmpf olt, %get3A_1, %lt3A_138 : vector<400x128xf32>
    %and3A_140 = arith.andi %ge3A_136, %lt3A_139 : vector<400x128xi1>
    %convert_element_type3A_141 = arith.extui %and3A_140 : vector<400x128xi1> to vector<400x128xi32>
    %convert_element_type3A_142 = arith.sitofp %convert_element_type3A_141 : vector<400x128xi32> to vector<400x128xf32>
    %broadcast_in_dim3A_143 = vector.shape_cast %get3A_33 : vector<128xf32> to vector<1x128xf32>
    %ge3A_144 = vector.broadcast %broadcast_in_dim3A_143 : vector<1x128xf32> to vector<400x128xf32>
    %ge3A_145 = arith.cmpf oge, %get3A_1, %ge3A_144 : vector<400x128xf32>
    %broadcast_in_dim3A_146 = vector.shape_cast %get3A_37 : vector<128xf32> to vector<1x128xf32>
    %lt3A_147 = vector.broadcast %broadcast_in_dim3A_146 : vector<1x128xf32> to vector<400x128xf32>
    %lt3A_148 = arith.cmpf olt, %get3A_1, %lt3A_147 : vector<400x128xf32>
    %and3A_149 = arith.andi %ge3A_145, %lt3A_148 : vector<400x128xi1>
    %convert_element_type3A_150 = arith.extui %and3A_149 : vector<400x128xi1> to vector<400x128xi32>
    %convert_element_type3A_151 = arith.sitofp %convert_element_type3A_150 : vector<400x128xi32> to vector<400x128xf32>
    %broadcast_in_dim3A_152 = vector.shape_cast %get3A_37 : vector<128xf32> to vector<1x128xf32>
    %ge3A_153 = vector.broadcast %broadcast_in_dim3A_152 : vector<1x128xf32> to vector<400x128xf32>
    %ge3A_154 = arith.cmpf oge, %get3A_1, %ge3A_153 : vector<400x128xf32>
    %broadcast_in_dim3A_155 = vector.shape_cast %get3A_41 : vector<128xf32> to vector<1x128xf32>
    %lt3A_156 = vector.broadcast %broadcast_in_dim3A_155 : vector<1x128xf32> to vector<400x128xf32>
    %lt3A_157 = arith.cmpf olt, %get3A_1, %lt3A_156 : vector<400x128xf32>
    %and3A_158 = arith.andi %ge3A_154, %lt3A_157 : vector<400x128xi1>
    %convert_element_type3A_159 = arith.extui %and3A_158 : vector<400x128xi1> to vector<400x128xi32>
    %convert_element_type3A_160 = arith.sitofp %convert_element_type3A_159 : vector<400x128xi32> to vector<400x128xf32>
    %broadcast_in_dim3A_161 = vector.shape_cast %get3A_41 : vector<128xf32> to vector<1x128xf32>
    %ge3A_162 = vector.broadcast %broadcast_in_dim3A_161 : vector<1x128xf32> to vector<400x128xf32>
    %ge3A_163 = arith.cmpf oge, %get3A_1, %ge3A_162 : vector<400x128xf32>
    %broadcast_in_dim3A_164 = vector.shape_cast %get3A_45 : vector<128xf32> to vector<1x128xf32>
    %lt3A_165 = vector.broadcast %broadcast_in_dim3A_164 : vector<1x128xf32> to vector<400x128xf32>
    %lt3A_166 = arith.cmpf olt, %get3A_1, %lt3A_165 : vector<400x128xf32>
    %and3A_167 = arith.andi %ge3A_163, %lt3A_166 : vector<400x128xi1>
    %convert_element_type3A_168 = arith.extui %and3A_167 : vector<400x128xi1> to vector<400x128xi32>
    %convert_element_type3A_169 = arith.sitofp %convert_element_type3A_168 : vector<400x128xi32> to vector<400x128xf32>
    %broadcast_in_dim3A_170 = vector.shape_cast %get3A_45 : vector<128xf32> to vector<1x128xf32>
    %ge3A_171 = vector.broadcast %broadcast_in_dim3A_170 : vector<1x128xf32> to vector<400x128xf32>
    %ge3A_172 = arith.cmpf oge, %get3A_1, %ge3A_171 : vector<400x128xf32>
    %broadcast_in_dim3A_173 = vector.shape_cast %get3A_49 : vector<128xf32> to vector<1x128xf32>
    %lt3A_174 = vector.broadcast %broadcast_in_dim3A_173 : vector<1x128xf32> to vector<400x128xf32>
    %lt3A_175 = arith.cmpf olt, %get3A_1, %lt3A_174 : vector<400x128xf32>
    %and3A_176 = arith.andi %ge3A_172, %lt3A_175 : vector<400x128xi1>
    %convert_element_type3A_177 = arith.extui %and3A_176 : vector<400x128xi1> to vector<400x128xi32>
    %convert_element_type3A_178 = arith.sitofp %convert_element_type3A_177 : vector<400x128xi32> to vector<400x128xf32>
    %sub3A_179 = arith.subf %get3A_9, %get3A_5 : vector<128xf32>
    %div3A = arith.constant 1.000000e+00 : f32
    %div3A_180 = vector.broadcast %div3A : f32 to vector<128xf32>
    %div3A_181 = arith.divf %div3A_180, %sub3A_179 : vector<128xf32>
    %broadcast_in_dim3A_182 = vector.shape_cast %div3A_181 : vector<128xf32> to vector<1x128xf32>
    %mul3A = arith.mulf %sub3A_50, %convert_element_type3A_88 : vector<400x128xf32>
    %mul3A_183 = arith.mulf %sub3A_56, %convert_element_type3A_97 : vector<400x128xf32>
    %sub3A_184 = arith.subf %mul3A, %mul3A_183 : vector<400x128xf32>
    %mul3A_185 = vector.broadcast %broadcast_in_dim3A_182 : vector<1x128xf32> to vector<400x128xf32>
    %mul3A_186 = arith.mulf %sub3A_184, %mul3A_185 : vector<400x128xf32>
    %mul3A_187 = arith.mulf %sub3A_53, %convert_element_type3A_97 : vector<400x128xf32>
    %mul3A_188 = arith.mulf %sub3A_59, %convert_element_type3A_106 : vector<400x128xf32>
    %sub3A_189 = arith.subf %mul3A_187, %mul3A_188 : vector<400x128xf32>
    %mul3A_190 = vector.broadcast %broadcast_in_dim3A_182 : vector<1x128xf32> to vector<400x128xf32>
    %mul3A_191 = arith.mulf %sub3A_189, %mul3A_190 : vector<400x128xf32>
    %mul3A_192 = arith.mulf %sub3A_56, %convert_element_type3A_106 : vector<400x128xf32>
    %mul3A_193 = arith.mulf %sub3A_62, %convert_element_type3A_115 : vector<400x128xf32>
    %sub3A_194 = arith.subf %mul3A_192, %mul3A_193 : vector<400x128xf32>
    %mul3A_195 = vector.broadcast %broadcast_in_dim3A_182 : vector<1x128xf32> to vector<400x128xf32>
    %mul3A_196 = arith.mulf %sub3A_194, %mul3A_195 : vector<400x128xf32>
    %mul3A_197 = arith.mulf %sub3A_59, %convert_element_type3A_115 : vector<400x128xf32>
    %mul3A_198 = arith.mulf %sub3A_65, %convert_element_type3A_124 : vector<400x128xf32>
    %sub3A_199 = arith.subf %mul3A_197, %mul3A_198 : vector<400x128xf32>
    %mul3A_200 = vector.broadcast %broadcast_in_dim3A_182 : vector<1x128xf32> to vector<400x128xf32>
    %mul3A_201 = arith.mulf %sub3A_199, %mul3A_200 : vector<400x128xf32>
    %mul3A_202 = arith.mulf %sub3A_62, %convert_element_type3A_124 : vector<400x128xf32>
    %mul3A_203 = arith.mulf %sub3A_68, %convert_element_type3A_133 : vector<400x128xf32>
    %sub3A_204 = arith.subf %mul3A_202, %mul3A_203 : vector<400x128xf32>
    %mul3A_205 = vector.broadcast %broadcast_in_dim3A_182 : vector<1x128xf32> to vector<400x128xf32>
    %mul3A_206 = arith.mulf %sub3A_204, %mul3A_205 : vector<400x128xf32>
    %mul3A_207 = arith.mulf %sub3A_65, %convert_element_type3A_133 : vector<400x128xf32>
    %mul3A_208 = arith.mulf %sub3A_71, %convert_element_type3A_142 : vector<400x128xf32>
    %sub3A_209 = arith.subf %mul3A_207, %mul3A_208 : vector<400x128xf32>
    %mul3A_210 = vector.broadcast %broadcast_in_dim3A_182 : vector<1x128xf32> to vector<400x128xf32>
    %mul3A_211 = arith.mulf %sub3A_209, %mul3A_210 : vector<400x128xf32>
    %mul3A_212 = arith.mulf %sub3A_68, %convert_element_type3A_142 : vector<400x128xf32>
    %mul3A_213 = arith.mulf %sub3A_74, %convert_element_type3A_151 : vector<400x128xf32>
    %sub3A_214 = arith.subf %mul3A_212, %mul3A_213 : vector<400x128xf32>
    %mul3A_215 = vector.broadcast %broadcast_in_dim3A_182 : vector<1x128xf32> to vector<400x128xf32>
    %mul3A_216 = arith.mulf %sub3A_214, %mul3A_215 : vector<400x128xf32>
    %mul3A_217 = arith.mulf %sub3A_71, %convert_element_type3A_151 : vector<400x128xf32>
    %mul3A_218 = arith.mulf %sub3A_77, %convert_element_type3A_160 : vector<400x128xf32>
    %sub3A_219 = arith.subf %mul3A_217, %mul3A_218 : vector<400x128xf32>
    %mul3A_220 = vector.broadcast %broadcast_in_dim3A_182 : vector<1x128xf32> to vector<400x128xf32>
    %mul3A_221 = arith.mulf %sub3A_219, %mul3A_220 : vector<400x128xf32>
    %mul3A_222 = arith.mulf %sub3A_74, %convert_element_type3A_160 : vector<400x128xf32>
    %mul3A_223 = arith.mulf %sub3A_80, %convert_element_type3A_169 : vector<400x128xf32>
    %sub3A_224 = arith.subf %mul3A_222, %mul3A_223 : vector<400x128xf32>
    %mul3A_225 = vector.broadcast %broadcast_in_dim3A_182 : vector<1x128xf32> to vector<400x128xf32>
    %mul3A_226 = arith.mulf %sub3A_224, %mul3A_225 : vector<400x128xf32>
    %mul3A_227 = arith.mulf %sub3A_77, %convert_element_type3A_169 : vector<400x128xf32>
    %mul3A_228 = arith.mulf %sub3A_83, %convert_element_type3A_178 : vector<400x128xf32>
    %sub3A_229 = arith.subf %mul3A_227, %mul3A_228 : vector<400x128xf32>
    %mul3A_230 = vector.broadcast %broadcast_in_dim3A_182 : vector<1x128xf32> to vector<400x128xf32>
    %mul3A_231 = arith.mulf %sub3A_229, %mul3A_230 : vector<400x128xf32>
    %sub3A_232 = arith.subf %get3A_13, %get3A_5 : vector<128xf32>
    %div3A_233 = arith.constant 1.000000e+00 : f32
    %div3A_234 = vector.broadcast %div3A_233 : f32 to vector<128xf32>
    %div3A_235 = arith.divf %div3A_234, %sub3A_232 : vector<128xf32>
    %broadcast_in_dim3A_236 = vector.shape_cast %div3A_235 : vector<128xf32> to vector<1x128xf32>
    %mul3A_237 = arith.mulf %sub3A_50, %mul3A_186 : vector<400x128xf32>
    %mul3A_238 = arith.mulf %sub3A_59, %mul3A_191 : vector<400x128xf32>
    %sub3A_239 = arith.subf %mul3A_237, %mul3A_238 : vector<400x128xf32>
    %mul3A_240 = vector.broadcast %broadcast_in_dim3A_236 : vector<1x128xf32> to vector<400x128xf32>
    %mul3A_241 = arith.mulf %sub3A_239, %mul3A_240 : vector<400x128xf32>
    %mul3A_242 = arith.mulf %sub3A_53, %mul3A_191 : vector<400x128xf32>
    %mul3A_243 = arith.mulf %sub3A_62, %mul3A_196 : vector<400x128xf32>
    %sub3A_244 = arith.subf %mul3A_242, %mul3A_243 : vector<400x128xf32>
    %mul3A_245 = vector.broadcast %broadcast_in_dim3A_236 : vector<1x128xf32> to vector<400x128xf32>
    %mul3A_246 = arith.mulf %sub3A_244, %mul3A_245 : vector<400x128xf32>
    %mul3A_247 = arith.mulf %sub3A_56, %mul3A_196 : vector<400x128xf32>
    %mul3A_248 = arith.mulf %sub3A_65, %mul3A_201 : vector<400x128xf32>
    %sub3A_249 = arith.subf %mul3A_247, %mul3A_248 : vector<400x128xf32>
    %mul3A_250 = vector.broadcast %broadcast_in_dim3A_236 : vector<1x128xf32> to vector<400x128xf32>
    %mul3A_251 = arith.mulf %sub3A_249, %mul3A_250 : vector<400x128xf32>
    %mul3A_252 = arith.mulf %sub3A_59, %mul3A_201 : vector<400x128xf32>
    %mul3A_253 = arith.mulf %sub3A_68, %mul3A_206 : vector<400x128xf32>
    %sub3A_254 = arith.subf %mul3A_252, %mul3A_253 : vector<400x128xf32>
    %mul3A_255 = vector.broadcast %broadcast_in_dim3A_236 : vector<1x128xf32> to vector<400x128xf32>
    %mul3A_256 = arith.mulf %sub3A_254, %mul3A_255 : vector<400x128xf32>
    %mul3A_257 = arith.mulf %sub3A_62, %mul3A_206 : vector<400x128xf32>
    %mul3A_258 = arith.mulf %sub3A_71, %mul3A_211 : vector<400x128xf32>
    %sub3A_259 = arith.subf %mul3A_257, %mul3A_258 : vector<400x128xf32>
    %mul3A_260 = vector.broadcast %broadcast_in_dim3A_236 : vector<1x128xf32> to vector<400x128xf32>
    %mul3A_261 = arith.mulf %sub3A_259, %mul3A_260 : vector<400x128xf32>
    %mul3A_262 = arith.mulf %sub3A_65, %mul3A_211 : vector<400x128xf32>
    %mul3A_263 = arith.mulf %sub3A_74, %mul3A_216 : vector<400x128xf32>
    %sub3A_264 = arith.subf %mul3A_262, %mul3A_263 : vector<400x128xf32>
    %mul3A_265 = vector.broadcast %broadcast_in_dim3A_236 : vector<1x128xf32> to vector<400x128xf32>
    %mul3A_266 = arith.mulf %sub3A_264, %mul3A_265 : vector<400x128xf32>
    %mul3A_267 = arith.mulf %sub3A_68, %mul3A_216 : vector<400x128xf32>
    %mul3A_268 = arith.mulf %sub3A_77, %mul3A_221 : vector<400x128xf32>
    %sub3A_269 = arith.subf %mul3A_267, %mul3A_268 : vector<400x128xf32>
    %mul3A_270 = vector.broadcast %broadcast_in_dim3A_236 : vector<1x128xf32> to vector<400x128xf32>
    %mul3A_271 = arith.mulf %sub3A_269, %mul3A_270 : vector<400x128xf32>
    %mul3A_272 = arith.mulf %sub3A_71, %mul3A_221 : vector<400x128xf32>
    %mul3A_273 = arith.mulf %sub3A_80, %mul3A_226 : vector<400x128xf32>
    %sub3A_274 = arith.subf %mul3A_272, %mul3A_273 : vector<400x128xf32>
    %mul3A_275 = vector.broadcast %broadcast_in_dim3A_236 : vector<1x128xf32> to vector<400x128xf32>
    %mul3A_276 = arith.mulf %sub3A_274, %mul3A_275 : vector<400x128xf32>
    %mul3A_277 = arith.mulf %sub3A_74, %mul3A_226 : vector<400x128xf32>
    %mul3A_278 = arith.mulf %sub3A_83, %mul3A_231 : vector<400x128xf32>
    %sub3A_279 = arith.subf %mul3A_277, %mul3A_278 : vector<400x128xf32>
    %mul3A_280 = vector.broadcast %broadcast_in_dim3A_236 : vector<1x128xf32> to vector<400x128xf32>
    %mul3A_281 = arith.mulf %sub3A_279, %mul3A_280 : vector<400x128xf32>
    %sub3A_282 = arith.subf %get3A_17, %get3A_5 : vector<128xf32>
    %div3A_283 = arith.constant 1.000000e+00 : f32
    %div3A_284 = vector.broadcast %div3A_283 : f32 to vector<128xf32>
    %div3A_285 = arith.divf %div3A_284, %sub3A_282 : vector<128xf32>
    %broadcast_in_dim3A_286 = vector.shape_cast %div3A_285 : vector<128xf32> to vector<1x128xf32>
    %mul3A_287 = arith.mulf %sub3A_50, %mul3A_241 : vector<400x128xf32>
    %mul3A_288 = arith.mulf %sub3A_62, %mul3A_246 : vector<400x128xf32>
    %sub3A_289 = arith.subf %mul3A_287, %mul3A_288 : vector<400x128xf32>
    %mul3A_290 = vector.broadcast %broadcast_in_dim3A_286 : vector<1x128xf32> to vector<400x128xf32>
    %mul3A_291 = arith.mulf %sub3A_289, %mul3A_290 : vector<400x128xf32>
    %mul3A_292 = arith.mulf %sub3A_53, %mul3A_246 : vector<400x128xf32>
    %mul3A_293 = arith.mulf %sub3A_65, %mul3A_251 : vector<400x128xf32>
    %sub3A_294 = arith.subf %mul3A_292, %mul3A_293 : vector<400x128xf32>
    %mul3A_295 = vector.broadcast %broadcast_in_dim3A_286 : vector<1x128xf32> to vector<400x128xf32>
    %mul3A_296 = arith.mulf %sub3A_294, %mul3A_295 : vector<400x128xf32>
    %mul3A_297 = arith.mulf %sub3A_56, %mul3A_251 : vector<400x128xf32>
    %mul3A_298 = arith.mulf %sub3A_68, %mul3A_256 : vector<400x128xf32>
    %sub3A_299 = arith.subf %mul3A_297, %mul3A_298 : vector<400x128xf32>
    %mul3A_300 = vector.broadcast %broadcast_in_dim3A_286 : vector<1x128xf32> to vector<400x128xf32>
    %mul3A_301 = arith.mulf %sub3A_299, %mul3A_300 : vector<400x128xf32>
    %mul3A_302 = arith.mulf %sub3A_59, %mul3A_256 : vector<400x128xf32>
    %mul3A_303 = arith.mulf %sub3A_71, %mul3A_261 : vector<400x128xf32>
    %sub3A_304 = arith.subf %mul3A_302, %mul3A_303 : vector<400x128xf32>
    %mul3A_305 = vector.broadcast %broadcast_in_dim3A_286 : vector<1x128xf32> to vector<400x128xf32>
    %mul3A_306 = arith.mulf %sub3A_304, %mul3A_305 : vector<400x128xf32>
    %mul3A_307 = arith.mulf %sub3A_62, %mul3A_261 : vector<400x128xf32>
    %mul3A_308 = arith.mulf %sub3A_74, %mul3A_266 : vector<400x128xf32>
    %sub3A_309 = arith.subf %mul3A_307, %mul3A_308 : vector<400x128xf32>
    %mul3A_310 = vector.broadcast %broadcast_in_dim3A_286 : vector<1x128xf32> to vector<400x128xf32>
    %mul3A_311 = arith.mulf %sub3A_309, %mul3A_310 : vector<400x128xf32>
    %mul3A_312 = arith.mulf %sub3A_65, %mul3A_266 : vector<400x128xf32>
    %mul3A_313 = arith.mulf %sub3A_77, %mul3A_271 : vector<400x128xf32>
    %sub3A_314 = arith.subf %mul3A_312, %mul3A_313 : vector<400x128xf32>
    %mul3A_315 = vector.broadcast %broadcast_in_dim3A_286 : vector<1x128xf32> to vector<400x128xf32>
    %mul3A_316 = arith.mulf %sub3A_314, %mul3A_315 : vector<400x128xf32>
    %mul3A_317 = arith.mulf %sub3A_68, %mul3A_271 : vector<400x128xf32>
    %mul3A_318 = arith.mulf %sub3A_80, %mul3A_276 : vector<400x128xf32>
    %sub3A_319 = arith.subf %mul3A_317, %mul3A_318 : vector<400x128xf32>
    %mul3A_320 = vector.broadcast %broadcast_in_dim3A_286 : vector<1x128xf32> to vector<400x128xf32>
    %mul3A_321 = arith.mulf %sub3A_319, %mul3A_320 : vector<400x128xf32>
    %mul3A_322 = arith.mulf %sub3A_71, %mul3A_276 : vector<400x128xf32>
    %mul3A_323 = arith.mulf %sub3A_83, %mul3A_281 : vector<400x128xf32>
    %sub3A_324 = arith.subf %mul3A_322, %mul3A_323 : vector<400x128xf32>
    %mul3A_325 = vector.broadcast %broadcast_in_dim3A_286 : vector<1x128xf32> to vector<400x128xf32>
    %mul3A_326 = arith.mulf %sub3A_324, %mul3A_325 : vector<400x128xf32>
    %logistic3A = arith.negf %get3A_1 : vector<400x128xf32>
    %logistic3A_327 = math.exp %logistic3A : vector<400x128xf32>
    %logistic3A_328 = arith.constant 1.000000e+00 : f32
    %logistic3A_329 = vector.broadcast %logistic3A_328 : f32 to vector<400x128xf32>
    %logistic3A_330 = arith.addf %logistic3A_329, %logistic3A_327 : vector<400x128xf32>
    %logistic3A_331 = arith.divf %logistic3A_329, %logistic3A_330 : vector<400x128xf32>
    %mul3A_332 = arith.mulf %get3A_1, %logistic3A_331 : vector<400x128xf32>
    %concatenate3A = tpu.concatenate %mul3A_332, %mul3A_291, %mul3A_296, %mul3A_301, %mul3A_306, %mul3A_311, %mul3A_316, %mul3A_321, %mul3A_326 in 1 : vector<400x128xf32>, vector<400x128xf32>, vector<400x128xf32>, vector<400x128xf32>, vector<400x128xf32>, vector<400x128xf32>, vector<400x128xf32>, vector<400x128xf32>, vector<400x128xf32> -> vector<400x1152xf32>
    %get3A_333 = arith.constant 0 : index
    %get3A_334 = arith.constant 0 : index
    %get3A_335 = vector.load %arg3[%get3A_333, %get3A_334] : memref<1152x384xf32, #tpu.memory_space<vmem>>, vector<1152x384xf32>
    %dot_general3A = arith.constant dense<0.000000e+00> : vector<400x384xf32>
    %dot_general3A_336 = tpu.matmul %concatenate3A, %get3A_335, %dot_general3A {dimension_numbers = #tpu.dot_dimension_numbers<[1], [0], [0], [1], [0, 0, 1, 1], [], []>, transpose_lhs_hint = false} : vector<400x1152xf32>, vector<1152x384xf32>, vector<400x384xf32> -> vector<400x384xf32>
    %slice3A = vector.extract_strided_slice %dot_general3A_336 {offsets = [0, 0], sizes = [400, 128], strides = [1, 1]} : vector<400x384xf32> to vector<400x128xf32>
    %swap3A = arith.constant 0 : index
    %swap3A_337 = arith.constant 0 : index
    %swap3A_338 = vector.load %arg4[%swap3A, %swap3A_337] : memref<400x128xf32, #tpu.memory_space<vmem>>, vector<400x128xf32>
    tpu.vector_store %arg4[%swap3A, %swap3A_337], %slice3A {strides = array<i32>} : memref<400x128xf32, #tpu.memory_space<vmem>>, vector<400x128xf32>,
    %slice3A_339 = vector.extract_strided_slice %dot_general3A_336 {offsets = [0, 128], sizes = [400, 128], strides = [1, 1]} : vector<400x384xf32> to vector<400x128xf32>
    %swap3A_340 = arith.constant 0 : index
    %swap3A_341 = arith.constant 0 : index
    %swap3A_342 = vector.load %arg5[%swap3A_340, %swap3A_341] : memref<400x128xf32, #tpu.memory_space<vmem>>, vector<400x128xf32>
    tpu.vector_store %arg5[%swap3A_340, %swap3A_341], %slice3A_339 {strides = array<i32>} : memref<400x128xf32, #tpu.memory_space<vmem>>, vector<400x128xf32>,
    %slice3A_343 = vector.extract_strided_slice %dot_general3A_336 {offsets = [0, 256], sizes = [400, 128], strides = [1, 1]} : vector<400x384xf32> to vector<400x128xf32>
    %swap3A_344 = arith.constant 0 : index
    %swap3A_345 = arith.constant 0 : index
    %swap3A_346 = vector.load %arg6[%swap3A_344, %swap3A_345] : memref<400x128xf32, #tpu.memory_space<vmem>>, vector<400x128xf32>
    tpu.vector_store %arg6[%swap3A_344, %swap3A_345], %slice3A_343 {strides = array<i32>} : memref<400x128xf32, #tpu.memory_space<vmem>>, vector<400x128xf32>,
    return
  }
  func.func @transform_0(%arg0: i32) -> (i32, i32) {
    %c0_i32 = arith.constant 0 : i32
    %c0_i32_0 = arith.constant 0 : i32
    return %arg0, %c0_i32 : i32, i32
  }
  func.func @transform_1(%arg0: i32) -> (i32, i32) {
    %c0_i32 = arith.constant 0 : i32
    %c0_i32_0 = arith.constant 0 : i32
    %c0_i32_1 = arith.constant 0 : i32
    return %c0_i32, %c0_i32_0 : i32, i32
  }
  func.func @transform_2(%arg0: i32) -> (i32, i32) {
    %c0_i32 = arith.constant 0 : i32
    %c0_i32_0 = arith.constant 0 : i32
    %c0_i32_1 = arith.constant 0 : i32
    return %c0_i32, %c0_i32_0 : i32, i32
  }
  func.func @transform_3(%arg0: i32) -> (i32, i32) {
    %c0_i32 = arith.constant 0 : i32
    %c0_i32_0 = arith.constant 0 : i32
    return %arg0, %c0_i32 : i32, i32
  }
  func.func @transform_4(%arg0: i32) -> (i32, i32) {
    %c0_i32 = arith.constant 0 : i32
    %c0_i32_0 = arith.constant 0 : i32
    return %arg0, %c0_i32 : i32, i32
  }
  func.func @transform_5(%arg0: i32) -> (i32, i32) {
    %c0_i32 = arith.constant 0 : i32
    %c0_i32_0 = arith.constant 0 : i32
    return %arg0, %c0_i32 : i32, i32
  }
}

module attributes {stable_mosaic.version = 14 : i64} {
  func.func @_scale_body(%arg0: i32, %arg1: memref<400x128xf32, #tpu.memory_space<vmem>>, %arg2: memref<400x128xf32, #tpu.memory_space<vmem>>, %arg3: memref<400x1xf32, #tpu.memory_space<vmem>>, %arg4: memref<400x1xf32, #tpu.memory_space<vmem>>, %arg5: memref<400x128xf32, #tpu.memory_space<vmem>>, %arg6: memref<400x128xf32, #tpu.memory_space<vmem>>) attributes {dimension_semantics = [#tpu.dimension_semantics<arbitrary>], iteration_bounds = array<i64: 25>, scalar_prefetch = 0 : i64, scratch_operands = 0 : i64, tpu.core_type = #tpu.core_type<tc>, window_params = [{transform_indices = @transform_0, window_bounds = array<i64: 400, 128>}, {transform_indices = @transform_1, window_bounds = array<i64: 400, 128>}, {transform_indices = @transform_2, window_bounds = array<i64: 400, 1>}, {transform_indices = @transform_3, window_bounds = array<i64: 400, 1>}, {transform_indices = @transform_4, window_bounds = array<i64: 400, 128>}, {transform_indices = @transform_5, window_bounds = array<i64: 400, 128>}]} {
    %get3A = arith.constant 0 : index
    %get3A_0 = arith.constant 0 : index
    %get3A_1 = vector.load %arg3[%get3A, %get3A_0] : memref<400x1xf32, #tpu.memory_space<vmem>>, vector<400x1xf32>
    %get3A_2 = arith.constant 0 : index
    %get3A_3 = arith.constant 0 : index
    %get3A_4 = vector.load %arg4[%get3A_2, %get3A_3] : memref<400x1xf32, #tpu.memory_space<vmem>>, vector<400x1xf32>
    %gt3A = arith.constant 0.000000e+00 : f32
    %gt3A_5 = vector.broadcast %gt3A : f32 to vector<400x1xf32>
    %gt3A_6 = arith.cmpf ogt, %get3A_1, %gt3A_5 : vector<400x1xf32>
    %rsqrt3A = math.rsqrt %get3A_1 : vector<400x1xf32>
    %jit3A = arith.constant 0.000000e+00 : f32
    %broadcast_in_dim3A = vector.broadcast %jit3A : f32 to vector<400x1xf32>
    %select_n3A = arith.select %gt3A_6, %rsqrt3A, %broadcast_in_dim3A : vector<400x1xi1>, vector<400x1xf32>
    %gt3A_7 = arith.constant 0.000000e+00 : f32
    %gt3A_8 = vector.broadcast %gt3A_7 : f32 to vector<400x1xf32>
    %gt3A_9 = arith.cmpf ogt, %get3A_4, %gt3A_8 : vector<400x1xf32>
    %rsqrt3A_10 = math.rsqrt %get3A_4 : vector<400x1xf32>
    %jit3A_11 = arith.constant 0.000000e+00 : f32
    %broadcast_in_dim3A_12 = vector.broadcast %jit3A_11 : f32 to vector<400x1xf32>
    %select_n3A_13 = arith.select %gt3A_9, %rsqrt3A_10, %broadcast_in_dim3A_12 : vector<400x1xi1>, vector<400x1xf32>
    %get3A_14 = arith.constant 0 : index
    %get3A_15 = arith.constant 0 : index
    %get3A_16 = vector.load %arg1[%get3A_14, %get3A_15] : memref<400x128xf32, #tpu.memory_space<vmem>>, vector<400x128xf32>
    %mul3A = vector.broadcast %select_n3A : vector<400x1xf32> to vector<400x128xf32>
    %mul3A_17 = arith.mulf %get3A_16, %mul3A : vector<400x128xf32>
    %swap3A = arith.constant 0 : index
    %swap3A_18 = arith.constant 0 : index
    %swap3A_19 = vector.load %arg5[%swap3A, %swap3A_18] : memref<400x128xf32, #tpu.memory_space<vmem>>, vector<400x128xf32>
    tpu.vector_store %arg5[%swap3A, %swap3A_18], %mul3A_17 {strides = array<i32>} : memref<400x128xf32, #tpu.memory_space<vmem>>, vector<400x128xf32>,
    %get3A_20 = arith.constant 0 : index
    %get3A_21 = arith.constant 0 : index
    %get3A_22 = vector.load %arg2[%get3A_20, %get3A_21] : memref<400x128xf32, #tpu.memory_space<vmem>>, vector<400x128xf32>
    %mul3A_23 = vector.broadcast %select_n3A_13 : vector<400x1xf32> to vector<400x128xf32>
    %mul3A_24 = arith.mulf %get3A_22, %mul3A_23 : vector<400x128xf32>
    %swap3A_25 = arith.constant 0 : index
    %swap3A_26 = arith.constant 0 : index
    %swap3A_27 = vector.load %arg6[%swap3A_25, %swap3A_26] : memref<400x128xf32, #tpu.memory_space<vmem>>, vector<400x128xf32>
    tpu.vector_store %arg6[%swap3A_25, %swap3A_26], %mul3A_24 {strides = array<i32>} : memref<400x128xf32, #tpu.memory_space<vmem>>, vector<400x128xf32>,
    return
  }
  func.func @transform_0(%arg0: i32) -> (i32, i32) {
    %c0_i32 = arith.constant 0 : i32
    %c0_i32_0 = arith.constant 0 : i32
    return %arg0, %c0_i32 : i32, i32
  }
  func.func @transform_1(%arg0: i32) -> (i32, i32) {
    %c0_i32 = arith.constant 0 : i32
    %c0_i32_0 = arith.constant 0 : i32
    return %arg0, %c0_i32 : i32, i32
  }
  func.func @transform_2(%arg0: i32) -> (i32, i32) {
    %c0_i32 = arith.constant 0 : i32
    %c0_i32_0 = arith.constant 0 : i32
    return %arg0, %c0_i32 : i32, i32
  }
  func.func @transform_3(%arg0: i32) -> (i32, i32) {
    %c0_i32 = arith.constant 0 : i32
    %c0_i32_0 = arith.constant 0 : i32
    return %arg0, %c0_i32 : i32, i32
  }
  func.func @transform_4(%arg0: i32) -> (i32, i32) {
    %c0_i32 = arith.constant 0 : i32
    %c0_i32_0 = arith.constant 0 : i32
    return %arg0, %c0_i32 : i32, i32
  }
  func.func @transform_5(%arg0: i32) -> (i32, i32) {
    %c0_i32 = arith.constant 0 : i32
    %c0_i32_0 = arith.constant 0 : i32
    return %arg0, %c0_i32 : i32, i32
  }
}

module attributes {stable_mosaic.version = 14 : i64} {
  func.func @_fin_body(%arg0: i32, %arg1: memref<400x128xf32, #tpu.memory_space<vmem>>, %arg2: memref<400x128xf32, #tpu.memory_space<vmem>>, %arg3: memref<400x128xf32, #tpu.memory_space<vmem>>, %arg4: memref<400x1xf32, #tpu.memory_space<vmem>>, %arg5: memref<400x1xf32, #tpu.memory_space<vmem>>, %arg6: memref<400x128xf32, #tpu.memory_space<vmem>>) attributes {dimension_semantics = [#tpu.dimension_semantics<arbitrary>], iteration_bounds = array<i64: 25>, scalar_prefetch = 0 : i64, scratch_operands = 0 : i64, tpu.core_type = #tpu.core_type<tc>, window_params = [{transform_indices = @transform_0, window_bounds = array<i64: 400, 128>}, {transform_indices = @transform_1, window_bounds = array<i64: 400, 128>}, {transform_indices = @transform_2, window_bounds = array<i64: 400, 128>}, {transform_indices = @transform_3, window_bounds = array<i64: 400, 1>}, {transform_indices = @transform_4, window_bounds = array<i64: 400, 1>}, {transform_indices = @transform_5, window_bounds = array<i64: 400, 128>}]} {
    %get3A = arith.constant 0 : index
    %get3A_0 = arith.constant 0 : index
    %get3A_1 = vector.load %arg4[%get3A, %get3A_0] : memref<400x1xf32, #tpu.memory_space<vmem>>, vector<400x1xf32>
    %get3A_2 = arith.constant 0 : index
    %get3A_3 = arith.constant 0 : index
    %get3A_4 = vector.load %arg5[%get3A_2, %get3A_3] : memref<400x1xf32, #tpu.memory_space<vmem>>, vector<400x1xf32>
    %gt3A = arith.constant 0.000000e+00 : f32
    %gt3A_5 = vector.broadcast %gt3A : f32 to vector<400x1xf32>
    %gt3A_6 = arith.cmpf ogt, %get3A_1, %gt3A_5 : vector<400x1xf32>
    %rsqrt3A = math.rsqrt %get3A_1 : vector<400x1xf32>
    %jit3A = arith.constant 0.000000e+00 : f32
    %broadcast_in_dim3A = vector.broadcast %jit3A : f32 to vector<400x1xf32>
    %select_n3A = arith.select %gt3A_6, %rsqrt3A, %broadcast_in_dim3A : vector<400x1xi1>, vector<400x1xf32>
    %gt3A_7 = arith.constant 0.000000e+00 : f32
    %gt3A_8 = vector.broadcast %gt3A_7 : f32 to vector<400x1xf32>
    %gt3A_9 = arith.cmpf ogt, %get3A_4, %gt3A_8 : vector<400x1xf32>
    %rsqrt3A_10 = math.rsqrt %get3A_4 : vector<400x1xf32>
    %jit3A_11 = arith.constant 0.000000e+00 : f32
    %broadcast_in_dim3A_12 = vector.broadcast %jit3A_11 : f32 to vector<400x1xf32>
    %select_n3A_13 = arith.select %gt3A_9, %rsqrt3A_10, %broadcast_in_dim3A_12 : vector<400x1xi1>, vector<400x1xf32>
    %get3A_14 = arith.constant 0 : index
    %get3A_15 = arith.constant 0 : index
    %get3A_16 = vector.load %arg1[%get3A_14, %get3A_15] : memref<400x128xf32, #tpu.memory_space<vmem>>, vector<400x128xf32>
    %get3A_17 = arith.constant 0 : index
    %get3A_18 = arith.constant 0 : index
    %get3A_19 = vector.load %arg2[%get3A_17, %get3A_18] : memref<400x128xf32, #tpu.memory_space<vmem>>, vector<400x128xf32>
    %mul3A = vector.broadcast %select_n3A : vector<400x1xf32> to vector<400x128xf32>
    %mul3A_20 = arith.mulf %get3A_19, %mul3A : vector<400x128xf32>
    %add3A = arith.addf %get3A_16, %mul3A_20 : vector<400x128xf32>
    %get3A_21 = arith.constant 0 : index
    %get3A_22 = arith.constant 0 : index
    %get3A_23 = vector.load %arg3[%get3A_21, %get3A_22] : memref<400x128xf32, #tpu.memory_space<vmem>>, vector<400x128xf32>
    %mul3A_24 = vector.broadcast %select_n3A_13 : vector<400x1xf32> to vector<400x128xf32>
    %mul3A_25 = arith.mulf %get3A_23, %mul3A_24 : vector<400x128xf32>
    %add3A_26 = arith.addf %add3A, %mul3A_25 : vector<400x128xf32>
    %swap3A = arith.constant 0 : index
    %swap3A_27 = arith.constant 0 : index
    %swap3A_28 = vector.load %arg6[%swap3A, %swap3A_27] : memref<400x128xf32, #tpu.memory_space<vmem>>, vector<400x128xf32>
    tpu.vector_store %arg6[%swap3A, %swap3A_27], %add3A_26 {strides = array<i32>} : memref<400x128xf32, #tpu.memory_space<vmem>>, vector<400x128xf32>,
    return
  }
  func.func @transform_0(%arg0: i32) -> (i32, i32) {
    %c0_i32 = arith.constant 0 : i32
    %c0_i32_0 = arith.constant 0 : i32
    return %arg0, %c0_i32 : i32, i32
  }
  func.func @transform_1(%arg0: i32) -> (i32, i32) {
    %c0_i32 = arith.constant 0 : i32
    %c0_i32_0 = arith.constant 0 : i32
    return %arg0, %c0_i32 : i32, i32
  }
  func.func @transform_2(%arg0: i32) -> (i32, i32) {
    %c0_i32 = arith.constant 0 : i32
    %c0_i32_0 = arith.constant 0 : i32
    return %arg0, %c0_i32 : i32, i32
  }
  func.func @transform_3(%arg0: i32) -> (i32, i32) {
    %c0_i32 = arith.constant 0 : i32
    %c0_i32_0 = arith.constant 0 : i32
    return %arg0, %c0_i32 : i32, i32
  }
  func.func @transform_4(%arg0: i32) -> (i32, i32) {
    %c0_i32 = arith.constant 0 : i32
    %c0_i32_0 = arith.constant 0 : i32
    return %arg0, %c0_i32 : i32, i32
  }
  func.func @transform_5(%arg0: i32) -> (i32, i32) {
    %c0_i32 = arith.constant 0 : i32
    %c0_i32_0 = arith.constant 0 : i32
    return %arg0, %c0_i32 : i32, i32
  }
}

</mosaic_0001>

<sc_bundles>
// kernel: kernel.10.cloned.1.call-start
scs
__scs_entry_jumppad:
0x0: {  	(pc) =	sbr.rel $0x88, $3  }
0x1: {  	(tag) =	ssettag $0x0;
	lr =	simm.s32 $0x1  }
0x2: {  	[smem:$0x3F97] =	sst lr;
	_ =	strace $0xD0000000  }
0x3: {  	_ = 	snop  }
0x4: {  	_ = 	snop  }
0x5: {  	_ = 	snop  }
0x6: {  	_ = 	snop  }
0x7: {  	_ = 	snop  }
__scs_overlays_trampoline_lowered:
0x8: {  	[smem:$0x3FA6] =	sst s0  }
0x9: {  	[smem:$0x3FA7] =	sst s1  }
0xa: {  	[smem:$0x3FA8] =	sst s2  }
0xb: {  	[smem:$0x3FA9] =	sst s3  }
0xc: {  	[smem:$0x3FAA] =	sst s4  }
0xd: {  	[smem:$0x3FAB] =	sst s5  }
0xe: {  	[smem:$0x3FAC] =	sst s6  }
0xf: {  	[smem:$0x3FAD] =	sst s7  }
0x10: {  	[smem:$0x3FAE] =	sst s8  }
0x11: {  	[smem:$0x3FAF] =	sst s9;
	s0 =	simm.s32 @!p0 $0x0  }
0x12: {  	s1 =	sld [smem:$0x3F95];
	s0 =	simm.s32 @p0 $0x1  }
0x13: {  	[smem:$0x3FB0] =	sst s0;
	s0 =	simm.s32 @!p1 $0x0  }
0x14: {  	s2 =	sld [smem:$0x3F94];
	s0 =	simm.s32 @p1 $0x1  }
0x15: {  	[smem:$0x3FB1] =	sst s0;
	s0 =	simm.s32 @!p2 $0x0  }
0x16: {  	s3 =	sld [smem:$0x3FDB];
	s0 =	simm.s32 @p2 $0x1  }
0x17: {  	s4 =	simm.s32 $0x1BF5;
	[smem:$0x3FB3] =	sst s0  }
0x18: {  	s0 =	sld [smem:$0x3F96];
	_ =	swait.ge [sflag:s4], $0x0  }
0x19: {  	s7 =	sld [smem:$0x3F97]  }
0x1a: {  	s8 =	sadd.s32 $0xFFFFE003, lr  }
0x1b: {  	s9 =	sadd.s32 $0xFFFFFEF7, lr;
	s5 =	simm.s32 $0xFFFFFFFF;
	p2 =	slt.u32 s8, $0xFFFFF086  }
0x1c: {  	p1 =	slt.u32 s9, $0xF7A;
	s5 =	simm.s32 @!p2 $0x0  }
0x1d: {  	s5 =	simm.s32 @p1 $0x1;
	p0 =	seq.s32 s7, s2  }
0x1e: {  	s7 =	smul.u32 @!p0 $0xF7A, s2;
	p2 =	seq.s32 @!p0 s5, $0x0  }
0x1f: {  	s9 =	smul.u32 $0xF7A, s1;
	s8 =	simm.s32 @!p0 $0x1BF5;
	p2 =	por !p2, p0  }
0x20: {  	[sflag:s8] =	ssyncset.s32 @!p0 $0xFFFFF086;
	s6 =	sadd.s32 @!p0 s3, s7;
	s7 =	simm.s32 @!p0 $0x108  }
0x21: {  	s3 =	sadd.s32 s3, s9;
	s6 =	sadd.s32 @!p0 $0x88, s6;
	s7 =	simm.s32 @p2 $0x1082  }
0x22: {  	[simem:s7], [sflag:s8] =	dma.local @!p0 [hbm:s6], $0xF7A  }
0x23: {  	s9 =	sor.u32 $0xD0000000, s2;
	s6 =	simm.s32 $0x108;
	_ =	swait.ge @!p0 [sflag:s8], $0x0  }
0x24: {  	s3 =	sadd.s32 $0x88, s3;
	s6 =	simm.s32 @!p1 $0x1082;
	[sflag:s4] =	ssyncset.s32 $0xFFFFF086  }
0x25: {  	[simem:s6], [sflag:s4] =	dma.local [hbm:s3], $0xF7A  }
0x26: {  	[smem:$0x3F97] =	sst s1;
	(tag) =	ssettag s2;
	_ =	strace s9  }
0x27: {  	s1 =	sld [smem:$0x3FA7]  }
0x28: {  	s2 =	sld [smem:$0x3FA8]  }
0x29: {  	s4 =	sld [smem:$0x3FAA]  }
0x2a: {  	p0 =	seq.s32 s5, $0x0;
	s5 =	sld [smem:$0x3FAB]  }
0x2b: {  	s6 =	sld [smem:$0x3FAC]  }
0x2c: {  	s7 =	sld [smem:$0x3FAD]  }
0x2d: {  	s3 =	simm.s32 $0x108;
	s8 =	sld [smem:$0x3FAE]  }
0x2e: {  	s3 =	simm.s32 @!p0 $0x1082;
	s9 =	sld [smem:$0x3FAF]  }
0x2f: {  	lr =	sadd.s32 s0, s3;
	s0 =	sld [smem:$0x3FA6]  }
0x30: {  	s3 =	sld [smem:$0x3FA9]  }
0x31: {  	[smem:$0x3FB2] =	sst s10  }
0x32: {  	s10 =	sld [smem:$0x3FB0];
	_ =	sdelay $0x3  }
0x33: {  	p0 =	seq.s32 s10, $0x1;
	s10 =	sld [smem:$0x3FB2];
	_ =	sdelay $0x3  }
0x34: {  	[smem:$0x3FB2] =	sst s10  }
0x35: {  	s10 =	sld [smem:$0x3FB1];
	_ =	sdelay $0x3  }
0x36: {  	p1 =	seq.s32 s10, $0x1;
	s10 =	sld [smem:$0x3FB2];
	_ =	sdelay $0x3  }
0x37: {  	[smem:$0x3FB2] =	sst s10  }
0x38: {  	s10 =	sld [smem:$0x3FB3]  }
0x39: {  	_ = 	snop;
	(pc) =	sbr.ind lr, $3  }
0x3a: {  	_ = 	snop  }
0x3b: {  	_ = 	snop  }
0x3c: {  	p2 =	seq.s32 s10, $0x1;
	s10 =	sld [smem:$0x3FB2]  }
0x3d: {  	_ =	shalt  }
0x3e: {  	_ =	shalt  }
0x3f: {  	_ =	shalt  }
0x40: {  	_ =	shalt  }
0x41: {  	_ =	shalt  }
0x42: {  	_ =	shalt  }
0x43: {  	_ =	shalt  }
0x44: {  	_ =	shalt  }
0x45: {  	_ =	shalt  }
0x46: {  	_ =	shalt  }
0x47: {  	_ =	shalt  }
0x48: {  	_ =	shalt  }
0x49: {  	_ =	shalt  }
0x4a: {  	_ =	shalt  }
0x4b: {  	_ =	shalt  }
0x4c: {  	_ =	shalt  }
0x4d: {  	_ =	shalt  }
0x4e: {  	_ =	shalt  }
0x4f: {  	_ =	shalt  }
0x50: {  	_ =	shalt  }
0x51: {  	_ =	shalt  }
0x52: {  	_ =	shalt  }
0x53: {  	_ =	shalt  }
0x54: {  	_ =	shalt  }
0x55: {  	_ =	shalt  }
0x56: {  	_ =	shalt  }
0x57: {  	_ =	shalt  }
0x58: {  	_ =	shalt  }
0x59: {  	_ =	shalt  }
0x5a: {  	_ =	shalt  }
0x5b: {  	_ =	shalt  }
0x5c: {  	_ =	shalt  }
0x5d: {  	_ =	shalt  }
0x5e: {  	_ =	shalt  }
0x5f: {  	_ =	shalt  }
0x60: {  	_ =	shalt  }
0x61: {  	_ =	shalt  }
0x62: {  	_ =	shalt  }
0x63: {  	_ =	shalt  }
0x64: {  	_ =	shalt  }
0x65: {  	_ =	shalt  }
0x66: {  	_ =	shalt  }
0x67: {  	_ =	shalt  }
0x68: {  	_ =	shalt  }
0x69: {  	_ =	shalt  }
0x6a: {  	_ =	shalt  }
0x6b: {  	_ =	shalt  }
0x6c: {  	_ =	shalt  }
0x6d: {  	_ =	shalt  }
0x6e: {  	_ =	shalt  }
0x6f: {  	_ =	shalt  }
0x70: {  	_ =	shalt  }
0x71: {  	_ =	shalt  }
0x72: {  	_ =	shalt  }
0x73: {  	_ =	shalt  }
0x74: {  	_ =	shalt  }
0x75: {  	_ =	shalt  }
0x76: {  	_ =	shalt  }
0x77: {  	_ =	shalt  }
0x78: {  	_ =	shalt  }
0x79: {  	_ =	shalt  }
0x7a: {  	_ =	shalt  }
0x7b: {  	_ =	shalt  }
0x7c: {  	_ =	shalt  }
0x7d: {  	_ =	shalt  }
0x7e: {  	_ =	shalt  }
0x7f: {  	_ =	shalt  }
0x80: {  	_ =	shalt  }
0x81: {  	_ =	shalt  }
0x82: {  	_ =	shalt  }
0x83: {  	_ =	shalt  }
0x84: {  	_ =	shalt  }
0x85: {  	_ =	shalt  }
0x86: {  	_ =	shalt  }
0x87: {  	_ =	shalt  }
.Lfunc_end0:
.L_simem_size_0:
called_computation.1_lowered:
.L_overlay_start_0:
0x88: {  	s2 =	sld [smem:$0x3FD9]  }
0x89: {  	s3 =	sld [smem:$0x3FFE];
	_ =	sdelay $0x1  }
0x8a: {  	s1 =	srdreg.scid  }
0x8b: {  	s0 =	sand.u32 $0x1, s1  }
0x8c: {  	s16 =	sshll.u32 s0, $0xA;
	s2 =	sadd.s32 s3, s2  }
0x8d: {  	s2 =	sadd.s32 s2, s16  }
0x8e: {  	[smem:$0x3FBE] =	sst s2  }
0x8f: {  	_ = 	snop  }
0x90: {  	(tm) =	ssettm $0x1  }
0x91: {  	s17 =	sld [smem:$0x3FFB];
	_ =	sdelay $0x3  }
0x92: {  	_ =	strace s17  }
0x93: {  	s2 =	sld [smem:$0x3FFC];
	_ =	sdelay $0x3  }
0x94: {  	_ =	strace s2  }
0x95: {  	s2 =	sld [smem:$0x3FFD];
	_ =	sdelay $0x3  }
0x96: {  	_ =	strace s2  }
0x97: {  	_ =	strace $0x8FFFFFFF  }
0x98: {  	s18 =	sld [smem:$0x3FDB];
	_ =	sdelay $0x1  }
0x99: {  	s19 =	simm.s32 $_scs_section_size  }
0x9a: {  	s4 =	simm.s32 $_size__tile_overlayer_lowered;
	s5 =	simm.s32 $_tile_overlayer_lowered  }
0x9b: {  	s22 =	simm.s32 $0x1BFF;
	s21 =	sshll.u32 s5, $0x1;
	s2 =	sadd.s32 s19, s18  }
0x9c: {  	s6 =	simm.s32 $0x0;
	s20 =	sshll.u32 s4, $0x1;
	s4 =	sadd.s32 s21, s2  }
0x9d: {  	[timem:s6], [sflag:s22] =	dma.local [hbm:s4], s20  }
0x9e: {  	_ =	swait.ge [sflag:s22], s20  }
0x9f: {  	s3 =	ssub.s32 $0x0, s20;
	[sflag:s22] =	ssyncset.done $0x0  }
0xa0: {  	[sflag:s22] =	ssyncadd.s32 s3;
	_ =	sdelay $0x1  }
0xa1: {  	s23 =	simm.s32 $0x1B8B  }
0xa2: {  	_ =	swait.ge [sflag:s23], $0x1  }
0xa3: {  	[sflag:s23] =	ssyncset.done $0x0  }
0xa4: {  	s25 =	simm.s32 $0x1B8E;
	s24 =	sld [smem:$0x3FFE];
	[sflag:s23] =	ssyncadd.s32 $0xFFFFFFFF  }
0xa5: {  	s26 =	simm.s32 $execute0_lowered;
	[smem:$0x3FD2] =	sst s25  }
0xa6: {  	s4 =	sshll.u32 s26, $0x1;
	_ =	strace $0x80000049;
	[dreg:$0x1] =	wrdreg $0xFFFFFFFF  }
0xa7: {  	s28 =	simm.s32 $_size_execute0_lowered;
	s2 =	sadd.s32 s2, s4;
	[dreg:$0x0] =	wrdreg $0x0  }
0xa8: {  	s4 =	sshll.u32 s28, $0x1;
	[dreg:$0x2] =	wrdreg s2  }
0xa9: {  	[dreg:$0x3] =	wrdreg s4  }
0xaa: {  	[dreg:$0x4] =	wrdreg $0xC0  }
0xab: {  	_ =	task [dreg:s6], $0x5FFFF  }
0xac: {  	[dreg:$0x1] =	wrdreg $0xFFFFFFFF  }
0xad: {  	[dreg:$0x0] =	wrdreg $0x60  }
0xae: {  	[dreg:$0x2] =	wrdreg s24  }
0xaf: {  	[dreg:$0x3] =	wrdreg $0xB0000  }
0xb0: {  	[dreg:$0x4] =	wrdreg $0x9  }
0xb1: {  	_ =	task.clear_ibuf [dreg:s6], $0x5FFFF;
	_ =	strace $0x90000049  }
0xb2: {  	s29 =	simm.s32 $0x9;
	_ =	strace $0x8000004B  }
0xb3: {  	_ =	swait.ge [sflag:s29], $0x1  }
0xb4: {  	[sflag:s29] =	ssyncadd.s32 $0xFFFFFFFF  }
0xb5: {  	_ =	strace $0x9000004B  }
0xb6: {  	_ =	sfence  }
0xb7: {  	s30 =	sld [smem:$0x0];
	_ =	sdelay $0x2  }
0xb8: {  	s31 =	sshll.u32 s1, $0xD;
	s1 =	sshrl.u32 s1, $0x2  }
0xb9: {  	s3 =	sand.u32 $0x4000, s31;
	s1 =	sadd.s32 s1, s30  }
0xba: {  	s0 =	sor.u32 s3, s0;
	s1 =	sshll.u32 s1, $0x11  }
0xbb: {  	s0 =	sor.u32 s1, s0  }
0xbc: {  	s0 =	sadd.s32 $0x8F2B, s0  }
0xbd: {  	[sflag:s0] =	ssyncadd.remote.s32 $0x1  }
0xbe: {  	_ =	sfence.sel $0xFFFF  }
0xbf: {  	[dreg:$0x0] =	wrdreg $0xFFFFFFFF;
	(pc) =	sbr.abs _section_cstart, $3  }
0xc0: {  	[dreg:$0x1] =	wrdreg $0xFFFFFFFF  }
0xc1: {  	_ =	task.clear_ibuf [dreg:s6], $0x2FFFF;
	_ =	strace $0x9FFFFFFF  }
0xc2: {  	(tm) =	ssettm $0x7FFFFFFF  }
0xc3: {  	_ =	shalt  }
tec
execute0_lowered:
.L_overlay_start_1:
0x0: {  	(tag) =	ssettag $0x1  }
0x1: {  	s0 =	rddreg [dreg:$0x0]  }
0x2: {  	s1 =	rddreg [dreg:$0x1];
	s2 =	simm.s32 $0x0;
	s9 =	srdreg.scid  }
0x3: {  	s28 =	simm.s32 $0x64;
	s29 =	simm.s32 $0x6200;
	s30 =	simm.s32 $0x7C80  }
0x4: {  	s31 =	simm.s32 $0x8900;
	[smem:$0x7FF] =	sst s2;
	s7 =	sadd.s32 $0x71800, s0  }
0x5: {  	s8 =	sadd.s32 $0x3F800, s0;
	_ =	strace $0x8000004A;
	[dreg:$0x3] =	wrdreg s7  }
0x6: {  	s3 =	sadd.s32 $0xACA00, s0;
	s5 =	sadd.s32 $0x7B800, s0;
	[dreg:$0x4] =	wrdreg s8  }
0x7: {  	s4 =	sadd.s32 $0xD3C00, s0;
	s10 =	sadd.s32 $0xD800, s0;
	[dreg:$0x5] =	wrdreg s5  }
0x8: {  	s2 =	sand.u32 $0x1, s9;
	s8 =	stileid.u32;
	[dreg:$0x6] =	wrdreg s10  }
0x9: {  	s11 =	ssub.s32 $0x2, s2;
	s7 =	sadd.s32 $0xFAE00, s0;
	s0 =	sadd.s32 $0x122000, s0  }
0xa: {  	p0 =	sne.s32 s2, $0x0;
	s6 =	smul.u32 $0x3E8, s8;
	[dreg:$0x7] =	wrdreg s7  }
0xb: {  	s12 =	sshrl.u32 s11, $0x1;
	s10 =	smul.u32 $0x7D000, s8;
	[dreg:$0x8] =	wrdreg s0  }
0xc: {  	p1 =	sgt.u32 s8, $0x9;
	p2 =	slt.u32 s8, $0xA;
	s0 =	ssub.s32 s11, s12  }
0xd: {  	s13 =	sadd.s32 $0x78, s6;
	s14 =	sshrl.u32 s10, $0x2;
	s11 =	sadd.s32 $0xF0, s6  }
0xe: {  	s19 =	sadd.s32 $0x168, s6;
	s22 =	sadd.s32 $0x1E0, s6;
	s0 =	smax.u32 s0, $0x1  }
0xf: {  	s25 =	sadd.s32 $0x258, s6;
	s5 =	sshll.u32 s13, $0x4;
	[dreg:$0x1a] =	wrdreg s0  }
0x10: {  	s10 =	sadd.s32 $0x2D0, s6;
	s20 =	sshll.u32 s11, $0x4;
	[dreg:$0xb] =	wrdreg s5  }
0x11: {  	s12 =	sadd.s32 $0x348, s6;
	s24 =	sshll.u32 s22, $0x4;
	[dreg:$0xd] =	wrdreg s20  }
0x12: {  	s6 =	sadd.s32 $0x3C0, s6;
	s2 =	sshll.u32 s10, $0x4;
	[dreg:$0x11] =	wrdreg s24  }
0x13: {  	s15 =	sshll.u32 s13, $0x7;
	s9 =	sadd.s32 s14, s1;
	[dreg:$0x15] =	wrdreg s2  }
0x14: {  	s17 =	sshll.u32 s11, $0x7;
	s16 =	sadd.s32 s15, s1;
	[dreg:$0x9] =	wrdreg s9  }
0x15: {  	s21 =	sshll.u32 s19, $0x7;
	s18 =	sadd.s32 s17, s1;
	[dreg:$0xa] =	wrdreg s16  }
0x16: {  	s23 =	sshll.u32 s22, $0x7;
	s7 =	sadd.s32 s21, s1;
	[dreg:$0xc] =	wrdreg s18  }
0x17: {  	s13 =	sshll.u32 s12, $0x7;
	s5 =	sshll.u32 s19, $0x4;
	[dreg:$0xe] =	wrdreg s7  }
0x18: {  	s26 =	sshll.u32 s25, $0x7;
	s2 =	sadd.s32 s13, s1;
	[dreg:$0xf] =	wrdreg s5  }
0x19: {  	s11 =	sshll.u32 s10, $0x7;
	s15 =	sshll.u32 s12, $0x4;
	[dreg:$0x16] =	wrdreg s2  }
0x1a: {  	s14 =	sshll.u32 s6, $0x7;
	s17 =	sshll.u32 s6, $0x4;
	[dreg:$0x17] =	wrdreg s15  }
0x1b: {  	s10 =	smul.u32 $0x5000, s8;
	s19 =	sadd.s32 $0x7800, s9;
	[dreg:$0x19] =	wrdreg s17  }
0x1c: {  	s0 =	simm.s32 $0x9580;
	s20 =	sadd.s32 $0xB400, s9;
	[dreg:$0x1c] =	wrdreg s19  }
0x1d: {  	s21 =	sadd.s32 $0xF000, s9;
	s22 =	sadd.s32 $0x12C00, s9;
	[dreg:$0x1d] =	wrdreg s20  }
0x1e: {  	s24 =	sadd.s32 $0x1A400, s9;
	s13 =	simm.s32 $0x1;
	[dreg:$0x1e] =	wrdreg s21  }
0x1f: {  	s5 =	sadd.s32 s23, s1;
	s7 =	sadd.s32 s26, s1;
	[dreg:$0x1f] =	wrdreg s22  }
0x20: {  	s16 =	sadd.s32 s14, s1;
	s18 =	sadd.s32 $0x3C00, s9;
	[smem:$0x7FB] =	sst s24  }
0x21: {  	s23 =	sadd.s32 $0x16800, s9;
	s26 =	smul.u32 $0x3E80, s8;
	[dreg:$0x10] =	wrdreg s5  }
0x22: {  	s19 =	simm.s32 $0x3;
	s20 =	simm.s32 $0x19;
	[dreg:$0x12] =	wrdreg s7  }
0x23: {  	s21 =	simm.s32 $0x3000;
	s22 =	simm.s32 $0x3C80;
	[dreg:$0x18] =	wrdreg s16  }
0x24: {  	s24 =	simm.s32 $0x4900;
	s14 =	simm.s32 $0x2;
	[dreg:$0x1b] =	wrdreg s18  }
.Ltmp0:
0x25: {  	s5 =	sshll.u32 s25, $0x4;
	[smem:$0x7FA] =	sst s23;
	(pc) =	sbr.rel .LBB2_1-.Ltmp0, $4  }
0x26: {  	s25 =	sadd.s32 $0x1E000, s9;
	s18 =	simm.s32 $0x7000;
	[dreg:$0x13] =	wrdreg s5  }
0x27: {  	s16 =	simm.s32 $0x0;
	s5 =	sadd.s32 s11, s1;
	[smem:$0x7FC] =	sst s25  }
0x28: {  	s11 =	smul.u32 $0x19000, s8;
	[smem:$0x7FD] =	sst s26;
	s26 =	simm.s32 $0x5580  }
0x29: {  	v0 =	vimm.f32 $0.0e+00;
	s8 =	simm.s32 $0x0;
	[dreg:$0x14] =	wrdreg s5;
	s5 =	simm.s32 $0xA200  }
.LBB2_12:
0x2a: {  	s6 =	rddreg [dreg:$0x9]  }
0x2b: {  	[tilespmem:s21], [sflag:$0x3] =	stream.linear.gather [spmem:s6], $0x3C00, $0x38;
	[tilespmem:$0x1E880] =	vst v63  }
0x2c: {  	_ =	swait.ge [sflag:s19], $0x3C00  }
0x2d: {  	s9 =	sld [smem:$0x7FD];
	_ =	sdelay $0x1  }
0x2e: {  	[sflag:s19] =	ssyncset.done $0x0  }
0x2f: {  	s7 =	simm.s32 $0x0;
	[sflag:s19] =	ssyncadd.s32 $0xFFFFC400;
	s6 =	sadd.s32 s2, s9  }
0x30: {  	[hbm4b:s6+s7] =	stream.linear.scatter [tilespmem:s21], [sflag:$0x1], $0x3C00, $0x38;
	[tilespmem:$0x1E880] =	vst v63  }
0x31: {  	s12 =	rddreg [dreg:$0xa]  }
0x32: {  	[tilespmem:s18], [sflag:$0x3] =	stream.linear.gather [spmem:s12], $0x3C00, $0x38;
	[tilespmem:$0x1E880] =	vst v63  }
0x33: {  	_ =	swait.ge [sflag:s19], $0x3C00  }
0x34: {  	[sflag:s19] =	ssyncset.done $0x0;
	s15 =	rddreg [dreg:$0xb]  }
0x35: {  	s6 =	sadd.s32 s2, s15;
	[sflag:s19] =	ssyncadd.s32 $0xFFFFC400  }
0x36: {  	[hbm4b:s6+s7] =	stream.linear.scatter [tilespmem:s18], [sflag:$0x2], $0x3C00, $0x38;
	[tilespmem:$0x1E880] =	vst v63  }
0x37: {  	_ =	swait.ge [sflag:s13], $0x3C00  }
0x38: {  	[sflag:s13] =	ssyncset.done $0x0  }
0x39: {  	s17 =	rddreg [dreg:$0xc];
	[sflag:s13] =	ssyncadd.s32 $0xFFFFC400  }
0x3a: {  	[tilespmem:s21], [sflag:$0x3] =	stream.linear.gather [spmem:s17], $0x3C00, $0x38;
	[tilespmem:$0x1E880] =	vst v63  }
0x3b: {  	_ =	swait.ge [sflag:s19], $0x3C00  }
0x3c: {  	[sflag:s19] =	ssyncset.done $0x0;
	s23 =	rddreg [dreg:$0xd]  }
0x3d: {  	s6 =	sadd.s32 s2, s23;
	[sflag:s19] =	ssyncadd.s32 $0xFFFFC400  }
0x3e: {  	[hbm4b:s6+s7] =	stream.linear.scatter [tilespmem:s21], [sflag:$0x1], $0x3C00, $0x38;
	[tilespmem:$0x1E880] =	vst v63  }
0x3f: {  	_ =	swait.ge [sflag:s14], $0x3C00  }
0x40: {  	[sflag:s14] =	ssyncset.done $0x0  }
0x41: {  	s25 =	rddreg [dreg:$0xe];
	[sflag:s14] =	ssyncadd.s32 $0xFFFFC400  }
0x42: {  	[tilespmem:s18], [sflag:$0x3] =	stream.linear.gather [spmem:s25], $0x3C00, $0x38;
	[tilespmem:$0x1E880] =	vst v63  }
0x43: {  	_ =	swait.ge [sflag:s19], $0x3C00  }
0x44: {  	[sflag:s19] =	ssyncset.done $0x0;
	s9 =	rddreg [dreg:$0xf]  }
0x45: {  	s6 =	sadd.s32 s2, s9;
	[sflag:s19] =	ssyncadd.s32 $0xFFFFC400  }
0x46: {  	[hbm4b:s6+s7] =	stream.linear.scatter [tilespmem:s18], [sflag:$0x2], $0x3C00, $0x38;
	[tilespmem:$0x1E880] =	vst v63  }
0x47: {  	_ =	swait.ge [sflag:s13], $0x3C00  }
0x48: {  	[sflag:s13] =	ssyncset.done $0x0  }
0x49: {  	s12 =	rddreg [dreg:$0x10];
	[sflag:s13] =	ssyncadd.s32 $0xFFFFC400  }
0x4a: {  	[tilespmem:s21], [sflag:$0x3] =	stream.linear.gather [spmem:s12], $0x3C00, $0x38;
	[tilespmem:$0x1E880] =	vst v63  }
0x4b: {  	_ =	swait.ge [sflag:s19], $0x3C00  }
0x4c: {  	[sflag:s19] =	ssyncset.done $0x0;
	s15 =	rddreg [dreg:$0x11]  }
0x4d: {  	s6 =	sadd.s32 s2, s15;
	[sflag:s19] =	ssyncadd.s32 $0xFFFFC400  }
0x4e: {  	[hbm4b:s6+s7] =	stream.linear.scatter [tilespmem:s21], [sflag:$0x1], $0x3C00, $0x38;
	[tilespmem:$0x1E880] =	vst v63  }
0x4f: {  	_ =	swait.ge [sflag:s14], $0x3C00  }
0x50: {  	[sflag:s14] =	ssyncset.done $0x0  }
0x51: {  	s17 =	rddreg [dreg:$0x12];
	[sflag:s14] =	ssyncadd.s32 $0xFFFFC400  }
0x52: {  	[tilespmem:s18], [sflag:$0x3] =	stream.linear.gather [spmem:s17], $0x3C00, $0x38;
	[tilespmem:$0x1E880] =	vst v63  }
0x53: {  	_ =	swait.ge [sflag:s19], $0x3C00  }
0x54: {  	[sflag:s19] =	ssyncset.done $0x0;
	s23 =	rddreg [dreg:$0x13]  }
0x55: {  	s6 =	sadd.s32 s2, s23;
	[sflag:s19] =	ssyncadd.s32 $0xFFFFC400  }
0x56: {  	[hbm4b:s6+s7] =	stream.linear.scatter [tilespmem:s18], [sflag:$0x2], $0x3C00, $0x38;
	[tilespmem:$0x1E880] =	vst v63  }
0x57: {  	_ =	swait.ge [sflag:s13], $0x3C00  }
0x58: {  	[sflag:s13] =	ssyncset.done $0x0  }
0x59: {  	s25 =	rddreg [dreg:$0x14];
	[sflag:s13] =	ssyncadd.s32 $0xFFFFC400  }
0x5a: {  	[tilespmem:s21], [sflag:$0x3] =	stream.linear.gather [spmem:s25], $0x3C00, $0x38;
	[tilespmem:$0x1E880] =	vst v63  }
0x5b: {  	_ =	swait.ge [sflag:s19], $0x3C00  }
0x5c: {  	[sflag:s19] =	ssyncset.done $0x0;
	s9 =	rddreg [dreg:$0x15]  }
0x5d: {  	s6 =	sadd.s32 s2, s9;
	[sflag:s19] =	ssyncadd.s32 $0xFFFFC400  }
0x5e: {  	[hbm4b:s6+s7] =	stream.linear.scatter [tilespmem:s21], [sflag:$0x1], $0x3C00, $0x38;
	[tilespmem:$0x1E880] =	vst v63  }
0x5f: {  	_ =	swait.ge [sflag:s14], $0x3C00  }
0x60: {  	[sflag:s14] =	ssyncset.done $0x0  }
0x61: {  	s12 =	rddreg [dreg:$0x16];
	[sflag:s14] =	ssyncadd.s32 $0xFFFFC400  }
0x62: {  	[tilespmem:s18], [sflag:$0x3] =	stream.linear.gather [spmem:s12], $0x3C00, $0x38;
	[tilespmem:$0x1E880] =	vst v63  }
0x63: {  	_ =	swait.ge [sflag:s19], $0x3C00  }
0x64: {  	[sflag:s19] =	ssyncset.done $0x0;
	s15 =	rddreg [dreg:$0x17]  }
0x65: {  	s6 =	sadd.s32 s2, s15;
	[sflag:s19] =	ssyncadd.s32 $0xFFFFC400  }
0x66: {  	[hbm4b:s6+s7] =	stream.linear.scatter [tilespmem:s18], [sflag:$0x2], $0x3C00, $0x38;
	[tilespmem:$0x1E880] =	vst v63  }
0x67: {  	_ =	swait.ge [sflag:s13], $0x3C00  }
0x68: {  	[sflag:s13] =	ssyncset.done $0x0  }
0x69: {  	s17 =	rddreg [dreg:$0x18];
	[sflag:s13] =	ssyncadd.s32 $0xFFFFC400  }
0x6a: {  	[tilespmem:s21], [sflag:$0x3] =	stream.linear.gather [spmem:s17], $0x1400, $0x38;
	[tilespmem:$0x1E880] =	vst v63  }
0x6b: {  	_ =	swait.ge [sflag:s19], $0x1400  }
0x6c: {  	[sflag:s19] =	ssyncset.done $0x0;
	s23 =	rddreg [dreg:$0x19]  }
0x6d: {  	s25 =	sadd.s32 s2, s23;
	[sflag:s19] =	ssyncadd.s32 $0xFFFFEC00  }
0x6e: {  	[hbm4b:s25+s7] =	stream.linear.scatter [tilespmem:s21], [sflag:$0x1], $0x1400, $0x38;
	[tilespmem:$0x1E880] =	vst v63  }
0x6f: {  	_ =	swait.ge [sflag:s14], $0x3C00  }
0x70: {  	[sflag:s14] =	ssyncset.done $0x0  }
0x71: {  	[sflag:s14] =	ssyncadd.s32 $0xFFFFC400  }
0x72: {  	_ =	swait.ge [sflag:s13], $0x1400  }
0x73: {  	[sflag:s13] =	ssyncset.done $0x0  }
0x74: {  	[sflag:s13] =	ssyncadd.s32 $0xFFFFEC00  }
.LBB2_13:
0x75: {  	s8 =	sadd.s32 $0x1, s8;
	s2 =	rddreg [dreg:$0x1a]  }
0x76: {  	p3 =	sne.s32 s8, s2  }
.Ltmp1:
0x77: {  	_ = 	snop;
	(pc) =	sbr.rel @!p3 .LBB2_14-.Ltmp1, $1  }
0x78: {  	_ =	sdelay $0x3  }
.LBB2_1:
0x79: {  	s2 =	simm.s32 $0x0  }
0x7a: {  	s6 =	sand.u32 $0xFFFFFF80, s2  }
0x7b: {  	s6 =	ssub.s32 $0x0, s6  }
0x7c: {  	s7 =	simm.s32 $0x0;
	s2 =	sand.u32 $0x3FFFFF80, s2;
	s6 =	sand.u32 $0xFFFFFF80, s6  }
0x7d: {  	[smem:$0x7F9] =	sst s8;
	s7 =	sand.u32 $0x70, s7;
	s6 =	sadd.s32 s6, s2  }
0x7e: {  	s2 =	simm.s32 $0x1;
	s7 =	sor.u32 s7, s6;
	s6 =	simm.s32 $0x0  }
.LBB2_2:
0x7f: {  	s12 =	sshll.u32 s2, $0x4;
	p3 =	sne.s32 s2, $0x3E7;
	s2 =	sadd.s32 $0x1, s2;
	[tilespmem:s7+$0x3000] =	vst v0  }
.Ltmp2:
0x80: {  	s6 =	sadd.s32 $0x10, s6;
	s7 =	sand.u32 $0xFFFFFF80, s12;
	(pc) =	sbr.rel @p3 .LBB2_2-.Ltmp2, $4  }
0x81: {  	s7 =	ssub.s32 s6, s7  }
0x82: {  	s12 =	sand.u32 $0x3FFFFF80, s12;
	s7 =	sand.u32 $0xFFFFFF80, s7  }
0x83: {  	s15 =	sand.u32 $0x70, s6;
	s7 =	sadd.s32 s7, s12  }
0x84: {  	s7 =	sor.u32 s15, s7  }
0x85: {  	[tilespmem:s7+$0x3000] =	vst v0;
	s2 =	simm.s32 @!p1 $0x3000;
	s6 =	rddreg [dreg:$0x9]  }
0x86: {  	[spmem:s6] =	stream.linear.scatter @!p1 [tilespmem:s2], [sflag:$0x1], $0x3C00, $0x38;
	[tilespmem:$0x1E880] =	vst v63  }
0x87: {  	s6 =	rddreg [dreg:$0x1b]  }
0x88: {  	[spmem:s6] =	stream.linear.scatter @!p1 [tilespmem:s2], [sflag:$0x1], $0x3C00, $0x38;
	[tilespmem:$0x1E880] =	vst v63  }
0x89: {  	s6 =	rddreg [dreg:$0x1c]  }
0x8a: {  	[spmem:s6] =	stream.linear.scatter @!p1 [tilespmem:s2], [sflag:$0x1], $0x3C00, $0x38;
	[tilespmem:$0x1E880] =	vst v63  }
0x8b: {  	s6 =	rddreg [dreg:$0x1d]  }
0x8c: {  	[spmem:s6] =	stream.linear.scatter @!p1 [tilespmem:s2], [sflag:$0x1], $0x3C00, $0x38;
	[tilespmem:$0x1E880] =	vst v63  }
0x8d: {  	s6 =	rddreg [dreg:$0x1e]  }
0x8e: {  	[spmem:s6] =	stream.linear.scatter @!p1 [tilespmem:s2], [sflag:$0x1], $0x3C00, $0x38;
	[tilespmem:$0x1E880] =	vst v63  }
0x8f: {  	s6 =	rddreg [dreg:$0x1f]  }
0x90: {  	[spmem:s6] =	stream.linear.scatter @!p1 [tilespmem:s2], [sflag:$0x1], $0x3C00, $0x38;
	[tilespmem:$0x1E880] =	vst v63  }
0x91: {  	s6 =	sld [smem:$0x7FA];
	_ =	sdelay $0x2  }
0x92: {  	[spmem:s6] =	stream.linear.scatter @!p1 [tilespmem:s2], [sflag:$0x1], $0x3C00, $0x38;
	[tilespmem:$0x1E880] =	vst v63  }
0x93: {  	s6 =	sld [smem:$0x7FB];
	_ =	sdelay $0x2  }
0x94: {  	[spmem:s6] =	stream.linear.scatter @!p1 [tilespmem:s2], [sflag:$0x1], $0x3C00, $0x38;
	[tilespmem:$0x1E880] =	vst v63  }
0x95: {  	s6 =	sld [smem:$0x7FC];
	_ =	sdelay $0x2  }
0x96: {  	[spmem:s6] =	stream.linear.scatter @!p1 [tilespmem:s2], [sflag:$0x1], $0x1400, $0x38;
	[tilespmem:$0x1E880] =	vst v63  }
0x97: {  	s2 =	simm.s32 @!p1 $0x1  }
0x98: {  	_ =	swait.ge @!p1 [sflag:s2], $0x3C00  }
0x99: {  	[sflag:s2] =	ssyncset.done @!p1 $0x0  }
0x9a: {  	[sflag:s2] =	ssyncadd.s32 @!p1 $0xFFFFC400  }
0x9b: {  	_ =	swait.ge @!p1 [sflag:s2], $0x3C00  }
0x9c: {  	[sflag:s2] =	ssyncset.done @!p1 $0x0  }
0x9d: {  	[sflag:s2] =	ssyncadd.s32 @!p1 $0xFFFFC400  }
0x9e: {  	_ =	swait.ge @!p1 [sflag:s2], $0x3C00  }
0x9f: {  	[sflag:s2] =	ssyncset.done @!p1 $0x0  }
0xa0: {  	[sflag:s2] =	ssyncadd.s32 @!p1 $0xFFFFC400  }
0xa1: {  	_ =	swait.ge @!p1 [sflag:s2], $0x3C00  }
0xa2: {  	[sflag:s2] =	ssyncset.done @!p1 $0x0  }
0xa3: {  	[sflag:s2] =	ssyncadd.s32 @!p1 $0xFFFFC400  }
0xa4: {  	_ =	swait.ge @!p1 [sflag:s2], $0x3C00  }
0xa5: {  	[sflag:s2] =	ssyncset.done @!p1 $0x0  }
0xa6: {  	[sflag:s2] =	ssyncadd.s32 @!p1 $0xFFFFC400  }
0xa7: {  	_ =	swait.ge @!p1 [sflag:s2], $0x3C00  }
0xa8: {  	[sflag:s2] =	ssyncset.done @!p1 $0x0  }
0xa9: {  	[sflag:s2] =	ssyncadd.s32 @!p1 $0xFFFFC400  }
0xaa: {  	_ =	swait.ge @!p1 [sflag:s2], $0x3C00  }
0xab: {  	[sflag:s2] =	ssyncset.done @!p1 $0x0  }
0xac: {  	[sflag:s2] =	ssyncadd.s32 @!p1 $0xFFFFC400  }
0xad: {  	_ =	swait.ge @!p1 [sflag:s2], $0x3C00  }
0xae: {  	[sflag:s2] =	ssyncset.done @!p1 $0x0  }
0xaf: {  	[sflag:s2] =	ssyncadd.s32 @!p1 $0xFFFFC400  }
.Ltmp3:
0xb0: {  	_ =	swait.ge @!p1 [sflag:s2], $0x1400;
	(pc) =	sbr.rel @p0 .LBB2_8-.Ltmp3, $4  }
0xb1: {  	[sflag:s2] =	ssyncset.done @!p1 $0x0  }
0xb2: {  	[sflag:s2] =	ssyncadd.s32 @!p1 $0xFFFFEC00  }
0xb3: {  	[bflag:$0x0] =	sbarrier.arrive $0xFFFF  }
0xb4: {  	s17 =	simm.s32 $0x0;
	s12 =	simm.s32 $0x0  }
.LBB2_4:
0xb5: {  	s2 =	sshll.u32 s17, $0xB  }
0xb6: {  	s2 =	sadd.s32 s10, s2  }
0xb7: {  	s6 =	rddreg [dreg:$0x3];
	s2 =	sshrl.u32 s2, $0x3  }
0xb8: {  	s12 =	smul.u32 $0x2800, s17;
	s2 =	sadd.s32 s6, s2  }
0xb9: {  	[tilespmem:s16], [sflag:$0x3] =	stream.linear.gather [hbm4b:s2+s16], $0x800, $0x38;
	[tilespmem:$0x1E880] =	vst v63  }
0xba: {  	s15 =	sadd.s32 s11, s12;
	_ =	swait.ge [sflag:s19], $0x800  }
0xbb: {  	s2 =	sshrl.u32 s15, $0x3;
	[sflag:s19] =	ssyncset.done $0x0;
	s23 =	rddreg [dreg:$0x4]  }
0xbc: {  	s6 =	simm.s32 $0x800;
	[sflag:s19] =	ssyncadd.s32 $0xFFFFF800;
	s2 =	sadd.s32 s23, s2  }
0xbd: {  	[tilespmem:s6], [sflag:$0x3] =	stream.linear.gather [hbm4b:s2+s16], $0x2800, $0x38;
	[tilespmem:$0x1E880] =	vst v63  }
0xbe: {  	_ =	swait.ge [sflag:s19], $0x2800  }
0xbf: {  	[sflag:s19] =	ssyncset.done $0x0  }
0xc0: {  	[sflag:s19] =	ssyncadd.s32 $0xFFFFD800  }
0xc1: {  	[tilespmem:s21], [sflag:$0x1] =	stream.indirect.gather [hbm4b:s3+s20], $0x80, s16, s20, $0xb8;
	[tilespmem:$0x1E880] =	vst v63  }
0xc2: {  	_ = 	snop  }
0xc3: {  	[tilespmem:s22], [sflag:$0x1] =	stream.indirect.gather [hbm4b:s3+s20], $0x80, s20, s20, $0xb8;
	[tilespmem:$0x1E880] =	vst v63  }
0xc4: {  	s25 =	simm.s32 $0x32  }
0xc5: {  	[tilespmem:s24], [sflag:$0x1] =	stream.indirect.gather [hbm4b:s3+s20], $0x80, s25, s20, $0xb8;
	[tilespmem:$0x1E880] =	vst v63  }
0xc6: {  	s7 =	simm.s32 $0x4B  }
0xc7: {  	[tilespmem:s26], [sflag:$0x1] =	stream.indirect.gather [hbm4b:s3+s20], $0x80, s7, s20, $0xb8;
	[tilespmem:$0x1E880] =	vst v63  }
0xc8: {  	_ = 	snop  }
0xc9: {  	[tilespmem:s29], [sflag:$0x1] =	stream.indirect.gather [hbm4b:s3+s20], $0x80, s28, s20, $0xb8;
	[tilespmem:$0x1E880] =	vst v63  }
0xca: {  	s8 =	simm.s32 $0x80  }
0xcb: {  	[tilespmem:s18], [sflag:$0x2] =	stream.indirect.gather [hbm4b:s3+s20], $0x80, s8, s20, $0xb8;
	[tilespmem:$0x1E880] =	vst v63  }
0xcc: {  	s9 =	simm.s32 $0x99  }
0xcd: {  	[tilespmem:s30], [sflag:$0x2] =	stream.indirect.gather [hbm4b:s3+s20], $0x80, s9, s20, $0xb8;
	[tilespmem:$0x1E880] =	vst v63  }
0xce: {  	s12 =	simm.s32 $0xB2  }
0xcf: {  	[tilespmem:s31], [sflag:$0x2] =	stream.indirect.gather [hbm4b:s3+s20], $0x80, s12, s20, $0xb8;
	[tilespmem:$0x1E880] =	vst v63  }
0xd0: {  	s15 =	simm.s32 $0xCB  }
0xd1: {  	[tilespmem:s0], [sflag:$0x2] =	stream.indirect.gather [hbm4b:s3+s20], $0x80, s15, s20, $0xb8;
	[tilespmem:$0x1E880] =	vst v63  }
0xd2: {  	s23 =	simm.s32 $0xE4  }
0xd3: {  	[tilespmem:s5], [sflag:$0x2] =	stream.indirect.gather [hbm4b:s3+s20], $0x80, s23, s20, $0xb8;
	[tilespmem:$0x1E880] =	vst v63  }
0xd4: {  	_ =	swait.ge [sflag:s13], $0xC80  }
0xd5: {  	[sflag:s13] =	ssyncset.done $0x0  }
0xd6: {  	[sflag:s13] =	ssyncadd.s32 $0xFFFFF380  }
0xd7: {  	_ =	swait.ge [sflag:s13], $0xC80  }
0xd8: {  	[sflag:s13] =	ssyncset.done $0x0  }
0xd9: {  	[sflag:s13] =	ssyncadd.s32 $0xFFFFF380  }
0xda: {  	_ =	swait.ge [sflag:s13], $0xC80  }
0xdb: {  	[sflag:s13] =	ssyncset.done $0x0  }
0xdc: {  	[sflag:s13] =	ssyncadd.s32 $0xFFFFF380  }
0xdd: {  	_ =	swait.ge [sflag:s13], $0xC80  }
0xde: {  	[sflag:s13] =	ssyncset.done $0x0  }
0xdf: {  	[sflag:s13] =	ssyncadd.s32 $0xFFFFF380  }
0xe0: {  	_ =	swait.ge [sflag:s13], $0xC80  }
0xe1: {  	[sflag:s13] =	ssyncset.done $0x0  }
0xe2: {  	[sflag:s13] =	ssyncadd.s32 $0xFFFFF380  }
0xe3: {  	[spmem:s1] =	stream.indirect.scatter.add.f32 [tilespmem:s21], [sflag:$0x1], $0x80, s6, s20, $0xb8;
	[tilespmem:$0x1E880] =	vst v63  }
0xe4: {  	s25 =	simm.s32 $0x880  }
0xe5: {  	[spmem:s1] =	stream.indirect.scatter.add.f32 [tilespmem:s22], [sflag:$0x1], $0x80, s25, s20, $0xb8;
	[tilespmem:$0x1E880] =	vst v63  }
0xe6: {  	s6 =	simm.s32 $0x900  }
0xe7: {  	[spmem:s1] =	stream.indirect.scatter.add.f32 [tilespmem:s24], [sflag:$0x1], $0x80, s6, s20, $0xb8;
	[tilespmem:$0x1E880] =	vst v63  }
0xe8: {  	s7 =	simm.s32 $0x980  }
0xe9: {  	[spmem:s1] =	stream.indirect.scatter.add.f32 [tilespmem:s26], [sflag:$0x1], $0x80, s7, s20, $0xb8;
	[tilespmem:$0x1E880] =	vst v63  }
0xea: {  	s8 =	simm.s32 $0xA00  }
0xeb: {  	[spmem:s1] =	stream.indirect.scatter.add.f32 [tilespmem:s29], [sflag:$0x1], $0x80, s8, s20, $0xb8;
	[tilespmem:$0x1E880] =	vst v63  }
0xec: {  	_ =	swait.ge [sflag:s13], $0xC80  }
0xed: {  	[sflag:s13] =	ssyncset.done $0x0  }
0xee: {  	[sflag:s13] =	ssyncadd.s32 $0xFFFFF380  }
0xef: {  	_ =	swait.ge [sflag:s13], $0xC80  }
0xf0: {  	[sflag:s13] =	ssyncset.done $0x0  }
0xf1: {  	[sflag:s13] =	ssyncadd.s32 $0xFFFFF380  }
0xf2: {  	_ =	swait.ge [sflag:s13], $0xC80  }
0xf3: {  	[sflag:s13] =	ssyncset.done $0x0  }
0xf4: {  	[sflag:s13] =	ssyncadd.s32 $0xFFFFF380  }
0xf5: {  	_ =	swait.ge [sflag:s13], $0xC80  }
0xf6: {  	[sflag:s13] =	ssyncset.done $0x0  }
0xf7: {  	[sflag:s13] =	ssyncadd.s32 $0xFFFFF380  }
0xf8: {  	p3 =	por $0x0, $0x0;
	_ =	swait.ge [sflag:s13], $0xC80  }
0xf9: {  	s2 =	simm.s32 @!p3 $0x3000;
	[sflag:s13] =	ssyncset.done $0x0  }
0xfa: {  	s6 =	simm.s32 @!p3 $0x100;
	s7 =	simm.s32 @!p3 $0x19;
	[sflag:s13] =	ssyncadd.s32 $0xFFFFF380  }
0xfb: {  	[tilespmem:s2], [sflag:$0x1] =	stream.indirect.gather @!p3 [hbm4b:s3+s7], $0x80, s6, s7, $0xb8;
	[tilespmem:$0x1E880] =	vst v63  }
0xfc: {  	s2 =	simm.s32 @!p3 $0x119;
	s6 =	simm.s32 @!p3 $0x3C80  }
0xfd: {  	[tilespmem:s6], [sflag:$0x1] =	stream.indirect.gather @!p3 [hbm4b:s3+s7], $0x80, s2, s7, $0xb8;
	[tilespmem:$0x1E880] =	vst v63  }
0xfe: {  	s2 =	simm.s32 @!p3 $0x132;
	s6 =	simm.s32 @!p3 $0x4900  }
0xff: {  	[tilespmem:s6], [sflag:$0x1] =	stream.indirect.gather @!p3 [hbm4b:s3+s7], $0x80, s2, s7, $0xb8;
	[tilespmem:$0x1E880] =	vst v63  }
0x100: {  	s2 =	simm.s32 @!p3 $0x14B;
	s6 =	simm.s32 @!p3 $0x5580  }
0x101: {  	[tilespmem:s6], [sflag:$0x1] =	stream.indirect.gather @!p3 [hbm4b:s3+s7], $0x80, s2, s7, $0xb8;
	[tilespmem:$0x1E880] =	vst v63  }
0x102: {  	s2 =	simm.s32 @!p3 $0x164;
	s6 =	simm.s32 @!p3 $0x6200  }
0x103: {  	[tilespmem:s6], [sflag:$0x1] =	stream.indirect.gather @!p3 [hbm4b:s3+s7], $0x80, s2, s7, $0xb8;
	[tilespmem:$0x1E880] =	vst v63  }
0x104: {  	_ =	swait.ge [sflag:s14], $0xC80  }
0x105: {  	[sflag:s14] =	ssyncset.done $0x0  }
0x106: {  	[sflag:s14] =	ssyncadd.s32 $0xFFFFF380  }
0x107: {  	_ =	swait.ge [sflag:s14], $0xC80  }
0x108: {  	[sflag:s14] =	ssyncset.done $0x0  }
0x109: {  	[sflag:s14] =	ssyncadd.s32 $0xFFFFF380  }
0x10a: {  	_ =	swait.ge [sflag:s14], $0xC80  }
0x10b: {  	[sflag:s14] =	ssyncset.done $0x0  }
0x10c: {  	[sflag:s14] =	ssyncadd.s32 $0xFFFFF380  }
0x10d: {  	_ =	swait.ge [sflag:s14], $0xC80  }
0x10e: {  	[sflag:s14] =	ssyncset.done $0x0  }
0x10f: {  	[sflag:s14] =	ssyncadd.s32 $0xFFFFF380  }
0x110: {  	_ =	swait.ge [sflag:s14], $0xC80  }
0x111: {  	[sflag:s14] =	ssyncset.done $0x0  }
0x112: {  	s9 =	simm.s32 $0xA80;
	[sflag:s14] =	ssyncadd.s32 $0xFFFFF380  }
0x113: {  	[spmem:s1] =	stream.indirect.scatter.add.f32 [tilespmem:s18], [sflag:$0x2], $0x80, s9, s20, $0xb8;
	[tilespmem:$0x1E880] =	vst v63  }
0x114: {  	s12 =	simm.s32 $0xB00  }
0x115: {  	[spmem:s1] =	stream.indirect.scatter.add.f32 [tilespmem:s30], [sflag:$0x2], $0x80, s12, s20, $0xb8;
	[tilespmem:$0x1E880] =	vst v63  }
0x116: {  	s15 =	simm.s32 $0xB80  }
0x117: {  	[spmem:s1] =	stream.indirect.scatter.add.f32 [tilespmem:s31], [sflag:$0x2], $0x80, s15, s20, $0xb8;
	[tilespmem:$0x1E880] =	vst v63  }
0x118: {  	s23 =	simm.s32 $0xC00  }
0x119: {  	[spmem:s1] =	stream.indirect.scatter.add.f32 [tilespmem:s0], [sflag:$0x2], $0x80, s23, s20, $0xb8;
	[tilespmem:$0x1E880] =	vst v63  }
0x11a: {  	s25 =	simm.s32 $0xC80  }
0x11b: {  	[spmem:s1] =	stream.indirect.scatter.add.f32 [tilespmem:s5], [sflag:$0x2], $0x80, s25, s20, $0xb8;
	[tilespmem:$0x1E880] =	vst v63  }
0x11c: {  	_ =	swait.ge [sflag:s14], $0xC80  }
0x11d: {  	[sflag:s14] =	ssyncset.done $0x0  }
0x11e: {  	[sflag:s14] =	ssyncadd.s32 $0xFFFFF380  }
0x11f: {  	_ =	swait.ge [sflag:s14], $0xC80  }
0x120: {  	[sflag:s14] =	ssyncset.done $0x0  }
0x121: {  	[sflag:s14] =	ssyncadd.s32 $0xFFFFF380  }
0x122: {  	_ =	swait.ge [sflag:s14], $0xC80  }
0x123: {  	[sflag:s14] =	ssyncset.done $0x0  }
0x124: {  	[sflag:s14] =	ssyncadd.s32 $0xFFFFF380  }
0x125: {  	_ =	swait.ge [sflag:s14], $0xC80  }
0x126: {  	[sflag:s14] =	ssyncset.done $0x0  }
0x127: {  	[sflag:s14] =	ssyncadd.s32 $0xFFFFF380  }
0x128: {  	s2 =	simm.s32 $0x400;
	s7 =	simm.s32 $0x100;
	_ =	swait.ge [sflag:s14], $0xC80  }
0x129: {  	s12 =	simm.s32 $0xD00;
	s15 =	simm.s32 $0x800;
	[sflag:s14] =	ssyncset.done $0x0  }
.LBB2_5:
0x12a: {  	s8 =	sadd.s32 $0x80, s7  }
0x12b: {  	[sflag:s14] =	ssyncadd.s32 $0xFFFFF380;
	s6 =	smov.u32 s15;
	s15 =	sadd.s32 $0x400, s15  }
0x12c: {  	[tilespmem:s18], [sflag:$0x2] =	stream.indirect.gather [hbm4b:s3+s20], $0x80, s8, s20, $0xb8;
	[tilespmem:$0x1E880] =	vst v63  }
0x12d: {  	p3 =	sne.s32 s15, $0x2000;
	s8 =	sadd.s32 $0x99, s7  }
0x12e: {  	[tilespmem:s30], [sflag:$0x2] =	stream.indirect.gather [hbm4b:s3+s20], $0x80, s8, s20, $0xb8;
	[tilespmem:$0x1E880] =	vst v63  }
0x12f: {  	s8 =	sadd.s32 $0xB2, s7  }
0x130: {  	[tilespmem:s31], [sflag:$0x2] =	stream.indirect.gather [hbm4b:s3+s20], $0x80, s8, s20, $0xb8;
	[tilespmem:$0x1E880] =	vst v63  }
0x131: {  	s8 =	sadd.s32 $0xCB, s7  }
0x132: {  	[tilespmem:s0], [sflag:$0x2] =	stream.indirect.gather [hbm4b:s3+s20], $0x80, s8, s20, $0xb8;
	[tilespmem:$0x1E880] =	vst v63  }
0x133: {  	s7 =	sadd.s32 $0xE4, s7  }
0x134: {  	[tilespmem:s5], [sflag:$0x2] =	stream.indirect.gather [hbm4b:s3+s20], $0x80, s7, s20, $0xb8;
	[tilespmem:$0x1E880] =	vst v63  }
0x135: {  	_ =	swait.ge [sflag:s13], $0xC80  }
0x136: {  	[sflag:s13] =	ssyncset.done $0x0  }
0x137: {  	[sflag:s13] =	ssyncadd.s32 $0xFFFFF380  }
0x138: {  	_ =	swait.ge [sflag:s13], $0xC80  }
0x139: {  	[sflag:s13] =	ssyncset.done $0x0  }
0x13a: {  	[sflag:s13] =	ssyncadd.s32 $0xFFFFF380  }
0x13b: {  	_ =	swait.ge [sflag:s13], $0xC80  }
0x13c: {  	[sflag:s13] =	ssyncset.done $0x0  }
0x13d: {  	[sflag:s13] =	ssyncadd.s32 $0xFFFFF380  }
0x13e: {  	_ =	swait.ge [sflag:s13], $0xC80  }
0x13f: {  	[sflag:s13] =	ssyncset.done $0x0  }
0x140: {  	[sflag:s13] =	ssyncadd.s32 $0xFFFFF380  }
0x141: {  	_ =	swait.ge [sflag:s13], $0xC80  }
0x142: {  	[sflag:s13] =	ssyncset.done $0x0  }
0x143: {  	[sflag:s13] =	ssyncadd.s32 $0xFFFFF380  }
0x144: {  	[spmem:s1] =	stream.indirect.scatter.add.f32 [tilespmem:s21], [sflag:$0x1], $0x80, s12, s20, $0xb8;
	[tilespmem:$0x1E880] =	vst v63  }
0x145: {  	s7 =	sadd.s32 $0x80, s12  }
0x146: {  	[spmem:s1] =	stream.indirect.scatter.add.f32 [tilespmem:s22], [sflag:$0x1], $0x80, s7, s20, $0xb8;
	[tilespmem:$0x1E880] =	vst v63  }
0x147: {  	s7 =	sadd.s32 $0x100, s12  }
0x148: {  	[spmem:s1] =	stream.indirect.scatter.add.f32 [tilespmem:s24], [sflag:$0x1], $0x80, s7, s20, $0xb8;
	[tilespmem:$0x1E880] =	vst v63  }
0x149: {  	s7 =	sadd.s32 $0x180, s12  }
0x14a: {  	[spmem:s1] =	stream.indirect.scatter.add.f32 [tilespmem:s26], [sflag:$0x1], $0x80, s7, s20, $0xb8;
	[tilespmem:$0x1E880] =	vst v63  }
0x14b: {  	s7 =	sadd.s32 $0x200, s12  }
0x14c: {  	[spmem:s1] =	stream.indirect.scatter.add.f32 [tilespmem:s29], [sflag:$0x1], $0x80, s7, s20, $0xb8;
	[tilespmem:$0x1E880] =	vst v63  }
0x14d: {  	_ =	swait.ge [sflag:s13], $0xC80  }
0x14e: {  	[sflag:s13] =	ssyncset.done $0x0  }
0x14f: {  	[sflag:s13] =	ssyncadd.s32 $0xFFFFF380  }
0x150: {  	_ =	swait.ge [sflag:s13], $0xC80  }
0x151: {  	[sflag:s13] =	ssyncset.done $0x0  }
0x152: {  	[sflag:s13] =	ssyncadd.s32 $0xFFFFF380  }
0x153: {  	_ =	swait.ge [sflag:s13], $0xC80  }
0x154: {  	[sflag:s13] =	ssyncset.done $0x0  }
0x155: {  	[sflag:s13] =	ssyncadd.s32 $0xFFFFF380  }
0x156: {  	_ =	swait.ge [sflag:s13], $0xC80  }
0x157: {  	[sflag:s13] =	ssyncset.done $0x0  }
0x158: {  	[sflag:s13] =	ssyncadd.s32 $0xFFFFF380  }
0x159: {  	p4 =	seq.s32 s2, $0x1C00;
	_ =	swait.ge [sflag:s13], $0xC80  }
0x15a: {  	s2 =	sshra.s32 @!p4 s2, $0x2;
	s7 =	simm.s32 @!p4 $0x3000;
	[sflag:s13] =	ssyncset.done $0x0  }
0x15b: {  	s9 =	simm.s32 @!p4 $0x19;
	s8 =	sadd.s32 @!p4 $0x100, s2;
	[sflag:s13] =	ssyncadd.s32 $0xFFFFF380  }
0x15c: {  	[tilespmem:s7], [sflag:$0x1] =	stream.indirect.gather @!p4 [hbm4b:s3+s9], $0x80, s8, s9, $0xb8;
	[tilespmem:$0x1E880] =	vst v63  }
0x15d: {  	s23 =	sadd.s32 @!p4 $0x132, s2;
	s7 =	sadd.s32 @!p4 $0x119, s2;
	s8 =	simm.s32 @!p4 $0x3C80  }
0x15e: {  	[tilespmem:s8], [sflag:$0x1] =	stream.indirect.gather @!p4 [hbm4b:s3+s9], $0x80, s7, s9, $0xb8;
	[tilespmem:$0x1E880] =	vst v63  }
0x15f: {  	s25 =	sadd.s32 @!p4 $0x164, s2;
	s7 =	simm.s32 @!p4 $0x4900;
	s8 =	sadd.s32 @!p4 $0x14B, s2  }
0x160: {  	[tilespmem:s7], [sflag:$0x1] =	stream.indirect.gather @!p4 [hbm4b:s3+s9], $0x80, s23, s9, $0xb8;
	[tilespmem:$0x1E880] =	vst v63  }
0x161: {  	s2 =	smov.u32 s6;
	s7 =	simm.s32 @!p4 $0x5580  }
0x162: {  	[tilespmem:s7], [sflag:$0x1] =	stream.indirect.gather @!p4 [hbm4b:s3+s9], $0x80, s8, s9, $0xb8;
	[tilespmem:$0x1E880] =	vst v63  }
0x163: {  	s6 =	simm.s32 @!p4 $0x6200  }
0x164: {  	[tilespmem:s6], [sflag:$0x1] =	stream.indirect.gather @!p4 [hbm4b:s3+s9], $0x80, s25, s9, $0xb8;
	[tilespmem:$0x1E880] =	vst v63  }
0x165: {  	_ =	swait.ge [sflag:s14], $0xC80  }
0x166: {  	[sflag:s14] =	ssyncset.done $0x0  }
0x167: {  	[sflag:s14] =	ssyncadd.s32 $0xFFFFF380  }
0x168: {  	_ =	swait.ge [sflag:s14], $0xC80  }
0x169: {  	[sflag:s14] =	ssyncset.done $0x0  }
0x16a: {  	[sflag:s14] =	ssyncadd.s32 $0xFFFFF380  }
0x16b: {  	_ =	swait.ge [sflag:s14], $0xC80  }
0x16c: {  	[sflag:s14] =	ssyncset.done $0x0  }
0x16d: {  	[sflag:s14] =	ssyncadd.s32 $0xFFFFF380  }
0x16e: {  	_ =	swait.ge [sflag:s14], $0xC80  }
0x16f: {  	[sflag:s14] =	ssyncset.done $0x0  }
0x170: {  	[sflag:s14] =	ssyncadd.s32 $0xFFFFF380  }
0x171: {  	_ =	swait.ge [sflag:s14], $0xC80  }
0x172: {  	[sflag:s14] =	ssyncset.done $0x0  }
0x173: {  	s6 =	sadd.s32 $0x280, s12;
	[sflag:s14] =	ssyncadd.s32 $0xFFFFF380  }
0x174: {  	[spmem:s1] =	stream.indirect.scatter.add.f32 [tilespmem:s18], [sflag:$0x2], $0x80, s6, s20, $0xb8;
	[tilespmem:$0x1E880] =	vst v63  }
0x175: {  	s6 =	sadd.s32 $0x300, s12  }
0x176: {  	[spmem:s1] =	stream.indirect.scatter.add.f32 [tilespmem:s30], [sflag:$0x2], $0x80, s6, s20, $0xb8;
	[tilespmem:$0x1E880] =	vst v63  }
0x177: {  	s6 =	sadd.s32 $0x380, s12  }
0x178: {  	[spmem:s1] =	stream.indirect.scatter.add.f32 [tilespmem:s31], [sflag:$0x2], $0x80, s6, s20, $0xb8;
	[tilespmem:$0x1E880] =	vst v63  }
0x179: {  	s6 =	sadd.s32 $0x400, s12  }
0x17a: {  	[spmem:s1] =	stream.indirect.scatter.add.f32 [tilespmem:s0], [sflag:$0x2], $0x80, s6, s20, $0xb8;
	[tilespmem:$0x1E880] =	vst v63  }
0x17b: {  	s6 =	sadd.s32 $0x480, s12  }
0x17c: {  	[spmem:s1] =	stream.indirect.scatter.add.f32 [tilespmem:s5], [sflag:$0x2], $0x80, s6, s20, $0xb8;
	[tilespmem:$0x1E880] =	vst v63  }
0x17d: {  	_ =	swait.ge [sflag:s14], $0xC80  }
0x17e: {  	[sflag:s14] =	ssyncset.done $0x0  }
0x17f: {  	[sflag:s14] =	ssyncadd.s32 $0xFFFFF380  }
0x180: {  	_ =	swait.ge [sflag:s14], $0xC80  }
0x181: {  	[sflag:s14] =	ssyncset.done $0x0  }
0x182: {  	[sflag:s14] =	ssyncadd.s32 $0xFFFFF380  }
0x183: {  	_ =	swait.ge [sflag:s14], $0xC80  }
0x184: {  	[sflag:s14] =	ssyncset.done $0x0  }
0x185: {  	[sflag:s14] =	ssyncadd.s32 $0xFFFFF380  }
.Ltmp4:
0x186: {  	_ =	swait.ge [sflag:s14], $0xC80;
	(pc) =	sbr.rel @p3 .LBB2_5-.Ltmp4, $4  }
0x187: {  	[sflag:s14] =	ssyncset.done $0x0  }
0x188: {  	[sflag:s14] =	ssyncadd.s32 $0xFFFFF380  }
0x189: {  	_ =	swait.ge [sflag:s14], $0xC80  }
0x18a: {  	s7 =	sshra.s32 s2, $0x2;
	s12 =	sadd.s32 $0x500, s12;
	[sflag:s14] =	ssyncset.done $0x0  }
0x18b: {  	s6 =	sadd.s32 $0x80, s7;
	[sflag:s14] =	ssyncadd.s32 $0xFFFFF380  }
0x18c: {  	[tilespmem:s18], [sflag:$0x2] =	stream.indirect.gather [hbm4b:s3+s20], $0x80, s6, s20, $0xb8;
	[tilespmem:$0x1E880] =	vst v63  }
0x18d: {  	s23 =	sadd.s32 $0x99, s7  }
0x18e: {  	[tilespmem:s30], [sflag:$0x2] =	stream.indirect.gather [hbm4b:s3+s20], $0x80, s23, s20, $0xb8;
	[tilespmem:$0x1E880] =	vst v63  }
0x18f: {  	s25 =	sadd.s32 $0xB2, s7  }
0x190: {  	[tilespmem:s31], [sflag:$0x2] =	stream.indirect.gather [hbm4b:s3+s20], $0x80, s25, s20, $0xb8;
	[tilespmem:$0x1E880] =	vst v63  }
0x191: {  	s8 =	sadd.s32 $0xCB, s7  }
0x192: {  	[tilespmem:s0], [sflag:$0x2] =	stream.indirect.gather [hbm4b:s3+s20], $0x80, s8, s20, $0xb8;
	[tilespmem:$0x1E880] =	vst v63  }
0x193: {  	s9 =	sadd.s32 $0xE4, s7  }
0x194: {  	[tilespmem:s5], [sflag:$0x2] =	stream.indirect.gather [hbm4b:s3+s20], $0x80, s9, s20, $0xb8;
	[tilespmem:$0x1E880] =	vst v63  }
0x195: {  	_ =	swait.ge [sflag:s13], $0xC80  }
0x196: {  	[sflag:s13] =	ssyncset.done $0x0  }
0x197: {  	[sflag:s13] =	ssyncadd.s32 $0xFFFFF380  }
0x198: {  	_ =	swait.ge [sflag:s13], $0xC80  }
0x199: {  	[sflag:s13] =	ssyncset.done $0x0  }
0x19a: {  	[sflag:s13] =	ssyncadd.s32 $0xFFFFF380  }
0x19b: {  	_ =	swait.ge [sflag:s13], $0xC80  }
0x19c: {  	[sflag:s13] =	ssyncset.done $0x0  }
0x19d: {  	[sflag:s13] =	ssyncadd.s32 $0xFFFFF380  }
0x19e: {  	_ =	swait.ge [sflag:s13], $0xC80  }
0x19f: {  	[sflag:s13] =	ssyncset.done $0x0  }
0x1a0: {  	[sflag:s13] =	ssyncadd.s32 $0xFFFFF380  }
0x1a1: {  	_ =	swait.ge [sflag:s13], $0xC80  }
0x1a2: {  	[sflag:s13] =	ssyncset.done $0x0  }
0x1a3: {  	[sflag:s13] =	ssyncadd.s32 $0xFFFFF380  }
0x1a4: {  	[spmem:s1] =	stream.indirect.scatter.add.f32 [tilespmem:s21], [sflag:$0x1], $0x80, s12, s20, $0xb8;
	[tilespmem:$0x1E880] =	vst v63  }
0x1a5: {  	s15 =	sadd.s32 $0x80, s12  }
0x1a6: {  	[spmem:s1] =	stream.indirect.scatter.add.f32 [tilespmem:s22], [sflag:$0x1], $0x80, s15, s20, $0xb8;
	[tilespmem:$0x1E880] =	vst v63  }
0x1a7: {  	s23 =	sadd.s32 $0x100, s12  }
0x1a8: {  	[spmem:s1] =	stream.indirect.scatter.add.f32 [tilespmem:s24], [sflag:$0x1], $0x80, s23, s20, $0xb8;
	[tilespmem:$0x1E880] =	vst v63  }
0x1a9: {  	s25 =	sadd.s32 $0x180, s12  }
0x1aa: {  	[spmem:s1] =	stream.indirect.scatter.add.f32 [tilespmem:s26], [sflag:$0x1], $0x80, s25, s20, $0xb8;
	[tilespmem:$0x1E880] =	vst v63  }
0x1ab: {  	s7 =	sadd.s32 $0x200, s12  }
0x1ac: {  	[spmem:s1] =	stream.indirect.scatter.add.f32 [tilespmem:s29], [sflag:$0x1], $0x80, s7, s20, $0xb8;
	[tilespmem:$0x1E880] =	vst v63  }
0x1ad: {  	_ =	swait.ge [sflag:s13], $0xC80  }
0x1ae: {  	[sflag:s13] =	ssyncset.done $0x0  }
0x1af: {  	[sflag:s13] =	ssyncadd.s32 $0xFFFFF380  }
0x1b0: {  	_ =	swait.ge [sflag:s13], $0xC80  }
0x1b1: {  	[sflag:s13] =	ssyncset.done $0x0  }
0x1b2: {  	[sflag:s13] =	ssyncadd.s32 $0xFFFFF380  }
0x1b3: {  	_ =	swait.ge [sflag:s13], $0xC80  }
0x1b4: {  	[sflag:s13] =	ssyncset.done $0x0  }
0x1b5: {  	[sflag:s13] =	ssyncadd.s32 $0xFFFFF380  }
0x1b6: {  	_ =	swait.ge [sflag:s13], $0xC80  }
0x1b7: {  	[sflag:s13] =	ssyncset.done $0x0  }
0x1b8: {  	[sflag:s13] =	ssyncadd.s32 $0xFFFFF380  }
0x1b9: {  	p3 =	seq.s32 s2, $0x1C00;
	_ =	swait.ge [sflag:s13], $0xC80  }
0x1ba: {  	s2 =	sshra.s32 @!p3 s2, $0x2;
	s6 =	simm.s32 @!p3 $0x3000;
	[sflag:s13] =	ssyncset.done $0x0  }
0x1bb: {  	s8 =	simm.s32 @!p3 $0x19;
	s7 =	sadd.s32 @!p3 $0x100, s2;
	[sflag:s13] =	ssyncadd.s32 $0xFFFFF380  }
0x1bc: {  	[tilespmem:s6], [sflag:$0x1] =	stream.indirect.gather @!p3 [hbm4b:s3+s8], $0x80, s7, s8, $0xb8;
	[tilespmem:$0x1E880] =	vst v63  }
0x1bd: {  	s6 =	sadd.s32 @!p3 $0x119, s2;
	s7 =	simm.s32 @!p3 $0x3C80  }
0x1be: {  	[tilespmem:s7], [sflag:$0x1] =	stream.indirect.gather @!p3 [hbm4b:s3+s8], $0x80, s6, s8, $0xb8;
	[tilespmem:$0x1E880] =	vst v63  }
0x1bf: {  	s6 =	sadd.s32 @!p3 $0x132, s2;
	s7 =	simm.s32 @!p3 $0x4900  }
0x1c0: {  	[tilespmem:s7], [sflag:$0x1] =	stream.indirect.gather @!p3 [hbm4b:s3+s8], $0x80, s6, s8, $0xb8;
	[tilespmem:$0x1E880] =	vst v63  }
0x1c1: {  	s6 =	sadd.s32 @!p3 $0x14B, s2;
	s7 =	simm.s32 @!p3 $0x5580  }
0x1c2: {  	[tilespmem:s7], [sflag:$0x1] =	stream.indirect.gather @!p3 [hbm4b:s3+s8], $0x80, s6, s8, $0xb8;
	[tilespmem:$0x1E880] =	vst v63  }
0x1c3: {  	s2 =	sadd.s32 @!p3 $0x164, s2;
	s6 =	simm.s32 @!p3 $0x6200  }
0x1c4: {  	[tilespmem:s6], [sflag:$0x1] =	stream.indirect.gather @!p3 [hbm4b:s3+s8], $0x80, s2, s8, $0xb8;
	[tilespmem:$0x1E880] =	vst v63  }
0x1c5: {  	_ =	swait.ge [sflag:s14], $0xC80  }
0x1c6: {  	[sflag:s14] =	ssyncset.done $0x0  }
0x1c7: {  	[sflag:s14] =	ssyncadd.s32 $0xFFFFF380  }
0x1c8: {  	_ =	swait.ge [sflag:s14], $0xC80  }
0x1c9: {  	[sflag:s14] =	ssyncset.done $0x0  }
0x1ca: {  	[sflag:s14] =	ssyncadd.s32 $0xFFFFF380  }
0x1cb: {  	_ =	swait.ge [sflag:s14], $0xC80  }
0x1cc: {  	[sflag:s14] =	ssyncset.done $0x0  }
0x1cd: {  	[sflag:s14] =	ssyncadd.s32 $0xFFFFF380  }
0x1ce: {  	_ =	swait.ge [sflag:s14], $0xC80  }
0x1cf: {  	[sflag:s14] =	ssyncset.done $0x0  }
0x1d0: {  	[sflag:s14] =	ssyncadd.s32 $0xFFFFF380  }
0x1d1: {  	_ =	swait.ge [sflag:s14], $0xC80  }
0x1d2: {  	[sflag:s14] =	ssyncset.done $0x0  }
0x1d3: {  	s8 =	sadd.s32 $0x280, s12;
	[sflag:s14] =	ssyncadd.s32 $0xFFFFF380  }
0x1d4: {  	[spmem:s1] =	stream.indirect.scatter.add.f32 [tilespmem:s18], [sflag:$0x2], $0x80, s8, s20, $0xb8;
	[tilespmem:$0x1E880] =	vst v63  }
0x1d5: {  	s9 =	sadd.s32 $0x300, s12  }
0x1d6: {  	[spmem:s1] =	stream.indirect.scatter.add.f32 [tilespmem:s30], [sflag:$0x2], $0x80, s9, s20, $0xb8;
	[tilespmem:$0x1E880] =	vst v63  }
0x1d7: {  	s15 =	sadd.s32 $0x380, s12  }
0x1d8: {  	[spmem:s1] =	stream.indirect.scatter.add.f32 [tilespmem:s31], [sflag:$0x2], $0x80, s15, s20, $0xb8;
	[tilespmem:$0x1E880] =	vst v63  }
0x1d9: {  	s23 =	sadd.s32 $0x400, s12  }
0x1da: {  	[spmem:s1] =	stream.indirect.scatter.add.f32 [tilespmem:s0], [sflag:$0x2], $0x80, s23, s20, $0xb8;
	[tilespmem:$0x1E880] =	vst v63  }
0x1db: {  	s25 =	sadd.s32 $0x480, s12  }
0x1dc: {  	[spmem:s1] =	stream.indirect.scatter.add.f32 [tilespmem:s5], [sflag:$0x2], $0x80, s25, s20, $0xb8;
	[tilespmem:$0x1E880] =	vst v63  }
0x1dd: {  	_ =	swait.ge [sflag:s14], $0xC80  }
0x1de: {  	[sflag:s14] =	ssyncset.done $0x0  }
0x1df: {  	[sflag:s14] =	ssyncadd.s32 $0xFFFFF380  }
0x1e0: {  	_ =	swait.ge [sflag:s14], $0xC80  }
0x1e1: {  	[sflag:s14] =	ssyncset.done $0x0  }
0x1e2: {  	[sflag:s14] =	ssyncadd.s32 $0xFFFFF380  }
0x1e3: {  	_ =	swait.ge [sflag:s14], $0xC80  }
0x1e4: {  	[sflag:s14] =	ssyncset.done $0x0  }
0x1e5: {  	s17 =	sadd.s32 $0x1, s17;
	[sflag:s14] =	ssyncadd.s32 $0xFFFFF380  }
0x1e6: {  	p3 =	seq.s32 s17, $0xA;
	_ =	swait.ge [sflag:s14], $0xC80  }
.Ltmp5:
0x1e7: {  	[sflag:s14] =	ssyncset.done $0x0;
	(pc) =	sbr.rel @!p3 .LBB2_4-.Ltmp5, $4  }
0x1e8: {  	[sflag:s14] =	ssyncadd.s32 $0xFFFFF380  }
0x1e9: {  	_ =	swait.ge [sflag:s14], $0xC80  }
0x1ea: {  	[sflag:s14] =	ssyncset.done $0x0  }
0x1eb: {  	[sflag:s14] =	ssyncadd.s32 $0xFFFFF380  }
.Ltmp6:
0x1ec: {  	(pc) =	sbr.rel @p1 .LBB2_13-.Ltmp6, $4  }
.Ltmp7:
0x1ed: {  	(pc) =	sbr.rel @!p1 .LBB2_12-.Ltmp7, $4  }
0x1ee: {  	[bflag:$0x0] =	sbarrier.arrive $0xFFFF  }
0x1ef: {  	s8 =	sld [smem:$0x7F9]  }
0x1f0: {  	s2 =	rddreg [dreg:$0x7]  }
0x1f1: {  	_ = 	snop  }
.LBB2_8:
0x1f2: {  	s2 =	sshll.u32 s12, $0xB  }
0x1f3: {  	s2 =	sadd.s32 s10, s2  }
0x1f4: {  	s6 =	rddreg [dreg:$0x5];
	s2 =	sshrl.u32 s2, $0x3  }
0x1f5: {  	s15 =	smul.u32 $0x2800, s12;
	s2 =	sadd.s32 s6, s2  }
0x1f6: {  	[tilespmem:s16], [sflag:$0x3] =	stream.linear.gather [hbm4b:s2+s16], $0x800, $0x38;
	[tilespmem:$0x1E880] =	vst v63  }
0x1f7: {  	s17 =	sadd.s32 s11, s15;
	_ =	swait.ge [sflag:s19], $0x800  }
0x1f8: {  	s2 =	sshrl.u32 s17, $0x3;
	[sflag:s19] =	ssyncset.done $0x0;
	s23 =	rddreg [dreg:$0x6]  }
0x1f9: {  	s6 =	simm.s32 $0x800;
	[sflag:s19] =	ssyncadd.s32 $0xFFFFF800;
	s2 =	sadd.s32 s23, s2  }
0x1fa: {  	[tilespmem:s6], [sflag:$0x3] =	stream.linear.gather [hbm4b:s2+s16], $0x2800, $0x38;
	[tilespmem:$0x1E880] =	vst v63  }
0x1fb: {  	_ =	swait.ge [sflag:s19], $0x2800  }
0x1fc: {  	[sflag:s19] =	ssyncset.done $0x0  }
0x1fd: {  	[sflag:s19] =	ssyncadd.s32 $0xFFFFD800  }
0x1fe: {  	[tilespmem:s21], [sflag:$0x1] =	stream.indirect.gather [hbm4b:s4+s20], $0x80, s16, s20, $0xb8;
	[tilespmem:$0x1E880] =	vst v63  }
0x1ff: {  	_ = 	snop  }
0x200: {  	[tilespmem:s22], [sflag:$0x1] =	stream.indirect.gather [hbm4b:s4+s20], $0x80, s20, s20, $0xb8;
	[tilespmem:$0x1E880] =	vst v63  }
0x201: {  	s25 =	simm.s32 $0x32  }
0x202: {  	[tilespmem:s24], [sflag:$0x1] =	stream.indirect.gather [hbm4b:s4+s20], $0x80, s25, s20, $0xb8;
	[tilespmem:$0x1E880] =	vst v63  }
0x203: {  	s7 =	simm.s32 $0x4B  }
0x204: {  	[tilespmem:s26], [sflag:$0x1] =	stream.indirect.gather [hbm4b:s4+s20], $0x80, s7, s20, $0xb8;
	[tilespmem:$0x1E880] =	vst v63  }
0x205: {  	_ = 	snop  }
0x206: {  	[tilespmem:s29], [sflag:$0x1] =	stream.indirect.gather [hbm4b:s4+s20], $0x80, s28, s20, $0xb8;
	[tilespmem:$0x1E880] =	vst v63  }
0x207: {  	s8 =	simm.s32 $0x80  }
0x208: {  	[tilespmem:s18], [sflag:$0x2] =	stream.indirect.gather [hbm4b:s4+s20], $0x80, s8, s20, $0xb8;
	[tilespmem:$0x1E880] =	vst v63  }
0x209: {  	s9 =	simm.s32 $0x99  }
0x20a: {  	[tilespmem:s30], [sflag:$0x2] =	stream.indirect.gather [hbm4b:s4+s20], $0x80, s9, s20, $0xb8;
	[tilespmem:$0x1E880] =	vst v63  }
0x20b: {  	s15 =	simm.s32 $0xB2  }
0x20c: {  	[tilespmem:s31], [sflag:$0x2] =	stream.indirect.gather [hbm4b:s4+s20], $0x80, s15, s20, $0xb8;
	[tilespmem:$0x1E880] =	vst v63  }
0x20d: {  	s17 =	simm.s32 $0xCB  }
0x20e: {  	[tilespmem:s0], [sflag:$0x2] =	stream.indirect.gather [hbm4b:s4+s20], $0x80, s17, s20, $0xb8;
	[tilespmem:$0x1E880] =	vst v63  }
0x20f: {  	s23 =	simm.s32 $0xE4  }
0x210: {  	[tilespmem:s5], [sflag:$0x2] =	stream.indirect.gather [hbm4b:s4+s20], $0x80, s23, s20, $0xb8;
	[tilespmem:$0x1E880] =	vst v63  }
0x211: {  	_ =	swait.ge [sflag:s13], $0xC80  }
0x212: {  	[sflag:s13] =	ssyncset.done $0x0  }
0x213: {  	[sflag:s13] =	ssyncadd.s32 $0xFFFFF380  }
0x214: {  	_ =	swait.ge [sflag:s13], $0xC80  }
0x215: {  	[sflag:s13] =	ssyncset.done $0x0  }
0x216: {  	[sflag:s13] =	ssyncadd.s32 $0xFFFFF380  }
0x217: {  	_ =	swait.ge [sflag:s13], $0xC80  }
0x218: {  	[sflag:s13] =	ssyncset.done $0x0  }
0x219: {  	[sflag:s13] =	ssyncadd.s32 $0xFFFFF380  }
0x21a: {  	_ =	swait.ge [sflag:s13], $0xC80  }
0x21b: {  	[sflag:s13] =	ssyncset.done $0x0  }
0x21c: {  	[sflag:s13] =	ssyncadd.s32 $0xFFFFF380  }
0x21d: {  	_ =	swait.ge [sflag:s13], $0xC80  }
0x21e: {  	[sflag:s13] =	ssyncset.done $0x0  }
0x21f: {  	[sflag:s13] =	ssyncadd.s32 $0xFFFFF380  }
0x220: {  	[spmem:s1] =	stream.indirect.scatter.add.f32 [tilespmem:s21], [sflag:$0x1], $0x80, s6, s20, $0xb8;
	[tilespmem:$0x1E880] =	vst v63  }
0x221: {  	s25 =	simm.s32 $0x880  }
0x222: {  	[spmem:s1] =	stream.indirect.scatter.add.f32 [tilespmem:s22], [sflag:$0x1], $0x80, s25, s20, $0xb8;
	[tilespmem:$0x1E880] =	vst v63  }
0x223: {  	s6 =	simm.s32 $0x900  }
0x224: {  	[spmem:s1] =	stream.indirect.scatter.add.f32 [tilespmem:s24], [sflag:$0x1], $0x80, s6, s20, $0xb8;
	[tilespmem:$0x1E880] =	vst v63  }
0x225: {  	s7 =	simm.s32 $0x980  }
0x226: {  	[spmem:s1] =	stream.indirect.scatter.add.f32 [tilespmem:s26], [sflag:$0x1], $0x80, s7, s20, $0xb8;
	[tilespmem:$0x1E880] =	vst v63  }
0x227: {  	s8 =	simm.s32 $0xA00  }
0x228: {  	[spmem:s1] =	stream.indirect.scatter.add.f32 [tilespmem:s29], [sflag:$0x1], $0x80, s8, s20, $0xb8;
	[tilespmem:$0x1E880] =	vst v63  }
0x229: {  	_ =	swait.ge [sflag:s13], $0xC80  }
0x22a: {  	[sflag:s13] =	ssyncset.done $0x0  }
0x22b: {  	[sflag:s13] =	ssyncadd.s32 $0xFFFFF380  }
0x22c: {  	_ =	swait.ge [sflag:s13], $0xC80  }
0x22d: {  	[sflag:s13] =	ssyncset.done $0x0  }
0x22e: {  	[sflag:s13] =	ssyncadd.s32 $0xFFFFF380  }
0x22f: {  	_ =	swait.ge [sflag:s13], $0xC80  }
0x230: {  	[sflag:s13] =	ssyncset.done $0x0  }
0x231: {  	[sflag:s13] =	ssyncadd.s32 $0xFFFFF380  }
0x232: {  	_ =	swait.ge [sflag:s13], $0xC80  }
0x233: {  	[sflag:s13] =	ssyncset.done $0x0  }
0x234: {  	[sflag:s13] =	ssyncadd.s32 $0xFFFFF380  }
0x235: {  	p3 =	por $0x0, $0x0;
	_ =	swait.ge [sflag:s13], $0xC80  }
0x236: {  	s2 =	simm.s32 @!p3 $0x3000;
	[sflag:s13] =	ssyncset.done $0x0  }
0x237: {  	s6 =	simm.s32 @!p3 $0x100;
	s7 =	simm.s32 @!p3 $0x19;
	[sflag:s13] =	ssyncadd.s32 $0xFFFFF380  }
0x238: {  	[tilespmem:s2], [sflag:$0x1] =	stream.indirect.gather @!p3 [hbm4b:s4+s7], $0x80, s6, s7, $0xb8;
	[tilespmem:$0x1E880] =	vst v63  }
0x239: {  	s2 =	simm.s32 @!p3 $0x119;
	s6 =	simm.s32 @!p3 $0x3C80  }
0x23a: {  	[tilespmem:s6], [sflag:$0x1] =	stream.indirect.gather @!p3 [hbm4b:s4+s7], $0x80, s2, s7, $0xb8;
	[tilespmem:$0x1E880] =	vst v63  }
0x23b: {  	s2 =	simm.s32 @!p3 $0x132;
	s6 =	simm.s32 @!p3 $0x4900  }
0x23c: {  	[tilespmem:s6], [sflag:$0x1] =	stream.indirect.gather @!p3 [hbm4b:s4+s7], $0x80, s2, s7, $0xb8;
	[tilespmem:$0x1E880] =	vst v63  }
0x23d: {  	s2 =	simm.s32 @!p3 $0x14B;
	s6 =	simm.s32 @!p3 $0x5580  }
0x23e: {  	[tilespmem:s6], [sflag:$0x1] =	stream.indirect.gather @!p3 [hbm4b:s4+s7], $0x80, s2, s7, $0xb8;
	[tilespmem:$0x1E880] =	vst v63  }
0x23f: {  	s2 =	simm.s32 @!p3 $0x164;
	s6 =	simm.s32 @!p3 $0x6200  }
0x240: {  	[tilespmem:s6], [sflag:$0x1] =	stream.indirect.gather @!p3 [hbm4b:s4+s7], $0x80, s2, s7, $0xb8;
	[tilespmem:$0x1E880] =	vst v63  }
0x241: {  	_ =	swait.ge [sflag:s14], $0xC80  }
0x242: {  	[sflag:s14] =	ssyncset.done $0x0  }
0x243: {  	[sflag:s14] =	ssyncadd.s32 $0xFFFFF380  }
0x244: {  	_ =	swait.ge [sflag:s14], $0xC80  }
0x245: {  	[sflag:s14] =	ssyncset.done $0x0  }
0x246: {  	[sflag:s14] =	ssyncadd.s32 $0xFFFFF380  }
0x247: {  	_ =	swait.ge [sflag:s14], $0xC80  }
0x248: {  	[sflag:s14] =	ssyncset.done $0x0  }
0x249: {  	[sflag:s14] =	ssyncadd.s32 $0xFFFFF380  }
0x24a: {  	_ =	swait.ge [sflag:s14], $0xC80  }
0x24b: {  	[sflag:s14] =	ssyncset.done $0x0  }
0x24c: {  	[sflag:s14] =	ssyncadd.s32 $0xFFFFF380  }
0x24d: {  	_ =	swait.ge [sflag:s14], $0xC80  }
0x24e: {  	[sflag:s14] =	ssyncset.done $0x0  }
0x24f: {  	s9 =	simm.s32 $0xA80;
	[sflag:s14] =	ssyncadd.s32 $0xFFFFF380  }
0x250: {  	[spmem:s1] =	stream.indirect.scatter.add.f32 [tilespmem:s18], [sflag:$0x2], $0x80, s9, s20, $0xb8;
	[tilespmem:$0x1E880] =	vst v63  }
0x251: {  	s15 =	simm.s32 $0xB00  }
0x252: {  	[spmem:s1] =	stream.indirect.scatter.add.f32 [tilespmem:s30], [sflag:$0x2], $0x80, s15, s20, $0xb8;
	[tilespmem:$0x1E880] =	vst v63  }
0x253: {  	s17 =	simm.s32 $0xB80  }
0x254: {  	[spmem:s1] =	stream.indirect.scatter.add.f32 [tilespmem:s31], [sflag:$0x2], $0x80, s17, s20, $0xb8;
	[tilespmem:$0x1E880] =	vst v63  }
0x255: {  	s23 =	simm.s32 $0xC00  }
0x256: {  	[spmem:s1] =	stream.indirect.scatter.add.f32 [tilespmem:s0], [sflag:$0x2], $0x80, s23, s20, $0xb8;
	[tilespmem:$0x1E880] =	vst v63  }
0x257: {  	s25 =	simm.s32 $0xC80  }
0x258: {  	[spmem:s1] =	stream.indirect.scatter.add.f32 [tilespmem:s5], [sflag:$0x2], $0x80, s25, s20, $0xb8;
	[tilespmem:$0x1E880] =	vst v63  }
0x259: {  	_ =	swait.ge [sflag:s14], $0xC80  }
0x25a: {  	[sflag:s14] =	ssyncset.done $0x0  }
0x25b: {  	[sflag:s14] =	ssyncadd.s32 $0xFFFFF380  }
0x25c: {  	_ =	swait.ge [sflag:s14], $0xC80  }
0x25d: {  	[sflag:s14] =	ssyncset.done $0x0  }
0x25e: {  	[sflag:s14] =	ssyncadd.s32 $0xFFFFF380  }
0x25f: {  	_ =	swait.ge [sflag:s14], $0xC80  }
0x260: {  	[sflag:s14] =	ssyncset.done $0x0  }
0x261: {  	[sflag:s14] =	ssyncadd.s32 $0xFFFFF380  }
0x262: {  	_ =	swait.ge [sflag:s14], $0xC80  }
0x263: {  	[sflag:s14] =	ssyncset.done $0x0  }
0x264: {  	[sflag:s14] =	ssyncadd.s32 $0xFFFFF380  }
0x265: {  	s2 =	simm.s32 $0x400;
	s7 =	simm.s32 $0x100;
	_ =	swait.ge [sflag:s14], $0xC80  }
0x266: {  	s15 =	simm.s32 $0x800;
	s17 =	simm.s32 $0xD00;
	[sflag:s14] =	ssyncset.done $0x0  }
.LBB2_9:
0x267: {  	s8 =	sadd.s32 $0x80, s7  }
0x268: {  	[sflag:s14] =	ssyncadd.s32 $0xFFFFF380;
	s6 =	smov.u32 s15;
	s15 =	sadd.s32 $0x400, s15  }
0x269: {  	[tilespmem:s18], [sflag:$0x2] =	stream.indirect.gather [hbm4b:s4+s20], $0x80, s8, s20, $0xb8;
	[tilespmem:$0x1E880] =	vst v63  }
0x26a: {  	p3 =	sne.s32 s15, $0x2000;
	s8 =	sadd.s32 $0x99, s7  }
0x26b: {  	[tilespmem:s30], [sflag:$0x2] =	stream.indirect.gather [hbm4b:s4+s20], $0x80, s8, s20, $0xb8;
	[tilespmem:$0x1E880] =	vst v63  }
0x26c: {  	s8 =	sadd.s32 $0xB2, s7  }
0x26d: {  	[tilespmem:s31], [sflag:$0x2] =	stream.indirect.gather [hbm4b:s4+s20], $0x80, s8, s20, $0xb8;
	[tilespmem:$0x1E880] =	vst v63  }
0x26e: {  	s8 =	sadd.s32 $0xCB, s7  }
0x26f: {  	[tilespmem:s0], [sflag:$0x2] =	stream.indirect.gather [hbm4b:s4+s20], $0x80, s8, s20, $0xb8;
	[tilespmem:$0x1E880] =	vst v63  }
0x270: {  	s7 =	sadd.s32 $0xE4, s7  }
0x271: {  	[tilespmem:s5], [sflag:$0x2] =	stream.indirect.gather [hbm4b:s4+s20], $0x80, s7, s20, $0xb8;
	[tilespmem:$0x1E880] =	vst v63  }
0x272: {  	_ =	swait.ge [sflag:s13], $0xC80  }
0x273: {  	[sflag:s13] =	ssyncset.done $0x0  }
0x274: {  	[sflag:s13] =	ssyncadd.s32 $0xFFFFF380  }
0x275: {  	_ =	swait.ge [sflag:s13], $0xC80  }
0x276: {  	[sflag:s13] =	ssyncset.done $0x0  }
0x277: {  	[sflag:s13] =	ssyncadd.s32 $0xFFFFF380  }
0x278: {  	_ =	swait.ge [sflag:s13], $0xC80  }
0x279: {  	[sflag:s13] =	ssyncset.done $0x0  }
0x27a: {  	[sflag:s13] =	ssyncadd.s32 $0xFFFFF380  }
0x27b: {  	_ =	swait.ge [sflag:s13], $0xC80  }
0x27c: {  	[sflag:s13] =	ssyncset.done $0x0  }
0x27d: {  	[sflag:s13] =	ssyncadd.s32 $0xFFFFF380  }
0x27e: {  	_ =	swait.ge [sflag:s13], $0xC80  }
0x27f: {  	[sflag:s13] =	ssyncset.done $0x0  }
0x280: {  	[sflag:s13] =	ssyncadd.s32 $0xFFFFF380  }
0x281: {  	[spmem:s1] =	stream.indirect.scatter.add.f32 [tilespmem:s21], [sflag:$0x1], $0x80, s17, s20, $0xb8;
	[tilespmem:$0x1E880] =	vst v63  }
0x282: {  	s7 =	sadd.s32 $0x80, s17  }
0x283: {  	[spmem:s1] =	stream.indirect.scatter.add.f32 [tilespmem:s22], [sflag:$0x1], $0x80, s7, s20, $0xb8;
	[tilespmem:$0x1E880] =	vst v63  }
0x284: {  	s7 =	sadd.s32 $0x100, s17  }
0x285: {  	[spmem:s1] =	stream.indirect.scatter.add.f32 [tilespmem:s24], [sflag:$0x1], $0x80, s7, s20, $0xb8;
	[tilespmem:$0x1E880] =	vst v63  }
0x286: {  	s7 =	sadd.s32 $0x180, s17  }
0x287: {  	[spmem:s1] =	stream.indirect.scatter.add.f32 [tilespmem:s26], [sflag:$0x1], $0x80, s7, s20, $0xb8;
	[tilespmem:$0x1E880] =	vst v63  }
0x288: {  	s7 =	sadd.s32 $0x200, s17  }
0x289: {  	[spmem:s1] =	stream.indirect.scatter.add.f32 [tilespmem:s29], [sflag:$0x1], $0x80, s7, s20, $0xb8;
	[tilespmem:$0x1E880] =	vst v63  }
0x28a: {  	_ =	swait.ge [sflag:s13], $0xC80  }
0x28b: {  	[sflag:s13] =	ssyncset.done $0x0  }
0x28c: {  	[sflag:s13] =	ssyncadd.s32 $0xFFFFF380  }
0x28d: {  	_ =	swait.ge [sflag:s13], $0xC80  }
0x28e: {  	[sflag:s13] =	ssyncset.done $0x0  }
0x28f: {  	[sflag:s13] =	ssyncadd.s32 $0xFFFFF380  }
0x290: {  	_ =	swait.ge [sflag:s13], $0xC80  }
0x291: {  	[sflag:s13] =	ssyncset.done $0x0  }
0x292: {  	[sflag:s13] =	ssyncadd.s32 $0xFFFFF380  }
0x293: {  	_ =	swait.ge [sflag:s13], $0xC80  }
0x294: {  	[sflag:s13] =	ssyncset.done $0x0  }
0x295: {  	[sflag:s13] =	ssyncadd.s32 $0xFFFFF380  }
0x296: {  	p4 =	seq.s32 s2, $0x1C00;
	_ =	swait.ge [sflag:s13], $0xC80  }
0x297: {  	s2 =	sshra.s32 @!p4 s2, $0x2;
	s7 =	simm.s32 @!p4 $0x3000;
	[sflag:s13] =	ssyncset.done $0x0  }
0x298: {  	s9 =	simm.s32 @!p4 $0x19;
	s8 =	sadd.s32 @!p4 $0x100, s2;
	[sflag:s13] =	ssyncadd.s32 $0xFFFFF380  }
0x299: {  	[tilespmem:s7], [sflag:$0x1] =	stream.indirect.gather @!p4 [hbm4b:s4+s9], $0x80, s8, s9, $0xb8;
	[tilespmem:$0x1E880] =	vst v63  }
0x29a: {  	s23 =	sadd.s32 @!p4 $0x132, s2;
	s7 =	sadd.s32 @!p4 $0x119, s2;
	s8 =	simm.s32 @!p4 $0x3C80  }
0x29b: {  	[tilespmem:s8], [sflag:$0x1] =	stream.indirect.gather @!p4 [hbm4b:s4+s9], $0x80, s7, s9, $0xb8;
	[tilespmem:$0x1E880] =	vst v63  }
0x29c: {  	s25 =	sadd.s32 @!p4 $0x164, s2;
	s7 =	simm.s32 @!p4 $0x4900;
	s8 =	sadd.s32 @!p4 $0x14B, s2  }
0x29d: {  	[tilespmem:s7], [sflag:$0x1] =	stream.indirect.gather @!p4 [hbm4b:s4+s9], $0x80, s23, s9, $0xb8;
	[tilespmem:$0x1E880] =	vst v63  }
0x29e: {  	s2 =	smov.u32 s6;
	s7 =	simm.s32 @!p4 $0x5580  }
0x29f: {  	[tilespmem:s7], [sflag:$0x1] =	stream.indirect.gather @!p4 [hbm4b:s4+s9], $0x80, s8, s9, $0xb8;
	[tilespmem:$0x1E880] =	vst v63  }
0x2a0: {  	s6 =	simm.s32 @!p4 $0x6200  }
0x2a1: {  	[tilespmem:s6], [sflag:$0x1] =	stream.indirect.gather @!p4 [hbm4b:s4+s9], $0x80, s25, s9, $0xb8;
	[tilespmem:$0x1E880] =	vst v63  }
0x2a2: {  	_ =	swait.ge [sflag:s14], $0xC80  }
0x2a3: {  	[sflag:s14] =	ssyncset.done $0x0  }
0x2a4: {  	[sflag:s14] =	ssyncadd.s32 $0xFFFFF380  }
0x2a5: {  	_ =	swait.ge [sflag:s14], $0xC80  }
0x2a6: {  	[sflag:s14] =	ssyncset.done $0x0  }
0x2a7: {  	[sflag:s14] =	ssyncadd.s32 $0xFFFFF380  }
0x2a8: {  	_ =	swait.ge [sflag:s14], $0xC80  }
0x2a9: {  	[sflag:s14] =	ssyncset.done $0x0  }
0x2aa: {  	[sflag:s14] =	ssyncadd.s32 $0xFFFFF380  }
0x2ab: {  	_ =	swait.ge [sflag:s14], $0xC80  }
0x2ac: {  	[sflag:s14] =	ssyncset.done $0x0  }
0x2ad: {  	[sflag:s14] =	ssyncadd.s32 $0xFFFFF380  }
0x2ae: {  	_ =	swait.ge [sflag:s14], $0xC80  }
0x2af: {  	[sflag:s14] =	ssyncset.done $0x0  }
0x2b0: {  	s6 =	sadd.s32 $0x280, s17;
	[sflag:s14] =	ssyncadd.s32 $0xFFFFF380  }
0x2b1: {  	[spmem:s1] =	stream.indirect.scatter.add.f32 [tilespmem:s18], [sflag:$0x2], $0x80, s6, s20, $0xb8;
	[tilespmem:$0x1E880] =	vst v63  }
0x2b2: {  	s6 =	sadd.s32 $0x300, s17  }
0x2b3: {  	[spmem:s1] =	stream.indirect.scatter.add.f32 [tilespmem:s30], [sflag:$0x2], $0x80, s6, s20, $0xb8;
	[tilespmem:$0x1E880] =	vst v63  }
0x2b4: {  	s6 =	sadd.s32 $0x380, s17  }
0x2b5: {  	[spmem:s1] =	stream.indirect.scatter.add.f32 [tilespmem:s31], [sflag:$0x2], $0x80, s6, s20, $0xb8;
	[tilespmem:$0x1E880] =	vst v63  }
0x2b6: {  	s6 =	sadd.s32 $0x400, s17  }
0x2b7: {  	[spmem:s1] =	stream.indirect.scatter.add.f32 [tilespmem:s0], [sflag:$0x2], $0x80, s6, s20, $0xb8;
	[tilespmem:$0x1E880] =	vst v63  }
0x2b8: {  	s6 =	sadd.s32 $0x480, s17  }
0x2b9: {  	[spmem:s1] =	stream.indirect.scatter.add.f32 [tilespmem:s5], [sflag:$0x2], $0x80, s6, s20, $0xb8;
	[tilespmem:$0x1E880] =	vst v63  }
0x2ba: {  	_ =	swait.ge [sflag:s14], $0xC80  }
0x2bb: {  	[sflag:s14] =	ssyncset.done $0x0  }
0x2bc: {  	[sflag:s14] =	ssyncadd.s32 $0xFFFFF380  }
0x2bd: {  	_ =	swait.ge [sflag:s14], $0xC80  }
0x2be: {  	[sflag:s14] =	ssyncset.done $0x0  }
0x2bf: {  	[sflag:s14] =	ssyncadd.s32 $0xFFFFF380  }
0x2c0: {  	_ =	swait.ge [sflag:s14], $0xC80  }
0x2c1: {  	[sflag:s14] =	ssyncset.done $0x0  }
0x2c2: {  	[sflag:s14] =	ssyncadd.s32 $0xFFFFF380  }
.Ltmp8:
0x2c3: {  	_ =	swait.ge [sflag:s14], $0xC80;
	(pc) =	sbr.rel @p3 .LBB2_9-.Ltmp8, $4  }
0x2c4: {  	[sflag:s14] =	ssyncset.done $0x0  }
0x2c5: {  	[sflag:s14] =	ssyncadd.s32 $0xFFFFF380  }
0x2c6: {  	_ =	swait.ge [sflag:s14], $0xC80  }
0x2c7: {  	s7 =	sshra.s32 s2, $0x2;
	s17 =	sadd.s32 $0x500, s17;
	[sflag:s14] =	ssyncset.done $0x0  }
0x2c8: {  	s6 =	sadd.s32 $0x80, s7;
	[sflag:s14] =	ssyncadd.s32 $0xFFFFF380  }
0x2c9: {  	[tilespmem:s18], [sflag:$0x2] =	stream.indirect.gather [hbm4b:s4+s20], $0x80, s6, s20, $0xb8;
	[tilespmem:$0x1E880] =	vst v63  }
0x2ca: {  	s23 =	sadd.s32 $0x99, s7  }
0x2cb: {  	[tilespmem:s30], [sflag:$0x2] =	stream.indirect.gather [hbm4b:s4+s20], $0x80, s23, s20, $0xb8;
	[tilespmem:$0x1E880] =	vst v63  }
0x2cc: {  	s25 =	sadd.s32 $0xB2, s7  }
0x2cd: {  	[tilespmem:s31], [sflag:$0x2] =	stream.indirect.gather [hbm4b:s4+s20], $0x80, s25, s20, $0xb8;
	[tilespmem:$0x1E880] =	vst v63  }
0x2ce: {  	s8 =	sadd.s32 $0xCB, s7  }
0x2cf: {  	[tilespmem:s0], [sflag:$0x2] =	stream.indirect.gather [hbm4b:s4+s20], $0x80, s8, s20, $0xb8;
	[tilespmem:$0x1E880] =	vst v63  }
0x2d0: {  	s9 =	sadd.s32 $0xE4, s7  }
0x2d1: {  	[tilespmem:s5], [sflag:$0x2] =	stream.indirect.gather [hbm4b:s4+s20], $0x80, s9, s20, $0xb8;
	[tilespmem:$0x1E880] =	vst v63  }
0x2d2: {  	_ =	swait.ge [sflag:s13], $0xC80  }
0x2d3: {  	[sflag:s13] =	ssyncset.done $0x0  }
0x2d4: {  	[sflag:s13] =	ssyncadd.s32 $0xFFFFF380  }
0x2d5: {  	_ =	swait.ge [sflag:s13], $0xC80  }
0x2d6: {  	[sflag:s13] =	ssyncset.done $0x0  }
0x2d7: {  	[sflag:s13] =	ssyncadd.s32 $0xFFFFF380  }
0x2d8: {  	_ =	swait.ge [sflag:s13], $0xC80  }
0x2d9: {  	[sflag:s13] =	ssyncset.done $0x0  }
0x2da: {  	[sflag:s13] =	ssyncadd.s32 $0xFFFFF380  }
0x2db: {  	_ =	swait.ge [sflag:s13], $0xC80  }
0x2dc: {  	[sflag:s13] =	ssyncset.done $0x0  }
0x2dd: {  	[sflag:s13] =	ssyncadd.s32 $0xFFFFF380  }
0x2de: {  	_ =	swait.ge [sflag:s13], $0xC80  }
0x2df: {  	[sflag:s13] =	ssyncset.done $0x0  }
0x2e0: {  	[sflag:s13] =	ssyncadd.s32 $0xFFFFF380  }
0x2e1: {  	[spmem:s1] =	stream.indirect.scatter.add.f32 [tilespmem:s21], [sflag:$0x1], $0x80, s17, s20, $0xb8;
	[tilespmem:$0x1E880] =	vst v63  }
0x2e2: {  	s15 =	sadd.s32 $0x80, s17  }
0x2e3: {  	[spmem:s1] =	stream.indirect.scatter.add.f32 [tilespmem:s22], [sflag:$0x1], $0x80, s15, s20, $0xb8;
	[tilespmem:$0x1E880] =	vst v63  }
0x2e4: {  	s23 =	sadd.s32 $0x100, s17  }
0x2e5: {  	[spmem:s1] =	stream.indirect.scatter.add.f32 [tilespmem:s24], [sflag:$0x1], $0x80, s23, s20, $0xb8;
	[tilespmem:$0x1E880] =	vst v63  }
0x2e6: {  	s25 =	sadd.s32 $0x180, s17  }
0x2e7: {  	[spmem:s1] =	stream.indirect.scatter.add.f32 [tilespmem:s26], [sflag:$0x1], $0x80, s25, s20, $0xb8;
	[tilespmem:$0x1E880] =	vst v63  }
0x2e8: {  	s7 =	sadd.s32 $0x200, s17  }
0x2e9: {  	[spmem:s1] =	stream.indirect.scatter.add.f32 [tilespmem:s29], [sflag:$0x1], $0x80, s7, s20, $0xb8;
	[tilespmem:$0x1E880] =	vst v63  }
0x2ea: {  	_ =	swait.ge [sflag:s13], $0xC80  }
0x2eb: {  	[sflag:s13] =	ssyncset.done $0x0  }
0x2ec: {  	[sflag:s13] =	ssyncadd.s32 $0xFFFFF380  }
0x2ed: {  	_ =	swait.ge [sflag:s13], $0xC80  }
0x2ee: {  	[sflag:s13] =	ssyncset.done $0x0  }
0x2ef: {  	[sflag:s13] =	ssyncadd.s32 $0xFFFFF380  }
0x2f0: {  	_ =	swait.ge [sflag:s13], $0xC80  }
0x2f1: {  	[sflag:s13] =	ssyncset.done $0x0  }
0x2f2: {  	[sflag:s13] =	ssyncadd.s32 $0xFFFFF380  }
0x2f3: {  	_ =	swait.ge [sflag:s13], $0xC80  }
0x2f4: {  	[sflag:s13] =	ssyncset.done $0x0  }
0x2f5: {  	[sflag:s13] =	ssyncadd.s32 $0xFFFFF380  }
0x2f6: {  	p3 =	seq.s32 s2, $0x1C00;
	_ =	swait.ge [sflag:s13], $0xC80  }
0x2f7: {  	s2 =	sshra.s32 @!p3 s2, $0x2;
	s6 =	simm.s32 @!p3 $0x3000;
	[sflag:s13] =	ssyncset.done $0x0  }
0x2f8: {  	s8 =	simm.s32 @!p3 $0x19;
	s7 =	sadd.s32 @!p3 $0x100, s2;
	[sflag:s13] =	ssyncadd.s32 $0xFFFFF380  }
0x2f9: {  	[tilespmem:s6], [sflag:$0x1] =	stream.indirect.gather @!p3 [hbm4b:s4+s8], $0x80, s7, s8, $0xb8;
	[tilespmem:$0x1E880] =	vst v63  }
0x2fa: {  	s6 =	sadd.s32 @!p3 $0x119, s2;
	s7 =	simm.s32 @!p3 $0x3C80  }
0x2fb: {  	[tilespmem:s7], [sflag:$0x1] =	stream.indirect.gather @!p3 [hbm4b:s4+s8], $0x80, s6, s8, $0xb8;
	[tilespmem:$0x1E880] =	vst v63  }
0x2fc: {  	s6 =	sadd.s32 @!p3 $0x132, s2;
	s7 =	simm.s32 @!p3 $0x4900  }
0x2fd: {  	[tilespmem:s7], [sflag:$0x1] =	stream.indirect.gather @!p3 [hbm4b:s4+s8], $0x80, s6, s8, $0xb8;
	[tilespmem:$0x1E880] =	vst v63  }
0x2fe: {  	s6 =	sadd.s32 @!p3 $0x14B, s2;
	s7 =	simm.s32 @!p3 $0x5580  }
0x2ff: {  	[tilespmem:s7], [sflag:$0x1] =	stream.indirect.gather @!p3 [hbm4b:s4+s8], $0x80, s6, s8, $0xb8;
	[tilespmem:$0x1E880] =	vst v63  }
0x300: {  	s2 =	sadd.s32 @!p3 $0x164, s2;
	s6 =	simm.s32 @!p3 $0x6200  }
0x301: {  	[tilespmem:s6], [sflag:$0x1] =	stream.indirect.gather @!p3 [hbm4b:s4+s8], $0x80, s2, s8, $0xb8;
	[tilespmem:$0x1E880] =	vst v63  }
0x302: {  	_ =	swait.ge [sflag:s14], $0xC80  }
0x303: {  	[sflag:s14] =	ssyncset.done $0x0  }
0x304: {  	[sflag:s14] =	ssyncadd.s32 $0xFFFFF380  }
0x305: {  	_ =	swait.ge [sflag:s14], $0xC80  }
0x306: {  	[sflag:s14] =	ssyncset.done $0x0  }
0x307: {  	[sflag:s14] =	ssyncadd.s32 $0xFFFFF380  }
0x308: {  	_ =	swait.ge [sflag:s14], $0xC80  }
0x309: {  	[sflag:s14] =	ssyncset.done $0x0  }
0x30a: {  	[sflag:s14] =	ssyncadd.s32 $0xFFFFF380  }
0x30b: {  	_ =	swait.ge [sflag:s14], $0xC80  }
0x30c: {  	[sflag:s14] =	ssyncset.done $0x0  }
0x30d: {  	[sflag:s14] =	ssyncadd.s32 $0xFFFFF380  }
0x30e: {  	_ =	swait.ge [sflag:s14], $0xC80  }
0x30f: {  	[sflag:s14] =	ssyncset.done $0x0  }
0x310: {  	s8 =	sadd.s32 $0x280, s17;
	[sflag:s14] =	ssyncadd.s32 $0xFFFFF380  }
0x311: {  	[spmem:s1] =	stream.indirect.scatter.add.f32 [tilespmem:s18], [sflag:$0x2], $0x80, s8, s20, $0xb8;
	[tilespmem:$0x1E880] =	vst v63  }
0x312: {  	s9 =	sadd.s32 $0x300, s17  }
0x313: {  	[spmem:s1] =	stream.indirect.scatter.add.f32 [tilespmem:s30], [sflag:$0x2], $0x80, s9, s20, $0xb8;
	[tilespmem:$0x1E880] =	vst v63  }
0x314: {  	s15 =	sadd.s32 $0x380, s17  }
0x315: {  	[spmem:s1] =	stream.indirect.scatter.add.f32 [tilespmem:s31], [sflag:$0x2], $0x80, s15, s20, $0xb8;
	[tilespmem:$0x1E880] =	vst v63  }
0x316: {  	s23 =	sadd.s32 $0x400, s17  }
0x317: {  	[spmem:s1] =	stream.indirect.scatter.add.f32 [tilespmem:s0], [sflag:$0x2], $0x80, s23, s20, $0xb8;
	[tilespmem:$0x1E880] =	vst v63  }
0x318: {  	s25 =	sadd.s32 $0x480, s17  }
0x319: {  	[spmem:s1] =	stream.indirect.scatter.add.f32 [tilespmem:s5], [sflag:$0x2], $0x80, s25, s20, $0xb8;
	[tilespmem:$0x1E880] =	vst v63  }
0x31a: {  	_ =	swait.ge [sflag:s14], $0xC80  }
0x31b: {  	[sflag:s14] =	ssyncset.done $0x0  }
0x31c: {  	[sflag:s14] =	ssyncadd.s32 $0xFFFFF380  }
0x31d: {  	_ =	swait.ge [sflag:s14], $0xC80  }
0x31e: {  	[sflag:s14] =	ssyncset.done $0x0  }
0x31f: {  	[sflag:s14] =	ssyncadd.s32 $0xFFFFF380  }
0x320: {  	_ =	swait.ge [sflag:s14], $0xC80  }
0x321: {  	[sflag:s14] =	ssyncset.done $0x0  }
0x322: {  	s12 =	sadd.s32 $0x1, s12;
	[sflag:s14] =	ssyncadd.s32 $0xFFFFF380  }
0x323: {  	p3 =	sne.s32 s12, $0xA;
	_ =	swait.ge [sflag:s14], $0xC80  }
.Ltmp9:
0x324: {  	[sflag:s14] =	ssyncset.done $0x0;
	(pc) =	sbr.rel @p3 .LBB2_8-.Ltmp9, $4  }
0x325: {  	[sflag:s14] =	ssyncadd.s32 $0xFFFFF380  }
0x326: {  	_ =	swait.ge [sflag:s14], $0xC80  }
0x327: {  	[sflag:s14] =	ssyncset.done $0x0  }
0x328: {  	[sflag:s14] =	ssyncadd.s32 $0xFFFFF380  }
.Ltmp10:
0x329: {  	(pc) =	sbr.rel @!p2 .LBB2_13-.Ltmp10, $4  }
.Ltmp11:
0x32a: {  	(pc) =	sbr.rel @p2 .LBB2_12-.Ltmp11, $4  }
0x32b: {  	[bflag:$0x0] =	sbarrier.arrive $0xFFFF  }
0x32c: {  	s8 =	sld [smem:$0x7F9]  }
0x32d: {  	s2 =	rddreg [dreg:$0x8]  }
0x32e: {  	_ = 	snop  }
.LBB2_14:
0x32f: {  	_ =	sfence.sel $0x180000  }
0x330: {  	[bflag:$0x0] =	sbarrier.arrive $0xFFFF  }
0x331: {  	_ =	strace $0x9000004A  }
0x332: {  	s0 =	stileid.u32;
	[bflag:$0x2] =	sbarrier.arrive $0xFFFF  }
0x333: {  	p0 =	sne.s32 s0, $0x0;
	s0 =	rddreg [dreg:$0x2]  }
0x334: {  	s0 =	sadd.s32 @!p0 $0x100000, s0  }
0x335: {  	[sflag:s0] =	ssyncadd.tile.s32 @!p0 $0x1;
	_ =	shalt  }
.Lfunc_end2:
_tile_overlayer_lowered:
.L_overlay_start_2:
0x336: {  	(tag) =	ssettag $0x2  }
0x337: {  	s0 =	rddreg [dreg:$0x0];
	s2 =	stileid.u32  }
0x338: {  	s1 =	rddreg [dreg:$0x1];
	p0 =	sne.s32 s2, $0x0  }
0x339: {  	s3 =	rddreg [dreg:$0x2];
	[bflag:$0x3] =	sbarrier.arrive $0xFFFF;
	s2 =	simm.s32 @!p0 $0x1C03  }
0x33a: {  	[timem:s3], [sflag:s2] =	dma.local @!p0 [hbm:s0], s1  }
0x33b: {  	s0 =	simm.s32 @!p0 $0x3  }
0x33c: {  	_ =	swait.ge @!p0 [sflag:s0], s1  }
0x33d: {  	s1 =	ssub.s32 @!p0 $0x0, s1;
	[sflag:s0] =	ssyncset.done @!p0 $0x0  }
0x33e: {  	[sflag:s0] =	ssyncadd.s32 @!p0 s1  }
0x33f: {  	[bflag:$0x3] =	sbarrier.arrive $0xFFFF  }
0x340: {  	_ =	shalt  }

// kernel: kernel.7.cloned.1.call-start
scs
__scs_entry_jumppad:
0x0: {  	(pc) =	sbr.rel $0x88, $3  }
0x1: {  	(tag) =	ssettag $0x0;
	lr =	simm.s32 $0x1  }
0x2: {  	[smem:$0x3F97] =	sst lr;
	_ =	strace $0xD0000000  }
0x3: {  	_ = 	snop  }
0x4: {  	_ = 	snop  }
0x5: {  	_ = 	snop  }
0x6: {  	_ = 	snop  }
0x7: {  	_ = 	snop  }
__scs_overlays_trampoline_lowered:
0x8: {  	[smem:$0x3FA6] =	sst s0  }
0x9: {  	[smem:$0x3FA7] =	sst s1  }
0xa: {  	[smem:$0x3FA8] =	sst s2  }
0xb: {  	[smem:$0x3FA9] =	sst s3  }
0xc: {  	[smem:$0x3FAA] =	sst s4  }
0xd: {  	[smem:$0x3FAB] =	sst s5  }
0xe: {  	[smem:$0x3FAC] =	sst s6  }
0xf: {  	[smem:$0x3FAD] =	sst s7  }
0x10: {  	[smem:$0x3FAE] =	sst s8  }
0x11: {  	[smem:$0x3FAF] =	sst s9;
	s0 =	simm.s32 @!p0 $0x0  }
0x12: {  	s1 =	sld [smem:$0x3F95];
	s0 =	simm.s32 @p0 $0x1  }
0x13: {  	[smem:$0x3FB0] =	sst s0;
	s0 =	simm.s32 @!p1 $0x0  }
0x14: {  	s2 =	sld [smem:$0x3F94];
	s0 =	simm.s32 @p1 $0x1  }
0x15: {  	[smem:$0x3FB1] =	sst s0;
	s0 =	simm.s32 @!p2 $0x0  }
0x16: {  	s3 =	sld [smem:$0x3FDB];
	s0 =	simm.s32 @p2 $0x1  }
0x17: {  	s4 =	simm.s32 $0x1BF5;
	[smem:$0x3FB3] =	sst s0  }
0x18: {  	s0 =	sld [smem:$0x3F96];
	_ =	swait.ge [sflag:s4], $0x0  }
0x19: {  	s7 =	sld [smem:$0x3F97]  }
0x1a: {  	s8 =	sadd.s32 $0xFFFFE003, lr  }
0x1b: {  	s9 =	sadd.s32 $0xFFFFFEF7, lr;
	s5 =	simm.s32 $0xFFFFFFFF;
	p2 =	slt.u32 s8, $0xFFFFF086  }
0x1c: {  	p1 =	slt.u32 s9, $0xF7A;
	s5 =	simm.s32 @!p2 $0x0  }
0x1d: {  	s5 =	simm.s32 @p1 $0x1;
	p0 =	seq.s32 s7, s2  }
0x1e: {  	s7 =	smul.u32 @!p0 $0xF7A, s2;
	p2 =	seq.s32 @!p0 s5, $0x0  }
0x1f: {  	s9 =	smul.u32 $0xF7A, s1;
	s8 =	simm.s32 @!p0 $0x1BF5;
	p2 =	por !p2, p0  }
0x20: {  	[sflag:s8] =	ssyncset.s32 @!p0 $0xFFFFF086;
	s6 =	sadd.s32 @!p0 s3, s7;
	s7 =	simm.s32 @!p0 $0x108  }
0x21: {  	s3 =	sadd.s32 s3, s9;
	s6 =	sadd.s32 @!p0 $0x88, s6;
	s7 =	simm.s32 @p2 $0x1082  }
0x22: {  	[simem:s7], [sflag:s8] =	dma.local @!p0 [hbm:s6], $0xF7A  }
0x23: {  	s9 =	sor.u32 $0xD0000000, s2;
	s6 =	simm.s32 $0x108;
	_ =	swait.ge @!p0 [sflag:s8], $0x0  }
0x24: {  	s3 =	sadd.s32 $0x88, s3;
	s6 =	simm.s32 @!p1 $0x1082;
	[sflag:s4] =	ssyncset.s32 $0xFFFFF086  }
0x25: {  	[simem:s6], [sflag:s4] =	dma.local [hbm:s3], $0xF7A  }
0x26: {  	[smem:$0x3F97] =	sst s1;
	(tag) =	ssettag s2;
	_ =	strace s9  }
0x27: {  	s1 =	sld [smem:$0x3FA7]  }
0x28: {  	s2 =	sld [smem:$0x3FA8]  }
0x29: {  	s4 =	sld [smem:$0x3FAA]  }
0x2a: {  	p0 =	seq.s32 s5, $0x0;
	s5 =	sld [smem:$0x3FAB]  }
0x2b: {  	s6 =	sld [smem:$0x3FAC]  }
0x2c: {  	s7 =	sld [smem:$0x3FAD]  }
0x2d: {  	s3 =	simm.s32 $0x108;
	s8 =	sld [smem:$0x3FAE]  }
0x2e: {  	s3 =	simm.s32 @!p0 $0x1082;
	s9 =	sld [smem:$0x3FAF]  }
0x2f: {  	lr =	sadd.s32 s0, s3;
	s0 =	sld [smem:$0x3FA6]  }
0x30: {  	s3 =	sld [smem:$0x3FA9]  }
0x31: {  	[smem:$0x3FB2] =	sst s10  }
0x32: {  	s10 =	sld [smem:$0x3FB0];
	_ =	sdelay $0x3  }
0x33: {  	p0 =	seq.s32 s10, $0x1;
	s10 =	sld [smem:$0x3FB2];
	_ =	sdelay $0x3  }
0x34: {  	[smem:$0x3FB2] =	sst s10  }
0x35: {  	s10 =	sld [smem:$0x3FB1];
	_ =	sdelay $0x3  }
0x36: {  	p1 =	seq.s32 s10, $0x1;
	s10 =	sld [smem:$0x3FB2];
	_ =	sdelay $0x3  }
0x37: {  	[smem:$0x3FB2] =	sst s10  }
0x38: {  	s10 =	sld [smem:$0x3FB3]  }
0x39: {  	_ = 	snop;
	(pc) =	sbr.ind lr, $3  }
0x3a: {  	_ = 	snop  }
0x3b: {  	_ = 	snop  }
0x3c: {  	p2 =	seq.s32 s10, $0x1;
	s10 =	sld [smem:$0x3FB2]  }
0x3d: {  	_ =	shalt  }
0x3e: {  	_ =	shalt  }
0x3f: {  	_ =	shalt  }
0x40: {  	_ =	shalt  }
0x41: {  	_ =	shalt  }
0x42: {  	_ =	shalt  }
0x43: {  	_ =	shalt  }
0x44: {  	_ =	shalt  }
0x45: {  	_ =	shalt  }
0x46: {  	_ =	shalt  }
0x47: {  	_ =	shalt  }
0x48: {  	_ =	shalt  }
0x49: {  	_ =	shalt  }
0x4a: {  	_ =	shalt  }
0x4b: {  	_ =	shalt  }
0x4c: {  	_ =	shalt  }
0x4d: {  	_ =	shalt  }
0x4e: {  	_ =	shalt  }
0x4f: {  	_ =	shalt  }
0x50: {  	_ =	shalt  }
0x51: {  	_ =	shalt  }
0x52: {  	_ =	shalt  }
0x53: {  	_ =	shalt  }
0x54: {  	_ =	shalt  }
0x55: {  	_ =	shalt  }
0x56: {  	_ =	shalt  }
0x57: {  	_ =	shalt  }
0x58: {  	_ =	shalt  }
0x59: {  	_ =	shalt  }
0x5a: {  	_ =	shalt  }
0x5b: {  	_ =	shalt  }
0x5c: {  	_ =	shalt  }
0x5d: {  	_ =	shalt  }
0x5e: {  	_ =	shalt  }
0x5f: {  	_ =	shalt  }
0x60: {  	_ =	shalt  }
0x61: {  	_ =	shalt  }
0x62: {  	_ =	shalt  }
0x63: {  	_ =	shalt  }
0x64: {  	_ =	shalt  }
0x65: {  	_ =	shalt  }
0x66: {  	_ =	shalt  }
0x67: {  	_ =	shalt  }
0x68: {  	_ =	shalt  }
0x69: {  	_ =	shalt  }
0x6a: {  	_ =	shalt  }
0x6b: {  	_ =	shalt  }
0x6c: {  	_ =	shalt  }
0x6d: {  	_ =	shalt  }
0x6e: {  	_ =	shalt  }
0x6f: {  	_ =	shalt  }
0x70: {  	_ =	shalt  }
0x71: {  	_ =	shalt  }
0x72: {  	_ =	shalt  }
0x73: {  	_ =	shalt  }
0x74: {  	_ =	shalt  }
0x75: {  	_ =	shalt  }
0x76: {  	_ =	shalt  }
0x77: {  	_ =	shalt  }
0x78: {  	_ =	shalt  }
0x79: {  	_ =	shalt  }
0x7a: {  	_ =	shalt  }
0x7b: {  	_ =	shalt  }
0x7c: {  	_ =	shalt  }
0x7d: {  	_ =	shalt  }
0x7e: {  	_ =	shalt  }
0x7f: {  	_ =	shalt  }
0x80: {  	_ =	shalt  }
0x81: {  	_ =	shalt  }
0x82: {  	_ =	shalt  }
0x83: {  	_ =	shalt  }
0x84: {  	_ =	shalt  }
0x85: {  	_ =	shalt  }
0x86: {  	_ =	shalt  }
0x87: {  	_ =	shalt  }
.Lfunc_end0:
.L_simem_size_0:
called_computation_lowered:
.L_overlay_start_0:
0x88: {  	s2 =	sld [smem:$0x3FD9]  }
0x89: {  	s3 =	sld [smem:$0x3FFE];
	_ =	sdelay $0x1  }
0x8a: {  	s1 =	srdreg.scid  }
0x8b: {  	s0 =	sand.u32 $0x1, s1  }
0x8c: {  	s17 =	sshll.u32 s0, $0xA;
	s2 =	sadd.s32 s3, s2  }
0x8d: {  	s2 =	sadd.s32 s2, s17  }
0x8e: {  	[smem:$0x3FBE] =	sst s2  }
0x8f: {  	_ = 	snop  }
0x90: {  	s2 =	sld [smem:$0x3FD0];
	(tm) =	ssettm $0x1  }
0x91: {  	s18 =	sld [smem:$0x3FFB];
	_ =	sdelay $0x3  }
0x92: {  	_ =	strace s18  }
0x93: {  	s3 =	sld [smem:$0x3FFC];
	_ =	sdelay $0x3  }
0x94: {  	_ =	strace s3  }
0x95: {  	s3 =	sld [smem:$0x3FFD];
	_ =	sdelay $0x3  }
0x96: {  	_ =	strace s3  }
0x97: {  	_ =	strace $0x8FFFFFFF  }
0x98: {  	s19 =	sld [smem:$0x3FDB];
	_ =	sdelay $0x1  }
0x99: {  	s4 =	simm.s32 $_scs_section_size  }
0x9a: {  	s5 =	simm.s32 $_size__tile_overlayer_lowered;
	s6 =	simm.s32 $_tile_overlayer_lowered  }
0x9b: {  	s22 =	simm.s32 $0x1BFF;
	s21 =	sshll.u32 s6, $0x1;
	s3 =	sadd.s32 s4, s19  }
0x9c: {  	s7 =	simm.s32 $0x0;
	s20 =	sshll.u32 s5, $0x1;
	s5 =	sadd.s32 s21, s3  }
0x9d: {  	[timem:s7], [sflag:s22] =	dma.local [hbm:s5], s20  }
0x9e: {  	_ =	swait.ge [sflag:s22], s20  }
0x9f: {  	s4 =	ssub.s32 $0x0, s20;
	[sflag:s22] =	ssyncset.done $0x0  }
0xa0: {  	[sflag:s22] =	ssyncadd.s32 s4;
	_ =	sdelay $0x1  }
0xa1: {  	s23 =	simm.s32 $0x1B8B  }
0xa2: {  	_ =	swait.ge [sflag:s23], $0x1  }
0xa3: {  	[sflag:s23] =	ssyncset.done $0x0  }
0xa4: {  	s25 =	simm.s32 $0x1B8E;
	s24 =	sld [smem:$0x3FFE];
	[sflag:s23] =	ssyncadd.s32 $0xFFFFFFFF  }
0xa5: {  	s26 =	simm.s32 $execute0_lowered;
	[smem:$0x3FD2] =	sst s25  }
0xa6: {  	s5 =	sshll.u32 s26, $0x1;
	_ =	strace $0x80000046;
	[dreg:$0x1] =	wrdreg $0xFFFFFFFF  }
0xa7: {  	s28 =	simm.s32 $_size_execute0_lowered;
	s3 =	sadd.s32 s3, s5;
	[dreg:$0x0] =	wrdreg $0x0  }
0xa8: {  	s5 =	sshll.u32 s28, $0x1;
	[dreg:$0x2] =	wrdreg s3  }
0xa9: {  	[dreg:$0x3] =	wrdreg s5  }
0xaa: {  	[dreg:$0x4] =	wrdreg $0xC0  }
0xab: {  	_ =	task [dreg:s7], $0x5FFFF  }
0xac: {  	[dreg:$0x1] =	wrdreg $0xFFFFFFFF  }
0xad: {  	[dreg:$0x0] =	wrdreg $0x60  }
0xae: {  	[dreg:$0x2] =	wrdreg s2  }
0xaf: {  	[dreg:$0x3] =	wrdreg s24  }
0xb0: {  	[dreg:$0x4] =	wrdreg $0x54800  }
0xb1: {  	[dreg:$0x5] =	wrdreg $0x9  }
0xb2: {  	_ =	task.clear_ibuf [dreg:s7], $0x6FFFF;
	_ =	strace $0x90000046  }
0xb3: {  	s29 =	simm.s32 $0x9;
	_ =	strace $0x80000048  }
0xb4: {  	_ =	swait.ge [sflag:s29], $0x1  }
0xb5: {  	[sflag:s29] =	ssyncadd.s32 $0xFFFFFFFF  }
0xb6: {  	_ =	strace $0x90000048  }
0xb7: {  	_ =	sfence  }
0xb8: {  	s30 =	sld [smem:$0x0];
	_ =	sdelay $0x2  }
0xb9: {  	s31 =	sshll.u32 s1, $0xD;
	s1 =	sshrl.u32 s1, $0x2  }
0xba: {  	s3 =	sand.u32 $0x4000, s31;
	s1 =	sadd.s32 s1, s30  }
0xbb: {  	s0 =	sor.u32 s3, s0;
	s1 =	sshll.u32 s1, $0x11  }
0xbc: {  	s0 =	sor.u32 s1, s0  }
0xbd: {  	s0 =	sadd.s32 $0x8F2B, s0  }
0xbe: {  	[sflag:s0] =	ssyncadd.remote.s32 $0x1  }
0xbf: {  	_ =	sfence.sel $0xFFFF  }
0xc0: {  	[dreg:$0x0] =	wrdreg $0xFFFFFFFF;
	(pc) =	sbr.abs _section_cstart, $3  }
0xc1: {  	[dreg:$0x1] =	wrdreg $0xFFFFFFFF  }
0xc2: {  	_ =	task.clear_ibuf [dreg:s7], $0x2FFFF;
	_ =	strace $0x9FFFFFFF  }
0xc3: {  	(tm) =	ssettm $0x7FFFFFFF  }
tec
execute0_lowered:
.L_overlay_start_1:
0x0: {  	(tag) =	ssettag $0x1  }
0x1: {  	s6 =	rddreg [dreg:$0x0]  }
0x2: {  	s4 =	rddreg [dreg:$0x1]  }
0x3: {  	s1 =	rddreg [dreg:$0x2]  }
0x4: {  	s0 =	rddreg [dreg:$0x3]  }
0x5: {  	s3 =	simm.s32 $0x0;
	s5 =	srdreg.scid;
	s2 =	stileid.u32  }
0x6: {  	s13 =	simm.s32 $0x100;
	s14 =	simm.s32 $0x180;
	s15 =	simm.s32 $0x1  }
0x7: {  	[smem:$0x7FF] =	sst s3;
	s5 =	sand.u32 $0x1, s5;
	s9 =	smul.u32 $0xFA0, s2  }
0x8: {  	s7 =	sadd.s32 $0x2C00, s4;
	s10 =	sadd.s32 $0xCC00, s4;
	s31 =	smul.u32 $0x3E8, s2  }
0x9: {  	s11 =	sadd.s32 $0xD200, s4;
	s12 =	smul.u32 $0xA00, s2;
	s8 =	ssub.s32 $0x2, s5  }
0xa: {  	_ =	strace $0x80000047;
	p0 =	seq.s32 s5, $0x0;
	s29 =	sshrl.u32 s8, $0x1  }
0xb: {  	s30 =	sshrl.u32 s9, $0x2;
	s5 =	sadd.s32 s31, s1;
	s9 =	sshrl.u32 s31, $0x3  }
0xc: {  	s7 =	smov.u32 @p0 s6;
	s11 =	smov.u32 @p0 s10;
	p0 =	sgt.u32 s2, $0x9  }
0xd: {  	s10 =	simm.s32 $0x7D;
	s8 =	ssub.s32 s8, s29;
	s4 =	sadd.s32 s30, s1  }
0xe: {  	s7 =	sadd.s32 s7, s12;
	s12 =	simm.s32 $0x80;
	s6 =	smax.u32 s8, $0x1  }
0xf: {  	v0 =	vimm.f32 $1.000000000e+00;
	v1 =	vimm.f32 $0.0e+00;
	s8 =	sadd.s32 s11, s9;
	s9 =	simm.s32 $0x2;
	s11 =	simm.s32 $0x5000  }
.LBB2_1:
0x10: {  	[tilespmem:$0x5000] =	vst v0  }
0x11: {  	[tilespmem:$0x5010] =	vst v0  }
0x12: {  	[tilespmem:$0x5020] =	vst v0  }
0x13: {  	[tilespmem:$0x5030] =	vst v0  }
0x14: {  	[tilespmem:$0x5040] =	vst v0  }
0x15: {  	[tilespmem:$0x5050] =	vst v0  }
0x16: {  	[tilespmem:$0x5060] =	vst v0  }
0x17: {  	[tilespmem:$0x5070] =	vst v0;
	s16 =	simm.s32 $0x40;
	s17 =	simm.s32 $0x0  }
.LBB2_2:
0x18: {  	p1 =	sne.s32 s16, $0xFC0;
	[tilespmem:s17+$0x5080] =	vst v1;
	s17 =	smov.u32 s16;
	s16 =	sadd.s32 $0x40, s16  }
.Ltmp0:
0x19: {  	(pc) =	sbr.rel @p1 .LBB2_2-.Ltmp0, $2  }
0x1a: {  	_ =	sdelay $0x2  }
0x1b: {  	s17 =	sshra.s32 s17, $0x2  }
0x1c: {  	[tilespmem:s17+$0x5080] =	vst v1;
	s16 =	simm.s32 @!p0 $0x5080  }
0x1d: {  	[spmem:s4] =	stream.linear.scatter @!p0 [tilespmem:s16], [sflag:$0x2], $0x3E8, $0x38;
	[tilespmem:$0x56F8] =	vst v63  }
0x1e: {  	s16 =	simm.s32 @!p0 $0x2  }
0x1f: {  	_ =	swait.ge @!p0 [sflag:s16], $0x3E8  }
0x20: {  	[sflag:s16] =	ssyncset.done @!p0 $0x0  }
0x21: {  	[sflag:s16] =	ssyncadd.s32 @!p0 $0xFFFFFC18  }
0x22: {  	s31 =	simm.s32 $0x0;
	[bflag:$0x0] =	sbarrier.arrive $0xFFFF  }
0x23: {  	[tilespmem:s31], [sflag:$0x2] =	stream.linear.gather [hbm4b:s7+s31], $0x5000, $0x38;
	[tilespmem:$0x56F8] =	vst v63  }
0x24: {  	_ =	swait.ge [sflag:s9], $0x5000  }
0x25: {  	[sflag:s9] =	ssyncset.done $0x0  }
0x26: {  	[sflag:s9] =	ssyncadd.s32 $0xFFFFB000  }
0x27: {  	[spmem:s1] =	stream.indirect.scatter.add.f32 [tilespmem:s11], [sflag:$0x1], $0x1, s31, s10, $0xb8;
	[tilespmem:$0x56F8] =	vst v63  }
0x28: {  	_ = 	snop  }
0x29: {  	[spmem:s1] =	stream.indirect.scatter.add.f32 [tilespmem:s11], [sflag:$0x1], $0x1, s12, s10, $0xb8;
	[tilespmem:$0x56F8] =	vst v63  }
0x2a: {  	_ = 	snop  }
0x2b: {  	[spmem:s1] =	stream.indirect.scatter.add.f32 [tilespmem:s11], [sflag:$0x1], $0x1, s13, s10, $0xb8;
	[tilespmem:$0x56F8] =	vst v63  }
0x2c: {  	_ = 	snop  }
0x2d: {  	[spmem:s1] =	stream.indirect.scatter.add.f32 [tilespmem:s11], [sflag:$0x1], $0x1, s14, s10, $0xb8;
	[tilespmem:$0x56F8] =	vst v63  }
0x2e: {  	s17 =	simm.s32 $0x200;
	p1 =	por $0x0, $0x0;
	_ =	swait.ge [sflag:s15], $0x7D  }
0x2f: {  	s18 =	simm.s32 $0x280;
	s19 =	simm.s32 @!p1 $0x7D;
	[sflag:s15] =	ssyncset.done $0x0  }
0x30: {  	s20 =	simm.s32 @!p1 $0x5000;
	s16 =	simm.s32 $0x1;
	[sflag:s15] =	ssyncadd.s32 $0xFFFFFF83  }
.LBB2_4:
0x31: {  	[spmem:s1] =	stream.indirect.scatter.add.f32 @!p1 [tilespmem:s20], [sflag:$0x1], $0x1, s17, s19, $0xb8;
	[tilespmem:$0x56F8] =	vst v63  }
0x32: {  	s19 =	smov.u32 s16;
	s16 =	sadd.s32 $0x1, s16  }
0x33: {  	p2 =	sne.s32 s16, $0xA0  }
.Ltmp1:
0x34: {  	(pc) =	sbr.rel @p2 .LBB2_4-.Ltmp1, $4  }
0x35: {  	s17 =	smov.u32 s18  }
0x36: {  	_ =	swait.ge [sflag:s15], $0x7D  }
0x37: {  	s18 =	sadd.s32 $0x80, s18;
	p1 =	sgt.u32 s19, $0x9B;
	[sflag:s15] =	ssyncset.done $0x0  }
0x38: {  	s19 =	simm.s32 @!p1 $0x7D;
	s20 =	simm.s32 @!p1 $0x5000;
	[sflag:s15] =	ssyncadd.s32 $0xFFFFFF83  }
0x39: {  	[spmem:s1] =	stream.indirect.scatter.add.f32 @!p1 [tilespmem:s20], [sflag:$0x1], $0x1, s17, s19, $0xb8;
	[tilespmem:$0x56F8] =	vst v63  }
0x3a: {  	s16 =	simm.s32 @!p0 $0x5080;
	s17 =	simm.s32 @!p0 $0x2;
	[bflag:$0x0] =	sbarrier.arrive $0xFFFF  }
0x3b: {  	[tilespmem:s16], [sflag:$0x2] =	stream.linear.gather @!p0 [spmem:s5], $0x3E8, $0x38;
	[tilespmem:$0x56F8] =	vst v63  }
0x3c: {  	s3 =	sadd.s32 $0x1, s3;
	_ =	swait.ge @!p0 [sflag:s17], $0x3E8  }
0x3d: {  	p1 =	sne.s32 s3, s6;
	[sflag:s17] =	ssyncset.done @!p0 $0x0  }
.Ltmp2:
0x3e: {  	s18 =	simm.s32 @!p0 $0x0;
	[sflag:s17] =	ssyncadd.s32 @!p0 $0xFFFFFC18;
	(pc) =	sbr.rel @p1 .LBB2_1-.Ltmp2, $4  }
0x3f: {  	[hbm4b:s8+s18] =	stream.linear.scatter @!p0 [tilespmem:s16], [sflag:$0x2], $0x3E8, $0x38;
	[tilespmem:$0x56F8] =	vst v63  }
0x40: {  	_ =	swait.ge @!p0 [sflag:s17], $0x3E8  }
0x41: {  	[sflag:s17] =	ssyncset.done @!p0 $0x0  }
0x42: {  	[sflag:s17] =	ssyncadd.s32 @!p0 $0xFFFFFC18  }
0x43: {  	_ =	sfence.sel $0x180000  }
0x44: {  	[bflag:$0x0] =	sbarrier.arrive $0xFFFF  }
0x45: {  	p0 =	sne.s32 s2, $0x0;
	_ =	strace $0x90000047  }
0x46: {  	s0 =	sadd.s32 @!p0 $0x100000, s0;
	[bflag:$0x2] =	sbarrier.arrive $0xFFFF  }
0x47: {  	[sflag:s0] =	ssyncadd.tile.s32 @!p0 $0x1;
	_ =	shalt  }
.Lfunc_end2:
_tile_overlayer_lowered:
.L_overlay_start_2:
0x48: {  	(tag) =	ssettag $0x2  }
0x49: {  	s0 =	rddreg [dreg:$0x0];
	s2 =	stileid.u32  }
0x4a: {  	s1 =	rddreg [dreg:$0x1];
	p0 =	sne.s32 s2, $0x0  }
0x4b: {  	s3 =	rddreg [dreg:$0x2];
	[bflag:$0x3] =	sbarrier.arrive $0xFFFF;
	s2 =	simm.s32 @!p0 $0x1C02  }
0x4c: {  	[timem:s3], [sflag:s2] =	dma.local @!p0 [hbm:s0], s1  }
0x4d: {  	s0 =	simm.s32 @!p0 $0x2  }
0x4e: {  	_ =	swait.ge @!p0 [sflag:s0], s1  }
0x4f: {  	s1 =	ssub.s32 @!p0 $0x0, s1;
	[sflag:s0] =	ssyncset.done @!p0 $0x0  }
0x50: {  	[sflag:s0] =	ssyncadd.s32 @!p0 s1  }
0x51: {  	[bflag:$0x3] =	sbarrier.arrive $0xFFFF  }
0x52: {  	_ =	shalt  }

</sc_bundles>
